<compile_context>
chip_gen: v7x
topology: tpu7x:2x2x1
jax: 0.10.2.dev20260603
libtpu: 0.0.44.dev20260713+nightly
codegen_flags: <defaults>
</compile_context>

<pallas_src>
import functools

import jax
import jax.numpy as jnp
from jax import lax
from jax.experimental import pallas as pl
from jax.experimental.pallas import tpu as pltpu
from jax.experimental.pallas import tpu_sc as plsc

N = 100000
E = 3200000
BL = 100.0
RC = 2.5

NC = 2
NS = 16
NW = NC * NS
EPW = E // NW
B = 2000
NBLK = EPW // B
VSTEP = B // 16
PCHUNK = 2000
NPC = N // PCHUNK
NSCAL = 11

_f32 = jnp.float32


def _lj_body(px_hbm, py_hbm, pz_hbm, eps_hbm, sig_hbm, ii_hbm, jj_hbm,
             fpart_hbm, spart_hbm,
             px_s, py_s, pz_s, fx_s, fy_s, fz_s,
             ij0_v, ij1_v, x0_v, y0_v, z0_v, x1_v, y1_v, z1_v,
             eps_v, sig_v,
             fx_v, fy_v, fz_v,
             acc_v, zbuf_v,
             sl0, sl1, sg0, sg1):
    c = lax.axis_index("c")
    s = lax.axis_index("s")
    wid = c * NS + s

    ij = (ij0_v, ij1_v)
    gbufs = ((x0_v, y0_v, z0_v), (x1_v, y1_v, z1_v))
    sem_l = (sl0, sl1)
    sem_g = (sg0, sg1)
    tabs = (px_s, py_s, pz_s)

    def _zfill(k, _):
        zbuf_v[pl.ds(k * 16, 16)] = jnp.zeros((16,), _f32)
        return 0
    lax.fori_loop(0, PCHUNK // 16, _zfill, 0)
    for a in range(NSCAL):
        acc_v[pl.ds(a * 16, 16)] = jnp.zeros((16,), _f32)

    stage = ((px_hbm, px_s), (py_hbm, py_s), (pz_hbm, pz_s))
    accs = (fx_s, fy_s, fz_s)
    for m in range((NPC + NS - 1) // NS):
        k = s + m * NS

        @pl.when(k < NPC)
        def _():
            off = pl.multiple_of(k * PCHUNK, PCHUNK)
            for src, dst in stage:
                pltpu.sync_copy(src.at[pl.ds(off, PCHUNK)],
                                x0_v.at[pl.ds(0, PCHUNK)])
                pltpu.sync_copy(x0_v.at[pl.ds(0, PCHUNK)],
                                dst.at[pl.ds(off, PCHUNK)])
            for acc in accs:
                pltpu.sync_copy(zbuf_v, acc.at[pl.ds(off, PCHUNK)])

    plsc.subcore_barrier()

    ebase = wid * EPW

    def eoff(b):
        return pl.multiple_of(ebase + b * B, B)

    def issue_loads(b, p):
        pltpu.async_copy(ii_hbm.at[pl.ds(eoff(b), B)], ij[p].at[pl.ds(0, B)],
                         sem_l[p])
        pltpu.async_copy(jj_hbm.at[pl.ds(eoff(b), B)], ij[p].at[pl.ds(B, B)],
                         sem_l[p])

    def wait_loads(b, p):
        pltpu.make_async_copy(ii_hbm.at[pl.ds(eoff(b), B)],
                              ij[p].at[pl.ds(0, B)], sem_l[p]).wait()
        pltpu.make_async_copy(jj_hbm.at[pl.ds(eoff(b), B)],
                              ij[p].at[pl.ds(B, B)], sem_l[p]).wait()

    def issue_gathers(p):
        for tab, dst in zip(tabs, gbufs[p]):
            pltpu.async_copy(tab.at[ij[p]], dst, sem_g[p])

    def wait_gathers(p):
        for tab, dst in zip(tabs, gbufs[p]):
            pltpu.make_async_copy(tab.at[ij[p]], dst, sem_g[p]).wait()

    def pass1(p):
        x_v, y_v, z_v = gbufs[p]
        big = jnp.full((16,), 1e30, _f32)

        @plsc.parallel_loop(0, VSTEP, step=1, unroll=8, carry=big)
        def step(e, aM):
            sl = pl.ds(e * 16, 16)
            slj = pl.ds(B + e * 16, 16)
            dx = x_v[sl] - x_v[slj]
            dy = y_v[sl] - y_v[slj]
            dz = z_v[sl] - z_v[slj]
            ax = BL - jnp.abs(dx)
            ay = BL - jnp.abs(dy)
            az = BL - jnp.abs(dz)
            r2 = (jnp.minimum(dx * dx, ax * ax)
                  + jnp.minimum(dy * dy, ay * ay)
                  + jnp.minimum(dz * dz, az * az))
            return jnp.minimum(aM, r2)

        return step

    def pass2(b, p):
        x_v, y_v, z_v = gbufs[p]
        d3 = pltpu.async_copy(eps_hbm.at[pl.ds(eoff(b), B)], eps_v, sem_l[p])
        d4 = pltpu.async_copy(sig_hbm.at[pl.ds(eoff(b), B)], sig_v, sem_l[p])
        d3.wait(); d4.wait()

        def step(e, _):
            sl = pl.ds(e * 16, 16)
            slj = pl.ds(B + e * 16, 16)
            dx = x_v[sl] - x_v[slj]
            dy = y_v[sl] - y_v[slj]
            dz = z_v[sl] - z_v[slj]
            half = BL * 0.5
            dx = dx - jnp.where(dx > half, BL, 0.0) + jnp.where(dx < -half, BL, 0.0)
            dy = dy - jnp.where(dy > half, BL, 0.0) + jnp.where(dy < -half, BL, 0.0)
            dz = dz - jnp.where(dz > half, BL, 0.0) + jnp.where(dz < -half, BL, 0.0)
            r2 = jnp.maximum(dx * dx + dy * dy + dz * dz, 1e-24)
            inv_r2 = 1.0 / r2
            inside = r2 < RC * RC
            ep = eps_v[sl]
            sg = sig_v[sl]
            s2 = sg * sg * inv_r2
            s6 = s2 * s2 * s2
            s12 = s6 * s6
            u = jnp.where(inside, 4.0 * ep * (s12 - s6), 0.0)
            common = jnp.where(inside, 24.0 * ep * (2.0 * s12 - s6), 0.0)
            fg = common * inv_r2
            fx = fg * dx
            fy = fg * dy
            fz = fg * dz
            fx_v[sl] = fx
            fy_v[sl] = fy
            fz_v[sl] = fz
            fx_v[slj] = -fx
            fy_v[slj] = -fy
            fz_v[slj] = -fz
            deltas = (u, common,
                      fx * dx, fx * dy, fx * dz,
                      fy * dx, fy * dy, fy * dz,
                      fz * dx, fz * dy, fz * dz)
            for a, dval in enumerate(deltas):
                asl = pl.ds(a * 16, 16)
                acc_v[asl] = acc_v[asl] + dval
            return 0

        lax.fori_loop(0, VSTEP, step, 0)
        pltpu.sync_copy(fx_v, fx_s.at[ij[p]], add=True)
        pltpu.sync_copy(fy_v, fy_s.at[ij[p]], add=True)
        pltpu.sync_copy(fz_v, fz_s.at[ij[p]], add=True)

    def do_block(b, p, q, has_next):
        if has_next:
            issue_loads(b + 1, q)
        wait_gathers(p)
        aM = pass1(p)
        t = aM[0]
        for lane in range(1, 16):
            t = jnp.minimum(t, aM[lane])

        @pl.when(t < RC * RC)
        def _():
            pass2(b, p)

        if has_next:
            wait_loads(b + 1, q)
            issue_gathers(q)

    issue_loads(0, 0)
    wait_loads(0, 0)
    issue_gathers(0)

    def pipe(tt, carry):
        b0 = tt * 2
        do_block(b0, 0, 1, True)
        do_block(b0 + 1, 1, 0, True)
        return carry

    lax.fori_loop(0, NBLK // 2 - 1, pipe, 0)
    do_block(NBLK - 2, 0, 1, True)
    do_block(NBLK - 1, 1, 0, False)

    pltpu.sync_copy(acc_v, spart_hbm.at[pl.ds(wid * NSCAL * 16, NSCAL * 16)])

    plsc.subcore_barrier()

    outs = (fx_s, fy_s, fz_s)
    for m in range((NPC + NS - 1) // NS):
        k = s + m * NS

        @pl.when(k < NPC)
        def _():
            off = pl.multiple_of(k * PCHUNK, PCHUNK)
            for coord in range(3):
                fbase = c * (3 * N) + coord * N
                pltpu.sync_copy(outs[coord].at[pl.ds(off, PCHUNK)],
                                x0_v.at[pl.ds(0, PCHUNK)])
                pltpu.sync_copy(x0_v.at[pl.ds(0, PCHUNK)],
                                fpart_hbm.at[pl.ds(fbase + off, PCHUNK)])


@functools.partial(
    pl.kernel,
    out_type=(jax.ShapeDtypeStruct((NC * 3 * N,), _f32),
              jax.ShapeDtypeStruct((NW * NSCAL * 16,), _f32)),
    mesh=plsc.VectorSubcoreMesh(core_axis_name="c", subcore_axis_name="s",
                                num_cores=NC, num_subcores=NS),
    scratch_types=(
        [pltpu.VMEM_SHARED((N,), _f32)] * 6
        + [pltpu.VMEM((2 * B,), jnp.int32)] * 2
        + [pltpu.VMEM((2 * B,), _f32)] * 6
        + [pltpu.VMEM((B,), _f32)] * 2
        + [pltpu.VMEM((2 * B,), _f32)] * 3
        + [pltpu.VMEM((NSCAL * 16,), _f32),
           pltpu.VMEM((PCHUNK,), _f32)]
        + [pltpu.SemaphoreType.DMA] * 4
    ),
)
def _lj_sc(*refs):
    _lj_body(*refs)


def kernel(pos, epsilon, sigma, edge_index):
    pos_t = pos.T
    fpart, spart = _lj_sc(pos_t[0], pos_t[1], pos_t[2],
                          epsilon, sigma, edge_index[0], edge_index[1])
    fpart = fpart.reshape(NC, 3, N)
    forces = (fpart[0] + fpart[1]).T
    scal = spart.reshape(NW, NSCAL, 16).sum(axis=(0, 2))
    return (scal[0], forces, scal[1], scal[2:11].reshape(3, 3))

# --- scband reference (transcript-rebuilt; emitter-appended) ---
"""Pipeline reference for scband-lennard-jones-force-7687991460463 (READ-ONLY COPY).

The authoritative reference and input builder live on the scoring server;
editing this copy changes nothing except your own understanding.
"""

import jax, jax.numpy as jnp
import numpy as np

N = 100000
E = 3200000
BL = 100.0   # box_length
RC = 2.5     # cutoff


def setup_inputs(seed: int = 0) -> dict:
    key = jax.random.key(seed)
    k1, k2, k3, k4 = jax.random.split(key, 4)
    pos = jax.random.uniform(k1, (N, 3), dtype=jnp.float32) * BL
    epsilon = jax.random.uniform(k3, (E,), dtype=jnp.float32)
    sigma = 0.8 + 0.4 * jax.random.uniform(k4, (E,), dtype=jnp.float32)
    edge_index = jax.random.randint(k2, (2, E), 0, N, dtype=jnp.int32)
    return {"pos": pos, "epsilon": epsilon, "sigma": sigma, "edge_index": edge_index}


def reference(pos, epsilon, sigma, edge_index):
    # Lennard-Jones pair forces with minimum-image PBC, plain cutoff (is_fs=False, is_switch=False)
    i = edge_index[0]
    j = edge_index[1]
    rij = pos[i] - pos[j]
    rij = rij - BL * jnp.round(rij / BL)  # minimum image
    r2 = jnp.maximum((rij * rij).sum(axis=1), 1e-24)
    r = jnp.sqrt(r2)
    inv_r = 1.0 / r
    e_ij = rij * inv_r[:, None]
    sr = sigma * inv_r
    sr6 = sr ** 6
    sr12 = sr6 ** 2
    U_raw = 4.0 * epsilon * (sr12 - sr6)
    Fmag_raw = 24.0 * epsilon * inv_r * (2.0 * sr12 - sr6)
    U_eff = U_raw
    Fmag = Fmag_raw
    mask = (r < RC).astype(pos.dtype)
    Fmag = Fmag * mask
    U_eff = U_eff * mask
    fij = Fmag[:, None] * e_ij
    forces = jnp.zeros((N, 3), dtype=pos.dtype).at[i].add(fij).at[j].add(-fij)
    total_energy = U_eff.sum()
    virial = (Fmag * r * mask).sum()
    virial_tensor = jnp.einsum('ei,ej->ij', fij, rij)
    return (total_energy, forces, virial, virial_tensor)

if __name__ == "__main__":
    import jax
    _d = setup_inputs()
    print(jax.jit(kernel)(*tuple(_d.values())))

</pallas_src>

<mosaic_0001>
#map = affine_map<(d0, d1) -> (0)>
module attributes {stable_mosaic.version = 14 : i64} {
  func.func @_lj_sc(%arg0: i32, %arg1: i32, %arg2: memref<100000xf32, #tpu.memory_space<hbm>>, %arg3: memref<100000xf32, #tpu.memory_space<hbm>>, %arg4: memref<100000xf32, #tpu.memory_space<hbm>>, %arg5: memref<3200000xf32, #tpu.memory_space<hbm>>, %arg6: memref<3200000xf32, #tpu.memory_space<hbm>>, %arg7: memref<3200000xi32, #tpu.memory_space<hbm>>, %arg8: memref<3200000xi32, #tpu.memory_space<hbm>>, %arg9: memref<600000xf32, #tpu.memory_space<hbm>>, %arg10: memref<5632xf32, #tpu.memory_space<hbm>>, %arg11: memref<100000xf32, #tpu.memory_space<vmem_shared>>, %arg12: memref<100000xf32, #tpu.memory_space<vmem_shared>>, %arg13: memref<100000xf32, #tpu.memory_space<vmem_shared>>, %arg14: memref<100000xf32, #tpu.memory_space<vmem_shared>>, %arg15: memref<100000xf32, #tpu.memory_space<vmem_shared>>, %arg16: memref<100000xf32, #tpu.memory_space<vmem_shared>>, %arg17: memref<4000xi32, #tpu.memory_space<vmem>>, %arg18: memref<4000xi32, #tpu.memory_space<vmem>>, %arg19: memref<4000xf32, #tpu.memory_space<vmem>>, %arg20: memref<4000xf32, #tpu.memory_space<vmem>>, %arg21: memref<4000xf32, #tpu.memory_space<vmem>>, %arg22: memref<4000xf32, #tpu.memory_space<vmem>>, %arg23: memref<4000xf32, #tpu.memory_space<vmem>>, %arg24: memref<4000xf32, #tpu.memory_space<vmem>>, %arg25: memref<2000xf32, #tpu.memory_space<vmem>>, %arg26: memref<2000xf32, #tpu.memory_space<vmem>>, %arg27: memref<4000xf32, #tpu.memory_space<vmem>>, %arg28: memref<4000xf32, #tpu.memory_space<vmem>>, %arg29: memref<4000xf32, #tpu.memory_space<vmem>>, %arg30: memref<176xf32, #tpu.memory_space<vmem>>, %arg31: memref<2000xf32, #tpu.memory_space<vmem>>, %arg32: memref<!tpu.dma_semaphore, #tpu.memory_space<semaphore_mem>>, %arg33: memref<!tpu.dma_semaphore, #tpu.memory_space<semaphore_mem>>, %arg34: memref<!tpu.dma_semaphore, #tpu.memory_space<semaphore_mem>>, %arg35: memref<!tpu.dma_semaphore, #tpu.memory_space<semaphore_mem>>) attributes {dimension_semantics = [#tpu.dimension_semantics<core_parallel>, #tpu.dimension_semantics<subcore_parallel>], iteration_bounds = array<i64: 2, 16>, scalar_prefetch = 0 : i64, scratch_operands = 25 : i64, tpu.core_type = #tpu.core_type<sc_vector_subcore>, window_params = [{transform_indices = #map}, {transform_indices = #map}, {transform_indices = #map}, {transform_indices = #map}, {transform_indices = #map}, {transform_indices = #map}, {transform_indices = #map}, {transform_indices = #map}, {transform_indices = #map}]} {
    %mul3A = arith.constant 16 : i32
    %mul3A_0 = arith.muli %arg0, %mul3A : i32
    %add3A = arith.addi %mul3A_0, %arg1 : i32
    %scan3A = arith.constant 0 : i32
    %scan3A_1 = arith.constant 0 : i32
    %scan3A_2 = arith.constant 125 : i32
    %scan3A_3 = arith.addi %scan3A_1, %scan3A_2 : i32
    %scan3A_4 = arith.constant 1 : i32
    %scan3A_5 = scf.for %scan3A_342 = %scan3A_1 to %scan3A_3 step %scan3A_4 iter_args(%scan3A_343 = %scan3A) -> (i32)  : i32 {
      %broadcast_in_dim3A_344 = arith.constant 0.000000e+00 : f32
      %broadcast_in_dim3A_345 = vector.broadcast %broadcast_in_dim3A_344 : f32 to vector<16xf32>
      %mul3A_346 = arith.constant 16 : i32
      %mul3A_347 = arith.muli %scan3A_342, %mul3A_346 : i32
      %swap3A_348 = arith.index_cast %mul3A_347 : i32 to index
      %swap3A_349 = tpu.vector_load %arg31[%swap3A_348] {strides = array<i32>} : memref<2000xf32, #tpu.memory_space<vmem>>, vector<16xf32>,
      %swap3A_350 = vector.shape_cast %swap3A_349 : vector<16xf32> to vector<16xf32>
      %swap3A_351 = vector.shape_cast %broadcast_in_dim3A_345 : vector<16xf32> to vector<16xf32>
      tpu.vector_store %arg31[%swap3A_348], %swap3A_351 {strides = array<i32>} : memref<2000xf32, #tpu.memory_space<vmem>>, vector<16xf32>,
      %scan3A_352 = arith.constant 0 : i32
      scf.yield %scan3A_352 : i32
    }
    %scan3A_6 = arith.constant 125 : i32
    %broadcast_in_dim3A = arith.constant 0.000000e+00 : f32
    %broadcast_in_dim3A_7 = vector.broadcast %broadcast_in_dim3A : f32 to vector<16xf32>
    %swap3A = arith.constant 0 : index
    %swap3A_8 = tpu.vector_load %arg30[%swap3A] {strides = array<i32>} : memref<176xf32, #tpu.memory_space<vmem>>, vector<16xf32>,
    %swap3A_9 = vector.shape_cast %swap3A_8 : vector<16xf32> to vector<16xf32>
    %swap3A_10 = vector.shape_cast %broadcast_in_dim3A_7 : vector<16xf32> to vector<16xf32>
    tpu.vector_store %arg30[%swap3A], %swap3A_10 {strides = array<i32>} : memref<176xf32, #tpu.memory_space<vmem>>, vector<16xf32>,
    %broadcast_in_dim3A_11 = arith.constant 0.000000e+00 : f32
    %broadcast_in_dim3A_12 = vector.broadcast %broadcast_in_dim3A_11 : f32 to vector<16xf32>
    %swap3A_13 = arith.constant 16 : index
    %swap3A_14 = tpu.vector_load %arg30[%swap3A_13] {strides = array<i32>} : memref<176xf32, #tpu.memory_space<vmem>>, vector<16xf32>,
    %swap3A_15 = vector.shape_cast %swap3A_14 : vector<16xf32> to vector<16xf32>
    %swap3A_16 = vector.shape_cast %broadcast_in_dim3A_12 : vector<16xf32> to vector<16xf32>
    tpu.vector_store %arg30[%swap3A_13], %swap3A_16 {strides = array<i32>} : memref<176xf32, #tpu.memory_space<vmem>>, vector<16xf32>,
    %broadcast_in_dim3A_17 = arith.constant 0.000000e+00 : f32
    %broadcast_in_dim3A_18 = vector.broadcast %broadcast_in_dim3A_17 : f32 to vector<16xf32>
    %swap3A_19 = arith.constant 32 : index
    %swap3A_20 = tpu.vector_load %arg30[%swap3A_19] {strides = array<i32>} : memref<176xf32, #tpu.memory_space<vmem>>, vector<16xf32>,
    %swap3A_21 = vector.shape_cast %swap3A_20 : vector<16xf32> to vector<16xf32>
    %swap3A_22 = vector.shape_cast %broadcast_in_dim3A_18 : vector<16xf32> to vector<16xf32>
    tpu.vector_store %arg30[%swap3A_19], %swap3A_22 {strides = array<i32>} : memref<176xf32, #tpu.memory_space<vmem>>, vector<16xf32>,
    %broadcast_in_dim3A_23 = arith.constant 0.000000e+00 : f32
    %broadcast_in_dim3A_24 = vector.broadcast %broadcast_in_dim3A_23 : f32 to vector<16xf32>
    %swap3A_25 = arith.constant 48 : index
    %swap3A_26 = tpu.vector_load %arg30[%swap3A_25] {strides = array<i32>} : memref<176xf32, #tpu.memory_space<vmem>>, vector<16xf32>,
    %swap3A_27 = vector.shape_cast %swap3A_26 : vector<16xf32> to vector<16xf32>
    %swap3A_28 = vector.shape_cast %broadcast_in_dim3A_24 : vector<16xf32> to vector<16xf32>
    tpu.vector_store %arg30[%swap3A_25], %swap3A_28 {strides = array<i32>} : memref<176xf32, #tpu.memory_space<vmem>>, vector<16xf32>,
    %broadcast_in_dim3A_29 = arith.constant 0.000000e+00 : f32
    %broadcast_in_dim3A_30 = vector.broadcast %broadcast_in_dim3A_29 : f32 to vector<16xf32>
    %swap3A_31 = arith.constant 64 : index
    %swap3A_32 = tpu.vector_load %arg30[%swap3A_31] {strides = array<i32>} : memref<176xf32, #tpu.memory_space<vmem>>, vector<16xf32>,
    %swap3A_33 = vector.shape_cast %swap3A_32 : vector<16xf32> to vector<16xf32>
    %swap3A_34 = vector.shape_cast %broadcast_in_dim3A_30 : vector<16xf32> to vector<16xf32>
    tpu.vector_store %arg30[%swap3A_31], %swap3A_34 {strides = array<i32>} : memref<176xf32, #tpu.memory_space<vmem>>, vector<16xf32>,
    %broadcast_in_dim3A_35 = arith.constant 0.000000e+00 : f32
    %broadcast_in_dim3A_36 = vector.broadcast %broadcast_in_dim3A_35 : f32 to vector<16xf32>
    %swap3A_37 = arith.constant 80 : index
    %swap3A_38 = tpu.vector_load %arg30[%swap3A_37] {strides = array<i32>} : memref<176xf32, #tpu.memory_space<vmem>>, vector<16xf32>,
    %swap3A_39 = vector.shape_cast %swap3A_38 : vector<16xf32> to vector<16xf32>
    %swap3A_40 = vector.shape_cast %broadcast_in_dim3A_36 : vector<16xf32> to vector<16xf32>
    tpu.vector_store %arg30[%swap3A_37], %swap3A_40 {strides = array<i32>} : memref<176xf32, #tpu.memory_space<vmem>>, vector<16xf32>,
    %broadcast_in_dim3A_41 = arith.constant 0.000000e+00 : f32
    %broadcast_in_dim3A_42 = vector.broadcast %broadcast_in_dim3A_41 : f32 to vector<16xf32>
    %swap3A_43 = arith.constant 96 : index
    %swap3A_44 = tpu.vector_load %arg30[%swap3A_43] {strides = array<i32>} : memref<176xf32, #tpu.memory_space<vmem>>, vector<16xf32>,
    %swap3A_45 = vector.shape_cast %swap3A_44 : vector<16xf32> to vector<16xf32>
    %swap3A_46 = vector.shape_cast %broadcast_in_dim3A_42 : vector<16xf32> to vector<16xf32>
    tpu.vector_store %arg30[%swap3A_43], %swap3A_46 {strides = array<i32>} : memref<176xf32, #tpu.memory_space<vmem>>, vector<16xf32>,
    %broadcast_in_dim3A_47 = arith.constant 0.000000e+00 : f32
    %broadcast_in_dim3A_48 = vector.broadcast %broadcast_in_dim3A_47 : f32 to vector<16xf32>
    %swap3A_49 = arith.constant 112 : index
    %swap3A_50 = tpu.vector_load %arg30[%swap3A_49] {strides = array<i32>} : memref<176xf32, #tpu.memory_space<vmem>>, vector<16xf32>,
    %swap3A_51 = vector.shape_cast %swap3A_50 : vector<16xf32> to vector<16xf32>
    %swap3A_52 = vector.shape_cast %broadcast_in_dim3A_48 : vector<16xf32> to vector<16xf32>
    tpu.vector_store %arg30[%swap3A_49], %swap3A_52 {strides = array<i32>} : memref<176xf32, #tpu.memory_space<vmem>>, vector<16xf32>,
    %broadcast_in_dim3A_53 = arith.constant 0.000000e+00 : f32
    %broadcast_in_dim3A_54 = vector.broadcast %broadcast_in_dim3A_53 : f32 to vector<16xf32>
    %swap3A_55 = arith.constant 128 : index
    %swap3A_56 = tpu.vector_load %arg30[%swap3A_55] {strides = array<i32>} : memref<176xf32, #tpu.memory_space<vmem>>, vector<16xf32>,
    %swap3A_57 = vector.shape_cast %swap3A_56 : vector<16xf32> to vector<16xf32>
    %swap3A_58 = vector.shape_cast %broadcast_in_dim3A_54 : vector<16xf32> to vector<16xf32>
    tpu.vector_store %arg30[%swap3A_55], %swap3A_58 {strides = array<i32>} : memref<176xf32, #tpu.memory_space<vmem>>, vector<16xf32>,
    %broadcast_in_dim3A_59 = arith.constant 0.000000e+00 : f32
    %broadcast_in_dim3A_60 = vector.broadcast %broadcast_in_dim3A_59 : f32 to vector<16xf32>
    %swap3A_61 = arith.constant 144 : index
    %swap3A_62 = tpu.vector_load %arg30[%swap3A_61] {strides = array<i32>} : memref<176xf32, #tpu.memory_space<vmem>>, vector<16xf32>,
    %swap3A_63 = vector.shape_cast %swap3A_62 : vector<16xf32> to vector<16xf32>
    %swap3A_64 = vector.shape_cast %broadcast_in_dim3A_60 : vector<16xf32> to vector<16xf32>
    tpu.vector_store %arg30[%swap3A_61], %swap3A_64 {strides = array<i32>} : memref<176xf32, #tpu.memory_space<vmem>>, vector<16xf32>,
    %broadcast_in_dim3A_65 = arith.constant 0.000000e+00 : f32
    %broadcast_in_dim3A_66 = vector.broadcast %broadcast_in_dim3A_65 : f32 to vector<16xf32>
    %swap3A_67 = arith.constant 160 : index
    %swap3A_68 = tpu.vector_load %arg30[%swap3A_67] {strides = array<i32>} : memref<176xf32, #tpu.memory_space<vmem>>, vector<16xf32>,
    %swap3A_69 = vector.shape_cast %swap3A_68 : vector<16xf32> to vector<16xf32>
    %swap3A_70 = vector.shape_cast %broadcast_in_dim3A_66 : vector<16xf32> to vector<16xf32>
    tpu.vector_store %arg30[%swap3A_67], %swap3A_70 {strides = array<i32>} : memref<176xf32, #tpu.memory_space<vmem>>, vector<16xf32>,
    %add3A_71 = arith.constant 0 : i32
    %add3A_72 = arith.addi %arg1, %add3A_71 : i32
    %lt3A = arith.constant 50 : i32
    %lt3A_73 = arith.cmpi slt, %add3A_72, %lt3A : i32
    %convert_element_type3A = arith.extui %lt3A_73 : i1 to i32
    %cond3A = arith.constant 0 : i32
    %cond3A_74 = arith.cmpi ne, %convert_element_type3A, %cond3A : i32
    scf.if %cond3A_74 {
      %mul3A_342 = arith.constant 2000 : i32
      %mul3A_343 = arith.muli %add3A_72, %mul3A_342 : i32
      %multiple_of3A_344 = tpu.assume_multiple %mul3A_343, 2000 : i32
      "tpu.region"() ({
        %run_scoped3A = tpu.sem_alloc : memref<!tpu.dma_semaphore, #tpu.memory_space<semaphore_mem>>
        %dma_start3A_345 = arith.constant 0 : i32
        %dma_start3A_346 = tpu.memref_slice %arg19[%dma_start3A_345] : memref<4000xf32, #tpu.memory_space<vmem>> -> memref<2000xf32, #tpu.memory_space<vmem>>
        %dma_start3A_347 = tpu.memref_slice %arg2[%multiple_of3A_344] : memref<100000xf32, #tpu.memory_space<hbm>> -> memref<2000xf32, #tpu.memory_space<hbm>>
        %dma_start3A_348 = arith.constant 0 : i32
        %dma_start3A_349 = tpu.memref_slice %arg19[%dma_start3A_348] : memref<4000xf32, #tpu.memory_space<vmem>> -> memref<2000xf32, #tpu.memory_space<vmem>>
        %dma_start3A_350 = tpu.memref_slice %arg2[%multiple_of3A_344] : memref<100000xf32, #tpu.memory_space<hbm>> -> memref<2000xf32, #tpu.memory_space<hbm>>
        tpu.enqueue_dma source(%dma_start3A_350 : memref<2000xf32, #tpu.memory_space<hbm>>) target(%dma_start3A_349 : memref<2000xf32, #tpu.memory_space<vmem>>) target_semaphore(%run_scoped3A : memref<!tpu.dma_semaphore, #tpu.memory_space<semaphore_mem>>)
        %dma_wait3A_351 = arith.constant 0 : i32
        %dma_wait3A_352 = tpu.memref_slice %arg19[%dma_wait3A_351] : memref<4000xf32, #tpu.memory_space<vmem>> -> memref<2000xf32, #tpu.memory_space<vmem>>
        %dma_wait3A_353 = tpu.memref_slice %arg2[%multiple_of3A_344] : memref<100000xf32, #tpu.memory_space<hbm>> -> memref<2000xf32, #tpu.memory_space<hbm>>
        %dma_wait3A_354 = arith.constant 0 : i32
        %dma_wait3A_355 = tpu.memref_slice %arg19[%dma_wait3A_354] : memref<4000xf32, #tpu.memory_space<vmem>> -> memref<2000xf32, #tpu.memory_space<vmem>>
        %dma_wait3A_356 = tpu.memref_slice %arg2[%multiple_of3A_344] : memref<100000xf32, #tpu.memory_space<hbm>> -> memref<2000xf32, #tpu.memory_space<hbm>>
        tpu.wait_dma2 semaphore(%run_scoped3A : memref<!tpu.dma_semaphore, #tpu.memory_space<semaphore_mem>>) src(%dma_wait3A_356 : memref<2000xf32, #tpu.memory_space<hbm>>) dst(%dma_wait3A_355 : memref<2000xf32, #tpu.memory_space<vmem>>)
        tpu.yield
      }) : () -> ()
      "tpu.region"() ({
        %run_scoped3A = tpu.sem_alloc : memref<!tpu.dma_semaphore, #tpu.memory_space<semaphore_mem>>
        %dma_start3A_345 = arith.constant 0 : i32
        %dma_start3A_346 = tpu.memref_slice %arg19[%dma_start3A_345] : memref<4000xf32, #tpu.memory_space<vmem>> -> memref<2000xf32, #tpu.memory_space<vmem>>
        %dma_start3A_347 = tpu.memref_slice %arg11[%multiple_of3A_344] : memref<100000xf32, #tpu.memory_space<vmem_shared>> -> memref<2000xf32, #tpu.memory_space<vmem_shared>>
        %dma_start3A_348 = tpu.memref_slice %arg11[%multiple_of3A_344] : memref<100000xf32, #tpu.memory_space<vmem_shared>> -> memref<2000xf32, #tpu.memory_space<vmem_shared>>
        %dma_start3A_349 = arith.constant 0 : i32
        %dma_start3A_350 = tpu.memref_slice %arg19[%dma_start3A_349] : memref<4000xf32, #tpu.memory_space<vmem>> -> memref<2000xf32, #tpu.memory_space<vmem>>
        tpu.enqueue_dma source(%dma_start3A_350 : memref<2000xf32, #tpu.memory_space<vmem>>) target(%dma_start3A_348 : memref<2000xf32, #tpu.memory_space<vmem_shared>>) target_semaphore(%run_scoped3A : memref<!tpu.dma_semaphore, #tpu.memory_space<semaphore_mem>>)
        %dma_wait3A_351 = arith.constant 0 : i32
        %dma_wait3A_352 = tpu.memref_slice %arg19[%dma_wait3A_351] : memref<4000xf32, #tpu.memory_space<vmem>> -> memref<2000xf32, #tpu.memory_space<vmem>>
        %dma_wait3A_353 = tpu.memref_slice %arg11[%multiple_of3A_344] : memref<100000xf32, #tpu.memory_space<vmem_shared>> -> memref<2000xf32, #tpu.memory_space<vmem_shared>>
        %dma_wait3A_354 = tpu.memref_slice %arg11[%multiple_of3A_344] : memref<100000xf32, #tpu.memory_space<vmem_shared>> -> memref<2000xf32, #tpu.memory_space<vmem_shared>>
        %dma_wait3A_355 = arith.constant 0 : i32
        %dma_wait3A_356 = tpu.memref_slice %arg19[%dma_wait3A_355] : memref<4000xf32, #tpu.memory_space<vmem>> -> memref<2000xf32, #tpu.memory_space<vmem>>
        tpu.wait_dma2 semaphore(%run_scoped3A : memref<!tpu.dma_semaphore, #tpu.memory_space<semaphore_mem>>) src(%dma_wait3A_356 : memref<2000xf32, #tpu.memory_space<vmem>>) dst(%dma_wait3A_354 : memref<2000xf32, #tpu.memory_space<vmem_shared>>)
        tpu.yield
      }) : () -> ()
      "tpu.region"() ({
        %run_scoped3A = tpu.sem_alloc : memref<!tpu.dma_semaphore, #tpu.memory_space<semaphore_mem>>
        %dma_start3A_345 = arith.constant 0 : i32
        %dma_start3A_346 = tpu.memref_slice %arg19[%dma_start3A_345] : memref<4000xf32, #tpu.memory_space<vmem>> -> memref<2000xf32, #tpu.memory_space<vmem>>
        %dma_start3A_347 = tpu.memref_slice %arg3[%multiple_of3A_344] : memref<100000xf32, #tpu.memory_space<hbm>> -> memref<2000xf32, #tpu.memory_space<hbm>>
        %dma_start3A_348 = arith.constant 0 : i32
        %dma_start3A_349 = tpu.memref_slice %arg19[%dma_start3A_348] : memref<4000xf32, #tpu.memory_space<vmem>> -> memref<2000xf32, #tpu.memory_space<vmem>>
        %dma_start3A_350 = tpu.memref_slice %arg3[%multiple_of3A_344] : memref<100000xf32, #tpu.memory_space<hbm>> -> memref<2000xf32, #tpu.memory_space<hbm>>
        tpu.enqueue_dma source(%dma_start3A_350 : memref<2000xf32, #tpu.memory_space<hbm>>) target(%dma_start3A_349 : memref<2000xf32, #tpu.memory_space<vmem>>) target_semaphore(%run_scoped3A : memref<!tpu.dma_semaphore, #tpu.memory_space<semaphore_mem>>)
        %dma_wait3A_351 = arith.constant 0 : i32
        %dma_wait3A_352 = tpu.memref_slice %arg19[%dma_wait3A_351] : memref<4000xf32, #tpu.memory_space<vmem>> -> memref<2000xf32, #tpu.memory_space<vmem>>
        %dma_wait3A_353 = tpu.memref_slice %arg3[%multiple_of3A_344] : memref<100000xf32, #tpu.memory_space<hbm>> -> memref<2000xf32, #tpu.memory_space<hbm>>
        %dma_wait3A_354 = arith.constant 0 : i32
        %dma_wait3A_355 = tpu.memref_slice %arg19[%dma_wait3A_354] : memref<4000xf32, #tpu.memory_space<vmem>> -> memref<2000xf32, #tpu.memory_space<vmem>>
        %dma_wait3A_356 = tpu.memref_slice %arg3[%multiple_of3A_344] : memref<100000xf32, #tpu.memory_space<hbm>> -> memref<2000xf32, #tpu.memory_space<hbm>>
        tpu.wait_dma2 semaphore(%run_scoped3A : memref<!tpu.dma_semaphore, #tpu.memory_space<semaphore_mem>>) src(%dma_wait3A_356 : memref<2000xf32, #tpu.memory_space<hbm>>) dst(%dma_wait3A_355 : memref<2000xf32, #tpu.memory_space<vmem>>)
        tpu.yield
      }) : () -> ()
      "tpu.region"() ({
        %run_scoped3A = tpu.sem_alloc : memref<!tpu.dma_semaphore, #tpu.memory_space<semaphore_mem>>
        %dma_start3A_345 = arith.constant 0 : i32
        %dma_start3A_346 = tpu.memref_slice %arg19[%dma_start3A_345] : memref<4000xf32, #tpu.memory_space<vmem>> -> memref<2000xf32, #tpu.memory_space<vmem>>
        %dma_start3A_347 = tpu.memref_slice %arg12[%multiple_of3A_344] : memref<100000xf32, #tpu.memory_space<vmem_shared>> -> memref<2000xf32, #tpu.memory_space<vmem_shared>>
        %dma_start3A_348 = tpu.memref_slice %arg12[%multiple_of3A_344] : memref<100000xf32, #tpu.memory_space<vmem_shared>> -> memref<2000xf32, #tpu.memory_space<vmem_shared>>
        %dma_start3A_349 = arith.constant 0 : i32
        %dma_start3A_350 = tpu.memref_slice %arg19[%dma_start3A_349] : memref<4000xf32, #tpu.memory_space<vmem>> -> memref<2000xf32, #tpu.memory_space<vmem>>
        tpu.enqueue_dma source(%dma_start3A_350 : memref<2000xf32, #tpu.memory_space<vmem>>) target(%dma_start3A_348 : memref<2000xf32, #tpu.memory_space<vmem_shared>>) target_semaphore(%run_scoped3A : memref<!tpu.dma_semaphore, #tpu.memory_space<semaphore_mem>>)
        %dma_wait3A_351 = arith.constant 0 : i32
        %dma_wait3A_352 = tpu.memref_slice %arg19[%dma_wait3A_351] : memref<4000xf32, #tpu.memory_space<vmem>> -> memref<2000xf32, #tpu.memory_space<vmem>>
        %dma_wait3A_353 = tpu.memref_slice %arg12[%multiple_of3A_344] : memref<100000xf32, #tpu.memory_space<vmem_shared>> -> memref<2000xf32, #tpu.memory_space<vmem_shared>>
        %dma_wait3A_354 = tpu.memref_slice %arg12[%multiple_of3A_344] : memref<100000xf32, #tpu.memory_space<vmem_shared>> -> memref<2000xf32, #tpu.memory_space<vmem_shared>>
        %dma_wait3A_355 = arith.constant 0 : i32
        %dma_wait3A_356 = tpu.memref_slice %arg19[%dma_wait3A_355] : memref<4000xf32, #tpu.memory_space<vmem>> -> memref<2000xf32, #tpu.memory_space<vmem>>
        tpu.wait_dma2 semaphore(%run_scoped3A : memref<!tpu.dma_semaphore, #tpu.memory_space<semaphore_mem>>) src(%dma_wait3A_356 : memref<2000xf32, #tpu.memory_space<vmem>>) dst(%dma_wait3A_354 : memref<2000xf32, #tpu.memory_space<vmem_shared>>)
        tpu.yield
      }) : () -> ()
      "tpu.region"() ({
        %run_scoped3A = tpu.sem_alloc : memref<!tpu.dma_semaphore, #tpu.memory_space<semaphore_mem>>
        %dma_start3A_345 = arith.constant 0 : i32
        %dma_start3A_346 = tpu.memref_slice %arg19[%dma_start3A_345] : memref<4000xf32, #tpu.memory_space<vmem>> -> memref<2000xf32, #tpu.memory_space<vmem>>
        %dma_start3A_347 = tpu.memref_slice %arg4[%multiple_of3A_344] : memref<100000xf32, #tpu.memory_space<hbm>> -> memref<2000xf32, #tpu.memory_space<hbm>>
        %dma_start3A_348 = arith.constant 0 : i32
        %dma_start3A_349 = tpu.memref_slice %arg19[%dma_start3A_348] : memref<4000xf32, #tpu.memory_space<vmem>> -> memref<2000xf32, #tpu.memory_space<vmem>>
        %dma_start3A_350 = tpu.memref_slice %arg4[%multiple_of3A_344] : memref<100000xf32, #tpu.memory_space<hbm>> -> memref<2000xf32, #tpu.memory_space<hbm>>
        tpu.enqueue_dma source(%dma_start3A_350 : memref<2000xf32, #tpu.memory_space<hbm>>) target(%dma_start3A_349 : memref<2000xf32, #tpu.memory_space<vmem>>) target_semaphore(%run_scoped3A : memref<!tpu.dma_semaphore, #tpu.memory_space<semaphore_mem>>)
        %dma_wait3A_351 = arith.constant 0 : i32
        %dma_wait3A_352 = tpu.memref_slice %arg19[%dma_wait3A_351] : memref<4000xf32, #tpu.memory_space<vmem>> -> memref<2000xf32, #tpu.memory_space<vmem>>
        %dma_wait3A_353 = tpu.memref_slice %arg4[%multiple_of3A_344] : memref<100000xf32, #tpu.memory_space<hbm>> -> memref<2000xf32, #tpu.memory_space<hbm>>
        %dma_wait3A_354 = arith.constant 0 : i32
        %dma_wait3A_355 = tpu.memref_slice %arg19[%dma_wait3A_354] : memref<4000xf32, #tpu.memory_space<vmem>> -> memref<2000xf32, #tpu.memory_space<vmem>>
        %dma_wait3A_356 = tpu.memref_slice %arg4[%multiple_of3A_344] : memref<100000xf32, #tpu.memory_space<hbm>> -> memref<2000xf32, #tpu.memory_space<hbm>>
        tpu.wait_dma2 semaphore(%run_scoped3A : memref<!tpu.dma_semaphore, #tpu.memory_space<semaphore_mem>>) src(%dma_wait3A_356 : memref<2000xf32, #tpu.memory_space<hbm>>) dst(%dma_wait3A_355 : memref<2000xf32, #tpu.memory_space<vmem>>)
        tpu.yield
      }) : () -> ()
      "tpu.region"() ({
        %run_scoped3A = tpu.sem_alloc : memref<!tpu.dma_semaphore, #tpu.memory_space<semaphore_mem>>
        %dma_start3A_345 = arith.constant 0 : i32
        %dma_start3A_346 = tpu.memref_slice %arg19[%dma_start3A_345] : memref<4000xf32, #tpu.memory_space<vmem>> -> memref<2000xf32, #tpu.memory_space<vmem>>
        %dma_start3A_347 = tpu.memref_slice %arg13[%multiple_of3A_344] : memref<100000xf32, #tpu.memory_space<vmem_shared>> -> memref<2000xf32, #tpu.memory_space<vmem_shared>>
        %dma_start3A_348 = tpu.memref_slice %arg13[%multiple_of3A_344] : memref<100000xf32, #tpu.memory_space<vmem_shared>> -> memref<2000xf32, #tpu.memory_space<vmem_shared>>
        %dma_start3A_349 = arith.constant 0 : i32
        %dma_start3A_350 = tpu.memref_slice %arg19[%dma_start3A_349] : memref<4000xf32, #tpu.memory_space<vmem>> -> memref<2000xf32, #tpu.memory_space<vmem>>
        tpu.enqueue_dma source(%dma_start3A_350 : memref<2000xf32, #tpu.memory_space<vmem>>) target(%dma_start3A_348 : memref<2000xf32, #tpu.memory_space<vmem_shared>>) target_semaphore(%run_scoped3A : memref<!tpu.dma_semaphore, #tpu.memory_space<semaphore_mem>>)
        %dma_wait3A_351 = arith.constant 0 : i32
        %dma_wait3A_352 = tpu.memref_slice %arg19[%dma_wait3A_351] : memref<4000xf32, #tpu.memory_space<vmem>> -> memref<2000xf32, #tpu.memory_space<vmem>>
        %dma_wait3A_353 = tpu.memref_slice %arg13[%multiple_of3A_344] : memref<100000xf32, #tpu.memory_space<vmem_shared>> -> memref<2000xf32, #tpu.memory_space<vmem_shared>>
        %dma_wait3A_354 = tpu.memref_slice %arg13[%multiple_of3A_344] : memref<100000xf32, #tpu.memory_space<vmem_shared>> -> memref<2000xf32, #tpu.memory_space<vmem_shared>>
        %dma_wait3A_355 = arith.constant 0 : i32
        %dma_wait3A_356 = tpu.memref_slice %arg19[%dma_wait3A_355] : memref<4000xf32, #tpu.memory_space<vmem>> -> memref<2000xf32, #tpu.memory_space<vmem>>
        tpu.wait_dma2 semaphore(%run_scoped3A : memref<!tpu.dma_semaphore, #tpu.memory_space<semaphore_mem>>) src(%dma_wait3A_356 : memref<2000xf32, #tpu.memory_space<vmem>>) dst(%dma_wait3A_354 : memref<2000xf32, #tpu.memory_space<vmem_shared>>)
        tpu.yield
      }) : () -> ()
      "tpu.region"() ({
        %run_scoped3A = tpu.sem_alloc : memref<!tpu.dma_semaphore, #tpu.memory_space<semaphore_mem>>
        %dma_start3A_345 = tpu.memref_slice %arg14[%multiple_of3A_344] : memref<100000xf32, #tpu.memory_space<vmem_shared>> -> memref<2000xf32, #tpu.memory_space<vmem_shared>>
        %dma_start3A_346 = tpu.memref_slice %arg14[%multiple_of3A_344] : memref<100000xf32, #tpu.memory_space<vmem_shared>> -> memref<2000xf32, #tpu.memory_space<vmem_shared>>
        tpu.enqueue_dma source(%arg31 : memref<2000xf32, #tpu.memory_space<vmem>>) target(%dma_start3A_346 : memref<2000xf32, #tpu.memory_space<vmem_shared>>) target_semaphore(%run_scoped3A : memref<!tpu.dma_semaphore, #tpu.memory_space<semaphore_mem>>)
        %dma_wait3A_347 = tpu.memref_slice %arg14[%multiple_of3A_344] : memref<100000xf32, #tpu.memory_space<vmem_shared>> -> memref<2000xf32, #tpu.memory_space<vmem_shared>>
        %dma_wait3A_348 = tpu.memref_slice %arg14[%multiple_of3A_344] : memref<100000xf32, #tpu.memory_space<vmem_shared>> -> memref<2000xf32, #tpu.memory_space<vmem_shared>>
        tpu.wait_dma2 semaphore(%run_scoped3A : memref<!tpu.dma_semaphore, #tpu.memory_space<semaphore_mem>>) src(%arg31 : memref<2000xf32, #tpu.memory_space<vmem>>) dst(%dma_wait3A_348 : memref<2000xf32, #tpu.memory_space<vmem_shared>>)
        tpu.yield
      }) : () -> ()
      "tpu.region"() ({
        %run_scoped3A = tpu.sem_alloc : memref<!tpu.dma_semaphore, #tpu.memory_space<semaphore_mem>>
        %dma_start3A_345 = tpu.memref_slice %arg15[%multiple_of3A_344] : memref<100000xf32, #tpu.memory_space<vmem_shared>> -> memref<2000xf32, #tpu.memory_space<vmem_shared>>
        %dma_start3A_346 = tpu.memref_slice %arg15[%multiple_of3A_344] : memref<100000xf32, #tpu.memory_space<vmem_shared>> -> memref<2000xf32, #tpu.memory_space<vmem_shared>>
        tpu.enqueue_dma source(%arg31 : memref<2000xf32, #tpu.memory_space<vmem>>) target(%dma_start3A_346 : memref<2000xf32, #tpu.memory_space<vmem_shared>>) target_semaphore(%run_scoped3A : memref<!tpu.dma_semaphore, #tpu.memory_space<semaphore_mem>>)
        %dma_wait3A_347 = tpu.memref_slice %arg15[%multiple_of3A_344] : memref<100000xf32, #tpu.memory_space<vmem_shared>> -> memref<2000xf32, #tpu.memory_space<vmem_shared>>
        %dma_wait3A_348 = tpu.memref_slice %arg15[%multiple_of3A_344] : memref<100000xf32, #tpu.memory_space<vmem_shared>> -> memref<2000xf32, #tpu.memory_space<vmem_shared>>
        tpu.wait_dma2 semaphore(%run_scoped3A : memref<!tpu.dma_semaphore, #tpu.memory_space<semaphore_mem>>) src(%arg31 : memref<2000xf32, #tpu.memory_space<vmem>>) dst(%dma_wait3A_348 : memref<2000xf32, #tpu.memory_space<vmem_shared>>)
        tpu.yield
      }) : () -> ()
      "tpu.region"() ({
        %run_scoped3A = tpu.sem_alloc : memref<!tpu.dma_semaphore, #tpu.memory_space<semaphore_mem>>
        %dma_start3A_345 = tpu.memref_slice %arg16[%multiple_of3A_344] : memref<100000xf32, #tpu.memory_space<vmem_shared>> -> memref<2000xf32, #tpu.memory_space<vmem_shared>>
        %dma_start3A_346 = tpu.memref_slice %arg16[%multiple_of3A_344] : memref<100000xf32, #tpu.memory_space<vmem_shared>> -> memref<2000xf32, #tpu.memory_space<vmem_shared>>
        tpu.enqueue_dma source(%arg31 : memref<2000xf32, #tpu.memory_space<vmem>>) target(%dma_start3A_346 : memref<2000xf32, #tpu.memory_space<vmem_shared>>) target_semaphore(%run_scoped3A : memref<!tpu.dma_semaphore, #tpu.memory_space<semaphore_mem>>)
        %dma_wait3A_347 = tpu.memref_slice %arg16[%multiple_of3A_344] : memref<100000xf32, #tpu.memory_space<vmem_shared>> -> memref<2000xf32, #tpu.memory_space<vmem_shared>>
        %dma_wait3A_348 = tpu.memref_slice %arg16[%multiple_of3A_344] : memref<100000xf32, #tpu.memory_space<vmem_shared>> -> memref<2000xf32, #tpu.memory_space<vmem_shared>>
        tpu.wait_dma2 semaphore(%run_scoped3A : memref<!tpu.dma_semaphore, #tpu.memory_space<semaphore_mem>>) src(%arg31 : memref<2000xf32, #tpu.memory_space<vmem>>) dst(%dma_wait3A_348 : memref<2000xf32, #tpu.memory_space<vmem_shared>>)
        tpu.yield
      }) : () -> ()
    } else {
    }
    %add3A_75 = arith.constant 16 : i32
    %add3A_76 = arith.addi %arg1, %add3A_75 : i32
    %lt3A_77 = arith.constant 50 : i32
    %lt3A_78 = arith.cmpi slt, %add3A_76, %lt3A_77 : i32
    %convert_element_type3A_79 = arith.extui %lt3A_78 : i1 to i32
    %cond3A_80 = arith.constant 0 : i32
    %cond3A_81 = arith.cmpi ne, %convert_element_type3A_79, %cond3A_80 : i32
    scf.if %cond3A_81 {
      %mul3A_342 = arith.constant 2000 : i32
      %mul3A_343 = arith.muli %add3A_76, %mul3A_342 : i32
      %multiple_of3A_344 = tpu.assume_multiple %mul3A_343, 2000 : i32
      "tpu.region"() ({
        %run_scoped3A = tpu.sem_alloc : memref<!tpu.dma_semaphore, #tpu.memory_space<semaphore_mem>>
        %dma_start3A_345 = arith.constant 0 : i32
        %dma_start3A_346 = tpu.memref_slice %arg19[%dma_start3A_345] : memref<4000xf32, #tpu.memory_space<vmem>> -> memref<2000xf32, #tpu.memory_space<vmem>>
        %dma_start3A_347 = tpu.memref_slice %arg2[%multiple_of3A_344] : memref<100000xf32, #tpu.memory_space<hbm>> -> memref<2000xf32, #tpu.memory_space<hbm>>
        %dma_start3A_348 = arith.constant 0 : i32
        %dma_start3A_349 = tpu.memref_slice %arg19[%dma_start3A_348] : memref<4000xf32, #tpu.memory_space<vmem>> -> memref<2000xf32, #tpu.memory_space<vmem>>
        %dma_start3A_350 = tpu.memref_slice %arg2[%multiple_of3A_344] : memref<100000xf32, #tpu.memory_space<hbm>> -> memref<2000xf32, #tpu.memory_space<hbm>>
        tpu.enqueue_dma source(%dma_start3A_350 : memref<2000xf32, #tpu.memory_space<hbm>>) target(%dma_start3A_349 : memref<2000xf32, #tpu.memory_space<vmem>>) target_semaphore(%run_scoped3A : memref<!tpu.dma_semaphore, #tpu.memory_space<semaphore_mem>>)
        %dma_wait3A_351 = arith.constant 0 : i32
        %dma_wait3A_352 = tpu.memref_slice %arg19[%dma_wait3A_351] : memref<4000xf32, #tpu.memory_space<vmem>> -> memref<2000xf32, #tpu.memory_space<vmem>>
        %dma_wait3A_353 = tpu.memref_slice %arg2[%multiple_of3A_344] : memref<100000xf32, #tpu.memory_space<hbm>> -> memref<2000xf32, #tpu.memory_space<hbm>>
        %dma_wait3A_354 = arith.constant 0 : i32
        %dma_wait3A_355 = tpu.memref_slice %arg19[%dma_wait3A_354] : memref<4000xf32, #tpu.memory_space<vmem>> -> memref<2000xf32, #tpu.memory_space<vmem>>
        %dma_wait3A_356 = tpu.memref_slice %arg2[%multiple_of3A_344] : memref<100000xf32, #tpu.memory_space<hbm>> -> memref<2000xf32, #tpu.memory_space<hbm>>
        tpu.wait_dma2 semaphore(%run_scoped3A : memref<!tpu.dma_semaphore, #tpu.memory_space<semaphore_mem>>) src(%dma_wait3A_356 : memref<2000xf32, #tpu.memory_space<hbm>>) dst(%dma_wait3A_355 : memref<2000xf32, #tpu.memory_space<vmem>>)
        tpu.yield
      }) : () -> ()
      "tpu.region"() ({
        %run_scoped3A = tpu.sem_alloc : memref<!tpu.dma_semaphore, #tpu.memory_space<semaphore_mem>>
        %dma_start3A_345 = arith.constant 0 : i32
        %dma_start3A_346 = tpu.memref_slice %arg19[%dma_start3A_345] : memref<4000xf32, #tpu.memory_space<vmem>> -> memref<2000xf32, #tpu.memory_space<vmem>>
        %dma_start3A_347 = tpu.memref_slice %arg11[%multiple_of3A_344] : memref<100000xf32, #tpu.memory_space<vmem_shared>> -> memref<2000xf32, #tpu.memory_space<vmem_shared>>
        %dma_start3A_348 = tpu.memref_slice %arg11[%multiple_of3A_344] : memref<100000xf32, #tpu.memory_space<vmem_shared>> -> memref<2000xf32, #tpu.memory_space<vmem_shared>>
        %dma_start3A_349 = arith.constant 0 : i32
        %dma_start3A_350 = tpu.memref_slice %arg19[%dma_start3A_349] : memref<4000xf32, #tpu.memory_space<vmem>> -> memref<2000xf32, #tpu.memory_space<vmem>>
        tpu.enqueue_dma source(%dma_start3A_350 : memref<2000xf32, #tpu.memory_space<vmem>>) target(%dma_start3A_348 : memref<2000xf32, #tpu.memory_space<vmem_shared>>) target_semaphore(%run_scoped3A : memref<!tpu.dma_semaphore, #tpu.memory_space<semaphore_mem>>)
        %dma_wait3A_351 = arith.constant 0 : i32
        %dma_wait3A_352 = tpu.memref_slice %arg19[%dma_wait3A_351] : memref<4000xf32, #tpu.memory_space<vmem>> -> memref<2000xf32, #tpu.memory_space<vmem>>
        %dma_wait3A_353 = tpu.memref_slice %arg11[%multiple_of3A_344] : memref<100000xf32, #tpu.memory_space<vmem_shared>> -> memref<2000xf32, #tpu.memory_space<vmem_shared>>
        %dma_wait3A_354 = tpu.memref_slice %arg11[%multiple_of3A_344] : memref<100000xf32, #tpu.memory_space<vmem_shared>> -> memref<2000xf32, #tpu.memory_space<vmem_shared>>
        %dma_wait3A_355 = arith.constant 0 : i32
        %dma_wait3A_356 = tpu.memref_slice %arg19[%dma_wait3A_355] : memref<4000xf32, #tpu.memory_space<vmem>> -> memref<2000xf32, #tpu.memory_space<vmem>>
        tpu.wait_dma2 semaphore(%run_scoped3A : memref<!tpu.dma_semaphore, #tpu.memory_space<semaphore_mem>>) src(%dma_wait3A_356 : memref<2000xf32, #tpu.memory_space<vmem>>) dst(%dma_wait3A_354 : memref<2000xf32, #tpu.memory_space<vmem_shared>>)
        tpu.yield
      }) : () -> ()
      "tpu.region"() ({
        %run_scoped3A = tpu.sem_alloc : memref<!tpu.dma_semaphore, #tpu.memory_space<semaphore_mem>>
        %dma_start3A_345 = arith.constant 0 : i32
        %dma_start3A_346 = tpu.memref_slice %arg19[%dma_start3A_345] : memref<4000xf32, #tpu.memory_space<vmem>> -> memref<2000xf32, #tpu.memory_space<vmem>>
        %dma_start3A_347 = tpu.memref_slice %arg3[%multiple_of3A_344] : memref<100000xf32, #tpu.memory_space<hbm>> -> memref<2000xf32, #tpu.memory_space<hbm>>
        %dma_start3A_348 = arith.constant 0 : i32
        %dma_start3A_349 = tpu.memref_slice %arg19[%dma_start3A_348] : memref<4000xf32, #tpu.memory_space<vmem>> -> memref<2000xf32, #tpu.memory_space<vmem>>
        %dma_start3A_350 = tpu.memref_slice %arg3[%multiple_of3A_344] : memref<100000xf32, #tpu.memory_space<hbm>> -> memref<2000xf32, #tpu.memory_space<hbm>>
        tpu.enqueue_dma source(%dma_start3A_350 : memref<2000xf32, #tpu.memory_space<hbm>>) target(%dma_start3A_349 : memref<2000xf32, #tpu.memory_space<vmem>>) target_semaphore(%run_scoped3A : memref<!tpu.dma_semaphore, #tpu.memory_space<semaphore_mem>>)
        %dma_wait3A_351 = arith.constant 0 : i32
        %dma_wait3A_352 = tpu.memref_slice %arg19[%dma_wait3A_351] : memref<4000xf32, #tpu.memory_space<vmem>> -> memref<2000xf32, #tpu.memory_space<vmem>>
        %dma_wait3A_353 = tpu.memref_slice %arg3[%multiple_of3A_344] : memref<100000xf32, #tpu.memory_space<hbm>> -> memref<2000xf32, #tpu.memory_space<hbm>>
        %dma_wait3A_354 = arith.constant 0 : i32
        %dma_wait3A_355 = tpu.memref_slice %arg19[%dma_wait3A_354] : memref<4000xf32, #tpu.memory_space<vmem>> -> memref<2000xf32, #tpu.memory_space<vmem>>
        %dma_wait3A_356 = tpu.memref_slice %arg3[%multiple_of3A_344] : memref<100000xf32, #tpu.memory_space<hbm>> -> memref<2000xf32, #tpu.memory_space<hbm>>
        tpu.wait_dma2 semaphore(%run_scoped3A : memref<!tpu.dma_semaphore, #tpu.memory_space<semaphore_mem>>) src(%dma_wait3A_356 : memref<2000xf32, #tpu.memory_space<hbm>>) dst(%dma_wait3A_355 : memref<2000xf32, #tpu.memory_space<vmem>>)
        tpu.yield
      }) : () -> ()
      "tpu.region"() ({
        %run_scoped3A = tpu.sem_alloc : memref<!tpu.dma_semaphore, #tpu.memory_space<semaphore_mem>>
        %dma_start3A_345 = arith.constant 0 : i32
        %dma_start3A_346 = tpu.memref_slice %arg19[%dma_start3A_345] : memref<4000xf32, #tpu.memory_space<vmem>> -> memref<2000xf32, #tpu.memory_space<vmem>>
        %dma_start3A_347 = tpu.memref_slice %arg12[%multiple_of3A_344] : memref<100000xf32, #tpu.memory_space<vmem_shared>> -> memref<2000xf32, #tpu.memory_space<vmem_shared>>
        %dma_start3A_348 = tpu.memref_slice %arg12[%multiple_of3A_344] : memref<100000xf32, #tpu.memory_space<vmem_shared>> -> memref<2000xf32, #tpu.memory_space<vmem_shared>>
        %dma_start3A_349 = arith.constant 0 : i32
        %dma_start3A_350 = tpu.memref_slice %arg19[%dma_start3A_349] : memref<4000xf32, #tpu.memory_space<vmem>> -> memref<2000xf32, #tpu.memory_space<vmem>>
        tpu.enqueue_dma source(%dma_start3A_350 : memref<2000xf32, #tpu.memory_space<vmem>>) target(%dma_start3A_348 : memref<2000xf32, #tpu.memory_space<vmem_shared>>) target_semaphore(%run_scoped3A : memref<!tpu.dma_semaphore, #tpu.memory_space<semaphore_mem>>)
        %dma_wait3A_351 = arith.constant 0 : i32
        %dma_wait3A_352 = tpu.memref_slice %arg19[%dma_wait3A_351] : memref<4000xf32, #tpu.memory_space<vmem>> -> memref<2000xf32, #tpu.memory_space<vmem>>
        %dma_wait3A_353 = tpu.memref_slice %arg12[%multiple_of3A_344] : memref<100000xf32, #tpu.memory_space<vmem_shared>> -> memref<2000xf32, #tpu.memory_space<vmem_shared>>
        %dma_wait3A_354 = tpu.memref_slice %arg12[%multiple_of3A_344] : memref<100000xf32, #tpu.memory_space<vmem_shared>> -> memref<2000xf32, #tpu.memory_space<vmem_shared>>
        %dma_wait3A_355 = arith.constant 0 : i32
        %dma_wait3A_356 = tpu.memref_slice %arg19[%dma_wait3A_355] : memref<4000xf32, #tpu.memory_space<vmem>> -> memref<2000xf32, #tpu.memory_space<vmem>>
        tpu.wait_dma2 semaphore(%run_scoped3A : memref<!tpu.dma_semaphore, #tpu.memory_space<semaphore_mem>>) src(%dma_wait3A_356 : memref<2000xf32, #tpu.memory_space<vmem>>) dst(%dma_wait3A_354 : memref<2000xf32, #tpu.memory_space<vmem_shared>>)
        tpu.yield
      }) : () -> ()
      "tpu.region"() ({
        %run_scoped3A = tpu.sem_alloc : memref<!tpu.dma_semaphore, #tpu.memory_space<semaphore_mem>>
        %dma_start3A_345 = arith.constant 0 : i32
        %dma_start3A_346 = tpu.memref_slice %arg19[%dma_start3A_345] : memref<4000xf32, #tpu.memory_space<vmem>> -> memref<2000xf32, #tpu.memory_space<vmem>>
        %dma_start3A_347 = tpu.memref_slice %arg4[%multiple_of3A_344] : memref<100000xf32, #tpu.memory_space<hbm>> -> memref<2000xf32, #tpu.memory_space<hbm>>
        %dma_start3A_348 = arith.constant 0 : i32
        %dma_start3A_349 = tpu.memref_slice %arg19[%dma_start3A_348] : memref<4000xf32, #tpu.memory_space<vmem>> -> memref<2000xf32, #tpu.memory_space<vmem>>
        %dma_start3A_350 = tpu.memref_slice %arg4[%multiple_of3A_344] : memref<100000xf32, #tpu.memory_space<hbm>> -> memref<2000xf32, #tpu.memory_space<hbm>>
        tpu.enqueue_dma source(%dma_start3A_350 : memref<2000xf32, #tpu.memory_space<hbm>>) target(%dma_start3A_349 : memref<2000xf32, #tpu.memory_space<vmem>>) target_semaphore(%run_scoped3A : memref<!tpu.dma_semaphore, #tpu.memory_space<semaphore_mem>>)
        %dma_wait3A_351 = arith.constant 0 : i32
        %dma_wait3A_352 = tpu.memref_slice %arg19[%dma_wait3A_351] : memref<4000xf32, #tpu.memory_space<vmem>> -> memref<2000xf32, #tpu.memory_space<vmem>>
        %dma_wait3A_353 = tpu.memref_slice %arg4[%multiple_of3A_344] : memref<100000xf32, #tpu.memory_space<hbm>> -> memref<2000xf32, #tpu.memory_space<hbm>>
        %dma_wait3A_354 = arith.constant 0 : i32
        %dma_wait3A_355 = tpu.memref_slice %arg19[%dma_wait3A_354] : memref<4000xf32, #tpu.memory_space<vmem>> -> memref<2000xf32, #tpu.memory_space<vmem>>
        %dma_wait3A_356 = tpu.memref_slice %arg4[%multiple_of3A_344] : memref<100000xf32, #tpu.memory_space<hbm>> -> memref<2000xf32, #tpu.memory_space<hbm>>
        tpu.wait_dma2 semaphore(%run_scoped3A : memref<!tpu.dma_semaphore, #tpu.memory_space<semaphore_mem>>) src(%dma_wait3A_356 : memref<2000xf32, #tpu.memory_space<hbm>>) dst(%dma_wait3A_355 : memref<2000xf32, #tpu.memory_space<vmem>>)
        tpu.yield
      }) : () -> ()
      "tpu.region"() ({
        %run_scoped3A = tpu.sem_alloc : memref<!tpu.dma_semaphore, #tpu.memory_space<semaphore_mem>>
        %dma_start3A_345 = arith.constant 0 : i32
        %dma_start3A_346 = tpu.memref_slice %arg19[%dma_start3A_345] : memref<4000xf32, #tpu.memory_space<vmem>> -> memref<2000xf32, #tpu.memory_space<vmem>>
        %dma_start3A_347 = tpu.memref_slice %arg13[%multiple_of3A_344] : memref<100000xf32, #tpu.memory_space<vmem_shared>> -> memref<2000xf32, #tpu.memory_space<vmem_shared>>
        %dma_start3A_348 = tpu.memref_slice %arg13[%multiple_of3A_344] : memref<100000xf32, #tpu.memory_space<vmem_shared>> -> memref<2000xf32, #tpu.memory_space<vmem_shared>>
        %dma_start3A_349 = arith.constant 0 : i32
        %dma_start3A_350 = tpu.memref_slice %arg19[%dma_start3A_349] : memref<4000xf32, #tpu.memory_space<vmem>> -> memref<2000xf32, #tpu.memory_space<vmem>>
        tpu.enqueue_dma source(%dma_start3A_350 : memref<2000xf32, #tpu.memory_space<vmem>>) target(%dma_start3A_348 : memref<2000xf32, #tpu.memory_space<vmem_shared>>) target_semaphore(%run_scoped3A : memref<!tpu.dma_semaphore, #tpu.memory_space<semaphore_mem>>)
        %dma_wait3A_351 = arith.constant 0 : i32
        %dma_wait3A_352 = tpu.memref_slice %arg19[%dma_wait3A_351] : memref<4000xf32, #tpu.memory_space<vmem>> -> memref<2000xf32, #tpu.memory_space<vmem>>
        %dma_wait3A_353 = tpu.memref_slice %arg13[%multiple_of3A_344] : memref<100000xf32, #tpu.memory_space<vmem_shared>> -> memref<2000xf32, #tpu.memory_space<vmem_shared>>
        %dma_wait3A_354 = tpu.memref_slice %arg13[%multiple_of3A_344] : memref<100000xf32, #tpu.memory_space<vmem_shared>> -> memref<2000xf32, #tpu.memory_space<vmem_shared>>
        %dma_wait3A_355 = arith.constant 0 : i32
        %dma_wait3A_356 = tpu.memref_slice %arg19[%dma_wait3A_355] : memref<4000xf32, #tpu.memory_space<vmem>> -> memref<2000xf32, #tpu.memory_space<vmem>>
        tpu.wait_dma2 semaphore(%run_scoped3A : memref<!tpu.dma_semaphore, #tpu.memory_space<semaphore_mem>>) src(%dma_wait3A_356 : memref<2000xf32, #tpu.memory_space<vmem>>) dst(%dma_wait3A_354 : memref<2000xf32, #tpu.memory_space<vmem_shared>>)
        tpu.yield
      }) : () -> ()
      "tpu.region"() ({
        %run_scoped3A = tpu.sem_alloc : memref<!tpu.dma_semaphore, #tpu.memory_space<semaphore_mem>>
        %dma_start3A_345 = tpu.memref_slice %arg14[%multiple_of3A_344] : memref<100000xf32, #tpu.memory_space<vmem_shared>> -> memref<2000xf32, #tpu.memory_space<vmem_shared>>
        %dma_start3A_346 = tpu.memref_slice %arg14[%multiple_of3A_344] : memref<100000xf32, #tpu.memory_space<vmem_shared>> -> memref<2000xf32, #tpu.memory_space<vmem_shared>>
        tpu.enqueue_dma source(%arg31 : memref<2000xf32, #tpu.memory_space<vmem>>) target(%dma_start3A_346 : memref<2000xf32, #tpu.memory_space<vmem_shared>>) target_semaphore(%run_scoped3A : memref<!tpu.dma_semaphore, #tpu.memory_space<semaphore_mem>>)
        %dma_wait3A_347 = tpu.memref_slice %arg14[%multiple_of3A_344] : memref<100000xf32, #tpu.memory_space<vmem_shared>> -> memref<2000xf32, #tpu.memory_space<vmem_shared>>
        %dma_wait3A_348 = tpu.memref_slice %arg14[%multiple_of3A_344] : memref<100000xf32, #tpu.memory_space<vmem_shared>> -> memref<2000xf32, #tpu.memory_space<vmem_shared>>
        tpu.wait_dma2 semaphore(%run_scoped3A : memref<!tpu.dma_semaphore, #tpu.memory_space<semaphore_mem>>) src(%arg31 : memref<2000xf32, #tpu.memory_space<vmem>>) dst(%dma_wait3A_348 : memref<2000xf32, #tpu.memory_space<vmem_shared>>)
        tpu.yield
      }) : () -> ()
      "tpu.region"() ({
        %run_scoped3A = tpu.sem_alloc : memref<!tpu.dma_semaphore, #tpu.memory_space<semaphore_mem>>
        %dma_start3A_345 = tpu.memref_slice %arg15[%multiple_of3A_344] : memref<100000xf32, #tpu.memory_space<vmem_shared>> -> memref<2000xf32, #tpu.memory_space<vmem_shared>>
        %dma_start3A_346 = tpu.memref_slice %arg15[%multiple_of3A_344] : memref<100000xf32, #tpu.memory_space<vmem_shared>> -> memref<2000xf32, #tpu.memory_space<vmem_shared>>
        tpu.enqueue_dma source(%arg31 : memref<2000xf32, #tpu.memory_space<vmem>>) target(%dma_start3A_346 : memref<2000xf32, #tpu.memory_space<vmem_shared>>) target_semaphore(%run_scoped3A : memref<!tpu.dma_semaphore, #tpu.memory_space<semaphore_mem>>)
        %dma_wait3A_347 = tpu.memref_slice %arg15[%multiple_of3A_344] : memref<100000xf32, #tpu.memory_space<vmem_shared>> -> memref<2000xf32, #tpu.memory_space<vmem_shared>>
        %dma_wait3A_348 = tpu.memref_slice %arg15[%multiple_of3A_344] : memref<100000xf32, #tpu.memory_space<vmem_shared>> -> memref<2000xf32, #tpu.memory_space<vmem_shared>>
        tpu.wait_dma2 semaphore(%run_scoped3A : memref<!tpu.dma_semaphore, #tpu.memory_space<semaphore_mem>>) src(%arg31 : memref<2000xf32, #tpu.memory_space<vmem>>) dst(%dma_wait3A_348 : memref<2000xf32, #tpu.memory_space<vmem_shared>>)
        tpu.yield
      }) : () -> ()
      "tpu.region"() ({
        %run_scoped3A = tpu.sem_alloc : memref<!tpu.dma_semaphore, #tpu.memory_space<semaphore_mem>>
        %dma_start3A_345 = tpu.memref_slice %arg16[%multiple_of3A_344] : memref<100000xf32, #tpu.memory_space<vmem_shared>> -> memref<2000xf32, #tpu.memory_space<vmem_shared>>
        %dma_start3A_346 = tpu.memref_slice %arg16[%multiple_of3A_344] : memref<100000xf32, #tpu.memory_space<vmem_shared>> -> memref<2000xf32, #tpu.memory_space<vmem_shared>>
        tpu.enqueue_dma source(%arg31 : memref<2000xf32, #tpu.memory_space<vmem>>) target(%dma_start3A_346 : memref<2000xf32, #tpu.memory_space<vmem_shared>>) target_semaphore(%run_scoped3A : memref<!tpu.dma_semaphore, #tpu.memory_space<semaphore_mem>>)
        %dma_wait3A_347 = tpu.memref_slice %arg16[%multiple_of3A_344] : memref<100000xf32, #tpu.memory_space<vmem_shared>> -> memref<2000xf32, #tpu.memory_space<vmem_shared>>
        %dma_wait3A_348 = tpu.memref_slice %arg16[%multiple_of3A_344] : memref<100000xf32, #tpu.memory_space<vmem_shared>> -> memref<2000xf32, #tpu.memory_space<vmem_shared>>
        tpu.wait_dma2 semaphore(%run_scoped3A : memref<!tpu.dma_semaphore, #tpu.memory_space<semaphore_mem>>) src(%arg31 : memref<2000xf32, #tpu.memory_space<vmem>>) dst(%dma_wait3A_348 : memref<2000xf32, #tpu.memory_space<vmem_shared>>)
        tpu.yield
      }) : () -> ()
    } else {
    }
    %add3A_82 = arith.constant 32 : i32
    %add3A_83 = arith.addi %arg1, %add3A_82 : i32
    %lt3A_84 = arith.constant 50 : i32
    %lt3A_85 = arith.cmpi slt, %add3A_83, %lt3A_84 : i32
    %convert_element_type3A_86 = arith.extui %lt3A_85 : i1 to i32
    %cond3A_87 = arith.constant 0 : i32
    %cond3A_88 = arith.cmpi ne, %convert_element_type3A_86, %cond3A_87 : i32
    scf.if %cond3A_88 {
      %mul3A_342 = arith.constant 2000 : i32
      %mul3A_343 = arith.muli %add3A_83, %mul3A_342 : i32
      %multiple_of3A_344 = tpu.assume_multiple %mul3A_343, 2000 : i32
      "tpu.region"() ({
        %run_scoped3A = tpu.sem_alloc : memref<!tpu.dma_semaphore, #tpu.memory_space<semaphore_mem>>
        %dma_start3A_345 = arith.constant 0 : i32
        %dma_start3A_346 = tpu.memref_slice %arg19[%dma_start3A_345] : memref<4000xf32, #tpu.memory_space<vmem>> -> memref<2000xf32, #tpu.memory_space<vmem>>
        %dma_start3A_347 = tpu.memref_slice %arg2[%multiple_of3A_344] : memref<100000xf32, #tpu.memory_space<hbm>> -> memref<2000xf32, #tpu.memory_space<hbm>>
        %dma_start3A_348 = arith.constant 0 : i32
        %dma_start3A_349 = tpu.memref_slice %arg19[%dma_start3A_348] : memref<4000xf32, #tpu.memory_space<vmem>> -> memref<2000xf32, #tpu.memory_space<vmem>>
        %dma_start3A_350 = tpu.memref_slice %arg2[%multiple_of3A_344] : memref<100000xf32, #tpu.memory_space<hbm>> -> memref<2000xf32, #tpu.memory_space<hbm>>
        tpu.enqueue_dma source(%dma_start3A_350 : memref<2000xf32, #tpu.memory_space<hbm>>) target(%dma_start3A_349 : memref<2000xf32, #tpu.memory_space<vmem>>) target_semaphore(%run_scoped3A : memref<!tpu.dma_semaphore, #tpu.memory_space<semaphore_mem>>)
        %dma_wait3A_351 = arith.constant 0 : i32
        %dma_wait3A_352 = tpu.memref_slice %arg19[%dma_wait3A_351] : memref<4000xf32, #tpu.memory_space<vmem>> -> memref<2000xf32, #tpu.memory_space<vmem>>
        %dma_wait3A_353 = tpu.memref_slice %arg2[%multiple_of3A_344] : memref<100000xf32, #tpu.memory_space<hbm>> -> memref<2000xf32, #tpu.memory_space<hbm>>
        %dma_wait3A_354 = arith.constant 0 : i32
        %dma_wait3A_355 = tpu.memref_slice %arg19[%dma_wait3A_354] : memref<4000xf32, #tpu.memory_space<vmem>> -> memref<2000xf32, #tpu.memory_space<vmem>>
        %dma_wait3A_356 = tpu.memref_slice %arg2[%multiple_of3A_344] : memref<100000xf32, #tpu.memory_space<hbm>> -> memref<2000xf32, #tpu.memory_space<hbm>>
        tpu.wait_dma2 semaphore(%run_scoped3A : memref<!tpu.dma_semaphore, #tpu.memory_space<semaphore_mem>>) src(%dma_wait3A_356 : memref<2000xf32, #tpu.memory_space<hbm>>) dst(%dma_wait3A_355 : memref<2000xf32, #tpu.memory_space<vmem>>)
        tpu.yield
      }) : () -> ()
      "tpu.region"() ({
        %run_scoped3A = tpu.sem_alloc : memref<!tpu.dma_semaphore, #tpu.memory_space<semaphore_mem>>
        %dma_start3A_345 = arith.constant 0 : i32
        %dma_start3A_346 = tpu.memref_slice %arg19[%dma_start3A_345] : memref<4000xf32, #tpu.memory_space<vmem>> -> memref<2000xf32, #tpu.memory_space<vmem>>
        %dma_start3A_347 = tpu.memref_slice %arg11[%multiple_of3A_344] : memref<100000xf32, #tpu.memory_space<vmem_shared>> -> memref<2000xf32, #tpu.memory_space<vmem_shared>>
        %dma_start3A_348 = tpu.memref_slice %arg11[%multiple_of3A_344] : memref<100000xf32, #tpu.memory_space<vmem_shared>> -> memref<2000xf32, #tpu.memory_space<vmem_shared>>
        %dma_start3A_349 = arith.constant 0 : i32
        %dma_start3A_350 = tpu.memref_slice %arg19[%dma_start3A_349] : memref<4000xf32, #tpu.memory_space<vmem>> -> memref<2000xf32, #tpu.memory_space<vmem>>
        tpu.enqueue_dma source(%dma_start3A_350 : memref<2000xf32, #tpu.memory_space<vmem>>) target(%dma_start3A_348 : memref<2000xf32, #tpu.memory_space<vmem_shared>>) target_semaphore(%run_scoped3A : memref<!tpu.dma_semaphore, #tpu.memory_space<semaphore_mem>>)
        %dma_wait3A_351 = arith.constant 0 : i32
        %dma_wait3A_352 = tpu.memref_slice %arg19[%dma_wait3A_351] : memref<4000xf32, #tpu.memory_space<vmem>> -> memref<2000xf32, #tpu.memory_space<vmem>>
        %dma_wait3A_353 = tpu.memref_slice %arg11[%multiple_of3A_344] : memref<100000xf32, #tpu.memory_space<vmem_shared>> -> memref<2000xf32, #tpu.memory_space<vmem_shared>>
        %dma_wait3A_354 = tpu.memref_slice %arg11[%multiple_of3A_344] : memref<100000xf32, #tpu.memory_space<vmem_shared>> -> memref<2000xf32, #tpu.memory_space<vmem_shared>>
        %dma_wait3A_355 = arith.constant 0 : i32
        %dma_wait3A_356 = tpu.memref_slice %arg19[%dma_wait3A_355] : memref<4000xf32, #tpu.memory_space<vmem>> -> memref<2000xf32, #tpu.memory_space<vmem>>
        tpu.wait_dma2 semaphore(%run_scoped3A : memref<!tpu.dma_semaphore, #tpu.memory_space<semaphore_mem>>) src(%dma_wait3A_356 : memref<2000xf32, #tpu.memory_space<vmem>>) dst(%dma_wait3A_354 : memref<2000xf32, #tpu.memory_space<vmem_shared>>)
        tpu.yield
      }) : () -> ()
      "tpu.region"() ({
        %run_scoped3A = tpu.sem_alloc : memref<!tpu.dma_semaphore, #tpu.memory_space<semaphore_mem>>
        %dma_start3A_345 = arith.constant 0 : i32
        %dma_start3A_346 = tpu.memref_slice %arg19[%dma_start3A_345] : memref<4000xf32, #tpu.memory_space<vmem>> -> memref<2000xf32, #tpu.memory_space<vmem>>
        %dma_start3A_347 = tpu.memref_slice %arg3[%multiple_of3A_344] : memref<100000xf32, #tpu.memory_space<hbm>> -> memref<2000xf32, #tpu.memory_space<hbm>>
        %dma_start3A_348 = arith.constant 0 : i32
        %dma_start3A_349 = tpu.memref_slice %arg19[%dma_start3A_348] : memref<4000xf32, #tpu.memory_space<vmem>> -> memref<2000xf32, #tpu.memory_space<vmem>>
        %dma_start3A_350 = tpu.memref_slice %arg3[%multiple_of3A_344] : memref<100000xf32, #tpu.memory_space<hbm>> -> memref<2000xf32, #tpu.memory_space<hbm>>
        tpu.enqueue_dma source(%dma_start3A_350 : memref<2000xf32, #tpu.memory_space<hbm>>) target(%dma_start3A_349 : memref<2000xf32, #tpu.memory_space<vmem>>) target_semaphore(%run_scoped3A : memref<!tpu.dma_semaphore, #tpu.memory_space<semaphore_mem>>)
        %dma_wait3A_351 = arith.constant 0 : i32
        %dma_wait3A_352 = tpu.memref_slice %arg19[%dma_wait3A_351] : memref<4000xf32, #tpu.memory_space<vmem>> -> memref<2000xf32, #tpu.memory_space<vmem>>
        %dma_wait3A_353 = tpu.memref_slice %arg3[%multiple_of3A_344] : memref<100000xf32, #tpu.memory_space<hbm>> -> memref<2000xf32, #tpu.memory_space<hbm>>
        %dma_wait3A_354 = arith.constant 0 : i32
        %dma_wait3A_355 = tpu.memref_slice %arg19[%dma_wait3A_354] : memref<4000xf32, #tpu.memory_space<vmem>> -> memref<2000xf32, #tpu.memory_space<vmem>>
        %dma_wait3A_356 = tpu.memref_slice %arg3[%multiple_of3A_344] : memref<100000xf32, #tpu.memory_space<hbm>> -> memref<2000xf32, #tpu.memory_space<hbm>>
        tpu.wait_dma2 semaphore(%run_scoped3A : memref<!tpu.dma_semaphore, #tpu.memory_space<semaphore_mem>>) src(%dma_wait3A_356 : memref<2000xf32, #tpu.memory_space<hbm>>) dst(%dma_wait3A_355 : memref<2000xf32, #tpu.memory_space<vmem>>)
        tpu.yield
      }) : () -> ()
      "tpu.region"() ({
        %run_scoped3A = tpu.sem_alloc : memref<!tpu.dma_semaphore, #tpu.memory_space<semaphore_mem>>
        %dma_start3A_345 = arith.constant 0 : i32
        %dma_start3A_346 = tpu.memref_slice %arg19[%dma_start3A_345] : memref<4000xf32, #tpu.memory_space<vmem>> -> memref<2000xf32, #tpu.memory_space<vmem>>
        %dma_start3A_347 = tpu.memref_slice %arg12[%multiple_of3A_344] : memref<100000xf32, #tpu.memory_space<vmem_shared>> -> memref<2000xf32, #tpu.memory_space<vmem_shared>>
        %dma_start3A_348 = tpu.memref_slice %arg12[%multiple_of3A_344] : memref<100000xf32, #tpu.memory_space<vmem_shared>> -> memref<2000xf32, #tpu.memory_space<vmem_shared>>
        %dma_start3A_349 = arith.constant 0 : i32
        %dma_start3A_350 = tpu.memref_slice %arg19[%dma_start3A_349] : memref<4000xf32, #tpu.memory_space<vmem>> -> memref<2000xf32, #tpu.memory_space<vmem>>
        tpu.enqueue_dma source(%dma_start3A_350 : memref<2000xf32, #tpu.memory_space<vmem>>) target(%dma_start3A_348 : memref<2000xf32, #tpu.memory_space<vmem_shared>>) target_semaphore(%run_scoped3A : memref<!tpu.dma_semaphore, #tpu.memory_space<semaphore_mem>>)
        %dma_wait3A_351 = arith.constant 0 : i32
        %dma_wait3A_352 = tpu.memref_slice %arg19[%dma_wait3A_351] : memref<4000xf32, #tpu.memory_space<vmem>> -> memref<2000xf32, #tpu.memory_space<vmem>>
        %dma_wait3A_353 = tpu.memref_slice %arg12[%multiple_of3A_344] : memref<100000xf32, #tpu.memory_space<vmem_shared>> -> memref<2000xf32, #tpu.memory_space<vmem_shared>>
        %dma_wait3A_354 = tpu.memref_slice %arg12[%multiple_of3A_344] : memref<100000xf32, #tpu.memory_space<vmem_shared>> -> memref<2000xf32, #tpu.memory_space<vmem_shared>>
        %dma_wait3A_355 = arith.constant 0 : i32
        %dma_wait3A_356 = tpu.memref_slice %arg19[%dma_wait3A_355] : memref<4000xf32, #tpu.memory_space<vmem>> -> memref<2000xf32, #tpu.memory_space<vmem>>
        tpu.wait_dma2 semaphore(%run_scoped3A : memref<!tpu.dma_semaphore, #tpu.memory_space<semaphore_mem>>) src(%dma_wait3A_356 : memref<2000xf32, #tpu.memory_space<vmem>>) dst(%dma_wait3A_354 : memref<2000xf32, #tpu.memory_space<vmem_shared>>)
        tpu.yield
      }) : () -> ()
      "tpu.region"() ({
        %run_scoped3A = tpu.sem_alloc : memref<!tpu.dma_semaphore, #tpu.memory_space<semaphore_mem>>
        %dma_start3A_345 = arith.constant 0 : i32
        %dma_start3A_346 = tpu.memref_slice %arg19[%dma_start3A_345] : memref<4000xf32, #tpu.memory_space<vmem>> -> memref<2000xf32, #tpu.memory_space<vmem>>
        %dma_start3A_347 = tpu.memref_slice %arg4[%multiple_of3A_344] : memref<100000xf32, #tpu.memory_space<hbm>> -> memref<2000xf32, #tpu.memory_space<hbm>>
        %dma_start3A_348 = arith.constant 0 : i32
        %dma_start3A_349 = tpu.memref_slice %arg19[%dma_start3A_348] : memref<4000xf32, #tpu.memory_space<vmem>> -> memref<2000xf32, #tpu.memory_space<vmem>>
        %dma_start3A_350 = tpu.memref_slice %arg4[%multiple_of3A_344] : memref<100000xf32, #tpu.memory_space<hbm>> -> memref<2000xf32, #tpu.memory_space<hbm>>
        tpu.enqueue_dma source(%dma_start3A_350 : memref<2000xf32, #tpu.memory_space<hbm>>) target(%dma_start3A_349 : memref<2000xf32, #tpu.memory_space<vmem>>) target_semaphore(%run_scoped3A : memref<!tpu.dma_semaphore, #tpu.memory_space<semaphore_mem>>)
        %dma_wait3A_351 = arith.constant 0 : i32
        %dma_wait3A_352 = tpu.memref_slice %arg19[%dma_wait3A_351] : memref<4000xf32, #tpu.memory_space<vmem>> -> memref<2000xf32, #tpu.memory_space<vmem>>
        %dma_wait3A_353 = tpu.memref_slice %arg4[%multiple_of3A_344] : memref<100000xf32, #tpu.memory_space<hbm>> -> memref<2000xf32, #tpu.memory_space<hbm>>
        %dma_wait3A_354 = arith.constant 0 : i32
        %dma_wait3A_355 = tpu.memref_slice %arg19[%dma_wait3A_354] : memref<4000xf32, #tpu.memory_space<vmem>> -> memref<2000xf32, #tpu.memory_space<vmem>>
        %dma_wait3A_356 = tpu.memref_slice %arg4[%multiple_of3A_344] : memref<100000xf32, #tpu.memory_space<hbm>> -> memref<2000xf32, #tpu.memory_space<hbm>>
        tpu.wait_dma2 semaphore(%run_scoped3A : memref<!tpu.dma_semaphore, #tpu.memory_space<semaphore_mem>>) src(%dma_wait3A_356 : memref<2000xf32, #tpu.memory_space<hbm>>) dst(%dma_wait3A_355 : memref<2000xf32, #tpu.memory_space<vmem>>)
        tpu.yield
      }) : () -> ()
      "tpu.region"() ({
        %run_scoped3A = tpu.sem_alloc : memref<!tpu.dma_semaphore, #tpu.memory_space<semaphore_mem>>
        %dma_start3A_345 = arith.constant 0 : i32
        %dma_start3A_346 = tpu.memref_slice %arg19[%dma_start3A_345] : memref<4000xf32, #tpu.memory_space<vmem>> -> memref<2000xf32, #tpu.memory_space<vmem>>
        %dma_start3A_347 = tpu.memref_slice %arg13[%multiple_of3A_344] : memref<100000xf32, #tpu.memory_space<vmem_shared>> -> memref<2000xf32, #tpu.memory_space<vmem_shared>>
        %dma_start3A_348 = tpu.memref_slice %arg13[%multiple_of3A_344] : memref<100000xf32, #tpu.memory_space<vmem_shared>> -> memref<2000xf32, #tpu.memory_space<vmem_shared>>
        %dma_start3A_349 = arith.constant 0 : i32
        %dma_start3A_350 = tpu.memref_slice %arg19[%dma_start3A_349] : memref<4000xf32, #tpu.memory_space<vmem>> -> memref<2000xf32, #tpu.memory_space<vmem>>
        tpu.enqueue_dma source(%dma_start3A_350 : memref<2000xf32, #tpu.memory_space<vmem>>) target(%dma_start3A_348 : memref<2000xf32, #tpu.memory_space<vmem_shared>>) target_semaphore(%run_scoped3A : memref<!tpu.dma_semaphore, #tpu.memory_space<semaphore_mem>>)
        %dma_wait3A_351 = arith.constant 0 : i32
        %dma_wait3A_352 = tpu.memref_slice %arg19[%dma_wait3A_351] : memref<4000xf32, #tpu.memory_space<vmem>> -> memref<2000xf32, #tpu.memory_space<vmem>>
        %dma_wait3A_353 = tpu.memref_slice %arg13[%multiple_of3A_344] : memref<100000xf32, #tpu.memory_space<vmem_shared>> -> memref<2000xf32, #tpu.memory_space<vmem_shared>>
        %dma_wait3A_354 = tpu.memref_slice %arg13[%multiple_of3A_344] : memref<100000xf32, #tpu.memory_space<vmem_shared>> -> memref<2000xf32, #tpu.memory_space<vmem_shared>>
        %dma_wait3A_355 = arith.constant 0 : i32
        %dma_wait3A_356 = tpu.memref_slice %arg19[%dma_wait3A_355] : memref<4000xf32, #tpu.memory_space<vmem>> -> memref<2000xf32, #tpu.memory_space<vmem>>
        tpu.wait_dma2 semaphore(%run_scoped3A : memref<!tpu.dma_semaphore, #tpu.memory_space<semaphore_mem>>) src(%dma_wait3A_356 : memref<2000xf32, #tpu.memory_space<vmem>>) dst(%dma_wait3A_354 : memref<2000xf32, #tpu.memory_space<vmem_shared>>)
        tpu.yield
      }) : () -> ()
      "tpu.region"() ({
        %run_scoped3A = tpu.sem_alloc : memref<!tpu.dma_semaphore, #tpu.memory_space<semaphore_mem>>
        %dma_start3A_345 = tpu.memref_slice %arg14[%multiple_of3A_344] : memref<100000xf32, #tpu.memory_space<vmem_shared>> -> memref<2000xf32, #tpu.memory_space<vmem_shared>>
        %dma_start3A_346 = tpu.memref_slice %arg14[%multiple_of3A_344] : memref<100000xf32, #tpu.memory_space<vmem_shared>> -> memref<2000xf32, #tpu.memory_space<vmem_shared>>
        tpu.enqueue_dma source(%arg31 : memref<2000xf32, #tpu.memory_space<vmem>>) target(%dma_start3A_346 : memref<2000xf32, #tpu.memory_space<vmem_shared>>) target_semaphore(%run_scoped3A : memref<!tpu.dma_semaphore, #tpu.memory_space<semaphore_mem>>)
        %dma_wait3A_347 = tpu.memref_slice %arg14[%multiple_of3A_344] : memref<100000xf32, #tpu.memory_space<vmem_shared>> -> memref<2000xf32, #tpu.memory_space<vmem_shared>>
        %dma_wait3A_348 = tpu.memref_slice %arg14[%multiple_of3A_344] : memref<100000xf32, #tpu.memory_space<vmem_shared>> -> memref<2000xf32, #tpu.memory_space<vmem_shared>>
        tpu.wait_dma2 semaphore(%run_scoped3A : memref<!tpu.dma_semaphore, #tpu.memory_space<semaphore_mem>>) src(%arg31 : memref<2000xf32, #tpu.memory_space<vmem>>) dst(%dma_wait3A_348 : memref<2000xf32, #tpu.memory_space<vmem_shared>>)
        tpu.yield
      }) : () -> ()
      "tpu.region"() ({
        %run_scoped3A = tpu.sem_alloc : memref<!tpu.dma_semaphore, #tpu.memory_space<semaphore_mem>>
        %dma_start3A_345 = tpu.memref_slice %arg15[%multiple_of3A_344] : memref<100000xf32, #tpu.memory_space<vmem_shared>> -> memref<2000xf32, #tpu.memory_space<vmem_shared>>
        %dma_start3A_346 = tpu.memref_slice %arg15[%multiple_of3A_344] : memref<100000xf32, #tpu.memory_space<vmem_shared>> -> memref<2000xf32, #tpu.memory_space<vmem_shared>>
        tpu.enqueue_dma source(%arg31 : memref<2000xf32, #tpu.memory_space<vmem>>) target(%dma_start3A_346 : memref<2000xf32, #tpu.memory_space<vmem_shared>>) target_semaphore(%run_scoped3A : memref<!tpu.dma_semaphore, #tpu.memory_space<semaphore_mem>>)
        %dma_wait3A_347 = tpu.memref_slice %arg15[%multiple_of3A_344] : memref<100000xf32, #tpu.memory_space<vmem_shared>> -> memref<2000xf32, #tpu.memory_space<vmem_shared>>
        %dma_wait3A_348 = tpu.memref_slice %arg15[%multiple_of3A_344] : memref<100000xf32, #tpu.memory_space<vmem_shared>> -> memref<2000xf32, #tpu.memory_space<vmem_shared>>
        tpu.wait_dma2 semaphore(%run_scoped3A : memref<!tpu.dma_semaphore, #tpu.memory_space<semaphore_mem>>) src(%arg31 : memref<2000xf32, #tpu.memory_space<vmem>>) dst(%dma_wait3A_348 : memref<2000xf32, #tpu.memory_space<vmem_shared>>)
        tpu.yield
      }) : () -> ()
      "tpu.region"() ({
        %run_scoped3A = tpu.sem_alloc : memref<!tpu.dma_semaphore, #tpu.memory_space<semaphore_mem>>
        %dma_start3A_345 = tpu.memref_slice %arg16[%multiple_of3A_344] : memref<100000xf32, #tpu.memory_space<vmem_shared>> -> memref<2000xf32, #tpu.memory_space<vmem_shared>>
        %dma_start3A_346 = tpu.memref_slice %arg16[%multiple_of3A_344] : memref<100000xf32, #tpu.memory_space<vmem_shared>> -> memref<2000xf32, #tpu.memory_space<vmem_shared>>
        tpu.enqueue_dma source(%arg31 : memref<2000xf32, #tpu.memory_space<vmem>>) target(%dma_start3A_346 : memref<2000xf32, #tpu.memory_space<vmem_shared>>) target_semaphore(%run_scoped3A : memref<!tpu.dma_semaphore, #tpu.memory_space<semaphore_mem>>)
        %dma_wait3A_347 = tpu.memref_slice %arg16[%multiple_of3A_344] : memref<100000xf32, #tpu.memory_space<vmem_shared>> -> memref<2000xf32, #tpu.memory_space<vmem_shared>>
        %dma_wait3A_348 = tpu.memref_slice %arg16[%multiple_of3A_344] : memref<100000xf32, #tpu.memory_space<vmem_shared>> -> memref<2000xf32, #tpu.memory_space<vmem_shared>>
        tpu.wait_dma2 semaphore(%run_scoped3A : memref<!tpu.dma_semaphore, #tpu.memory_space<semaphore_mem>>) src(%arg31 : memref<2000xf32, #tpu.memory_space<vmem>>) dst(%dma_wait3A_348 : memref<2000xf32, #tpu.memory_space<vmem_shared>>)
        tpu.yield
      }) : () -> ()
    } else {
    }
    %add3A_89 = arith.constant 48 : i32
    %add3A_90 = arith.addi %arg1, %add3A_89 : i32
    %lt3A_91 = arith.constant 50 : i32
    %lt3A_92 = arith.cmpi slt, %add3A_90, %lt3A_91 : i32
    %convert_element_type3A_93 = arith.extui %lt3A_92 : i1 to i32
    %cond3A_94 = arith.constant 0 : i32
    %cond3A_95 = arith.cmpi ne, %convert_element_type3A_93, %cond3A_94 : i32
    scf.if %cond3A_95 {
      %mul3A_342 = arith.constant 2000 : i32
      %mul3A_343 = arith.muli %add3A_90, %mul3A_342 : i32
      %multiple_of3A_344 = tpu.assume_multiple %mul3A_343, 2000 : i32
      "tpu.region"() ({
        %run_scoped3A = tpu.sem_alloc : memref<!tpu.dma_semaphore, #tpu.memory_space<semaphore_mem>>
        %dma_start3A_345 = arith.constant 0 : i32
        %dma_start3A_346 = tpu.memref_slice %arg19[%dma_start3A_345] : memref<4000xf32, #tpu.memory_space<vmem>> -> memref<2000xf32, #tpu.memory_space<vmem>>
        %dma_start3A_347 = tpu.memref_slice %arg2[%multiple_of3A_344] : memref<100000xf32, #tpu.memory_space<hbm>> -> memref<2000xf32, #tpu.memory_space<hbm>>
        %dma_start3A_348 = arith.constant 0 : i32
        %dma_start3A_349 = tpu.memref_slice %arg19[%dma_start3A_348] : memref<4000xf32, #tpu.memory_space<vmem>> -> memref<2000xf32, #tpu.memory_space<vmem>>
        %dma_start3A_350 = tpu.memref_slice %arg2[%multiple_of3A_344] : memref<100000xf32, #tpu.memory_space<hbm>> -> memref<2000xf32, #tpu.memory_space<hbm>>
        tpu.enqueue_dma source(%dma_start3A_350 : memref<2000xf32, #tpu.memory_space<hbm>>) target(%dma_start3A_349 : memref<2000xf32, #tpu.memory_space<vmem>>) target_semaphore(%run_scoped3A : memref<!tpu.dma_semaphore, #tpu.memory_space<semaphore_mem>>)
        %dma_wait3A_351 = arith.constant 0 : i32
        %dma_wait3A_352 = tpu.memref_slice %arg19[%dma_wait3A_351] : memref<4000xf32, #tpu.memory_space<vmem>> -> memref<2000xf32, #tpu.memory_space<vmem>>
        %dma_wait3A_353 = tpu.memref_slice %arg2[%multiple_of3A_344] : memref<100000xf32, #tpu.memory_space<hbm>> -> memref<2000xf32, #tpu.memory_space<hbm>>
        %dma_wait3A_354 = arith.constant 0 : i32
        %dma_wait3A_355 = tpu.memref_slice %arg19[%dma_wait3A_354] : memref<4000xf32, #tpu.memory_space<vmem>> -> memref<2000xf32, #tpu.memory_space<vmem>>
        %dma_wait3A_356 = tpu.memref_slice %arg2[%multiple_of3A_344] : memref<100000xf32, #tpu.memory_space<hbm>> -> memref<2000xf32, #tpu.memory_space<hbm>>
        tpu.wait_dma2 semaphore(%run_scoped3A : memref<!tpu.dma_semaphore, #tpu.memory_space<semaphore_mem>>) src(%dma_wait3A_356 : memref<2000xf32, #tpu.memory_space<hbm>>) dst(%dma_wait3A_355 : memref<2000xf32, #tpu.memory_space<vmem>>)
        tpu.yield
      }) : () -> ()
      "tpu.region"() ({
        %run_scoped3A = tpu.sem_alloc : memref<!tpu.dma_semaphore, #tpu.memory_space<semaphore_mem>>
        %dma_start3A_345 = arith.constant 0 : i32
        %dma_start3A_346 = tpu.memref_slice %arg19[%dma_start3A_345] : memref<4000xf32, #tpu.memory_space<vmem>> -> memref<2000xf32, #tpu.memory_space<vmem>>
        %dma_start3A_347 = tpu.memref_slice %arg11[%multiple_of3A_344] : memref<100000xf32, #tpu.memory_space<vmem_shared>> -> memref<2000xf32, #tpu.memory_space<vmem_shared>>
        %dma_start3A_348 = tpu.memref_slice %arg11[%multiple_of3A_344] : memref<100000xf32, #tpu.memory_space<vmem_shared>> -> memref<2000xf32, #tpu.memory_space<vmem_shared>>
        %dma_start3A_349 = arith.constant 0 : i32
        %dma_start3A_350 = tpu.memref_slice %arg19[%dma_start3A_349] : memref<4000xf32, #tpu.memory_space<vmem>> -> memref<2000xf32, #tpu.memory_space<vmem>>
        tpu.enqueue_dma source(%dma_start3A_350 : memref<2000xf32, #tpu.memory_space<vmem>>) target(%dma_start3A_348 : memref<2000xf32, #tpu.memory_space<vmem_shared>>) target_semaphore(%run_scoped3A : memref<!tpu.dma_semaphore, #tpu.memory_space<semaphore_mem>>)
        %dma_wait3A_351 = arith.constant 0 : i32
        %dma_wait3A_352 = tpu.memref_slice %arg19[%dma_wait3A_351] : memref<4000xf32, #tpu.memory_space<vmem>> -> memref<2000xf32, #tpu.memory_space<vmem>>
        %dma_wait3A_353 = tpu.memref_slice %arg11[%multiple_of3A_344] : memref<100000xf32, #tpu.memory_space<vmem_shared>> -> memref<2000xf32, #tpu.memory_space<vmem_shared>>
        %dma_wait3A_354 = tpu.memref_slice %arg11[%multiple_of3A_344] : memref<100000xf32, #tpu.memory_space<vmem_shared>> -> memref<2000xf32, #tpu.memory_space<vmem_shared>>
        %dma_wait3A_355 = arith.constant 0 : i32
        %dma_wait3A_356 = tpu.memref_slice %arg19[%dma_wait3A_355] : memref<4000xf32, #tpu.memory_space<vmem>> -> memref<2000xf32, #tpu.memory_space<vmem>>
        tpu.wait_dma2 semaphore(%run_scoped3A : memref<!tpu.dma_semaphore, #tpu.memory_space<semaphore_mem>>) src(%dma_wait3A_356 : memref<2000xf32, #tpu.memory_space<vmem>>) dst(%dma_wait3A_354 : memref<2000xf32, #tpu.memory_space<vmem_shared>>)
        tpu.yield
      }) : () -> ()
      "tpu.region"() ({
        %run_scoped3A = tpu.sem_alloc : memref<!tpu.dma_semaphore, #tpu.memory_space<semaphore_mem>>
        %dma_start3A_345 = arith.constant 0 : i32
        %dma_start3A_346 = tpu.memref_slice %arg19[%dma_start3A_345] : memref<4000xf32, #tpu.memory_space<vmem>> -> memref<2000xf32, #tpu.memory_space<vmem>>
        %dma_start3A_347 = tpu.memref_slice %arg3[%multiple_of3A_344] : memref<100000xf32, #tpu.memory_space<hbm>> -> memref<2000xf32, #tpu.memory_space<hbm>>
        %dma_start3A_348 = arith.constant 0 : i32
        %dma_start3A_349 = tpu.memref_slice %arg19[%dma_start3A_348] : memref<4000xf32, #tpu.memory_space<vmem>> -> memref<2000xf32, #tpu.memory_space<vmem>>
        %dma_start3A_350 = tpu.memref_slice %arg3[%multiple_of3A_344] : memref<100000xf32, #tpu.memory_space<hbm>> -> memref<2000xf32, #tpu.memory_space<hbm>>
        tpu.enqueue_dma source(%dma_start3A_350 : memref<2000xf32, #tpu.memory_space<hbm>>) target(%dma_start3A_349 : memref<2000xf32, #tpu.memory_space<vmem>>) target_semaphore(%run_scoped3A : memref<!tpu.dma_semaphore, #tpu.memory_space<semaphore_mem>>)
        %dma_wait3A_351 = arith.constant 0 : i32
        %dma_wait3A_352 = tpu.memref_slice %arg19[%dma_wait3A_351] : memref<4000xf32, #tpu.memory_space<vmem>> -> memref<2000xf32, #tpu.memory_space<vmem>>
        %dma_wait3A_353 = tpu.memref_slice %arg3[%multiple_of3A_344] : memref<100000xf32, #tpu.memory_space<hbm>> -> memref<2000xf32, #tpu.memory_space<hbm>>
        %dma_wait3A_354 = arith.constant 0 : i32
        %dma_wait3A_355 = tpu.memref_slice %arg19[%dma_wait3A_354] : memref<4000xf32, #tpu.memory_space<vmem>> -> memref<2000xf32, #tpu.memory_space<vmem>>
        %dma_wait3A_356 = tpu.memref_slice %arg3[%multiple_of3A_344] : memref<100000xf32, #tpu.memory_space<hbm>> -> memref<2000xf32, #tpu.memory_space<hbm>>
        tpu.wait_dma2 semaphore(%run_scoped3A : memref<!tpu.dma_semaphore, #tpu.memory_space<semaphore_mem>>) src(%dma_wait3A_356 : memref<2000xf32, #tpu.memory_space<hbm>>) dst(%dma_wait3A_355 : memref<2000xf32, #tpu.memory_space<vmem>>)
        tpu.yield
      }) : () -> ()
      "tpu.region"() ({
        %run_scoped3A = tpu.sem_alloc : memref<!tpu.dma_semaphore, #tpu.memory_space<semaphore_mem>>
        %dma_start3A_345 = arith.constant 0 : i32
        %dma_start3A_346 = tpu.memref_slice %arg19[%dma_start3A_345] : memref<4000xf32, #tpu.memory_space<vmem>> -> memref<2000xf32, #tpu.memory_space<vmem>>
        %dma_start3A_347 = tpu.memref_slice %arg12[%multiple_of3A_344] : memref<100000xf32, #tpu.memory_space<vmem_shared>> -> memref<2000xf32, #tpu.memory_space<vmem_shared>>
        %dma_start3A_348 = tpu.memref_slice %arg12[%multiple_of3A_344] : memref<100000xf32, #tpu.memory_space<vmem_shared>> -> memref<2000xf32, #tpu.memory_space<vmem_shared>>
        %dma_start3A_349 = arith.constant 0 : i32
        %dma_start3A_350 = tpu.memref_slice %arg19[%dma_start3A_349] : memref<4000xf32, #tpu.memory_space<vmem>> -> memref<2000xf32, #tpu.memory_space<vmem>>
        tpu.enqueue_dma source(%dma_start3A_350 : memref<2000xf32, #tpu.memory_space<vmem>>) target(%dma_start3A_348 : memref<2000xf32, #tpu.memory_space<vmem_shared>>) target_semaphore(%run_scoped3A : memref<!tpu.dma_semaphore, #tpu.memory_space<semaphore_mem>>)
        %dma_wait3A_351 = arith.constant 0 : i32
        %dma_wait3A_352 = tpu.memref_slice %arg19[%dma_wait3A_351] : memref<4000xf32, #tpu.memory_space<vmem>> -> memref<2000xf32, #tpu.memory_space<vmem>>
        %dma_wait3A_353 = tpu.memref_slice %arg12[%multiple_of3A_344] : memref<100000xf32, #tpu.memory_space<vmem_shared>> -> memref<2000xf32, #tpu.memory_space<vmem_shared>>
        %dma_wait3A_354 = tpu.memref_slice %arg12[%multiple_of3A_344] : memref<100000xf32, #tpu.memory_space<vmem_shared>> -> memref<2000xf32, #tpu.memory_space<vmem_shared>>
        %dma_wait3A_355 = arith.constant 0 : i32
        %dma_wait3A_356 = tpu.memref_slice %arg19[%dma_wait3A_355] : memref<4000xf32, #tpu.memory_space<vmem>> -> memref<2000xf32, #tpu.memory_space<vmem>>
        tpu.wait_dma2 semaphore(%run_scoped3A : memref<!tpu.dma_semaphore, #tpu.memory_space<semaphore_mem>>) src(%dma_wait3A_356 : memref<2000xf32, #tpu.memory_space<vmem>>) dst(%dma_wait3A_354 : memref<2000xf32, #tpu.memory_space<vmem_shared>>)
        tpu.yield
      }) : () -> ()
      "tpu.region"() ({
        %run_scoped3A = tpu.sem_alloc : memref<!tpu.dma_semaphore, #tpu.memory_space<semaphore_mem>>
        %dma_start3A_345 = arith.constant 0 : i32
        %dma_start3A_346 = tpu.memref_slice %arg19[%dma_start3A_345] : memref<4000xf32, #tpu.memory_space<vmem>> -> memref<2000xf32, #tpu.memory_space<vmem>>
        %dma_start3A_347 = tpu.memref_slice %arg4[%multiple_of3A_344] : memref<100000xf32, #tpu.memory_space<hbm>> -> memref<2000xf32, #tpu.memory_space<hbm>>
        %dma_start3A_348 = arith.constant 0 : i32
        %dma_start3A_349 = tpu.memref_slice %arg19[%dma_start3A_348] : memref<4000xf32, #tpu.memory_space<vmem>> -> memref<2000xf32, #tpu.memory_space<vmem>>
        %dma_start3A_350 = tpu.memref_slice %arg4[%multiple_of3A_344] : memref<100000xf32, #tpu.memory_space<hbm>> -> memref<2000xf32, #tpu.memory_space<hbm>>
        tpu.enqueue_dma source(%dma_start3A_350 : memref<2000xf32, #tpu.memory_space<hbm>>) target(%dma_start3A_349 : memref<2000xf32, #tpu.memory_space<vmem>>) target_semaphore(%run_scoped3A : memref<!tpu.dma_semaphore, #tpu.memory_space<semaphore_mem>>)
        %dma_wait3A_351 = arith.constant 0 : i32
        %dma_wait3A_352 = tpu.memref_slice %arg19[%dma_wait3A_351] : memref<4000xf32, #tpu.memory_space<vmem>> -> memref<2000xf32, #tpu.memory_space<vmem>>
        %dma_wait3A_353 = tpu.memref_slice %arg4[%multiple_of3A_344] : memref<100000xf32, #tpu.memory_space<hbm>> -> memref<2000xf32, #tpu.memory_space<hbm>>
        %dma_wait3A_354 = arith.constant 0 : i32
        %dma_wait3A_355 = tpu.memref_slice %arg19[%dma_wait3A_354] : memref<4000xf32, #tpu.memory_space<vmem>> -> memref<2000xf32, #tpu.memory_space<vmem>>
        %dma_wait3A_356 = tpu.memref_slice %arg4[%multiple_of3A_344] : memref<100000xf32, #tpu.memory_space<hbm>> -> memref<2000xf32, #tpu.memory_space<hbm>>
        tpu.wait_dma2 semaphore(%run_scoped3A : memref<!tpu.dma_semaphore, #tpu.memory_space<semaphore_mem>>) src(%dma_wait3A_356 : memref<2000xf32, #tpu.memory_space<hbm>>) dst(%dma_wait3A_355 : memref<2000xf32, #tpu.memory_space<vmem>>)
        tpu.yield
      }) : () -> ()
      "tpu.region"() ({
        %run_scoped3A = tpu.sem_alloc : memref<!tpu.dma_semaphore, #tpu.memory_space<semaphore_mem>>
        %dma_start3A_345 = arith.constant 0 : i32
        %dma_start3A_346 = tpu.memref_slice %arg19[%dma_start3A_345] : memref<4000xf32, #tpu.memory_space<vmem>> -> memref<2000xf32, #tpu.memory_space<vmem>>
        %dma_start3A_347 = tpu.memref_slice %arg13[%multiple_of3A_344] : memref<100000xf32, #tpu.memory_space<vmem_shared>> -> memref<2000xf32, #tpu.memory_space<vmem_shared>>
        %dma_start3A_348 = tpu.memref_slice %arg13[%multiple_of3A_344] : memref<100000xf32, #tpu.memory_space<vmem_shared>> -> memref<2000xf32, #tpu.memory_space<vmem_shared>>
        %dma_start3A_349 = arith.constant 0 : i32
        %dma_start3A_350 = tpu.memref_slice %arg19[%dma_start3A_349] : memref<4000xf32, #tpu.memory_space<vmem>> -> memref<2000xf32, #tpu.memory_space<vmem>>
        tpu.enqueue_dma source(%dma_start3A_350 : memref<2000xf32, #tpu.memory_space<vmem>>) target(%dma_start3A_348 : memref<2000xf32, #tpu.memory_space<vmem_shared>>) target_semaphore(%run_scoped3A : memref<!tpu.dma_semaphore, #tpu.memory_space<semaphore_mem>>)
        %dma_wait3A_351 = arith.constant 0 : i32
        %dma_wait3A_352 = tpu.memref_slice %arg19[%dma_wait3A_351] : memref<4000xf32, #tpu.memory_space<vmem>> -> memref<2000xf32, #tpu.memory_space<vmem>>
        %dma_wait3A_353 = tpu.memref_slice %arg13[%multiple_of3A_344] : memref<100000xf32, #tpu.memory_space<vmem_shared>> -> memref<2000xf32, #tpu.memory_space<vmem_shared>>
        %dma_wait3A_354 = tpu.memref_slice %arg13[%multiple_of3A_344] : memref<100000xf32, #tpu.memory_space<vmem_shared>> -> memref<2000xf32, #tpu.memory_space<vmem_shared>>
        %dma_wait3A_355 = arith.constant 0 : i32
        %dma_wait3A_356 = tpu.memref_slice %arg19[%dma_wait3A_355] : memref<4000xf32, #tpu.memory_space<vmem>> -> memref<2000xf32, #tpu.memory_space<vmem>>
        tpu.wait_dma2 semaphore(%run_scoped3A : memref<!tpu.dma_semaphore, #tpu.memory_space<semaphore_mem>>) src(%dma_wait3A_356 : memref<2000xf32, #tpu.memory_space<vmem>>) dst(%dma_wait3A_354 : memref<2000xf32, #tpu.memory_space<vmem_shared>>)
        tpu.yield
      }) : () -> ()
      "tpu.region"() ({
        %run_scoped3A = tpu.sem_alloc : memref<!tpu.dma_semaphore, #tpu.memory_space<semaphore_mem>>
        %dma_start3A_345 = tpu.memref_slice %arg14[%multiple_of3A_344] : memref<100000xf32, #tpu.memory_space<vmem_shared>> -> memref<2000xf32, #tpu.memory_space<vmem_shared>>
        %dma_start3A_346 = tpu.memref_slice %arg14[%multiple_of3A_344] : memref<100000xf32, #tpu.memory_space<vmem_shared>> -> memref<2000xf32, #tpu.memory_space<vmem_shared>>
        tpu.enqueue_dma source(%arg31 : memref<2000xf32, #tpu.memory_space<vmem>>) target(%dma_start3A_346 : memref<2000xf32, #tpu.memory_space<vmem_shared>>) target_semaphore(%run_scoped3A : memref<!tpu.dma_semaphore, #tpu.memory_space<semaphore_mem>>)
        %dma_wait3A_347 = tpu.memref_slice %arg14[%multiple_of3A_344] : memref<100000xf32, #tpu.memory_space<vmem_shared>> -> memref<2000xf32, #tpu.memory_space<vmem_shared>>
        %dma_wait3A_348 = tpu.memref_slice %arg14[%multiple_of3A_344] : memref<100000xf32, #tpu.memory_space<vmem_shared>> -> memref<2000xf32, #tpu.memory_space<vmem_shared>>
        tpu.wait_dma2 semaphore(%run_scoped3A : memref<!tpu.dma_semaphore, #tpu.memory_space<semaphore_mem>>) src(%arg31 : memref<2000xf32, #tpu.memory_space<vmem>>) dst(%dma_wait3A_348 : memref<2000xf32, #tpu.memory_space<vmem_shared>>)
        tpu.yield
      }) : () -> ()
      "tpu.region"() ({
        %run_scoped3A = tpu.sem_alloc : memref<!tpu.dma_semaphore, #tpu.memory_space<semaphore_mem>>
        %dma_start3A_345 = tpu.memref_slice %arg15[%multiple_of3A_344] : memref<100000xf32, #tpu.memory_space<vmem_shared>> -> memref<2000xf32, #tpu.memory_space<vmem_shared>>
        %dma_start3A_346 = tpu.memref_slice %arg15[%multiple_of3A_344] : memref<100000xf32, #tpu.memory_space<vmem_shared>> -> memref<2000xf32, #tpu.memory_space<vmem_shared>>
        tpu.enqueue_dma source(%arg31 : memref<2000xf32, #tpu.memory_space<vmem>>) target(%dma_start3A_346 : memref<2000xf32, #tpu.memory_space<vmem_shared>>) target_semaphore(%run_scoped3A : memref<!tpu.dma_semaphore, #tpu.memory_space<semaphore_mem>>)
        %dma_wait3A_347 = tpu.memref_slice %arg15[%multiple_of3A_344] : memref<100000xf32, #tpu.memory_space<vmem_shared>> -> memref<2000xf32, #tpu.memory_space<vmem_shared>>
        %dma_wait3A_348 = tpu.memref_slice %arg15[%multiple_of3A_344] : memref<100000xf32, #tpu.memory_space<vmem_shared>> -> memref<2000xf32, #tpu.memory_space<vmem_shared>>
        tpu.wait_dma2 semaphore(%run_scoped3A : memref<!tpu.dma_semaphore, #tpu.memory_space<semaphore_mem>>) src(%arg31 : memref<2000xf32, #tpu.memory_space<vmem>>) dst(%dma_wait3A_348 : memref<2000xf32, #tpu.memory_space<vmem_shared>>)
        tpu.yield
      }) : () -> ()
      "tpu.region"() ({
        %run_scoped3A = tpu.sem_alloc : memref<!tpu.dma_semaphore, #tpu.memory_space<semaphore_mem>>
        %dma_start3A_345 = tpu.memref_slice %arg16[%multiple_of3A_344] : memref<100000xf32, #tpu.memory_space<vmem_shared>> -> memref<2000xf32, #tpu.memory_space<vmem_shared>>
        %dma_start3A_346 = tpu.memref_slice %arg16[%multiple_of3A_344] : memref<100000xf32, #tpu.memory_space<vmem_shared>> -> memref<2000xf32, #tpu.memory_space<vmem_shared>>
        tpu.enqueue_dma source(%arg31 : memref<2000xf32, #tpu.memory_space<vmem>>) target(%dma_start3A_346 : memref<2000xf32, #tpu.memory_space<vmem_shared>>) target_semaphore(%run_scoped3A : memref<!tpu.dma_semaphore, #tpu.memory_space<semaphore_mem>>)
        %dma_wait3A_347 = tpu.memref_slice %arg16[%multiple_of3A_344] : memref<100000xf32, #tpu.memory_space<vmem_shared>> -> memref<2000xf32, #tpu.memory_space<vmem_shared>>
        %dma_wait3A_348 = tpu.memref_slice %arg16[%multiple_of3A_344] : memref<100000xf32, #tpu.memory_space<vmem_shared>> -> memref<2000xf32, #tpu.memory_space<vmem_shared>>
        tpu.wait_dma2 semaphore(%run_scoped3A : memref<!tpu.dma_semaphore, #tpu.memory_space<semaphore_mem>>) src(%arg31 : memref<2000xf32, #tpu.memory_space<vmem>>) dst(%dma_wait3A_348 : memref<2000xf32, #tpu.memory_space<vmem_shared>>)
        tpu.yield
      }) : () -> ()
    } else {
    }
    %barrier3A = arith.constant 0 : index
    tpu.barrier barrier_id(%barrier3A)
    %mul3A_96 = arith.constant 100000 : i32
    %mul3A_97 = arith.muli %add3A, %mul3A_96 : i32
    %add3A_98 = arith.constant 0 : i32
    %add3A_99 = arith.addi %mul3A_97, %add3A_98 : i32
    %multiple_of3A = tpu.assume_multiple %add3A_99, 2000 : i32
    %dma_start3A = arith.constant 0 : i32
    %dma_start3A_100 = tpu.memref_slice %arg17[%dma_start3A] : memref<4000xi32, #tpu.memory_space<vmem>> -> memref<2000xi32, #tpu.memory_space<vmem>>
    %dma_start3A_101 = tpu.memref_slice %arg7[%multiple_of3A] : memref<3200000xi32, #tpu.memory_space<hbm>> -> memref<2000xi32, #tpu.memory_space<hbm>>
    %dma_start3A_102 = arith.constant 0 : i32
    %dma_start3A_103 = tpu.memref_slice %arg17[%dma_start3A_102] : memref<4000xi32, #tpu.memory_space<vmem>> -> memref<2000xi32, #tpu.memory_space<vmem>>
    %dma_start3A_104 = tpu.memref_slice %arg7[%multiple_of3A] : memref<3200000xi32, #tpu.memory_space<hbm>> -> memref<2000xi32, #tpu.memory_space<hbm>>
    tpu.enqueue_dma source(%dma_start3A_104 : memref<2000xi32, #tpu.memory_space<hbm>>) target(%dma_start3A_103 : memref<2000xi32, #tpu.memory_space<vmem>>) target_semaphore(%arg32 : memref<!tpu.dma_semaphore, #tpu.memory_space<semaphore_mem>>)
    %add3A_105 = arith.constant 0 : i32
    %add3A_106 = arith.addi %mul3A_97, %add3A_105 : i32
    %multiple_of3A_107 = tpu.assume_multiple %add3A_106, 2000 : i32
    %dma_start3A_108 = arith.constant 2000 : i32
    %dma_start3A_109 = tpu.memref_slice %arg17[%dma_start3A_108] : memref<4000xi32, #tpu.memory_space<vmem>> -> memref<2000xi32, #tpu.memory_space<vmem>>
    %dma_start3A_110 = tpu.memref_slice %arg8[%multiple_of3A_107] : memref<3200000xi32, #tpu.memory_space<hbm>> -> memref<2000xi32, #tpu.memory_space<hbm>>
    %dma_start3A_111 = arith.constant 2000 : i32
    %dma_start3A_112 = tpu.memref_slice %arg17[%dma_start3A_111] : memref<4000xi32, #tpu.memory_space<vmem>> -> memref<2000xi32, #tpu.memory_space<vmem>>
    %dma_start3A_113 = tpu.memref_slice %arg8[%multiple_of3A_107] : memref<3200000xi32, #tpu.memory_space<hbm>> -> memref<2000xi32, #tpu.memory_space<hbm>>
    tpu.enqueue_dma source(%dma_start3A_113 : memref<2000xi32, #tpu.memory_space<hbm>>) target(%dma_start3A_112 : memref<2000xi32, #tpu.memory_space<vmem>>) target_semaphore(%arg32 : memref<!tpu.dma_semaphore, #tpu.memory_space<semaphore_mem>>)
    %add3A_114 = arith.constant 0 : i32
    %add3A_115 = arith.addi %mul3A_97, %add3A_114 : i32
    %multiple_of3A_116 = tpu.assume_multiple %add3A_115, 2000 : i32
    %dma_wait3A = arith.constant 0 : i32
    %dma_wait3A_117 = tpu.memref_slice %arg17[%dma_wait3A] : memref<4000xi32, #tpu.memory_space<vmem>> -> memref<2000xi32, #tpu.memory_space<vmem>>
    %dma_wait3A_118 = tpu.memref_slice %arg7[%multiple_of3A_116] : memref<3200000xi32, #tpu.memory_space<hbm>> -> memref<2000xi32, #tpu.memory_space<hbm>>
    %dma_wait3A_119 = arith.constant 0 : i32
    %dma_wait3A_120 = tpu.memref_slice %arg17[%dma_wait3A_119] : memref<4000xi32, #tpu.memory_space<vmem>> -> memref<2000xi32, #tpu.memory_space<vmem>>
    %dma_wait3A_121 = tpu.memref_slice %arg7[%multiple_of3A_116] : memref<3200000xi32, #tpu.memory_space<hbm>> -> memref<2000xi32, #tpu.memory_space<hbm>>
    tpu.wait_dma2 semaphore(%arg32 : memref<!tpu.dma_semaphore, #tpu.memory_space<semaphore_mem>>) src(%dma_wait3A_121 : memref<2000xi32, #tpu.memory_space<hbm>>) dst(%dma_wait3A_120 : memref<2000xi32, #tpu.memory_space<vmem>>)
    %add3A_122 = arith.constant 0 : i32
    %add3A_123 = arith.addi %mul3A_97, %add3A_122 : i32
    %multiple_of3A_124 = tpu.assume_multiple %add3A_123, 2000 : i32
    %dma_wait3A_125 = arith.constant 2000 : i32
    %dma_wait3A_126 = tpu.memref_slice %arg17[%dma_wait3A_125] : memref<4000xi32, #tpu.memory_space<vmem>> -> memref<2000xi32, #tpu.memory_space<vmem>>
    %dma_wait3A_127 = tpu.memref_slice %arg8[%multiple_of3A_124] : memref<3200000xi32, #tpu.memory_space<hbm>> -> memref<2000xi32, #tpu.memory_space<hbm>>
    %dma_wait3A_128 = arith.constant 2000 : i32
    %dma_wait3A_129 = tpu.memref_slice %arg17[%dma_wait3A_128] : memref<4000xi32, #tpu.memory_space<vmem>> -> memref<2000xi32, #tpu.memory_space<vmem>>
    %dma_wait3A_130 = tpu.memref_slice %arg8[%multiple_of3A_124] : memref<3200000xi32, #tpu.memory_space<hbm>> -> memref<2000xi32, #tpu.memory_space<hbm>>
    tpu.wait_dma2 semaphore(%arg32 : memref<!tpu.dma_semaphore, #tpu.memory_space<semaphore_mem>>) src(%dma_wait3A_130 : memref<2000xi32, #tpu.memory_space<hbm>>) dst(%dma_wait3A_129 : memref<2000xi32, #tpu.memory_space<vmem>>)
    %dma_start3A_131 = arith.constant 0 : i32
    %dma_start3A_132 = tpu.memref_slice %arg11[%dma_start3A_131] : memref<100000xf32, #tpu.memory_space<vmem_shared>> -> memref<100000xf32, #tpu.memory_space<vmem_shared>>
    tpu.enqueue_indirect_dma source(%dma_start3A_132 : memref<100000xf32, #tpu.memory_space<vmem_shared>>) target(%arg19 : memref<4000xf32, #tpu.memory_space<vmem>>) offsets(%arg17 : memref<4000xi32, #tpu.memory_space<vmem>>) semaphore(%arg34 : memref<!tpu.dma_semaphore, #tpu.memory_space<semaphore_mem>>)
    %dma_start3A_133 = arith.constant 0 : i32
    %dma_start3A_134 = tpu.memref_slice %arg12[%dma_start3A_133] : memref<100000xf32, #tpu.memory_space<vmem_shared>> -> memref<100000xf32, #tpu.memory_space<vmem_shared>>
    tpu.enqueue_indirect_dma source(%dma_start3A_134 : memref<100000xf32, #tpu.memory_space<vmem_shared>>) target(%arg20 : memref<4000xf32, #tpu.memory_space<vmem>>) offsets(%arg17 : memref<4000xi32, #tpu.memory_space<vmem>>) semaphore(%arg34 : memref<!tpu.dma_semaphore, #tpu.memory_space<semaphore_mem>>)
    %dma_start3A_135 = arith.constant 0 : i32
    %dma_start3A_136 = tpu.memref_slice %arg13[%dma_start3A_135] : memref<100000xf32, #tpu.memory_space<vmem_shared>> -> memref<100000xf32, #tpu.memory_space<vmem_shared>>
    tpu.enqueue_indirect_dma source(%dma_start3A_136 : memref<100000xf32, #tpu.memory_space<vmem_shared>>) target(%arg21 : memref<4000xf32, #tpu.memory_space<vmem>>) offsets(%arg17 : memref<4000xi32, #tpu.memory_space<vmem>>) semaphore(%arg34 : memref<!tpu.dma_semaphore, #tpu.memory_space<semaphore_mem>>)
    %scan3A_137 = arith.constant 0 : i32
    %scan3A_138 = arith.constant 0 : i32
    %scan3A_139 = arith.constant 24 : i32
    %scan3A_140 = arith.addi %scan3A_138, %scan3A_139 : i32
    %scan3A_141 = arith.constant 1 : i32
    scf.for %scan3A_342 = %scan3A_138 to %scan3A_140 step %scan3A_141  : i32 {
      %mul3A_343 = arith.constant 2 : i32
      %mul3A_344 = arith.muli %scan3A_342, %mul3A_343 : i32
      %add3A_345 = arith.constant 1 : i32
      %add3A_346 = arith.addi %mul3A_344, %add3A_345 : i32
      %mul3A_347 = arith.constant 2000 : i32
      %mul3A_348 = arith.muli %add3A_346, %mul3A_347 : i32
      %add3A_349 = arith.addi %mul3A_97, %mul3A_348 : i32
      %multiple_of3A_350 = tpu.assume_multiple %add3A_349, 2000 : i32
      %dma_start3A_351 = arith.constant 0 : i32
      %dma_start3A_352 = tpu.memref_slice %arg18[%dma_start3A_351] : memref<4000xi32, #tpu.memory_space<vmem>> -> memref<2000xi32, #tpu.memory_space<vmem>>
      %dma_start3A_353 = tpu.memref_slice %arg7[%multiple_of3A_350] : memref<3200000xi32, #tpu.memory_space<hbm>> -> memref<2000xi32, #tpu.memory_space<hbm>>
      %dma_start3A_354 = arith.constant 0 : i32
      %dma_start3A_355 = tpu.memref_slice %arg18[%dma_start3A_354] : memref<4000xi32, #tpu.memory_space<vmem>> -> memref<2000xi32, #tpu.memory_space<vmem>>
      %dma_start3A_356 = tpu.memref_slice %arg7[%multiple_of3A_350] : memref<3200000xi32, #tpu.memory_space<hbm>> -> memref<2000xi32, #tpu.memory_space<hbm>>
      tpu.enqueue_dma source(%dma_start3A_356 : memref<2000xi32, #tpu.memory_space<hbm>>) target(%dma_start3A_355 : memref<2000xi32, #tpu.memory_space<vmem>>) target_semaphore(%arg33 : memref<!tpu.dma_semaphore, #tpu.memory_space<semaphore_mem>>)
      %mul3A_357 = arith.constant 2000 : i32
      %mul3A_358 = arith.muli %add3A_346, %mul3A_357 : i32
      %add3A_359 = arith.addi %mul3A_97, %mul3A_358 : i32
      %multiple_of3A_360 = tpu.assume_multiple %add3A_359, 2000 : i32
      %dma_start3A_361 = arith.constant 2000 : i32
      %dma_start3A_362 = tpu.memref_slice %arg18[%dma_start3A_361] : memref<4000xi32, #tpu.memory_space<vmem>> -> memref<2000xi32, #tpu.memory_space<vmem>>
      %dma_start3A_363 = tpu.memref_slice %arg8[%multiple_of3A_360] : memref<3200000xi32, #tpu.memory_space<hbm>> -> memref<2000xi32, #tpu.memory_space<hbm>>
      %dma_start3A_364 = arith.constant 2000 : i32
      %dma_start3A_365 = tpu.memref_slice %arg18[%dma_start3A_364] : memref<4000xi32, #tpu.memory_space<vmem>> -> memref<2000xi32, #tpu.memory_space<vmem>>
      %dma_start3A_366 = tpu.memref_slice %arg8[%multiple_of3A_360] : memref<3200000xi32, #tpu.memory_space<hbm>> -> memref<2000xi32, #tpu.memory_space<hbm>>
      tpu.enqueue_dma source(%dma_start3A_366 : memref<2000xi32, #tpu.memory_space<hbm>>) target(%dma_start3A_365 : memref<2000xi32, #tpu.memory_space<vmem>>) target_semaphore(%arg33 : memref<!tpu.dma_semaphore, #tpu.memory_space<semaphore_mem>>)
      %dma_wait3A_367 = arith.constant 0 : i32
      %dma_wait3A_368 = tpu.memref_slice %arg11[%dma_wait3A_367] : memref<100000xf32, #tpu.memory_space<vmem_shared>> -> memref<100000xf32, #tpu.memory_space<vmem_shared>>
      tpu.wait_indirect_dma semaphore(%arg34 : memref<!tpu.dma_semaphore, #tpu.memory_space<semaphore_mem>>) src(%dma_wait3A_368 : memref<100000xf32, #tpu.memory_space<vmem_shared>>) dst(%arg19 : memref<4000xf32, #tpu.memory_space<vmem>>)
      %dma_wait3A_369 = arith.constant 0 : i32
      %dma_wait3A_370 = tpu.memref_slice %arg12[%dma_wait3A_369] : memref<100000xf32, #tpu.memory_space<vmem_shared>> -> memref<100000xf32, #tpu.memory_space<vmem_shared>>
      tpu.wait_indirect_dma semaphore(%arg34 : memref<!tpu.dma_semaphore, #tpu.memory_space<semaphore_mem>>) src(%dma_wait3A_370 : memref<100000xf32, #tpu.memory_space<vmem_shared>>) dst(%arg20 : memref<4000xf32, #tpu.memory_space<vmem>>)
      %dma_wait3A_371 = arith.constant 0 : i32
      %dma_wait3A_372 = tpu.memref_slice %arg13[%dma_wait3A_371] : memref<100000xf32, #tpu.memory_space<vmem_shared>> -> memref<100000xf32, #tpu.memory_space<vmem_shared>>
      tpu.wait_indirect_dma semaphore(%arg34 : memref<!tpu.dma_semaphore, #tpu.memory_space<semaphore_mem>>) src(%dma_wait3A_372 : memref<100000xf32, #tpu.memory_space<vmem_shared>>) dst(%arg21 : memref<4000xf32, #tpu.memory_space<vmem>>)
      %broadcast_in_dim3A_373 = arith.constant 1.000000e+30 : f32
      %broadcast_in_dim3A_374 = vector.broadcast %broadcast_in_dim3A_373 : f32 to vector<16xf32>
      %parallel_loop3A_375 = arith.constant 0 : i32
      %parallel_loop3A_376 = arith.constant 125 : i32
      %parallel_loop3A_377 = arith.constant 1 : i32
      %parallel_loop3A_378 = scf.for %parallel_loop3A_575 = %parallel_loop3A_375 to %parallel_loop3A_376 step %parallel_loop3A_377 iter_args(%parallel_loop3A_576 = %broadcast_in_dim3A_374) -> (vector<16xf32>)  : i32 {
        %parallel_loop3A_577 = arith.constant 16 : i32
        %parallel_loop3A_578 = arith.muli %parallel_loop3A_575, %parallel_loop3A_577 : i32
        %parallel_loop3A_579 = arith.constant 16 : i32
        %parallel_loop3A_580 = arith.muli %parallel_loop3A_575, %parallel_loop3A_579 : i32
        %parallel_loop3A_581 = arith.constant 2000 : i32
        %parallel_loop3A_582 = arith.addi %parallel_loop3A_581, %parallel_loop3A_580 : i32
        %parallel_loop3A_583 = arith.index_cast %parallel_loop3A_578 : i32 to index
        %parallel_loop3A_584 = tpu.vector_load %arg19[%parallel_loop3A_583] {strides = array<i32>} : memref<4000xf32, #tpu.memory_space<vmem>>, vector<16xf32>,
        %parallel_loop3A_585 = vector.shape_cast %parallel_loop3A_584 : vector<16xf32> to vector<16xf32>
        %parallel_loop3A_586 = arith.index_cast %parallel_loop3A_582 : i32 to index
        %parallel_loop3A_587 = tpu.vector_load %arg19[%parallel_loop3A_586] {strides = array<i32>} : memref<4000xf32, #tpu.memory_space<vmem>>, vector<16xf32>,
        %parallel_loop3A_588 = vector.shape_cast %parallel_loop3A_587 : vector<16xf32> to vector<16xf32>
        %parallel_loop3A_589 = arith.subf %parallel_loop3A_585, %parallel_loop3A_588 : vector<16xf32>
        %parallel_loop3A_590 = arith.index_cast %parallel_loop3A_578 : i32 to index
        %parallel_loop3A_591 = tpu.vector_load %arg20[%parallel_loop3A_590] {strides = array<i32>} : memref<4000xf32, #tpu.memory_space<vmem>>, vector<16xf32>,
        %parallel_loop3A_592 = vector.shape_cast %parallel_loop3A_591 : vector<16xf32> to vector<16xf32>
        %parallel_loop3A_593 = arith.index_cast %parallel_loop3A_582 : i32 to index
        %parallel_loop3A_594 = tpu.vector_load %arg20[%parallel_loop3A_593] {strides = array<i32>} : memref<4000xf32, #tpu.memory_space<vmem>>, vector<16xf32>,
        %parallel_loop3A_595 = vector.shape_cast %parallel_loop3A_594 : vector<16xf32> to vector<16xf32>
        %parallel_loop3A_596 = arith.subf %parallel_loop3A_592, %parallel_loop3A_595 : vector<16xf32>
        %parallel_loop3A_597 = arith.index_cast %parallel_loop3A_578 : i32 to index
        %parallel_loop3A_598 = tpu.vector_load %arg21[%parallel_loop3A_597] {strides = array<i32>} : memref<4000xf32, #tpu.memory_space<vmem>>, vector<16xf32>,
        %parallel_loop3A_599 = vector.shape_cast %parallel_loop3A_598 : vector<16xf32> to vector<16xf32>
        %parallel_loop3A_600 = arith.index_cast %parallel_loop3A_582 : i32 to index
        %parallel_loop3A_601 = tpu.vector_load %arg21[%parallel_loop3A_600] {strides = array<i32>} : memref<4000xf32, #tpu.memory_space<vmem>>, vector<16xf32>,
        %parallel_loop3A_602 = vector.shape_cast %parallel_loop3A_601 : vector<16xf32> to vector<16xf32>
        %parallel_loop3A_603 = arith.subf %parallel_loop3A_599, %parallel_loop3A_602 : vector<16xf32>
        %parallel_loop3A_604 = math.absf %parallel_loop3A_589 : vector<16xf32>
        %parallel_loop3A_605 = arith.constant 1.000000e+02 : f32
        %parallel_loop3A_606 = vector.broadcast %parallel_loop3A_605 : f32 to vector<16xf32>
        %parallel_loop3A_607 = arith.subf %parallel_loop3A_606, %parallel_loop3A_604 : vector<16xf32>
        %parallel_loop3A_608 = math.absf %parallel_loop3A_596 : vector<16xf32>
        %parallel_loop3A_609 = arith.constant 1.000000e+02 : f32
        %parallel_loop3A_610 = vector.broadcast %parallel_loop3A_609 : f32 to vector<16xf32>
        %parallel_loop3A_611 = arith.subf %parallel_loop3A_610, %parallel_loop3A_608 : vector<16xf32>
        %parallel_loop3A_612 = math.absf %parallel_loop3A_603 : vector<16xf32>
        %parallel_loop3A_613 = arith.constant 1.000000e+02 : f32
        %parallel_loop3A_614 = vector.broadcast %parallel_loop3A_613 : f32 to vector<16xf32>
        %parallel_loop3A_615 = arith.subf %parallel_loop3A_614, %parallel_loop3A_612 : vector<16xf32>
        %parallel_loop3A_616 = arith.mulf %parallel_loop3A_589, %parallel_loop3A_589 : vector<16xf32>
        %parallel_loop3A_617 = arith.mulf %parallel_loop3A_607, %parallel_loop3A_607 : vector<16xf32>
        %parallel_loop3A_618 = arith.minimumf %parallel_loop3A_616, %parallel_loop3A_617 : vector<16xf32>
        %parallel_loop3A_619 = arith.mulf %parallel_loop3A_596, %parallel_loop3A_596 : vector<16xf32>
        %parallel_loop3A_620 = arith.mulf %parallel_loop3A_611, %parallel_loop3A_611 : vector<16xf32>
        %parallel_loop3A_621 = arith.minimumf %parallel_loop3A_619, %parallel_loop3A_620 : vector<16xf32>
        %parallel_loop3A_622 = arith.addf %parallel_loop3A_618, %parallel_loop3A_621 : vector<16xf32>
        %parallel_loop3A_623 = arith.mulf %parallel_loop3A_603, %parallel_loop3A_603 : vector<16xf32>
        %parallel_loop3A_624 = arith.mulf %parallel_loop3A_615, %parallel_loop3A_615 : vector<16xf32>
        %parallel_loop3A_625 = arith.minimumf %parallel_loop3A_623, %parallel_loop3A_624 : vector<16xf32>
        %parallel_loop3A_626 = arith.addf %parallel_loop3A_622, %parallel_loop3A_625 : vector<16xf32>
        %parallel_loop3A_627 = arith.minimumf %parallel_loop3A_576, %parallel_loop3A_626 : vector<16xf32>
        scf.yield %parallel_loop3A_627 : vector<16xf32>
      } {sc.loop_unroll_factor = 8 : i64, sc.parallel_access}
      %slice3A_379 = vector.extract_strided_slice %parallel_loop3A_378 {offsets = [0], sizes = [1], strides = [1]} : vector<16xf32> to vector<1xf32>
      %squeeze3A_380 = vector.extract %slice3A_379[0] : f32 from vector<1xf32>
      %slice3A_381 = vector.extract_strided_slice %parallel_loop3A_378 {offsets = [1], sizes = [1], strides = [1]} : vector<16xf32> to vector<1xf32>
      %squeeze3A_382 = vector.extract %slice3A_381[0] : f32 from vector<1xf32>
      %min3A_383 = arith.minimumf %squeeze3A_380, %squeeze3A_382 : f32
      %slice3A_384 = vector.extract_strided_slice %parallel_loop3A_378 {offsets = [2], sizes = [1], strides = [1]} : vector<16xf32> to vector<1xf32>
      %squeeze3A_385 = vector.extract %slice3A_384[0] : f32 from vector<1xf32>
      %min3A_386 = arith.minimumf %min3A_383, %squeeze3A_385 : f32
      %slice3A_387 = vector.extract_strided_slice %parallel_loop3A_378 {offsets = [3], sizes = [1], strides = [1]} : vector<16xf32> to vector<1xf32>
      %squeeze3A_388 = vector.extract %slice3A_387[0] : f32 from vector<1xf32>
      %min3A_389 = arith.minimumf %min3A_386, %squeeze3A_388 : f32
      %slice3A_390 = vector.extract_strided_slice %parallel_loop3A_378 {offsets = [4], sizes = [1], strides = [1]} : vector<16xf32> to vector<1xf32>
      %squeeze3A_391 = vector.extract %slice3A_390[0] : f32 from vector<1xf32>
      %min3A_392 = arith.minimumf %min3A_389, %squeeze3A_391 : f32
      %slice3A_393 = vector.extract_strided_slice %parallel_loop3A_378 {offsets = [5], sizes = [1], strides = [1]} : vector<16xf32> to vector<1xf32>
      %squeeze3A_394 = vector.extract %slice3A_393[0] : f32 from vector<1xf32>
      %min3A_395 = arith.minimumf %min3A_392, %squeeze3A_394 : f32
      %slice3A_396 = vector.extract_strided_slice %parallel_loop3A_378 {offsets = [6], sizes = [1], strides = [1]} : vector<16xf32> to vector<1xf32>
      %squeeze3A_397 = vector.extract %slice3A_396[0] : f32 from vector<1xf32>
      %min3A_398 = arith.minimumf %min3A_395, %squeeze3A_397 : f32
      %slice3A_399 = vector.extract_strided_slice %parallel_loop3A_378 {offsets = [7], sizes = [1], strides = [1]} : vector<16xf32> to vector<1xf32>
      %squeeze3A_400 = vector.extract %slice3A_399[0] : f32 from vector<1xf32>
      %min3A_401 = arith.minimumf %min3A_398, %squeeze3A_400 : f32
      %slice3A_402 = vector.extract_strided_slice %parallel_loop3A_378 {offsets = [8], sizes = [1], strides = [1]} : vector<16xf32> to vector<1xf32>
      %squeeze3A_403 = vector.extract %slice3A_402[0] : f32 from vector<1xf32>
      %min3A_404 = arith.minimumf %min3A_401, %squeeze3A_403 : f32
      %slice3A_405 = vector.extract_strided_slice %parallel_loop3A_378 {offsets = [9], sizes = [1], strides = [1]} : vector<16xf32> to vector<1xf32>
      %squeeze3A_406 = vector.extract %slice3A_405[0] : f32 from vector<1xf32>
      %min3A_407 = arith.minimumf %min3A_404, %squeeze3A_406 : f32
      %slice3A_408 = vector.extract_strided_slice %parallel_loop3A_378 {offsets = [10], sizes = [1], strides = [1]} : vector<16xf32> to vector<1xf32>
      %squeeze3A_409 = vector.extract %slice3A_408[0] : f32 from vector<1xf32>
      %min3A_410 = arith.minimumf %min3A_407, %squeeze3A_409 : f32
      %slice3A_411 = vector.extract_strided_slice %parallel_loop3A_378 {offsets = [11], sizes = [1], strides = [1]} : vector<16xf32> to vector<1xf32>
      %squeeze3A_412 = vector.extract %slice3A_411[0] : f32 from vector<1xf32>
      %min3A_413 = arith.minimumf %min3A_410, %squeeze3A_412 : f32
      %slice3A_414 = vector.extract_strided_slice %parallel_loop3A_378 {offsets = [12], sizes = [1], strides = [1]} : vector<16xf32> to vector<1xf32>
      %squeeze3A_415 = vector.extract %slice3A_414[0] : f32 from vector<1xf32>
      %min3A_416 = arith.minimumf %min3A_413, %squeeze3A_415 : f32
      %slice3A_417 = vector.extract_strided_slice %parallel_loop3A_378 {offsets = [13], sizes = [1], strides = [1]} : vector<16xf32> to vector<1xf32>
      %squeeze3A_418 = vector.extract %slice3A_417[0] : f32 from vector<1xf32>
      %min3A_419 = arith.minimumf %min3A_416, %squeeze3A_418 : f32
      %slice3A_420 = vector.extract_strided_slice %parallel_loop3A_378 {offsets = [14], sizes = [1], strides = [1]} : vector<16xf32> to vector<1xf32>
      %squeeze3A_421 = vector.extract %slice3A_420[0] : f32 from vector<1xf32>
      %min3A_422 = arith.minimumf %min3A_419, %squeeze3A_421 : f32
      %slice3A_423 = vector.extract_strided_slice %parallel_loop3A_378 {offsets = [15], sizes = [1], strides = [1]} : vector<16xf32> to vector<1xf32>
      %squeeze3A_424 = vector.extract %slice3A_423[0] : f32 from vector<1xf32>
      %min3A_425 = arith.minimumf %min3A_422, %squeeze3A_424 : f32
      %lt3A_426 = arith.constant 6.250000e+00 : f32
      %lt3A_427 = arith.cmpf olt, %min3A_425, %lt3A_426 : f32
      %convert_element_type3A_428 = arith.extui %lt3A_427 : i1 to i32
      %cond3A_429 = arith.constant 0 : i32
      %cond3A_430 = arith.cmpi ne, %convert_element_type3A_428, %cond3A_429 : i32
      scf.if %cond3A_430 {
        %mul3A_575 = arith.constant 2000 : i32
        %mul3A_576 = arith.muli %mul3A_344, %mul3A_575 : i32
        %add3A_577 = arith.addi %mul3A_97, %mul3A_576 : i32
        %multiple_of3A_578 = tpu.assume_multiple %add3A_577, 2000 : i32
        %dma_start3A_579 = tpu.memref_slice %arg5[%multiple_of3A_578] : memref<3200000xf32, #tpu.memory_space<hbm>> -> memref<2000xf32, #tpu.memory_space<hbm>>
        %dma_start3A_580 = tpu.memref_slice %arg5[%multiple_of3A_578] : memref<3200000xf32, #tpu.memory_space<hbm>> -> memref<2000xf32, #tpu.memory_space<hbm>>
        tpu.enqueue_dma source(%dma_start3A_580 : memref<2000xf32, #tpu.memory_space<hbm>>) target(%arg25 : memref<2000xf32, #tpu.memory_space<vmem>>) target_semaphore(%arg32 : memref<!tpu.dma_semaphore, #tpu.memory_space<semaphore_mem>>)
        %mul3A_581 = arith.constant 2000 : i32
        %mul3A_582 = arith.muli %mul3A_344, %mul3A_581 : i32
        %add3A_583 = arith.addi %mul3A_97, %mul3A_582 : i32
        %multiple_of3A_584 = tpu.assume_multiple %add3A_583, 2000 : i32
        %dma_start3A_585 = tpu.memref_slice %arg6[%multiple_of3A_584] : memref<3200000xf32, #tpu.memory_space<hbm>> -> memref<2000xf32, #tpu.memory_space<hbm>>
        %dma_start3A_586 = tpu.memref_slice %arg6[%multiple_of3A_584] : memref<3200000xf32, #tpu.memory_space<hbm>> -> memref<2000xf32, #tpu.memory_space<hbm>>
        tpu.enqueue_dma source(%dma_start3A_586 : memref<2000xf32, #tpu.memory_space<hbm>>) target(%arg26 : memref<2000xf32, #tpu.memory_space<vmem>>) target_semaphore(%arg32 : memref<!tpu.dma_semaphore, #tpu.memory_space<semaphore_mem>>)
        %dma_wait3A_587 = tpu.memref_slice %arg5[%multiple_of3A_578] : memref<3200000xf32, #tpu.memory_space<hbm>> -> memref<2000xf32, #tpu.memory_space<hbm>>
        %dma_wait3A_588 = tpu.memref_slice %arg5[%multiple_of3A_578] : memref<3200000xf32, #tpu.memory_space<hbm>> -> memref<2000xf32, #tpu.memory_space<hbm>>
        tpu.wait_dma2 semaphore(%arg32 : memref<!tpu.dma_semaphore, #tpu.memory_space<semaphore_mem>>) src(%dma_wait3A_588 : memref<2000xf32, #tpu.memory_space<hbm>>) dst(%arg25 : memref<2000xf32, #tpu.memory_space<vmem>>)
        %dma_wait3A_589 = tpu.memref_slice %arg6[%multiple_of3A_584] : memref<3200000xf32, #tpu.memory_space<hbm>> -> memref<2000xf32, #tpu.memory_space<hbm>>
        %dma_wait3A_590 = tpu.memref_slice %arg6[%multiple_of3A_584] : memref<3200000xf32, #tpu.memory_space<hbm>> -> memref<2000xf32, #tpu.memory_space<hbm>>
        tpu.wait_dma2 semaphore(%arg32 : memref<!tpu.dma_semaphore, #tpu.memory_space<semaphore_mem>>) src(%dma_wait3A_590 : memref<2000xf32, #tpu.memory_space<hbm>>) dst(%arg26 : memref<2000xf32, #tpu.memory_space<vmem>>)
        %scan3A_591 = arith.constant 0 : i32
        %scan3A_592 = arith.constant 0 : i32
        %scan3A_593 = arith.constant 125 : i32
        %scan3A_594 = arith.addi %scan3A_592, %scan3A_593 : i32
        %scan3A_595 = arith.constant 1 : i32
        %scan3A_596 = scf.for %scan3A_598 = %scan3A_592 to %scan3A_594 step %scan3A_595 iter_args(%scan3A_599 = %scan3A_591) -> (i32)  : i32 {
          %mul3A_600 = arith.constant 16 : i32
          %mul3A_601 = arith.muli %scan3A_598, %mul3A_600 : i32
          %mul3A_602 = arith.constant 16 : i32
          %mul3A_603 = arith.muli %scan3A_598, %mul3A_602 : i32
          %add3A_604 = arith.constant 2000 : i32
          %add3A_605 = arith.addi %add3A_604, %mul3A_603 : i32
          %get3A = arith.index_cast %mul3A_601 : i32 to index
          %get3A_606 = tpu.vector_load %arg19[%get3A] {strides = array<i32>} : memref<4000xf32, #tpu.memory_space<vmem>>, vector<16xf32>,
          %get3A_607 = vector.shape_cast %get3A_606 : vector<16xf32> to vector<16xf32>
          %get3A_608 = arith.index_cast %add3A_605 : i32 to index
          %get3A_609 = tpu.vector_load %arg19[%get3A_608] {strides = array<i32>} : memref<4000xf32, #tpu.memory_space<vmem>>, vector<16xf32>,
          %get3A_610 = vector.shape_cast %get3A_609 : vector<16xf32> to vector<16xf32>
          %sub3A = arith.subf %get3A_607, %get3A_610 : vector<16xf32>
          %get3A_611 = arith.index_cast %mul3A_601 : i32 to index
          %get3A_612 = tpu.vector_load %arg20[%get3A_611] {strides = array<i32>} : memref<4000xf32, #tpu.memory_space<vmem>>, vector<16xf32>,
          %get3A_613 = vector.shape_cast %get3A_612 : vector<16xf32> to vector<16xf32>
          %get3A_614 = arith.index_cast %add3A_605 : i32 to index
          %get3A_615 = tpu.vector_load %arg20[%get3A_614] {strides = array<i32>} : memref<4000xf32, #tpu.memory_space<vmem>>, vector<16xf32>,
          %get3A_616 = vector.shape_cast %get3A_615 : vector<16xf32> to vector<16xf32>
          %sub3A_617 = arith.subf %get3A_613, %get3A_616 : vector<16xf32>
          %get3A_618 = arith.index_cast %mul3A_601 : i32 to index
          %get3A_619 = tpu.vector_load %arg21[%get3A_618] {strides = array<i32>} : memref<4000xf32, #tpu.memory_space<vmem>>, vector<16xf32>,
          %get3A_620 = vector.shape_cast %get3A_619 : vector<16xf32> to vector<16xf32>
          %get3A_621 = arith.index_cast %add3A_605 : i32 to index
          %get3A_622 = tpu.vector_load %arg21[%get3A_621] {strides = array<i32>} : memref<4000xf32, #tpu.memory_space<vmem>>, vector<16xf32>,
          %get3A_623 = vector.shape_cast %get3A_622 : vector<16xf32> to vector<16xf32>
          %sub3A_624 = arith.subf %get3A_620, %get3A_623 : vector<16xf32>
          %gt3A = arith.constant 5.000000e+01 : f32
          %gt3A_625 = vector.broadcast %gt3A : f32 to vector<16xf32>
          %gt3A_626 = arith.cmpf ogt, %sub3A, %gt3A_625 : vector<16xf32>
          %jit3A = arith.constant 1.000000e+02 : f32
          %jit3A_627 = arith.constant 0.000000e+00 : f32
          %broadcast_in_dim3A_628 = vector.broadcast %jit3A : f32 to vector<16xf32>
          %broadcast_in_dim3A_629 = vector.broadcast %jit3A_627 : f32 to vector<16xf32>
          %select_n3A = arith.select %gt3A_626, %broadcast_in_dim3A_628, %broadcast_in_dim3A_629 : vector<16xi1>, vector<16xf32>
          %sub3A_630 = arith.subf %sub3A, %select_n3A : vector<16xf32>
          %lt3A_631 = arith.constant -5.000000e+01 : f32
          %lt3A_632 = vector.broadcast %lt3A_631 : f32 to vector<16xf32>
          %lt3A_633 = arith.cmpf olt, %sub3A, %lt3A_632 : vector<16xf32>
          %jit3A_634 = arith.constant 1.000000e+02 : f32
          %jit3A_635 = arith.constant 0.000000e+00 : f32
          %broadcast_in_dim3A_636 = vector.broadcast %jit3A_634 : f32 to vector<16xf32>
          %broadcast_in_dim3A_637 = vector.broadcast %jit3A_635 : f32 to vector<16xf32>
          %select_n3A_638 = arith.select %lt3A_633, %broadcast_in_dim3A_636, %broadcast_in_dim3A_637 : vector<16xi1>, vector<16xf32>
          %add3A_639 = arith.addf %sub3A_630, %select_n3A_638 : vector<16xf32>
          %gt3A_640 = arith.constant 5.000000e+01 : f32
          %gt3A_641 = vector.broadcast %gt3A_640 : f32 to vector<16xf32>
          %gt3A_642 = arith.cmpf ogt, %sub3A_617, %gt3A_641 : vector<16xf32>
          %jit3A_643 = arith.constant 1.000000e+02 : f32
          %jit3A_644 = arith.constant 0.000000e+00 : f32
          %broadcast_in_dim3A_645 = vector.broadcast %jit3A_643 : f32 to vector<16xf32>
          %broadcast_in_dim3A_646 = vector.broadcast %jit3A_644 : f32 to vector<16xf32>
          %select_n3A_647 = arith.select %gt3A_642, %broadcast_in_dim3A_645, %broadcast_in_dim3A_646 : vector<16xi1>, vector<16xf32>
          %sub3A_648 = arith.subf %sub3A_617, %select_n3A_647 : vector<16xf32>
          %lt3A_649 = arith.constant -5.000000e+01 : f32
          %lt3A_650 = vector.broadcast %lt3A_649 : f32 to vector<16xf32>
          %lt3A_651 = arith.cmpf olt, %sub3A_617, %lt3A_650 : vector<16xf32>
          %jit3A_652 = arith.constant 1.000000e+02 : f32
          %jit3A_653 = arith.constant 0.000000e+00 : f32
          %broadcast_in_dim3A_654 = vector.broadcast %jit3A_652 : f32 to vector<16xf32>
          %broadcast_in_dim3A_655 = vector.broadcast %jit3A_653 : f32 to vector<16xf32>
          %select_n3A_656 = arith.select %lt3A_651, %broadcast_in_dim3A_654, %broadcast_in_dim3A_655 : vector<16xi1>, vector<16xf32>
          %add3A_657 = arith.addf %sub3A_648, %select_n3A_656 : vector<16xf32>
          %gt3A_658 = arith.constant 5.000000e+01 : f32
          %gt3A_659 = vector.broadcast %gt3A_658 : f32 to vector<16xf32>
          %gt3A_660 = arith.cmpf ogt, %sub3A_624, %gt3A_659 : vector<16xf32>
          %jit3A_661 = arith.constant 1.000000e+02 : f32
          %jit3A_662 = arith.constant 0.000000e+00 : f32
          %broadcast_in_dim3A_663 = vector.broadcast %jit3A_661 : f32 to vector<16xf32>
          %broadcast_in_dim3A_664 = vector.broadcast %jit3A_662 : f32 to vector<16xf32>
          %select_n3A_665 = arith.select %gt3A_660, %broadcast_in_dim3A_663, %broadcast_in_dim3A_664 : vector<16xi1>, vector<16xf32>
          %sub3A_666 = arith.subf %sub3A_624, %select_n3A_665 : vector<16xf32>
          %lt3A_667 = arith.constant -5.000000e+01 : f32
          %lt3A_668 = vector.broadcast %lt3A_667 : f32 to vector<16xf32>
          %lt3A_669 = arith.cmpf olt, %sub3A_624, %lt3A_668 : vector<16xf32>
          %jit3A_670 = arith.constant 1.000000e+02 : f32
          %jit3A_671 = arith.constant 0.000000e+00 : f32
          %broadcast_in_dim3A_672 = vector.broadcast %jit3A_670 : f32 to vector<16xf32>
          %broadcast_in_dim3A_673 = vector.broadcast %jit3A_671 : f32 to vector<16xf32>
          %select_n3A_674 = arith.select %lt3A_669, %broadcast_in_dim3A_672, %broadcast_in_dim3A_673 : vector<16xi1>, vector<16xf32>
          %add3A_675 = arith.addf %sub3A_666, %select_n3A_674 : vector<16xf32>
          %mul3A_676 = arith.mulf %add3A_639, %add3A_639 : vector<16xf32>
          %mul3A_677 = arith.mulf %add3A_657, %add3A_657 : vector<16xf32>
          %add3A_678 = arith.addf %mul3A_676, %mul3A_677 : vector<16xf32>
          %mul3A_679 = arith.mulf %add3A_675, %add3A_675 : vector<16xf32>
          %add3A_680 = arith.addf %add3A_678, %mul3A_679 : vector<16xf32>
          %max3A = arith.constant 1.000000e-24 : f32
          %max3A_681 = vector.broadcast %max3A : f32 to vector<16xf32>
          %max3A_682 = arith.maximumf %add3A_680, %max3A_681 : vector<16xf32>
          %div3A = arith.constant 1.000000e+00 : f32
          %div3A_683 = vector.broadcast %div3A : f32 to vector<16xf32>
          %div3A_684 = arith.divf %div3A_683, %max3A_682 : vector<16xf32>
          %lt3A_685 = arith.constant 6.250000e+00 : f32
          %lt3A_686 = vector.broadcast %lt3A_685 : f32 to vector<16xf32>
          %lt3A_687 = arith.cmpf olt, %max3A_682, %lt3A_686 : vector<16xf32>
          %get3A_688 = arith.index_cast %mul3A_601 : i32 to index
          %get3A_689 = tpu.vector_load %arg25[%get3A_688] {strides = array<i32>} : memref<2000xf32, #tpu.memory_space<vmem>>, vector<16xf32>,
          %get3A_690 = vector.shape_cast %get3A_689 : vector<16xf32> to vector<16xf32>
          %get3A_691 = arith.index_cast %mul3A_601 : i32 to index
          %get3A_692 = tpu.vector_load %arg26[%get3A_691] {strides = array<i32>} : memref<2000xf32, #tpu.memory_space<vmem>>, vector<16xf32>,
          %get3A_693 = vector.shape_cast %get3A_692 : vector<16xf32> to vector<16xf32>
          %mul3A_694 = arith.mulf %get3A_693, %get3A_693 : vector<16xf32>
          %mul3A_695 = arith.mulf %mul3A_694, %div3A_684 : vector<16xf32>
          %mul3A_696 = arith.mulf %mul3A_695, %mul3A_695 : vector<16xf32>
          %mul3A_697 = arith.mulf %mul3A_696, %mul3A_695 : vector<16xf32>
          %mul3A_698 = arith.mulf %mul3A_697, %mul3A_697 : vector<16xf32>
          %mul3A_699 = arith.constant 4.000000e+00 : f32
          %mul3A_700 = vector.broadcast %mul3A_699 : f32 to vector<16xf32>
          %mul3A_701 = arith.mulf %mul3A_700, %get3A_690 : vector<16xf32>
          %sub3A_702 = arith.subf %mul3A_698, %mul3A_697 : vector<16xf32>
          %mul3A_703 = arith.mulf %mul3A_701, %sub3A_702 : vector<16xf32>
          %jit3A_704 = arith.constant 0.000000e+00 : f32
          %broadcast_in_dim3A_705 = vector.broadcast %jit3A_704 : f32 to vector<16xf32>
          %select_n3A_706 = arith.select %lt3A_687, %mul3A_703, %broadcast_in_dim3A_705 : vector<16xi1>, vector<16xf32>
          %mul3A_707 = arith.constant 2.400000e+01 : f32
          %mul3A_708 = vector.broadcast %mul3A_707 : f32 to vector<16xf32>
          %mul3A_709 = arith.mulf %mul3A_708, %get3A_690 : vector<16xf32>
          %mul3A_710 = arith.constant 2.000000e+00 : f32
          %mul3A_711 = vector.broadcast %mul3A_710 : f32 to vector<16xf32>
          %mul3A_712 = arith.mulf %mul3A_711, %mul3A_698 : vector<16xf32>
          %sub3A_713 = arith.subf %mul3A_712, %mul3A_697 : vector<16xf32>
          %mul3A_714 = arith.mulf %mul3A_709, %sub3A_713 : vector<16xf32>
          %jit3A_715 = arith.constant 0.000000e+00 : f32
          %broadcast_in_dim3A_716 = vector.broadcast %jit3A_715 : f32 to vector<16xf32>
          %select_n3A_717 = arith.select %lt3A_687, %mul3A_714, %broadcast_in_dim3A_716 : vector<16xi1>, vector<16xf32>
          %mul3A_718 = arith.mulf %select_n3A_717, %div3A_684 : vector<16xf32>
          %mul3A_719 = arith.mulf %mul3A_718, %add3A_639 : vector<16xf32>
          %mul3A_720 = arith.mulf %mul3A_718, %add3A_657 : vector<16xf32>
          %mul3A_721 = arith.mulf %mul3A_718, %add3A_675 : vector<16xf32>
          %swap3A_722 = arith.index_cast %mul3A_601 : i32 to index
          %swap3A_723 = tpu.vector_load %arg27[%swap3A_722] {strides = array<i32>} : memref<4000xf32, #tpu.memory_space<vmem>>, vector<16xf32>,
          %swap3A_724 = vector.shape_cast %swap3A_723 : vector<16xf32> to vector<16xf32>
          %swap3A_725 = vector.shape_cast %mul3A_719 : vector<16xf32> to vector<16xf32>
          tpu.vector_store %arg27[%swap3A_722], %swap3A_725 {strides = array<i32>} : memref<4000xf32, #tpu.memory_space<vmem>>, vector<16xf32>,
          %swap3A_726 = arith.index_cast %mul3A_601 : i32 to index
          %swap3A_727 = tpu.vector_load %arg28[%swap3A_726] {strides = array<i32>} : memref<4000xf32, #tpu.memory_space<vmem>>, vector<16xf32>,
          %swap3A_728 = vector.shape_cast %swap3A_727 : vector<16xf32> to vector<16xf32>
          %swap3A_729 = vector.shape_cast %mul3A_720 : vector<16xf32> to vector<16xf32>
          tpu.vector_store %arg28[%swap3A_726], %swap3A_729 {strides = array<i32>} : memref<4000xf32, #tpu.memory_space<vmem>>, vector<16xf32>,
          %swap3A_730 = arith.index_cast %mul3A_601 : i32 to index
          %swap3A_731 = tpu.vector_load %arg29[%swap3A_730] {strides = array<i32>} : memref<4000xf32, #tpu.memory_space<vmem>>, vector<16xf32>,
          %swap3A_732 = vector.shape_cast %swap3A_731 : vector<16xf32> to vector<16xf32>
          %swap3A_733 = vector.shape_cast %mul3A_721 : vector<16xf32> to vector<16xf32>
          tpu.vector_store %arg29[%swap3A_730], %swap3A_733 {strides = array<i32>} : memref<4000xf32, #tpu.memory_space<vmem>>, vector<16xf32>,
          %neg3A = arith.constant 0.000000e+00 : f32
          %neg3A_734 = vector.broadcast %neg3A : f32 to vector<16xf32>
          %neg3A_735 = arith.subf %neg3A_734, %mul3A_719 : vector<16xf32>
          %swap3A_736 = arith.index_cast %add3A_605 : i32 to index
          %swap3A_737 = tpu.vector_load %arg27[%swap3A_736] {strides = array<i32>} : memref<4000xf32, #tpu.memory_space<vmem>>, vector<16xf32>,
          %swap3A_738 = vector.shape_cast %swap3A_737 : vector<16xf32> to vector<16xf32>
          %swap3A_739 = vector.shape_cast %neg3A_735 : vector<16xf32> to vector<16xf32>
          tpu.vector_store %arg27[%swap3A_736], %swap3A_739 {strides = array<i32>} : memref<4000xf32, #tpu.memory_space<vmem>>, vector<16xf32>,
          %neg3A_740 = arith.constant 0.000000e+00 : f32
          %neg3A_741 = vector.broadcast %neg3A_740 : f32 to vector<16xf32>
          %neg3A_742 = arith.subf %neg3A_741, %mul3A_720 : vector<16xf32>
          %swap3A_743 = arith.index_cast %add3A_605 : i32 to index
          %swap3A_744 = tpu.vector_load %arg28[%swap3A_743] {strides = array<i32>} : memref<4000xf32, #tpu.memory_space<vmem>>, vector<16xf32>,
          %swap3A_745 = vector.shape_cast %swap3A_744 : vector<16xf32> to vector<16xf32>
          %swap3A_746 = vector.shape_cast %neg3A_742 : vector<16xf32> to vector<16xf32>
          tpu.vector_store %arg28[%swap3A_743], %swap3A_746 {strides = array<i32>} : memref<4000xf32, #tpu.memory_space<vmem>>, vector<16xf32>,
          %neg3A_747 = arith.constant 0.000000e+00 : f32
          %neg3A_748 = vector.broadcast %neg3A_747 : f32 to vector<16xf32>
          %neg3A_749 = arith.subf %neg3A_748, %mul3A_721 : vector<16xf32>
          %swap3A_750 = arith.index_cast %add3A_605 : i32 to index
          %swap3A_751 = tpu.vector_load %arg29[%swap3A_750] {strides = array<i32>} : memref<4000xf32, #tpu.memory_space<vmem>>, vector<16xf32>,
          %swap3A_752 = vector.shape_cast %swap3A_751 : vector<16xf32> to vector<16xf32>
          %swap3A_753 = vector.shape_cast %neg3A_749 : vector<16xf32> to vector<16xf32>
          tpu.vector_store %arg29[%swap3A_750], %swap3A_753 {strides = array<i32>} : memref<4000xf32, #tpu.memory_space<vmem>>, vector<16xf32>,
          %mul3A_754 = arith.mulf %mul3A_719, %add3A_639 : vector<16xf32>
          %mul3A_755 = arith.mulf %mul3A_719, %add3A_657 : vector<16xf32>
          %mul3A_756 = arith.mulf %mul3A_719, %add3A_675 : vector<16xf32>
          %mul3A_757 = arith.mulf %mul3A_720, %add3A_639 : vector<16xf32>
          %mul3A_758 = arith.mulf %mul3A_720, %add3A_657 : vector<16xf32>
          %mul3A_759 = arith.mulf %mul3A_720, %add3A_675 : vector<16xf32>
          %mul3A_760 = arith.mulf %mul3A_721, %add3A_639 : vector<16xf32>
          %mul3A_761 = arith.mulf %mul3A_721, %add3A_657 : vector<16xf32>
          %mul3A_762 = arith.mulf %mul3A_721, %add3A_675 : vector<16xf32>
          %get3A_763 = arith.constant 0 : index
          %get3A_764 = tpu.vector_load %arg30[%get3A_763] {strides = array<i32>} : memref<176xf32, #tpu.memory_space<vmem>>, vector<16xf32>,
          %get3A_765 = vector.shape_cast %get3A_764 : vector<16xf32> to vector<16xf32>
          %add3A_766 = arith.addf %get3A_765, %select_n3A_706 : vector<16xf32>
          %swap3A_767 = arith.constant 0 : index
          %swap3A_768 = tpu.vector_load %arg30[%swap3A_767] {strides = array<i32>} : memref<176xf32, #tpu.memory_space<vmem>>, vector<16xf32>,
          %swap3A_769 = vector.shape_cast %swap3A_768 : vector<16xf32> to vector<16xf32>
          %swap3A_770 = vector.shape_cast %add3A_766 : vector<16xf32> to vector<16xf32>
          tpu.vector_store %arg30[%swap3A_767], %swap3A_770 {strides = array<i32>} : memref<176xf32, #tpu.memory_space<vmem>>, vector<16xf32>,
          %get3A_771 = arith.constant 16 : index
          %get3A_772 = tpu.vector_load %arg30[%get3A_771] {strides = array<i32>} : memref<176xf32, #tpu.memory_space<vmem>>, vector<16xf32>,
          %get3A_773 = vector.shape_cast %get3A_772 : vector<16xf32> to vector<16xf32>
          %add3A_774 = arith.addf %get3A_773, %select_n3A_717 : vector<16xf32>
          %swap3A_775 = arith.constant 16 : index
          %swap3A_776 = tpu.vector_load %arg30[%swap3A_775] {strides = array<i32>} : memref<176xf32, #tpu.memory_space<vmem>>, vector<16xf32>,
          %swap3A_777 = vector.shape_cast %swap3A_776 : vector<16xf32> to vector<16xf32>
          %swap3A_778 = vector.shape_cast %add3A_774 : vector<16xf32> to vector<16xf32>
          tpu.vector_store %arg30[%swap3A_775], %swap3A_778 {strides = array<i32>} : memref<176xf32, #tpu.memory_space<vmem>>, vector<16xf32>,
          %get3A_779 = arith.constant 32 : index
          %get3A_780 = tpu.vector_load %arg30[%get3A_779] {strides = array<i32>} : memref<176xf32, #tpu.memory_space<vmem>>, vector<16xf32>,
          %get3A_781 = vector.shape_cast %get3A_780 : vector<16xf32> to vector<16xf32>
          %add3A_782 = arith.addf %get3A_781, %mul3A_754 : vector<16xf32>
          %swap3A_783 = arith.constant 32 : index
          %swap3A_784 = tpu.vector_load %arg30[%swap3A_783] {strides = array<i32>} : memref<176xf32, #tpu.memory_space<vmem>>, vector<16xf32>,
          %swap3A_785 = vector.shape_cast %swap3A_784 : vector<16xf32> to vector<16xf32>
          %swap3A_786 = vector.shape_cast %add3A_782 : vector<16xf32> to vector<16xf32>
          tpu.vector_store %arg30[%swap3A_783], %swap3A_786 {strides = array<i32>} : memref<176xf32, #tpu.memory_space<vmem>>, vector<16xf32>,
          %get3A_787 = arith.constant 48 : index
          %get3A_788 = tpu.vector_load %arg30[%get3A_787] {strides = array<i32>} : memref<176xf32, #tpu.memory_space<vmem>>, vector<16xf32>,
          %get3A_789 = vector.shape_cast %get3A_788 : vector<16xf32> to vector<16xf32>
          %add3A_790 = arith.addf %get3A_789, %mul3A_755 : vector<16xf32>
          %swap3A_791 = arith.constant 48 : index
          %swap3A_792 = tpu.vector_load %arg30[%swap3A_791] {strides = array<i32>} : memref<176xf32, #tpu.memory_space<vmem>>, vector<16xf32>,
          %swap3A_793 = vector.shape_cast %swap3A_792 : vector<16xf32> to vector<16xf32>
          %swap3A_794 = vector.shape_cast %add3A_790 : vector<16xf32> to vector<16xf32>
          tpu.vector_store %arg30[%swap3A_791], %swap3A_794 {strides = array<i32>} : memref<176xf32, #tpu.memory_space<vmem>>, vector<16xf32>,
          %get3A_795 = arith.constant 64 : index
          %get3A_796 = tpu.vector_load %arg30[%get3A_795] {strides = array<i32>} : memref<176xf32, #tpu.memory_space<vmem>>, vector<16xf32>,
          %get3A_797 = vector.shape_cast %get3A_796 : vector<16xf32> to vector<16xf32>
          %add3A_798 = arith.addf %get3A_797, %mul3A_756 : vector<16xf32>
          %swap3A_799 = arith.constant 64 : index
          %swap3A_800 = tpu.vector_load %arg30[%swap3A_799] {strides = array<i32>} : memref<176xf32, #tpu.memory_space<vmem>>, vector<16xf32>,
          %swap3A_801 = vector.shape_cast %swap3A_800 : vector<16xf32> to vector<16xf32>
          %swap3A_802 = vector.shape_cast %add3A_798 : vector<16xf32> to vector<16xf32>
          tpu.vector_store %arg30[%swap3A_799], %swap3A_802 {strides = array<i32>} : memref<176xf32, #tpu.memory_space<vmem>>, vector<16xf32>,
          %get3A_803 = arith.constant 80 : index
          %get3A_804 = tpu.vector_load %arg30[%get3A_803] {strides = array<i32>} : memref<176xf32, #tpu.memory_space<vmem>>, vector<16xf32>,
          %get3A_805 = vector.shape_cast %get3A_804 : vector<16xf32> to vector<16xf32>
          %add3A_806 = arith.addf %get3A_805, %mul3A_757 : vector<16xf32>
          %swap3A_807 = arith.constant 80 : index
          %swap3A_808 = tpu.vector_load %arg30[%swap3A_807] {strides = array<i32>} : memref<176xf32, #tpu.memory_space<vmem>>, vector<16xf32>,
          %swap3A_809 = vector.shape_cast %swap3A_808 : vector<16xf32> to vector<16xf32>
          %swap3A_810 = vector.shape_cast %add3A_806 : vector<16xf32> to vector<16xf32>
          tpu.vector_store %arg30[%swap3A_807], %swap3A_810 {strides = array<i32>} : memref<176xf32, #tpu.memory_space<vmem>>, vector<16xf32>,
          %get3A_811 = arith.constant 96 : index
          %get3A_812 = tpu.vector_load %arg30[%get3A_811] {strides = array<i32>} : memref<176xf32, #tpu.memory_space<vmem>>, vector<16xf32>,
          %get3A_813 = vector.shape_cast %get3A_812 : vector<16xf32> to vector<16xf32>
          %add3A_814 = arith.addf %get3A_813, %mul3A_758 : vector<16xf32>
          %swap3A_815 = arith.constant 96 : index
          %swap3A_816 = tpu.vector_load %arg30[%swap3A_815] {strides = array<i32>} : memref<176xf32, #tpu.memory_space<vmem>>, vector<16xf32>,
          %swap3A_817 = vector.shape_cast %swap3A_816 : vector<16xf32> to vector<16xf32>
          %swap3A_818 = vector.shape_cast %add3A_814 : vector<16xf32> to vector<16xf32>
          tpu.vector_store %arg30[%swap3A_815], %swap3A_818 {strides = array<i32>} : memref<176xf32, #tpu.memory_space<vmem>>, vector<16xf32>,
          %get3A_819 = arith.constant 112 : index
          %get3A_820 = tpu.vector_load %arg30[%get3A_819] {strides = array<i32>} : memref<176xf32, #tpu.memory_space<vmem>>, vector<16xf32>,
          %get3A_821 = vector.shape_cast %get3A_820 : vector<16xf32> to vector<16xf32>
          %add3A_822 = arith.addf %get3A_821, %mul3A_759 : vector<16xf32>
          %swap3A_823 = arith.constant 112 : index
          %swap3A_824 = tpu.vector_load %arg30[%swap3A_823] {strides = array<i32>} : memref<176xf32, #tpu.memory_space<vmem>>, vector<16xf32>,
          %swap3A_825 = vector.shape_cast %swap3A_824 : vector<16xf32> to vector<16xf32>
          %swap3A_826 = vector.shape_cast %add3A_822 : vector<16xf32> to vector<16xf32>
          tpu.vector_store %arg30[%swap3A_823], %swap3A_826 {strides = array<i32>} : memref<176xf32, #tpu.memory_space<vmem>>, vector<16xf32>,
          %get3A_827 = arith.constant 128 : index
          %get3A_828 = tpu.vector_load %arg30[%get3A_827] {strides = array<i32>} : memref<176xf32, #tpu.memory_space<vmem>>, vector<16xf32>,
          %get3A_829 = vector.shape_cast %get3A_828 : vector<16xf32> to vector<16xf32>
          %add3A_830 = arith.addf %get3A_829, %mul3A_760 : vector<16xf32>
          %swap3A_831 = arith.constant 128 : index
          %swap3A_832 = tpu.vector_load %arg30[%swap3A_831] {strides = array<i32>} : memref<176xf32, #tpu.memory_space<vmem>>, vector<16xf32>,
          %swap3A_833 = vector.shape_cast %swap3A_832 : vector<16xf32> to vector<16xf32>
          %swap3A_834 = vector.shape_cast %add3A_830 : vector<16xf32> to vector<16xf32>
          tpu.vector_store %arg30[%swap3A_831], %swap3A_834 {strides = array<i32>} : memref<176xf32, #tpu.memory_space<vmem>>, vector<16xf32>,
          %get3A_835 = arith.constant 144 : index
          %get3A_836 = tpu.vector_load %arg30[%get3A_835] {strides = array<i32>} : memref<176xf32, #tpu.memory_space<vmem>>, vector<16xf32>,
          %get3A_837 = vector.shape_cast %get3A_836 : vector<16xf32> to vector<16xf32>
          %add3A_838 = arith.addf %get3A_837, %mul3A_761 : vector<16xf32>
          %swap3A_839 = arith.constant 144 : index
          %swap3A_840 = tpu.vector_load %arg30[%swap3A_839] {strides = array<i32>} : memref<176xf32, #tpu.memory_space<vmem>>, vector<16xf32>,
          %swap3A_841 = vector.shape_cast %swap3A_840 : vector<16xf32> to vector<16xf32>
          %swap3A_842 = vector.shape_cast %add3A_838 : vector<16xf32> to vector<16xf32>
          tpu.vector_store %arg30[%swap3A_839], %swap3A_842 {strides = array<i32>} : memref<176xf32, #tpu.memory_space<vmem>>, vector<16xf32>,
          %get3A_843 = arith.constant 160 : index
          %get3A_844 = tpu.vector_load %arg30[%get3A_843] {strides = array<i32>} : memref<176xf32, #tpu.memory_space<vmem>>, vector<16xf32>,
          %get3A_845 = vector.shape_cast %get3A_844 : vector<16xf32> to vector<16xf32>
          %add3A_846 = arith.addf %get3A_845, %mul3A_762 : vector<16xf32>
          %swap3A_847 = arith.constant 160 : index
          %swap3A_848 = tpu.vector_load %arg30[%swap3A_847] {strides = array<i32>} : memref<176xf32, #tpu.memory_space<vmem>>, vector<16xf32>,
          %swap3A_849 = vector.shape_cast %swap3A_848 : vector<16xf32> to vector<16xf32>
          %swap3A_850 = vector.shape_cast %add3A_846 : vector<16xf32> to vector<16xf32>
          tpu.vector_store %arg30[%swap3A_847], %swap3A_850 {strides = array<i32>} : memref<176xf32, #tpu.memory_space<vmem>>, vector<16xf32>,
          %scan3A_851 = arith.constant 0 : i32
          scf.yield %scan3A_851 : i32
        }
        %scan3A_597 = arith.constant 125 : i32
        "tpu.region"() ({
          %run_scoped3A = tpu.sem_alloc : memref<!tpu.dma_semaphore, #tpu.memory_space<semaphore_mem>>
          %dma_start3A_598 = arith.constant 0 : i32
          %dma_start3A_599 = tpu.memref_slice %arg14[%dma_start3A_598] : memref<100000xf32, #tpu.memory_space<vmem_shared>> -> memref<100000xf32, #tpu.memory_space<vmem_shared>>
          tpu.enqueue_indirect_dma source(%arg27 : memref<4000xf32, #tpu.memory_space<vmem>>) target(%dma_start3A_599 : memref<100000xf32, #tpu.memory_space<vmem_shared>>) offsets(%arg17 : memref<4000xi32, #tpu.memory_space<vmem>>) semaphore(%run_scoped3A : memref<!tpu.dma_semaphore, #tpu.memory_space<semaphore_mem>>) {add = true}
          %dma_wait3A_600 = arith.constant 0 : i32
          %dma_wait3A_601 = tpu.memref_slice %arg14[%dma_wait3A_600] : memref<100000xf32, #tpu.memory_space<vmem_shared>> -> memref<100000xf32, #tpu.memory_space<vmem_shared>>
          tpu.wait_indirect_dma semaphore(%run_scoped3A : memref<!tpu.dma_semaphore, #tpu.memory_space<semaphore_mem>>) src(%arg27 : memref<4000xf32, #tpu.memory_space<vmem>>) dst(%dma_wait3A_601 : memref<100000xf32, #tpu.memory_space<vmem_shared>>)
          tpu.yield
        }) : () -> ()
        "tpu.region"() ({
          %run_scoped3A = tpu.sem_alloc : memref<!tpu.dma_semaphore, #tpu.memory_space<semaphore_mem>>
          %dma_start3A_598 = arith.constant 0 : i32
          %dma_start3A_599 = tpu.memref_slice %arg15[%dma_start3A_598] : memref<100000xf32, #tpu.memory_space<vmem_shared>> -> memref<100000xf32, #tpu.memory_space<vmem_shared>>
          tpu.enqueue_indirect_dma source(%arg28 : memref<4000xf32, #tpu.memory_space<vmem>>) target(%dma_start3A_599 : memref<100000xf32, #tpu.memory_space<vmem_shared>>) offsets(%arg17 : memref<4000xi32, #tpu.memory_space<vmem>>) semaphore(%run_scoped3A : memref<!tpu.dma_semaphore, #tpu.memory_space<semaphore_mem>>) {add = true}
          %dma_wait3A_600 = arith.constant 0 : i32
          %dma_wait3A_601 = tpu.memref_slice %arg15[%dma_wait3A_600] : memref<100000xf32, #tpu.memory_space<vmem_shared>> -> memref<100000xf32, #tpu.memory_space<vmem_shared>>
          tpu.wait_indirect_dma semaphore(%run_scoped3A : memref<!tpu.dma_semaphore, #tpu.memory_space<semaphore_mem>>) src(%arg28 : memref<4000xf32, #tpu.memory_space<vmem>>) dst(%dma_wait3A_601 : memref<100000xf32, #tpu.memory_space<vmem_shared>>)
          tpu.yield
        }) : () -> ()
        "tpu.region"() ({
          %run_scoped3A = tpu.sem_alloc : memref<!tpu.dma_semaphore, #tpu.memory_space<semaphore_mem>>
          %dma_start3A_598 = arith.constant 0 : i32
          %dma_start3A_599 = tpu.memref_slice %arg16[%dma_start3A_598] : memref<100000xf32, #tpu.memory_space<vmem_shared>> -> memref<100000xf32, #tpu.memory_space<vmem_shared>>
          tpu.enqueue_indirect_dma source(%arg29 : memref<4000xf32, #tpu.memory_space<vmem>>) target(%dma_start3A_599 : memref<100000xf32, #tpu.memory_space<vmem_shared>>) offsets(%arg17 : memref<4000xi32, #tpu.memory_space<vmem>>) semaphore(%run_scoped3A : memref<!tpu.dma_semaphore, #tpu.memory_space<semaphore_mem>>) {add = true}
          %dma_wait3A_600 = arith.constant 0 : i32
          %dma_wait3A_601 = tpu.memref_slice %arg16[%dma_wait3A_600] : memref<100000xf32, #tpu.memory_space<vmem_shared>> -> memref<100000xf32, #tpu.memory_space<vmem_shared>>
          tpu.wait_indirect_dma semaphore(%run_scoped3A : memref<!tpu.dma_semaphore, #tpu.memory_space<semaphore_mem>>) src(%arg29 : memref<4000xf32, #tpu.memory_space<vmem>>) dst(%dma_wait3A_601 : memref<100000xf32, #tpu.memory_space<vmem_shared>>)
          tpu.yield
        }) : () -> ()
      } else {
      }
      %add3A_431 = arith.constant 1 : i32
      %add3A_432 = arith.addi %mul3A_344, %add3A_431 : i32
      %mul3A_433 = arith.constant 2000 : i32
      %mul3A_434 = arith.muli %add3A_432, %mul3A_433 : i32
      %add3A_435 = arith.addi %mul3A_97, %mul3A_434 : i32
      %multiple_of3A_436 = tpu.assume_multiple %add3A_435, 2000 : i32
      %dma_wait3A_437 = arith.constant 0 : i32
      %dma_wait3A_438 = tpu.memref_slice %arg18[%dma_wait3A_437] : memref<4000xi32, #tpu.memory_space<vmem>> -> memref<2000xi32, #tpu.memory_space<vmem>>
      %dma_wait3A_439 = tpu.memref_slice %arg7[%multiple_of3A_436] : memref<3200000xi32, #tpu.memory_space<hbm>> -> memref<2000xi32, #tpu.memory_space<hbm>>
      %dma_wait3A_440 = arith.constant 0 : i32
      %dma_wait3A_441 = tpu.memref_slice %arg18[%dma_wait3A_440] : memref<4000xi32, #tpu.memory_space<vmem>> -> memref<2000xi32, #tpu.memory_space<vmem>>
      %dma_wait3A_442 = tpu.memref_slice %arg7[%multiple_of3A_436] : memref<3200000xi32, #tpu.memory_space<hbm>> -> memref<2000xi32, #tpu.memory_space<hbm>>
      tpu.wait_dma2 semaphore(%arg33 : memref<!tpu.dma_semaphore, #tpu.memory_space<semaphore_mem>>) src(%dma_wait3A_442 : memref<2000xi32, #tpu.memory_space<hbm>>) dst(%dma_wait3A_441 : memref<2000xi32, #tpu.memory_space<vmem>>)
      %mul3A_443 = arith.constant 2000 : i32
      %mul3A_444 = arith.muli %add3A_432, %mul3A_443 : i32
      %add3A_445 = arith.addi %mul3A_97, %mul3A_444 : i32
      %multiple_of3A_446 = tpu.assume_multiple %add3A_445, 2000 : i32
      %dma_wait3A_447 = arith.constant 2000 : i32
      %dma_wait3A_448 = tpu.memref_slice %arg18[%dma_wait3A_447] : memref<4000xi32, #tpu.memory_space<vmem>> -> memref<2000xi32, #tpu.memory_space<vmem>>
      %dma_wait3A_449 = tpu.memref_slice %arg8[%multiple_of3A_446] : memref<3200000xi32, #tpu.memory_space<hbm>> -> memref<2000xi32, #tpu.memory_space<hbm>>
      %dma_wait3A_450 = arith.constant 2000 : i32
      %dma_wait3A_451 = tpu.memref_slice %arg18[%dma_wait3A_450] : memref<4000xi32, #tpu.memory_space<vmem>> -> memref<2000xi32, #tpu.memory_space<vmem>>
      %dma_wait3A_452 = tpu.memref_slice %arg8[%multiple_of3A_446] : memref<3200000xi32, #tpu.memory_space<hbm>> -> memref<2000xi32, #tpu.memory_space<hbm>>
      tpu.wait_dma2 semaphore(%arg33 : memref<!tpu.dma_semaphore, #tpu.memory_space<semaphore_mem>>) src(%dma_wait3A_452 : memref<2000xi32, #tpu.memory_space<hbm>>) dst(%dma_wait3A_451 : memref<2000xi32, #tpu.memory_space<vmem>>)
      %dma_start3A_453 = arith.constant 0 : i32
      %dma_start3A_454 = tpu.memref_slice %arg11[%dma_start3A_453] : memref<100000xf32, #tpu.memory_space<vmem_shared>> -> memref<100000xf32, #tpu.memory_space<vmem_shared>>
      tpu.enqueue_indirect_dma source(%dma_start3A_454 : memref<100000xf32, #tpu.memory_space<vmem_shared>>) target(%arg22 : memref<4000xf32, #tpu.memory_space<vmem>>) offsets(%arg18 : memref<4000xi32, #tpu.memory_space<vmem>>) semaphore(%arg35 : memref<!tpu.dma_semaphore, #tpu.memory_space<semaphore_mem>>)
      %dma_start3A_455 = arith.constant 0 : i32
      %dma_start3A_456 = tpu.memref_slice %arg12[%dma_start3A_455] : memref<100000xf32, #tpu.memory_space<vmem_shared>> -> memref<100000xf32, #tpu.memory_space<vmem_shared>>
      tpu.enqueue_indirect_dma source(%dma_start3A_456 : memref<100000xf32, #tpu.memory_space<vmem_shared>>) target(%arg23 : memref<4000xf32, #tpu.memory_space<vmem>>) offsets(%arg18 : memref<4000xi32, #tpu.memory_space<vmem>>) semaphore(%arg35 : memref<!tpu.dma_semaphore, #tpu.memory_space<semaphore_mem>>)
      %dma_start3A_457 = arith.constant 0 : i32
      %dma_start3A_458 = tpu.memref_slice %arg13[%dma_start3A_457] : memref<100000xf32, #tpu.memory_space<vmem_shared>> -> memref<100000xf32, #tpu.memory_space<vmem_shared>>
      tpu.enqueue_indirect_dma source(%dma_start3A_458 : memref<100000xf32, #tpu.memory_space<vmem_shared>>) target(%arg24 : memref<4000xf32, #tpu.memory_space<vmem>>) offsets(%arg18 : memref<4000xi32, #tpu.memory_space<vmem>>) semaphore(%arg35 : memref<!tpu.dma_semaphore, #tpu.memory_space<semaphore_mem>>)
      %add3A_459 = arith.constant 1 : i32
      %add3A_460 = arith.addi %mul3A_344, %add3A_459 : i32
      %add3A_461 = arith.constant 1 : i32
      %add3A_462 = arith.addi %add3A_460, %add3A_461 : i32
      %mul3A_463 = arith.constant 2000 : i32
      %mul3A_464 = arith.muli %add3A_462, %mul3A_463 : i32
      %add3A_465 = arith.addi %mul3A_97, %mul3A_464 : i32
      %multiple_of3A_466 = tpu.assume_multiple %add3A_465, 2000 : i32
      %dma_start3A_467 = arith.constant 0 : i32
      %dma_start3A_468 = tpu.memref_slice %arg17[%dma_start3A_467] : memref<4000xi32, #tpu.memory_space<vmem>> -> memref<2000xi32, #tpu.memory_space<vmem>>
      %dma_start3A_469 = tpu.memref_slice %arg7[%multiple_of3A_466] : memref<3200000xi32, #tpu.memory_space<hbm>> -> memref<2000xi32, #tpu.memory_space<hbm>>
      %dma_start3A_470 = arith.constant 0 : i32
      %dma_start3A_471 = tpu.memref_slice %arg17[%dma_start3A_470] : memref<4000xi32, #tpu.memory_space<vmem>> -> memref<2000xi32, #tpu.memory_space<vmem>>
      %dma_start3A_472 = tpu.memref_slice %arg7[%multiple_of3A_466] : memref<3200000xi32, #tpu.memory_space<hbm>> -> memref<2000xi32, #tpu.memory_space<hbm>>
      tpu.enqueue_dma source(%dma_start3A_472 : memref<2000xi32, #tpu.memory_space<hbm>>) target(%dma_start3A_471 : memref<2000xi32, #tpu.memory_space<vmem>>) target_semaphore(%arg32 : memref<!tpu.dma_semaphore, #tpu.memory_space<semaphore_mem>>)
      %mul3A_473 = arith.constant 2000 : i32
      %mul3A_474 = arith.muli %add3A_462, %mul3A_473 : i32
      %add3A_475 = arith.addi %mul3A_97, %mul3A_474 : i32
      %multiple_of3A_476 = tpu.assume_multiple %add3A_475, 2000 : i32
      %dma_start3A_477 = arith.constant 2000 : i32
      %dma_start3A_478 = tpu.memref_slice %arg17[%dma_start3A_477] : memref<4000xi32, #tpu.memory_space<vmem>> -> memref<2000xi32, #tpu.memory_space<vmem>>
      %dma_start3A_479 = tpu.memref_slice %arg8[%multiple_of3A_476] : memref<3200000xi32, #tpu.memory_space<hbm>> -> memref<2000xi32, #tpu.memory_space<hbm>>
      %dma_start3A_480 = arith.constant 2000 : i32
      %dma_start3A_481 = tpu.memref_slice %arg17[%dma_start3A_480] : memref<4000xi32, #tpu.memory_space<vmem>> -> memref<2000xi32, #tpu.memory_space<vmem>>
      %dma_start3A_482 = tpu.memref_slice %arg8[%multiple_of3A_476] : memref<3200000xi32, #tpu.memory_space<hbm>> -> memref<2000xi32, #tpu.memory_space<hbm>>
      tpu.enqueue_dma source(%dma_start3A_482 : memref<2000xi32, #tpu.memory_space<hbm>>) target(%dma_start3A_481 : memref<2000xi32, #tpu.memory_space<vmem>>) target_semaphore(%arg32 : memref<!tpu.dma_semaphore, #tpu.memory_space<semaphore_mem>>)
      %dma_wait3A_483 = arith.constant 0 : i32
      %dma_wait3A_484 = tpu.memref_slice %arg11[%dma_wait3A_483] : memref<100000xf32, #tpu.memory_space<vmem_shared>> -> memref<100000xf32, #tpu.memory_space<vmem_shared>>
      tpu.wait_indirect_dma semaphore(%arg35 : memref<!tpu.dma_semaphore, #tpu.memory_space<semaphore_mem>>) src(%dma_wait3A_484 : memref<100000xf32, #tpu.memory_space<vmem_shared>>) dst(%arg22 : memref<4000xf32, #tpu.memory_space<vmem>>)
      %dma_wait3A_485 = arith.constant 0 : i32
      %dma_wait3A_486 = tpu.memref_slice %arg12[%dma_wait3A_485] : memref<100000xf32, #tpu.memory_space<vmem_shared>> -> memref<100000xf32, #tpu.memory_space<vmem_shared>>
      tpu.wait_indirect_dma semaphore(%arg35 : memref<!tpu.dma_semaphore, #tpu.memory_space<semaphore_mem>>) src(%dma_wait3A_486 : memref<100000xf32, #tpu.memory_space<vmem_shared>>) dst(%arg23 : memref<4000xf32, #tpu.memory_space<vmem>>)
      %dma_wait3A_487 = arith.constant 0 : i32
      %dma_wait3A_488 = tpu.memref_slice %arg13[%dma_wait3A_487] : memref<100000xf32, #tpu.memory_space<vmem_shared>> -> memref<100000xf32, #tpu.memory_space<vmem_shared>>
      tpu.wait_indirect_dma semaphore(%arg35 : memref<!tpu.dma_semaphore, #tpu.memory_space<semaphore_mem>>) src(%dma_wait3A_488 : memref<100000xf32, #tpu.memory_space<vmem_shared>>) dst(%arg24 : memref<4000xf32, #tpu.memory_space<vmem>>)
      %broadcast_in_dim3A_489 = arith.constant 1.000000e+30 : f32
      %broadcast_in_dim3A_490 = vector.broadcast %broadcast_in_dim3A_489 : f32 to vector<16xf32>
      %parallel_loop3A_491 = arith.constant 0 : i32
      %parallel_loop3A_492 = arith.constant 125 : i32
      %parallel_loop3A_493 = arith.constant 1 : i32
      %parallel_loop3A_494 = scf.for %parallel_loop3A_575 = %parallel_loop3A_491 to %parallel_loop3A_492 step %parallel_loop3A_493 iter_args(%parallel_loop3A_576 = %broadcast_in_dim3A_490) -> (vector<16xf32>)  : i32 {
        %parallel_loop3A_577 = arith.constant 16 : i32
        %parallel_loop3A_578 = arith.muli %parallel_loop3A_575, %parallel_loop3A_577 : i32
        %parallel_loop3A_579 = arith.constant 16 : i32
        %parallel_loop3A_580 = arith.muli %parallel_loop3A_575, %parallel_loop3A_579 : i32
        %parallel_loop3A_581 = arith.constant 2000 : i32
        %parallel_loop3A_582 = arith.addi %parallel_loop3A_581, %parallel_loop3A_580 : i32
        %parallel_loop3A_583 = arith.index_cast %parallel_loop3A_578 : i32 to index
        %parallel_loop3A_584 = tpu.vector_load %arg22[%parallel_loop3A_583] {strides = array<i32>} : memref<4000xf32, #tpu.memory_space<vmem>>, vector<16xf32>,
        %parallel_loop3A_585 = vector.shape_cast %parallel_loop3A_584 : vector<16xf32> to vector<16xf32>
        %parallel_loop3A_586 = arith.index_cast %parallel_loop3A_582 : i32 to index
        %parallel_loop3A_587 = tpu.vector_load %arg22[%parallel_loop3A_586] {strides = array<i32>} : memref<4000xf32, #tpu.memory_space<vmem>>, vector<16xf32>,
        %parallel_loop3A_588 = vector.shape_cast %parallel_loop3A_587 : vector<16xf32> to vector<16xf32>
        %parallel_loop3A_589 = arith.subf %parallel_loop3A_585, %parallel_loop3A_588 : vector<16xf32>
        %parallel_loop3A_590 = arith.index_cast %parallel_loop3A_578 : i32 to index
        %parallel_loop3A_591 = tpu.vector_load %arg23[%parallel_loop3A_590] {strides = array<i32>} : memref<4000xf32, #tpu.memory_space<vmem>>, vector<16xf32>,
        %parallel_loop3A_592 = vector.shape_cast %parallel_loop3A_591 : vector<16xf32> to vector<16xf32>
        %parallel_loop3A_593 = arith.index_cast %parallel_loop3A_582 : i32 to index
        %parallel_loop3A_594 = tpu.vector_load %arg23[%parallel_loop3A_593] {strides = array<i32>} : memref<4000xf32, #tpu.memory_space<vmem>>, vector<16xf32>,
        %parallel_loop3A_595 = vector.shape_cast %parallel_loop3A_594 : vector<16xf32> to vector<16xf32>
        %parallel_loop3A_596 = arith.subf %parallel_loop3A_592, %parallel_loop3A_595 : vector<16xf32>
        %parallel_loop3A_597 = arith.index_cast %parallel_loop3A_578 : i32 to index
        %parallel_loop3A_598 = tpu.vector_load %arg24[%parallel_loop3A_597] {strides = array<i32>} : memref<4000xf32, #tpu.memory_space<vmem>>, vector<16xf32>,
        %parallel_loop3A_599 = vector.shape_cast %parallel_loop3A_598 : vector<16xf32> to vector<16xf32>
        %parallel_loop3A_600 = arith.index_cast %parallel_loop3A_582 : i32 to index
        %parallel_loop3A_601 = tpu.vector_load %arg24[%parallel_loop3A_600] {strides = array<i32>} : memref<4000xf32, #tpu.memory_space<vmem>>, vector<16xf32>,
        %parallel_loop3A_602 = vector.shape_cast %parallel_loop3A_601 : vector<16xf32> to vector<16xf32>
        %parallel_loop3A_603 = arith.subf %parallel_loop3A_599, %parallel_loop3A_602 : vector<16xf32>
        %parallel_loop3A_604 = math.absf %parallel_loop3A_589 : vector<16xf32>
        %parallel_loop3A_605 = arith.constant 1.000000e+02 : f32
        %parallel_loop3A_606 = vector.broadcast %parallel_loop3A_605 : f32 to vector<16xf32>
        %parallel_loop3A_607 = arith.subf %parallel_loop3A_606, %parallel_loop3A_604 : vector<16xf32>
        %parallel_loop3A_608 = math.absf %parallel_loop3A_596 : vector<16xf32>
        %parallel_loop3A_609 = arith.constant 1.000000e+02 : f32
        %parallel_loop3A_610 = vector.broadcast %parallel_loop3A_609 : f32 to vector<16xf32>
        %parallel_loop3A_611 = arith.subf %parallel_loop3A_610, %parallel_loop3A_608 : vector<16xf32>
        %parallel_loop3A_612 = math.absf %parallel_loop3A_603 : vector<16xf32>
        %parallel_loop3A_613 = arith.constant 1.000000e+02 : f32
        %parallel_loop3A_614 = vector.broadcast %parallel_loop3A_613 : f32 to vector<16xf32>
        %parallel_loop3A_615 = arith.subf %parallel_loop3A_614, %parallel_loop3A_612 : vector<16xf32>
        %parallel_loop3A_616 = arith.mulf %parallel_loop3A_589, %parallel_loop3A_589 : vector<16xf32>
        %parallel_loop3A_617 = arith.mulf %parallel_loop3A_607, %parallel_loop3A_607 : vector<16xf32>
        %parallel_loop3A_618 = arith.minimumf %parallel_loop3A_616, %parallel_loop3A_617 : vector<16xf32>
        %parallel_loop3A_619 = arith.mulf %parallel_loop3A_596, %parallel_loop3A_596 : vector<16xf32>
        %parallel_loop3A_620 = arith.mulf %parallel_loop3A_611, %parallel_loop3A_611 : vector<16xf32>
        %parallel_loop3A_621 = arith.minimumf %parallel_loop3A_619, %parallel_loop3A_620 : vector<16xf32>
        %parallel_loop3A_622 = arith.addf %parallel_loop3A_618, %parallel_loop3A_621 : vector<16xf32>
        %parallel_loop3A_623 = arith.mulf %parallel_loop3A_603, %parallel_loop3A_603 : vector<16xf32>
        %parallel_loop3A_624 = arith.mulf %parallel_loop3A_615, %parallel_loop3A_615 : vector<16xf32>
        %parallel_loop3A_625 = arith.minimumf %parallel_loop3A_623, %parallel_loop3A_624 : vector<16xf32>
        %parallel_loop3A_626 = arith.addf %parallel_loop3A_622, %parallel_loop3A_625 : vector<16xf32>
        %parallel_loop3A_627 = arith.minimumf %parallel_loop3A_576, %parallel_loop3A_626 : vector<16xf32>
        scf.yield %parallel_loop3A_627 : vector<16xf32>
      } {sc.loop_unroll_factor = 8 : i64, sc.parallel_access}
      %slice3A_495 = vector.extract_strided_slice %parallel_loop3A_494 {offsets = [0], sizes = [1], strides = [1]} : vector<16xf32> to vector<1xf32>
      %squeeze3A_496 = vector.extract %slice3A_495[0] : f32 from vector<1xf32>
      %slice3A_497 = vector.extract_strided_slice %parallel_loop3A_494 {offsets = [1], sizes = [1], strides = [1]} : vector<16xf32> to vector<1xf32>
      %squeeze3A_498 = vector.extract %slice3A_497[0] : f32 from vector<1xf32>
      %min3A_499 = arith.minimumf %squeeze3A_496, %squeeze3A_498 : f32
      %slice3A_500 = vector.extract_strided_slice %parallel_loop3A_494 {offsets = [2], sizes = [1], strides = [1]} : vector<16xf32> to vector<1xf32>
      %squeeze3A_501 = vector.extract %slice3A_500[0] : f32 from vector<1xf32>
      %min3A_502 = arith.minimumf %min3A_499, %squeeze3A_501 : f32
      %slice3A_503 = vector.extract_strided_slice %parallel_loop3A_494 {offsets = [3], sizes = [1], strides = [1]} : vector<16xf32> to vector<1xf32>
      %squeeze3A_504 = vector.extract %slice3A_503[0] : f32 from vector<1xf32>
      %min3A_505 = arith.minimumf %min3A_502, %squeeze3A_504 : f32
      %slice3A_506 = vector.extract_strided_slice %parallel_loop3A_494 {offsets = [4], sizes = [1], strides = [1]} : vector<16xf32> to vector<1xf32>
      %squeeze3A_507 = vector.extract %slice3A_506[0] : f32 from vector<1xf32>
      %min3A_508 = arith.minimumf %min3A_505, %squeeze3A_507 : f32
      %slice3A_509 = vector.extract_strided_slice %parallel_loop3A_494 {offsets = [5], sizes = [1], strides = [1]} : vector<16xf32> to vector<1xf32>
      %squeeze3A_510 = vector.extract %slice3A_509[0] : f32 from vector<1xf32>
      %min3A_511 = arith.minimumf %min3A_508, %squeeze3A_510 : f32
      %slice3A_512 = vector.extract_strided_slice %parallel_loop3A_494 {offsets = [6], sizes = [1], strides = [1]} : vector<16xf32> to vector<1xf32>
      %squeeze3A_513 = vector.extract %slice3A_512[0] : f32 from vector<1xf32>
      %min3A_514 = arith.minimumf %min3A_511, %squeeze3A_513 : f32
      %slice3A_515 = vector.extract_strided_slice %parallel_loop3A_494 {offsets = [7], sizes = [1], strides = [1]} : vector<16xf32> to vector<1xf32>
      %squeeze3A_516 = vector.extract %slice3A_515[0] : f32 from vector<1xf32>
      %min3A_517 = arith.minimumf %min3A_514, %squeeze3A_516 : f32
      %slice3A_518 = vector.extract_strided_slice %parallel_loop3A_494 {offsets = [8], sizes = [1], strides = [1]} : vector<16xf32> to vector<1xf32>
      %squeeze3A_519 = vector.extract %slice3A_518[0] : f32 from vector<1xf32>
      %min3A_520 = arith.minimumf %min3A_517, %squeeze3A_519 : f32
      %slice3A_521 = vector.extract_strided_slice %parallel_loop3A_494 {offsets = [9], sizes = [1], strides = [1]} : vector<16xf32> to vector<1xf32>
      %squeeze3A_522 = vector.extract %slice3A_521[0] : f32 from vector<1xf32>
      %min3A_523 = arith.minimumf %min3A_520, %squeeze3A_522 : f32
      %slice3A_524 = vector.extract_strided_slice %parallel_loop3A_494 {offsets = [10], sizes = [1], strides = [1]} : vector<16xf32> to vector<1xf32>
      %squeeze3A_525 = vector.extract %slice3A_524[0] : f32 from vector<1xf32>
      %min3A_526 = arith.minimumf %min3A_523, %squeeze3A_525 : f32
      %slice3A_527 = vector.extract_strided_slice %parallel_loop3A_494 {offsets = [11], sizes = [1], strides = [1]} : vector<16xf32> to vector<1xf32>
      %squeeze3A_528 = vector.extract %slice3A_527[0] : f32 from vector<1xf32>
      %min3A_529 = arith.minimumf %min3A_526, %squeeze3A_528 : f32
      %slice3A_530 = vector.extract_strided_slice %parallel_loop3A_494 {offsets = [12], sizes = [1], strides = [1]} : vector<16xf32> to vector<1xf32>
      %squeeze3A_531 = vector.extract %slice3A_530[0] : f32 from vector<1xf32>
      %min3A_532 = arith.minimumf %min3A_529, %squeeze3A_531 : f32
      %slice3A_533 = vector.extract_strided_slice %parallel_loop3A_494 {offsets = [13], sizes = [1], strides = [1]} : vector<16xf32> to vector<1xf32>
      %squeeze3A_534 = vector.extract %slice3A_533[0] : f32 from vector<1xf32>
      %min3A_535 = arith.minimumf %min3A_532, %squeeze3A_534 : f32
      %slice3A_536 = vector.extract_strided_slice %parallel_loop3A_494 {offsets = [14], sizes = [1], strides = [1]} : vector<16xf32> to vector<1xf32>
      %squeeze3A_537 = vector.extract %slice3A_536[0] : f32 from vector<1xf32>
      %min3A_538 = arith.minimumf %min3A_535, %squeeze3A_537 : f32
      %slice3A_539 = vector.extract_strided_slice %parallel_loop3A_494 {offsets = [15], sizes = [1], strides = [1]} : vector<16xf32> to vector<1xf32>
      %squeeze3A_540 = vector.extract %slice3A_539[0] : f32 from vector<1xf32>
      %min3A_541 = arith.minimumf %min3A_538, %squeeze3A_540 : f32
      %lt3A_542 = arith.constant 6.250000e+00 : f32
      %lt3A_543 = arith.cmpf olt, %min3A_541, %lt3A_542 : f32
      %convert_element_type3A_544 = arith.extui %lt3A_543 : i1 to i32
      %cond3A_545 = arith.constant 0 : i32
      %cond3A_546 = arith.cmpi ne, %convert_element_type3A_544, %cond3A_545 : i32
      scf.if %cond3A_546 {
        %mul3A_575 = arith.constant 2000 : i32
        %mul3A_576 = arith.muli %add3A_460, %mul3A_575 : i32
        %add3A_577 = arith.addi %mul3A_97, %mul3A_576 : i32
        %multiple_of3A_578 = tpu.assume_multiple %add3A_577, 2000 : i32
        %dma_start3A_579 = tpu.memref_slice %arg5[%multiple_of3A_578] : memref<3200000xf32, #tpu.memory_space<hbm>> -> memref<2000xf32, #tpu.memory_space<hbm>>
        %dma_start3A_580 = tpu.memref_slice %arg5[%multiple_of3A_578] : memref<3200000xf32, #tpu.memory_space<hbm>> -> memref<2000xf32, #tpu.memory_space<hbm>>
        tpu.enqueue_dma source(%dma_start3A_580 : memref<2000xf32, #tpu.memory_space<hbm>>) target(%arg25 : memref<2000xf32, #tpu.memory_space<vmem>>) target_semaphore(%arg33 : memref<!tpu.dma_semaphore, #tpu.memory_space<semaphore_mem>>)
        %mul3A_581 = arith.constant 2000 : i32
        %mul3A_582 = arith.muli %add3A_460, %mul3A_581 : i32
        %add3A_583 = arith.addi %mul3A_97, %mul3A_582 : i32
        %multiple_of3A_584 = tpu.assume_multiple %add3A_583, 2000 : i32
        %dma_start3A_585 = tpu.memref_slice %arg6[%multiple_of3A_584] : memref<3200000xf32, #tpu.memory_space<hbm>> -> memref<2000xf32, #tpu.memory_space<hbm>>
        %dma_start3A_586 = tpu.memref_slice %arg6[%multiple_of3A_584] : memref<3200000xf32, #tpu.memory_space<hbm>> -> memref<2000xf32, #tpu.memory_space<hbm>>
        tpu.enqueue_dma source(%dma_start3A_586 : memref<2000xf32, #tpu.memory_space<hbm>>) target(%arg26 : memref<2000xf32, #tpu.memory_space<vmem>>) target_semaphore(%arg33 : memref<!tpu.dma_semaphore, #tpu.memory_space<semaphore_mem>>)
        %dma_wait3A_587 = tpu.memref_slice %arg5[%multiple_of3A_578] : memref<3200000xf32, #tpu.memory_space<hbm>> -> memref<2000xf32, #tpu.memory_space<hbm>>
        %dma_wait3A_588 = tpu.memref_slice %arg5[%multiple_of3A_578] : memref<3200000xf32, #tpu.memory_space<hbm>> -> memref<2000xf32, #tpu.memory_space<hbm>>
        tpu.wait_dma2 semaphore(%arg33 : memref<!tpu.dma_semaphore, #tpu.memory_space<semaphore_mem>>) src(%dma_wait3A_588 : memref<2000xf32, #tpu.memory_space<hbm>>) dst(%arg25 : memref<2000xf32, #tpu.memory_space<vmem>>)
        %dma_wait3A_589 = tpu.memref_slice %arg6[%multiple_of3A_584] : memref<3200000xf32, #tpu.memory_space<hbm>> -> memref<2000xf32, #tpu.memory_space<hbm>>
        %dma_wait3A_590 = tpu.memref_slice %arg6[%multiple_of3A_584] : memref<3200000xf32, #tpu.memory_space<hbm>> -> memref<2000xf32, #tpu.memory_space<hbm>>
        tpu.wait_dma2 semaphore(%arg33 : memref<!tpu.dma_semaphore, #tpu.memory_space<semaphore_mem>>) src(%dma_wait3A_590 : memref<2000xf32, #tpu.memory_space<hbm>>) dst(%arg26 : memref<2000xf32, #tpu.memory_space<vmem>>)
        %scan3A_591 = arith.constant 0 : i32
        %scan3A_592 = arith.constant 0 : i32
        %scan3A_593 = arith.constant 125 : i32
        %scan3A_594 = arith.addi %scan3A_592, %scan3A_593 : i32
        %scan3A_595 = arith.constant 1 : i32
        %scan3A_596 = scf.for %scan3A_598 = %scan3A_592 to %scan3A_594 step %scan3A_595 iter_args(%scan3A_599 = %scan3A_591) -> (i32)  : i32 {
          %mul3A_600 = arith.constant 16 : i32
          %mul3A_601 = arith.muli %scan3A_598, %mul3A_600 : i32
          %mul3A_602 = arith.constant 16 : i32
          %mul3A_603 = arith.muli %scan3A_598, %mul3A_602 : i32
          %add3A_604 = arith.constant 2000 : i32
          %add3A_605 = arith.addi %add3A_604, %mul3A_603 : i32
          %get3A = arith.index_cast %mul3A_601 : i32 to index
          %get3A_606 = tpu.vector_load %arg22[%get3A] {strides = array<i32>} : memref<4000xf32, #tpu.memory_space<vmem>>, vector<16xf32>,
          %get3A_607 = vector.shape_cast %get3A_606 : vector<16xf32> to vector<16xf32>
          %get3A_608 = arith.index_cast %add3A_605 : i32 to index
          %get3A_609 = tpu.vector_load %arg22[%get3A_608] {strides = array<i32>} : memref<4000xf32, #tpu.memory_space<vmem>>, vector<16xf32>,
          %get3A_610 = vector.shape_cast %get3A_609 : vector<16xf32> to vector<16xf32>
          %sub3A = arith.subf %get3A_607, %get3A_610 : vector<16xf32>
          %get3A_611 = arith.index_cast %mul3A_601 : i32 to index
          %get3A_612 = tpu.vector_load %arg23[%get3A_611] {strides = array<i32>} : memref<4000xf32, #tpu.memory_space<vmem>>, vector<16xf32>,
          %get3A_613 = vector.shape_cast %get3A_612 : vector<16xf32> to vector<16xf32>
          %get3A_614 = arith.index_cast %add3A_605 : i32 to index
          %get3A_615 = tpu.vector_load %arg23[%get3A_614] {strides = array<i32>} : memref<4000xf32, #tpu.memory_space<vmem>>, vector<16xf32>,
          %get3A_616 = vector.shape_cast %get3A_615 : vector<16xf32> to vector<16xf32>
          %sub3A_617 = arith.subf %get3A_613, %get3A_616 : vector<16xf32>
          %get3A_618 = arith.index_cast %mul3A_601 : i32 to index
          %get3A_619 = tpu.vector_load %arg24[%get3A_618] {strides = array<i32>} : memref<4000xf32, #tpu.memory_space<vmem>>, vector<16xf32>,
          %get3A_620 = vector.shape_cast %get3A_619 : vector<16xf32> to vector<16xf32>
          %get3A_621 = arith.index_cast %add3A_605 : i32 to index
          %get3A_622 = tpu.vector_load %arg24[%get3A_621] {strides = array<i32>} : memref<4000xf32, #tpu.memory_space<vmem>>, vector<16xf32>,
          %get3A_623 = vector.shape_cast %get3A_622 : vector<16xf32> to vector<16xf32>
          %sub3A_624 = arith.subf %get3A_620, %get3A_623 : vector<16xf32>
          %gt3A = arith.constant 5.000000e+01 : f32
          %gt3A_625 = vector.broadcast %gt3A : f32 to vector<16xf32>
          %gt3A_626 = arith.cmpf ogt, %sub3A, %gt3A_625 : vector<16xf32>
          %jit3A = arith.constant 1.000000e+02 : f32
          %jit3A_627 = arith.constant 0.000000e+00 : f32
          %broadcast_in_dim3A_628 = vector.broadcast %jit3A : f32 to vector<16xf32>
          %broadcast_in_dim3A_629 = vector.broadcast %jit3A_627 : f32 to vector<16xf32>
          %select_n3A = arith.select %gt3A_626, %broadcast_in_dim3A_628, %broadcast_in_dim3A_629 : vector<16xi1>, vector<16xf32>
          %sub3A_630 = arith.subf %sub3A, %select_n3A : vector<16xf32>
          %lt3A_631 = arith.constant -5.000000e+01 : f32
          %lt3A_632 = vector.broadcast %lt3A_631 : f32 to vector<16xf32>
          %lt3A_633 = arith.cmpf olt, %sub3A, %lt3A_632 : vector<16xf32>
          %jit3A_634 = arith.constant 1.000000e+02 : f32
          %jit3A_635 = arith.constant 0.000000e+00 : f32
          %broadcast_in_dim3A_636 = vector.broadcast %jit3A_634 : f32 to vector<16xf32>
          %broadcast_in_dim3A_637 = vector.broadcast %jit3A_635 : f32 to vector<16xf32>
          %select_n3A_638 = arith.select %lt3A_633, %broadcast_in_dim3A_636, %broadcast_in_dim3A_637 : vector<16xi1>, vector<16xf32>
          %add3A_639 = arith.addf %sub3A_630, %select_n3A_638 : vector<16xf32>
          %gt3A_640 = arith.constant 5.000000e+01 : f32
          %gt3A_641 = vector.broadcast %gt3A_640 : f32 to vector<16xf32>
          %gt3A_642 = arith.cmpf ogt, %sub3A_617, %gt3A_641 : vector<16xf32>
          %jit3A_643 = arith.constant 1.000000e+02 : f32
          %jit3A_644 = arith.constant 0.000000e+00 : f32
          %broadcast_in_dim3A_645 = vector.broadcast %jit3A_643 : f32 to vector<16xf32>
          %broadcast_in_dim3A_646 = vector.broadcast %jit3A_644 : f32 to vector<16xf32>
          %select_n3A_647 = arith.select %gt3A_642, %broadcast_in_dim3A_645, %broadcast_in_dim3A_646 : vector<16xi1>, vector<16xf32>
          %sub3A_648 = arith.subf %sub3A_617, %select_n3A_647 : vector<16xf32>
          %lt3A_649 = arith.constant -5.000000e+01 : f32
          %lt3A_650 = vector.broadcast %lt3A_649 : f32 to vector<16xf32>
          %lt3A_651 = arith.cmpf olt, %sub3A_617, %lt3A_650 : vector<16xf32>
          %jit3A_652 = arith.constant 1.000000e+02 : f32
          %jit3A_653 = arith.constant 0.000000e+00 : f32
          %broadcast_in_dim3A_654 = vector.broadcast %jit3A_652 : f32 to vector<16xf32>
          %broadcast_in_dim3A_655 = vector.broadcast %jit3A_653 : f32 to vector<16xf32>
          %select_n3A_656 = arith.select %lt3A_651, %broadcast_in_dim3A_654, %broadcast_in_dim3A_655 : vector<16xi1>, vector<16xf32>
          %add3A_657 = arith.addf %sub3A_648, %select_n3A_656 : vector<16xf32>
          %gt3A_658 = arith.constant 5.000000e+01 : f32
          %gt3A_659 = vector.broadcast %gt3A_658 : f32 to vector<16xf32>
          %gt3A_660 = arith.cmpf ogt, %sub3A_624, %gt3A_659 : vector<16xf32>
          %jit3A_661 = arith.constant 1.000000e+02 : f32
          %jit3A_662 = arith.constant 0.000000e+00 : f32
          %broadcast_in_dim3A_663 = vector.broadcast %jit3A_661 : f32 to vector<16xf32>
          %broadcast_in_dim3A_664 = vector.broadcast %jit3A_662 : f32 to vector<16xf32>
          %select_n3A_665 = arith.select %gt3A_660, %broadcast_in_dim3A_663, %broadcast_in_dim3A_664 : vector<16xi1>, vector<16xf32>
          %sub3A_666 = arith.subf %sub3A_624, %select_n3A_665 : vector<16xf32>
          %lt3A_667 = arith.constant -5.000000e+01 : f32
          %lt3A_668 = vector.broadcast %lt3A_667 : f32 to vector<16xf32>
          %lt3A_669 = arith.cmpf olt, %sub3A_624, %lt3A_668 : vector<16xf32>
          %jit3A_670 = arith.constant 1.000000e+02 : f32
          %jit3A_671 = arith.constant 0.000000e+00 : f32
          %broadcast_in_dim3A_672 = vector.broadcast %jit3A_670 : f32 to vector<16xf32>
          %broadcast_in_dim3A_673 = vector.broadcast %jit3A_671 : f32 to vector<16xf32>
          %select_n3A_674 = arith.select %lt3A_669, %broadcast_in_dim3A_672, %broadcast_in_dim3A_673 : vector<16xi1>, vector<16xf32>
          %add3A_675 = arith.addf %sub3A_666, %select_n3A_674 : vector<16xf32>
          %mul3A_676 = arith.mulf %add3A_639, %add3A_639 : vector<16xf32>
          %mul3A_677 = arith.mulf %add3A_657, %add3A_657 : vector<16xf32>
          %add3A_678 = arith.addf %mul3A_676, %mul3A_677 : vector<16xf32>
          %mul3A_679 = arith.mulf %add3A_675, %add3A_675 : vector<16xf32>
          %add3A_680 = arith.addf %add3A_678, %mul3A_679 : vector<16xf32>
          %max3A = arith.constant 1.000000e-24 : f32
          %max3A_681 = vector.broadcast %max3A : f32 to vector<16xf32>
          %max3A_682 = arith.maximumf %add3A_680, %max3A_681 : vector<16xf32>
          %div3A = arith.constant 1.000000e+00 : f32
          %div3A_683 = vector.broadcast %div3A : f32 to vector<16xf32>
          %div3A_684 = arith.divf %div3A_683, %max3A_682 : vector<16xf32>
          %lt3A_685 = arith.constant 6.250000e+00 : f32
          %lt3A_686 = vector.broadcast %lt3A_685 : f32 to vector<16xf32>
          %lt3A_687 = arith.cmpf olt, %max3A_682, %lt3A_686 : vector<16xf32>
          %get3A_688 = arith.index_cast %mul3A_601 : i32 to index
          %get3A_689 = tpu.vector_load %arg25[%get3A_688] {strides = array<i32>} : memref<2000xf32, #tpu.memory_space<vmem>>, vector<16xf32>,
          %get3A_690 = vector.shape_cast %get3A_689 : vector<16xf32> to vector<16xf32>
          %get3A_691 = arith.index_cast %mul3A_601 : i32 to index
          %get3A_692 = tpu.vector_load %arg26[%get3A_691] {strides = array<i32>} : memref<2000xf32, #tpu.memory_space<vmem>>, vector<16xf32>,
          %get3A_693 = vector.shape_cast %get3A_692 : vector<16xf32> to vector<16xf32>
          %mul3A_694 = arith.mulf %get3A_693, %get3A_693 : vector<16xf32>
          %mul3A_695 = arith.mulf %mul3A_694, %div3A_684 : vector<16xf32>
          %mul3A_696 = arith.mulf %mul3A_695, %mul3A_695 : vector<16xf32>
          %mul3A_697 = arith.mulf %mul3A_696, %mul3A_695 : vector<16xf32>
          %mul3A_698 = arith.mulf %mul3A_697, %mul3A_697 : vector<16xf32>
          %mul3A_699 = arith.constant 4.000000e+00 : f32
          %mul3A_700 = vector.broadcast %mul3A_699 : f32 to vector<16xf32>
          %mul3A_701 = arith.mulf %mul3A_700, %get3A_690 : vector<16xf32>
          %sub3A_702 = arith.subf %mul3A_698, %mul3A_697 : vector<16xf32>
          %mul3A_703 = arith.mulf %mul3A_701, %sub3A_702 : vector<16xf32>
          %jit3A_704 = arith.constant 0.000000e+00 : f32
          %broadcast_in_dim3A_705 = vector.broadcast %jit3A_704 : f32 to vector<16xf32>
          %select_n3A_706 = arith.select %lt3A_687, %mul3A_703, %broadcast_in_dim3A_705 : vector<16xi1>, vector<16xf32>
          %mul3A_707 = arith.constant 2.400000e+01 : f32
          %mul3A_708 = vector.broadcast %mul3A_707 : f32 to vector<16xf32>
          %mul3A_709 = arith.mulf %mul3A_708, %get3A_690 : vector<16xf32>
          %mul3A_710 = arith.constant 2.000000e+00 : f32
          %mul3A_711 = vector.broadcast %mul3A_710 : f32 to vector<16xf32>
          %mul3A_712 = arith.mulf %mul3A_711, %mul3A_698 : vector<16xf32>
          %sub3A_713 = arith.subf %mul3A_712, %mul3A_697 : vector<16xf32>
          %mul3A_714 = arith.mulf %mul3A_709, %sub3A_713 : vector<16xf32>
          %jit3A_715 = arith.constant 0.000000e+00 : f32
          %broadcast_in_dim3A_716 = vector.broadcast %jit3A_715 : f32 to vector<16xf32>
          %select_n3A_717 = arith.select %lt3A_687, %mul3A_714, %broadcast_in_dim3A_716 : vector<16xi1>, vector<16xf32>
          %mul3A_718 = arith.mulf %select_n3A_717, %div3A_684 : vector<16xf32>
          %mul3A_719 = arith.mulf %mul3A_718, %add3A_639 : vector<16xf32>
          %mul3A_720 = arith.mulf %mul3A_718, %add3A_657 : vector<16xf32>
          %mul3A_721 = arith.mulf %mul3A_718, %add3A_675 : vector<16xf32>
          %swap3A_722 = arith.index_cast %mul3A_601 : i32 to index
          %swap3A_723 = tpu.vector_load %arg27[%swap3A_722] {strides = array<i32>} : memref<4000xf32, #tpu.memory_space<vmem>>, vector<16xf32>,
          %swap3A_724 = vector.shape_cast %swap3A_723 : vector<16xf32> to vector<16xf32>
          %swap3A_725 = vector.shape_cast %mul3A_719 : vector<16xf32> to vector<16xf32>
          tpu.vector_store %arg27[%swap3A_722], %swap3A_725 {strides = array<i32>} : memref<4000xf32, #tpu.memory_space<vmem>>, vector<16xf32>,
          %swap3A_726 = arith.index_cast %mul3A_601 : i32 to index
          %swap3A_727 = tpu.vector_load %arg28[%swap3A_726] {strides = array<i32>} : memref<4000xf32, #tpu.memory_space<vmem>>, vector<16xf32>,
          %swap3A_728 = vector.shape_cast %swap3A_727 : vector<16xf32> to vector<16xf32>
          %swap3A_729 = vector.shape_cast %mul3A_720 : vector<16xf32> to vector<16xf32>
          tpu.vector_store %arg28[%swap3A_726], %swap3A_729 {strides = array<i32>} : memref<4000xf32, #tpu.memory_space<vmem>>, vector<16xf32>,
          %swap3A_730 = arith.index_cast %mul3A_601 : i32 to index
          %swap3A_731 = tpu.vector_load %arg29[%swap3A_730] {strides = array<i32>} : memref<4000xf32, #tpu.memory_space<vmem>>, vector<16xf32>,
          %swap3A_732 = vector.shape_cast %swap3A_731 : vector<16xf32> to vector<16xf32>
          %swap3A_733 = vector.shape_cast %mul3A_721 : vector<16xf32> to vector<16xf32>
          tpu.vector_store %arg29[%swap3A_730], %swap3A_733 {strides = array<i32>} : memref<4000xf32, #tpu.memory_space<vmem>>, vector<16xf32>,
          %neg3A = arith.constant 0.000000e+00 : f32
          %neg3A_734 = vector.broadcast %neg3A : f32 to vector<16xf32>
          %neg3A_735 = arith.subf %neg3A_734, %mul3A_719 : vector<16xf32>
          %swap3A_736 = arith.index_cast %add3A_605 : i32 to index
          %swap3A_737 = tpu.vector_load %arg27[%swap3A_736] {strides = array<i32>} : memref<4000xf32, #tpu.memory_space<vmem>>, vector<16xf32>,
          %swap3A_738 = vector.shape_cast %swap3A_737 : vector<16xf32> to vector<16xf32>
          %swap3A_739 = vector.shape_cast %neg3A_735 : vector<16xf32> to vector<16xf32>
          tpu.vector_store %arg27[%swap3A_736], %swap3A_739 {strides = array<i32>} : memref<4000xf32, #tpu.memory_space<vmem>>, vector<16xf32>,
          %neg3A_740 = arith.constant 0.000000e+00 : f32
          %neg3A_741 = vector.broadcast %neg3A_740 : f32 to vector<16xf32>
          %neg3A_742 = arith.subf %neg3A_741, %mul3A_720 : vector<16xf32>
          %swap3A_743 = arith.index_cast %add3A_605 : i32 to index
          %swap3A_744 = tpu.vector_load %arg28[%swap3A_743] {strides = array<i32>} : memref<4000xf32, #tpu.memory_space<vmem>>, vector<16xf32>,
          %swap3A_745 = vector.shape_cast %swap3A_744 : vector<16xf32> to vector<16xf32>
          %swap3A_746 = vector.shape_cast %neg3A_742 : vector<16xf32> to vector<16xf32>
          tpu.vector_store %arg28[%swap3A_743], %swap3A_746 {strides = array<i32>} : memref<4000xf32, #tpu.memory_space<vmem>>, vector<16xf32>,
          %neg3A_747 = arith.constant 0.000000e+00 : f32
          %neg3A_748 = vector.broadcast %neg3A_747 : f32 to vector<16xf32>
          %neg3A_749 = arith.subf %neg3A_748, %mul3A_721 : vector<16xf32>
          %swap3A_750 = arith.index_cast %add3A_605 : i32 to index
          %swap3A_751 = tpu.vector_load %arg29[%swap3A_750] {strides = array<i32>} : memref<4000xf32, #tpu.memory_space<vmem>>, vector<16xf32>,
          %swap3A_752 = vector.shape_cast %swap3A_751 : vector<16xf32> to vector<16xf32>
          %swap3A_753 = vector.shape_cast %neg3A_749 : vector<16xf32> to vector<16xf32>
          tpu.vector_store %arg29[%swap3A_750], %swap3A_753 {strides = array<i32>} : memref<4000xf32, #tpu.memory_space<vmem>>, vector<16xf32>,
          %mul3A_754 = arith.mulf %mul3A_719, %add3A_639 : vector<16xf32>
          %mul3A_755 = arith.mulf %mul3A_719, %add3A_657 : vector<16xf32>
          %mul3A_756 = arith.mulf %mul3A_719, %add3A_675 : vector<16xf32>
          %mul3A_757 = arith.mulf %mul3A_720, %add3A_639 : vector<16xf32>
          %mul3A_758 = arith.mulf %mul3A_720, %add3A_657 : vector<16xf32>
          %mul3A_759 = arith.mulf %mul3A_720, %add3A_675 : vector<16xf32>
          %mul3A_760 = arith.mulf %mul3A_721, %add3A_639 : vector<16xf32>
          %mul3A_761 = arith.mulf %mul3A_721, %add3A_657 : vector<16xf32>
          %mul3A_762 = arith.mulf %mul3A_721, %add3A_675 : vector<16xf32>
          %get3A_763 = arith.constant 0 : index
          %get3A_764 = tpu.vector_load %arg30[%get3A_763] {strides = array<i32>} : memref<176xf32, #tpu.memory_space<vmem>>, vector<16xf32>,
          %get3A_765 = vector.shape_cast %get3A_764 : vector<16xf32> to vector<16xf32>
          %add3A_766 = arith.addf %get3A_765, %select_n3A_706 : vector<16xf32>
          %swap3A_767 = arith.constant 0 : index
          %swap3A_768 = tpu.vector_load %arg30[%swap3A_767] {strides = array<i32>} : memref<176xf32, #tpu.memory_space<vmem>>, vector<16xf32>,
          %swap3A_769 = vector.shape_cast %swap3A_768 : vector<16xf32> to vector<16xf32>
          %swap3A_770 = vector.shape_cast %add3A_766 : vector<16xf32> to vector<16xf32>
          tpu.vector_store %arg30[%swap3A_767], %swap3A_770 {strides = array<i32>} : memref<176xf32, #tpu.memory_space<vmem>>, vector<16xf32>,
          %get3A_771 = arith.constant 16 : index
          %get3A_772 = tpu.vector_load %arg30[%get3A_771] {strides = array<i32>} : memref<176xf32, #tpu.memory_space<vmem>>, vector<16xf32>,
          %get3A_773 = vector.shape_cast %get3A_772 : vector<16xf32> to vector<16xf32>
          %add3A_774 = arith.addf %get3A_773, %select_n3A_717 : vector<16xf32>
          %swap3A_775 = arith.constant 16 : index
          %swap3A_776 = tpu.vector_load %arg30[%swap3A_775] {strides = array<i32>} : memref<176xf32, #tpu.memory_space<vmem>>, vector<16xf32>,
          %swap3A_777 = vector.shape_cast %swap3A_776 : vector<16xf32> to vector<16xf32>
          %swap3A_778 = vector.shape_cast %add3A_774 : vector<16xf32> to vector<16xf32>
          tpu.vector_store %arg30[%swap3A_775], %swap3A_778 {strides = array<i32>} : memref<176xf32, #tpu.memory_space<vmem>>, vector<16xf32>,
          %get3A_779 = arith.constant 32 : index
          %get3A_780 = tpu.vector_load %arg30[%get3A_779] {strides = array<i32>} : memref<176xf32, #tpu.memory_space<vmem>>, vector<16xf32>,
          %get3A_781 = vector.shape_cast %get3A_780 : vector<16xf32> to vector<16xf32>
          %add3A_782 = arith.addf %get3A_781, %mul3A_754 : vector<16xf32>
          %swap3A_783 = arith.constant 32 : index
          %swap3A_784 = tpu.vector_load %arg30[%swap3A_783] {strides = array<i32>} : memref<176xf32, #tpu.memory_space<vmem>>, vector<16xf32>,
          %swap3A_785 = vector.shape_cast %swap3A_784 : vector<16xf32> to vector<16xf32>
          %swap3A_786 = vector.shape_cast %add3A_782 : vector<16xf32> to vector<16xf32>
          tpu.vector_store %arg30[%swap3A_783], %swap3A_786 {strides = array<i32>} : memref<176xf32, #tpu.memory_space<vmem>>, vector<16xf32>,
          %get3A_787 = arith.constant 48 : index
          %get3A_788 = tpu.vector_load %arg30[%get3A_787] {strides = array<i32>} : memref<176xf32, #tpu.memory_space<vmem>>, vector<16xf32>,
          %get3A_789 = vector.shape_cast %get3A_788 : vector<16xf32> to vector<16xf32>
          %add3A_790 = arith.addf %get3A_789, %mul3A_755 : vector<16xf32>
          %swap3A_791 = arith.constant 48 : index
          %swap3A_792 = tpu.vector_load %arg30[%swap3A_791] {strides = array<i32>} : memref<176xf32, #tpu.memory_space<vmem>>, vector<16xf32>,
          %swap3A_793 = vector.shape_cast %swap3A_792 : vector<16xf32> to vector<16xf32>
          %swap3A_794 = vector.shape_cast %add3A_790 : vector<16xf32> to vector<16xf32>
          tpu.vector_store %arg30[%swap3A_791], %swap3A_794 {strides = array<i32>} : memref<176xf32, #tpu.memory_space<vmem>>, vector<16xf32>,
          %get3A_795 = arith.constant 64 : index
          %get3A_796 = tpu.vector_load %arg30[%get3A_795] {strides = array<i32>} : memref<176xf32, #tpu.memory_space<vmem>>, vector<16xf32>,
          %get3A_797 = vector.shape_cast %get3A_796 : vector<16xf32> to vector<16xf32>
          %add3A_798 = arith.addf %get3A_797, %mul3A_756 : vector<16xf32>
          %swap3A_799 = arith.constant 64 : index
          %swap3A_800 = tpu.vector_load %arg30[%swap3A_799] {strides = array<i32>} : memref<176xf32, #tpu.memory_space<vmem>>, vector<16xf32>,
          %swap3A_801 = vector.shape_cast %swap3A_800 : vector<16xf32> to vector<16xf32>
          %swap3A_802 = vector.shape_cast %add3A_798 : vector<16xf32> to vector<16xf32>
          tpu.vector_store %arg30[%swap3A_799], %swap3A_802 {strides = array<i32>} : memref<176xf32, #tpu.memory_space<vmem>>, vector<16xf32>,
          %get3A_803 = arith.constant 80 : index
          %get3A_804 = tpu.vector_load %arg30[%get3A_803] {strides = array<i32>} : memref<176xf32, #tpu.memory_space<vmem>>, vector<16xf32>,
          %get3A_805 = vector.shape_cast %get3A_804 : vector<16xf32> to vector<16xf32>
          %add3A_806 = arith.addf %get3A_805, %mul3A_757 : vector<16xf32>
          %swap3A_807 = arith.constant 80 : index
          %swap3A_808 = tpu.vector_load %arg30[%swap3A_807] {strides = array<i32>} : memref<176xf32, #tpu.memory_space<vmem>>, vector<16xf32>,
          %swap3A_809 = vector.shape_cast %swap3A_808 : vector<16xf32> to vector<16xf32>
          %swap3A_810 = vector.shape_cast %add3A_806 : vector<16xf32> to vector<16xf32>
          tpu.vector_store %arg30[%swap3A_807], %swap3A_810 {strides = array<i32>} : memref<176xf32, #tpu.memory_space<vmem>>, vector<16xf32>,
          %get3A_811 = arith.constant 96 : index
          %get3A_812 = tpu.vector_load %arg30[%get3A_811] {strides = array<i32>} : memref<176xf32, #tpu.memory_space<vmem>>, vector<16xf32>,
          %get3A_813 = vector.shape_cast %get3A_812 : vector<16xf32> to vector<16xf32>
          %add3A_814 = arith.addf %get3A_813, %mul3A_758 : vector<16xf32>
          %swap3A_815 = arith.constant 96 : index
          %swap3A_816 = tpu.vector_load %arg30[%swap3A_815] {strides = array<i32>} : memref<176xf32, #tpu.memory_space<vmem>>, vector<16xf32>,
          %swap3A_817 = vector.shape_cast %swap3A_816 : vector<16xf32> to vector<16xf32>
          %swap3A_818 = vector.shape_cast %add3A_814 : vector<16xf32> to vector<16xf32>
          tpu.vector_store %arg30[%swap3A_815], %swap3A_818 {strides = array<i32>} : memref<176xf32, #tpu.memory_space<vmem>>, vector<16xf32>,
          %get3A_819 = arith.constant 112 : index
          %get3A_820 = tpu.vector_load %arg30[%get3A_819] {strides = array<i32>} : memref<176xf32, #tpu.memory_space<vmem>>, vector<16xf32>,
          %get3A_821 = vector.shape_cast %get3A_820 : vector<16xf32> to vector<16xf32>
          %add3A_822 = arith.addf %get3A_821, %mul3A_759 : vector<16xf32>
          %swap3A_823 = arith.constant 112 : index
          %swap3A_824 = tpu.vector_load %arg30[%swap3A_823] {strides = array<i32>} : memref<176xf32, #tpu.memory_space<vmem>>, vector<16xf32>,
          %swap3A_825 = vector.shape_cast %swap3A_824 : vector<16xf32> to vector<16xf32>
          %swap3A_826 = vector.shape_cast %add3A_822 : vector<16xf32> to vector<16xf32>
          tpu.vector_store %arg30[%swap3A_823], %swap3A_826 {strides = array<i32>} : memref<176xf32, #tpu.memory_space<vmem>>, vector<16xf32>,
          %get3A_827 = arith.constant 128 : index
          %get3A_828 = tpu.vector_load %arg30[%get3A_827] {strides = array<i32>} : memref<176xf32, #tpu.memory_space<vmem>>, vector<16xf32>,
          %get3A_829 = vector.shape_cast %get3A_828 : vector<16xf32> to vector<16xf32>
          %add3A_830 = arith.addf %get3A_829, %mul3A_760 : vector<16xf32>
          %swap3A_831 = arith.constant 128 : index
          %swap3A_832 = tpu.vector_load %arg30[%swap3A_831] {strides = array<i32>} : memref<176xf32, #tpu.memory_space<vmem>>, vector<16xf32>,
          %swap3A_833 = vector.shape_cast %swap3A_832 : vector<16xf32> to vector<16xf32>
          %swap3A_834 = vector.shape_cast %add3A_830 : vector<16xf32> to vector<16xf32>
          tpu.vector_store %arg30[%swap3A_831], %swap3A_834 {strides = array<i32>} : memref<176xf32, #tpu.memory_space<vmem>>, vector<16xf32>,
          %get3A_835 = arith.constant 144 : index
          %get3A_836 = tpu.vector_load %arg30[%get3A_835] {strides = array<i32>} : memref<176xf32, #tpu.memory_space<vmem>>, vector<16xf32>,
          %get3A_837 = vector.shape_cast %get3A_836 : vector<16xf32> to vector<16xf32>
          %add3A_838 = arith.addf %get3A_837, %mul3A_761 : vector<16xf32>
          %swap3A_839 = arith.constant 144 : index
          %swap3A_840 = tpu.vector_load %arg30[%swap3A_839] {strides = array<i32>} : memref<176xf32, #tpu.memory_space<vmem>>, vector<16xf32>,
          %swap3A_841 = vector.shape_cast %swap3A_840 : vector<16xf32> to vector<16xf32>
          %swap3A_842 = vector.shape_cast %add3A_838 : vector<16xf32> to vector<16xf32>
          tpu.vector_store %arg30[%swap3A_839], %swap3A_842 {strides = array<i32>} : memref<176xf32, #tpu.memory_space<vmem>>, vector<16xf32>,
          %get3A_843 = arith.constant 160 : index
          %get3A_844 = tpu.vector_load %arg30[%get3A_843] {strides = array<i32>} : memref<176xf32, #tpu.memory_space<vmem>>, vector<16xf32>,
          %get3A_845 = vector.shape_cast %get3A_844 : vector<16xf32> to vector<16xf32>
          %add3A_846 = arith.addf %get3A_845, %mul3A_762 : vector<16xf32>
          %swap3A_847 = arith.constant 160 : index
          %swap3A_848 = tpu.vector_load %arg30[%swap3A_847] {strides = array<i32>} : memref<176xf32, #tpu.memory_space<vmem>>, vector<16xf32>,
          %swap3A_849 = vector.shape_cast %swap3A_848 : vector<16xf32> to vector<16xf32>
          %swap3A_850 = vector.shape_cast %add3A_846 : vector<16xf32> to vector<16xf32>
          tpu.vector_store %arg30[%swap3A_847], %swap3A_850 {strides = array<i32>} : memref<176xf32, #tpu.memory_space<vmem>>, vector<16xf32>,
          %scan3A_851 = arith.constant 0 : i32
          scf.yield %scan3A_851 : i32
        }
        %scan3A_597 = arith.constant 125 : i32
        "tpu.region"() ({
          %run_scoped3A = tpu.sem_alloc : memref<!tpu.dma_semaphore, #tpu.memory_space<semaphore_mem>>
          %dma_start3A_598 = arith.constant 0 : i32
          %dma_start3A_599 = tpu.memref_slice %arg14[%dma_start3A_598] : memref<100000xf32, #tpu.memory_space<vmem_shared>> -> memref<100000xf32, #tpu.memory_space<vmem_shared>>
          tpu.enqueue_indirect_dma source(%arg27 : memref<4000xf32, #tpu.memory_space<vmem>>) target(%dma_start3A_599 : memref<100000xf32, #tpu.memory_space<vmem_shared>>) offsets(%arg18 : memref<4000xi32, #tpu.memory_space<vmem>>) semaphore(%run_scoped3A : memref<!tpu.dma_semaphore, #tpu.memory_space<semaphore_mem>>) {add = true}
          %dma_wait3A_600 = arith.constant 0 : i32
          %dma_wait3A_601 = tpu.memref_slice %arg14[%dma_wait3A_600] : memref<100000xf32, #tpu.memory_space<vmem_shared>> -> memref<100000xf32, #tpu.memory_space<vmem_shared>>
          tpu.wait_indirect_dma semaphore(%run_scoped3A : memref<!tpu.dma_semaphore, #tpu.memory_space<semaphore_mem>>) src(%arg27 : memref<4000xf32, #tpu.memory_space<vmem>>) dst(%dma_wait3A_601 : memref<100000xf32, #tpu.memory_space<vmem_shared>>)
          tpu.yield
        }) : () -> ()
        "tpu.region"() ({
          %run_scoped3A = tpu.sem_alloc : memref<!tpu.dma_semaphore, #tpu.memory_space<semaphore_mem>>
          %dma_start3A_598 = arith.constant 0 : i32
          %dma_start3A_599 = tpu.memref_slice %arg15[%dma_start3A_598] : memref<100000xf32, #tpu.memory_space<vmem_shared>> -> memref<100000xf32, #tpu.memory_space<vmem_shared>>
          tpu.enqueue_indirect_dma source(%arg28 : memref<4000xf32, #tpu.memory_space<vmem>>) target(%dma_start3A_599 : memref<100000xf32, #tpu.memory_space<vmem_shared>>) offsets(%arg18 : memref<4000xi32, #tpu.memory_space<vmem>>) semaphore(%run_scoped3A : memref<!tpu.dma_semaphore, #tpu.memory_space<semaphore_mem>>) {add = true}
          %dma_wait3A_600 = arith.constant 0 : i32
          %dma_wait3A_601 = tpu.memref_slice %arg15[%dma_wait3A_600] : memref<100000xf32, #tpu.memory_space<vmem_shared>> -> memref<100000xf32, #tpu.memory_space<vmem_shared>>
          tpu.wait_indirect_dma semaphore(%run_scoped3A : memref<!tpu.dma_semaphore, #tpu.memory_space<semaphore_mem>>) src(%arg28 : memref<4000xf32, #tpu.memory_space<vmem>>) dst(%dma_wait3A_601 : memref<100000xf32, #tpu.memory_space<vmem_shared>>)
          tpu.yield
        }) : () -> ()
        "tpu.region"() ({
          %run_scoped3A = tpu.sem_alloc : memref<!tpu.dma_semaphore, #tpu.memory_space<semaphore_mem>>
          %dma_start3A_598 = arith.constant 0 : i32
          %dma_start3A_599 = tpu.memref_slice %arg16[%dma_start3A_598] : memref<100000xf32, #tpu.memory_space<vmem_shared>> -> memref<100000xf32, #tpu.memory_space<vmem_shared>>
          tpu.enqueue_indirect_dma source(%arg29 : memref<4000xf32, #tpu.memory_space<vmem>>) target(%dma_start3A_599 : memref<100000xf32, #tpu.memory_space<vmem_shared>>) offsets(%arg18 : memref<4000xi32, #tpu.memory_space<vmem>>) semaphore(%run_scoped3A : memref<!tpu.dma_semaphore, #tpu.memory_space<semaphore_mem>>) {add = true}
          %dma_wait3A_600 = arith.constant 0 : i32
          %dma_wait3A_601 = tpu.memref_slice %arg16[%dma_wait3A_600] : memref<100000xf32, #tpu.memory_space<vmem_shared>> -> memref<100000xf32, #tpu.memory_space<vmem_shared>>
          tpu.wait_indirect_dma semaphore(%run_scoped3A : memref<!tpu.dma_semaphore, #tpu.memory_space<semaphore_mem>>) src(%arg29 : memref<4000xf32, #tpu.memory_space<vmem>>) dst(%dma_wait3A_601 : memref<100000xf32, #tpu.memory_space<vmem_shared>>)
          tpu.yield
        }) : () -> ()
      } else {
      }
      %add3A_547 = arith.constant 1 : i32
      %add3A_548 = arith.addi %add3A_460, %add3A_547 : i32
      %mul3A_549 = arith.constant 2000 : i32
      %mul3A_550 = arith.muli %add3A_548, %mul3A_549 : i32
      %add3A_551 = arith.addi %mul3A_97, %mul3A_550 : i32
      %multiple_of3A_552 = tpu.assume_multiple %add3A_551, 2000 : i32
      %dma_wait3A_553 = arith.constant 0 : i32
      %dma_wait3A_554 = tpu.memref_slice %arg17[%dma_wait3A_553] : memref<4000xi32, #tpu.memory_space<vmem>> -> memref<2000xi32, #tpu.memory_space<vmem>>
      %dma_wait3A_555 = tpu.memref_slice %arg7[%multiple_of3A_552] : memref<3200000xi32, #tpu.memory_space<hbm>> -> memref<2000xi32, #tpu.memory_space<hbm>>
      %dma_wait3A_556 = arith.constant 0 : i32
      %dma_wait3A_557 = tpu.memref_slice %arg17[%dma_wait3A_556] : memref<4000xi32, #tpu.memory_space<vmem>> -> memref<2000xi32, #tpu.memory_space<vmem>>
      %dma_wait3A_558 = tpu.memref_slice %arg7[%multiple_of3A_552] : memref<3200000xi32, #tpu.memory_space<hbm>> -> memref<2000xi32, #tpu.memory_space<hbm>>
      tpu.wait_dma2 semaphore(%arg32 : memref<!tpu.dma_semaphore, #tpu.memory_space<semaphore_mem>>) src(%dma_wait3A_558 : memref<2000xi32, #tpu.memory_space<hbm>>) dst(%dma_wait3A_557 : memref<2000xi32, #tpu.memory_space<vmem>>)
      %mul3A_559 = arith.constant 2000 : i32
      %mul3A_560 = arith.muli %add3A_548, %mul3A_559 : i32
      %add3A_561 = arith.addi %mul3A_97, %mul3A_560 : i32
      %multiple_of3A_562 = tpu.assume_multiple %add3A_561, 2000 : i32
      %dma_wait3A_563 = arith.constant 2000 : i32
      %dma_wait3A_564 = tpu.memref_slice %arg17[%dma_wait3A_563] : memref<4000xi32, #tpu.memory_space<vmem>> -> memref<2000xi32, #tpu.memory_space<vmem>>
      %dma_wait3A_565 = tpu.memref_slice %arg8[%multiple_of3A_562] : memref<3200000xi32, #tpu.memory_space<hbm>> -> memref<2000xi32, #tpu.memory_space<hbm>>
      %dma_wait3A_566 = arith.constant 2000 : i32
      %dma_wait3A_567 = tpu.memref_slice %arg17[%dma_wait3A_566] : memref<4000xi32, #tpu.memory_space<vmem>> -> memref<2000xi32, #tpu.memory_space<vmem>>
      %dma_wait3A_568 = tpu.memref_slice %arg8[%multiple_of3A_562] : memref<3200000xi32, #tpu.memory_space<hbm>> -> memref<2000xi32, #tpu.memory_space<hbm>>
      tpu.wait_dma2 semaphore(%arg32 : memref<!tpu.dma_semaphore, #tpu.memory_space<semaphore_mem>>) src(%dma_wait3A_568 : memref<2000xi32, #tpu.memory_space<hbm>>) dst(%dma_wait3A_567 : memref<2000xi32, #tpu.memory_space<vmem>>)
      %dma_start3A_569 = arith.constant 0 : i32
      %dma_start3A_570 = tpu.memref_slice %arg11[%dma_start3A_569] : memref<100000xf32, #tpu.memory_space<vmem_shared>> -> memref<100000xf32, #tpu.memory_space<vmem_shared>>
      tpu.enqueue_indirect_dma source(%dma_start3A_570 : memref<100000xf32, #tpu.memory_space<vmem_shared>>) target(%arg19 : memref<4000xf32, #tpu.memory_space<vmem>>) offsets(%arg17 : memref<4000xi32, #tpu.memory_space<vmem>>) semaphore(%arg34 : memref<!tpu.dma_semaphore, #tpu.memory_space<semaphore_mem>>)
      %dma_start3A_571 = arith.constant 0 : i32
      %dma_start3A_572 = tpu.memref_slice %arg12[%dma_start3A_571] : memref<100000xf32, #tpu.memory_space<vmem_shared>> -> memref<100000xf32, #tpu.memory_space<vmem_shared>>
      tpu.enqueue_indirect_dma source(%dma_start3A_572 : memref<100000xf32, #tpu.memory_space<vmem_shared>>) target(%arg20 : memref<4000xf32, #tpu.memory_space<vmem>>) offsets(%arg17 : memref<4000xi32, #tpu.memory_space<vmem>>) semaphore(%arg34 : memref<!tpu.dma_semaphore, #tpu.memory_space<semaphore_mem>>)
      %dma_start3A_573 = arith.constant 0 : i32
      %dma_start3A_574 = tpu.memref_slice %arg13[%dma_start3A_573] : memref<100000xf32, #tpu.memory_space<vmem_shared>> -> memref<100000xf32, #tpu.memory_space<vmem_shared>>
      tpu.enqueue_indirect_dma source(%dma_start3A_574 : memref<100000xf32, #tpu.memory_space<vmem_shared>>) target(%arg21 : memref<4000xf32, #tpu.memory_space<vmem>>) offsets(%arg17 : memref<4000xi32, #tpu.memory_space<vmem>>) semaphore(%arg34 : memref<!tpu.dma_semaphore, #tpu.memory_space<semaphore_mem>>)
    }
    %scan3A_142 = arith.constant 24 : i32
    %add3A_143 = arith.constant 98000 : i32
    %add3A_144 = arith.addi %mul3A_97, %add3A_143 : i32
    %multiple_of3A_145 = tpu.assume_multiple %add3A_144, 2000 : i32
    %dma_start3A_146 = arith.constant 0 : i32
    %dma_start3A_147 = tpu.memref_slice %arg18[%dma_start3A_146] : memref<4000xi32, #tpu.memory_space<vmem>> -> memref<2000xi32, #tpu.memory_space<vmem>>
    %dma_start3A_148 = tpu.memref_slice %arg7[%multiple_of3A_145] : memref<3200000xi32, #tpu.memory_space<hbm>> -> memref<2000xi32, #tpu.memory_space<hbm>>
    %dma_start3A_149 = arith.constant 0 : i32
    %dma_start3A_150 = tpu.memref_slice %arg18[%dma_start3A_149] : memref<4000xi32, #tpu.memory_space<vmem>> -> memref<2000xi32, #tpu.memory_space<vmem>>
    %dma_start3A_151 = tpu.memref_slice %arg7[%multiple_of3A_145] : memref<3200000xi32, #tpu.memory_space<hbm>> -> memref<2000xi32, #tpu.memory_space<hbm>>
    tpu.enqueue_dma source(%dma_start3A_151 : memref<2000xi32, #tpu.memory_space<hbm>>) target(%dma_start3A_150 : memref<2000xi32, #tpu.memory_space<vmem>>) target_semaphore(%arg33 : memref<!tpu.dma_semaphore, #tpu.memory_space<semaphore_mem>>)
    %add3A_152 = arith.constant 98000 : i32
    %add3A_153 = arith.addi %mul3A_97, %add3A_152 : i32
    %multiple_of3A_154 = tpu.assume_multiple %add3A_153, 2000 : i32
    %dma_start3A_155 = arith.constant 2000 : i32
    %dma_start3A_156 = tpu.memref_slice %arg18[%dma_start3A_155] : memref<4000xi32, #tpu.memory_space<vmem>> -> memref<2000xi32, #tpu.memory_space<vmem>>
    %dma_start3A_157 = tpu.memref_slice %arg8[%multiple_of3A_154] : memref<3200000xi32, #tpu.memory_space<hbm>> -> memref<2000xi32, #tpu.memory_space<hbm>>
    %dma_start3A_158 = arith.constant 2000 : i32
    %dma_start3A_159 = tpu.memref_slice %arg18[%dma_start3A_158] : memref<4000xi32, #tpu.memory_space<vmem>> -> memref<2000xi32, #tpu.memory_space<vmem>>
    %dma_start3A_160 = tpu.memref_slice %arg8[%multiple_of3A_154] : memref<3200000xi32, #tpu.memory_space<hbm>> -> memref<2000xi32, #tpu.memory_space<hbm>>
    tpu.enqueue_dma source(%dma_start3A_160 : memref<2000xi32, #tpu.memory_space<hbm>>) target(%dma_start3A_159 : memref<2000xi32, #tpu.memory_space<vmem>>) target_semaphore(%arg33 : memref<!tpu.dma_semaphore, #tpu.memory_space<semaphore_mem>>)
    %dma_wait3A_161 = arith.constant 0 : i32
    %dma_wait3A_162 = tpu.memref_slice %arg11[%dma_wait3A_161] : memref<100000xf32, #tpu.memory_space<vmem_shared>> -> memref<100000xf32, #tpu.memory_space<vmem_shared>>
    tpu.wait_indirect_dma semaphore(%arg34 : memref<!tpu.dma_semaphore, #tpu.memory_space<semaphore_mem>>) src(%dma_wait3A_162 : memref<100000xf32, #tpu.memory_space<vmem_shared>>) dst(%arg19 : memref<4000xf32, #tpu.memory_space<vmem>>)
    %dma_wait3A_163 = arith.constant 0 : i32
    %dma_wait3A_164 = tpu.memref_slice %arg12[%dma_wait3A_163] : memref<100000xf32, #tpu.memory_space<vmem_shared>> -> memref<100000xf32, #tpu.memory_space<vmem_shared>>
    tpu.wait_indirect_dma semaphore(%arg34 : memref<!tpu.dma_semaphore, #tpu.memory_space<semaphore_mem>>) src(%dma_wait3A_164 : memref<100000xf32, #tpu.memory_space<vmem_shared>>) dst(%arg20 : memref<4000xf32, #tpu.memory_space<vmem>>)
    %dma_wait3A_165 = arith.constant 0 : i32
    %dma_wait3A_166 = tpu.memref_slice %arg13[%dma_wait3A_165] : memref<100000xf32, #tpu.memory_space<vmem_shared>> -> memref<100000xf32, #tpu.memory_space<vmem_shared>>
    tpu.wait_indirect_dma semaphore(%arg34 : memref<!tpu.dma_semaphore, #tpu.memory_space<semaphore_mem>>) src(%dma_wait3A_166 : memref<100000xf32, #tpu.memory_space<vmem_shared>>) dst(%arg21 : memref<4000xf32, #tpu.memory_space<vmem>>)
    %broadcast_in_dim3A_167 = arith.constant 1.000000e+30 : f32
    %broadcast_in_dim3A_168 = vector.broadcast %broadcast_in_dim3A_167 : f32 to vector<16xf32>
    %parallel_loop3A = arith.constant 0 : i32
    %parallel_loop3A_169 = arith.constant 125 : i32
    %parallel_loop3A_170 = arith.constant 1 : i32
    %parallel_loop3A_171 = scf.for %parallel_loop3A_342 = %parallel_loop3A to %parallel_loop3A_169 step %parallel_loop3A_170 iter_args(%parallel_loop3A_343 = %broadcast_in_dim3A_168) -> (vector<16xf32>)  : i32 {
      %parallel_loop3A_344 = arith.constant 16 : i32
      %parallel_loop3A_345 = arith.muli %parallel_loop3A_342, %parallel_loop3A_344 : i32
      %parallel_loop3A_346 = arith.constant 16 : i32
      %parallel_loop3A_347 = arith.muli %parallel_loop3A_342, %parallel_loop3A_346 : i32
      %parallel_loop3A_348 = arith.constant 2000 : i32
      %parallel_loop3A_349 = arith.addi %parallel_loop3A_348, %parallel_loop3A_347 : i32
      %parallel_loop3A_350 = arith.index_cast %parallel_loop3A_345 : i32 to index
      %parallel_loop3A_351 = tpu.vector_load %arg19[%parallel_loop3A_350] {strides = array<i32>} : memref<4000xf32, #tpu.memory_space<vmem>>, vector<16xf32>,
      %parallel_loop3A_352 = vector.shape_cast %parallel_loop3A_351 : vector<16xf32> to vector<16xf32>
      %parallel_loop3A_353 = arith.index_cast %parallel_loop3A_349 : i32 to index
      %parallel_loop3A_354 = tpu.vector_load %arg19[%parallel_loop3A_353] {strides = array<i32>} : memref<4000xf32, #tpu.memory_space<vmem>>, vector<16xf32>,
      %parallel_loop3A_355 = vector.shape_cast %parallel_loop3A_354 : vector<16xf32> to vector<16xf32>
      %parallel_loop3A_356 = arith.subf %parallel_loop3A_352, %parallel_loop3A_355 : vector<16xf32>
      %parallel_loop3A_357 = arith.index_cast %parallel_loop3A_345 : i32 to index
      %parallel_loop3A_358 = tpu.vector_load %arg20[%parallel_loop3A_357] {strides = array<i32>} : memref<4000xf32, #tpu.memory_space<vmem>>, vector<16xf32>,
      %parallel_loop3A_359 = vector.shape_cast %parallel_loop3A_358 : vector<16xf32> to vector<16xf32>
      %parallel_loop3A_360 = arith.index_cast %parallel_loop3A_349 : i32 to index
      %parallel_loop3A_361 = tpu.vector_load %arg20[%parallel_loop3A_360] {strides = array<i32>} : memref<4000xf32, #tpu.memory_space<vmem>>, vector<16xf32>,
      %parallel_loop3A_362 = vector.shape_cast %parallel_loop3A_361 : vector<16xf32> to vector<16xf32>
      %parallel_loop3A_363 = arith.subf %parallel_loop3A_359, %parallel_loop3A_362 : vector<16xf32>
      %parallel_loop3A_364 = arith.index_cast %parallel_loop3A_345 : i32 to index
      %parallel_loop3A_365 = tpu.vector_load %arg21[%parallel_loop3A_364] {strides = array<i32>} : memref<4000xf32, #tpu.memory_space<vmem>>, vector<16xf32>,
      %parallel_loop3A_366 = vector.shape_cast %parallel_loop3A_365 : vector<16xf32> to vector<16xf32>
      %parallel_loop3A_367 = arith.index_cast %parallel_loop3A_349 : i32 to index
      %parallel_loop3A_368 = tpu.vector_load %arg21[%parallel_loop3A_367] {strides = array<i32>} : memref<4000xf32, #tpu.memory_space<vmem>>, vector<16xf32>,
      %parallel_loop3A_369 = vector.shape_cast %parallel_loop3A_368 : vector<16xf32> to vector<16xf32>
      %parallel_loop3A_370 = arith.subf %parallel_loop3A_366, %parallel_loop3A_369 : vector<16xf32>
      %parallel_loop3A_371 = math.absf %parallel_loop3A_356 : vector<16xf32>
      %parallel_loop3A_372 = arith.constant 1.000000e+02 : f32
      %parallel_loop3A_373 = vector.broadcast %parallel_loop3A_372 : f32 to vector<16xf32>
      %parallel_loop3A_374 = arith.subf %parallel_loop3A_373, %parallel_loop3A_371 : vector<16xf32>
      %parallel_loop3A_375 = math.absf %parallel_loop3A_363 : vector<16xf32>
      %parallel_loop3A_376 = arith.constant 1.000000e+02 : f32
      %parallel_loop3A_377 = vector.broadcast %parallel_loop3A_376 : f32 to vector<16xf32>
      %parallel_loop3A_378 = arith.subf %parallel_loop3A_377, %parallel_loop3A_375 : vector<16xf32>
      %parallel_loop3A_379 = math.absf %parallel_loop3A_370 : vector<16xf32>
      %parallel_loop3A_380 = arith.constant 1.000000e+02 : f32
      %parallel_loop3A_381 = vector.broadcast %parallel_loop3A_380 : f32 to vector<16xf32>
      %parallel_loop3A_382 = arith.subf %parallel_loop3A_381, %parallel_loop3A_379 : vector<16xf32>
      %parallel_loop3A_383 = arith.mulf %parallel_loop3A_356, %parallel_loop3A_356 : vector<16xf32>
      %parallel_loop3A_384 = arith.mulf %parallel_loop3A_374, %parallel_loop3A_374 : vector<16xf32>
      %parallel_loop3A_385 = arith.minimumf %parallel_loop3A_383, %parallel_loop3A_384 : vector<16xf32>
      %parallel_loop3A_386 = arith.mulf %parallel_loop3A_363, %parallel_loop3A_363 : vector<16xf32>
      %parallel_loop3A_387 = arith.mulf %parallel_loop3A_378, %parallel_loop3A_378 : vector<16xf32>
      %parallel_loop3A_388 = arith.minimumf %parallel_loop3A_386, %parallel_loop3A_387 : vector<16xf32>
      %parallel_loop3A_389 = arith.addf %parallel_loop3A_385, %parallel_loop3A_388 : vector<16xf32>
      %parallel_loop3A_390 = arith.mulf %parallel_loop3A_370, %parallel_loop3A_370 : vector<16xf32>
      %parallel_loop3A_391 = arith.mulf %parallel_loop3A_382, %parallel_loop3A_382 : vector<16xf32>
      %parallel_loop3A_392 = arith.minimumf %parallel_loop3A_390, %parallel_loop3A_391 : vector<16xf32>
      %parallel_loop3A_393 = arith.addf %parallel_loop3A_389, %parallel_loop3A_392 : vector<16xf32>
      %parallel_loop3A_394 = arith.minimumf %parallel_loop3A_343, %parallel_loop3A_393 : vector<16xf32>
      scf.yield %parallel_loop3A_394 : vector<16xf32>
    } {sc.loop_unroll_factor = 8 : i64, sc.parallel_access}
    %slice3A = vector.extract_strided_slice %parallel_loop3A_171 {offsets = [0], sizes = [1], strides = [1]} : vector<16xf32> to vector<1xf32>
    %squeeze3A = vector.extract %slice3A[0] : f32 from vector<1xf32>
    %slice3A_172 = vector.extract_strided_slice %parallel_loop3A_171 {offsets = [1], sizes = [1], strides = [1]} : vector<16xf32> to vector<1xf32>
    %squeeze3A_173 = vector.extract %slice3A_172[0] : f32 from vector<1xf32>
    %min3A = arith.minimumf %squeeze3A, %squeeze3A_173 : f32
    %slice3A_174 = vector.extract_strided_slice %parallel_loop3A_171 {offsets = [2], sizes = [1], strides = [1]} : vector<16xf32> to vector<1xf32>
    %squeeze3A_175 = vector.extract %slice3A_174[0] : f32 from vector<1xf32>
    %min3A_176 = arith.minimumf %min3A, %squeeze3A_175 : f32
    %slice3A_177 = vector.extract_strided_slice %parallel_loop3A_171 {offsets = [3], sizes = [1], strides = [1]} : vector<16xf32> to vector<1xf32>
    %squeeze3A_178 = vector.extract %slice3A_177[0] : f32 from vector<1xf32>
    %min3A_179 = arith.minimumf %min3A_176, %squeeze3A_178 : f32
    %slice3A_180 = vector.extract_strided_slice %parallel_loop3A_171 {offsets = [4], sizes = [1], strides = [1]} : vector<16xf32> to vector<1xf32>
    %squeeze3A_181 = vector.extract %slice3A_180[0] : f32 from vector<1xf32>
    %min3A_182 = arith.minimumf %min3A_179, %squeeze3A_181 : f32
    %slice3A_183 = vector.extract_strided_slice %parallel_loop3A_171 {offsets = [5], sizes = [1], strides = [1]} : vector<16xf32> to vector<1xf32>
    %squeeze3A_184 = vector.extract %slice3A_183[0] : f32 from vector<1xf32>
    %min3A_185 = arith.minimumf %min3A_182, %squeeze3A_184 : f32
    %slice3A_186 = vector.extract_strided_slice %parallel_loop3A_171 {offsets = [6], sizes = [1], strides = [1]} : vector<16xf32> to vector<1xf32>
    %squeeze3A_187 = vector.extract %slice3A_186[0] : f32 from vector<1xf32>
    %min3A_188 = arith.minimumf %min3A_185, %squeeze3A_187 : f32
    %slice3A_189 = vector.extract_strided_slice %parallel_loop3A_171 {offsets = [7], sizes = [1], strides = [1]} : vector<16xf32> to vector<1xf32>
    %squeeze3A_190 = vector.extract %slice3A_189[0] : f32 from vector<1xf32>
    %min3A_191 = arith.minimumf %min3A_188, %squeeze3A_190 : f32
    %slice3A_192 = vector.extract_strided_slice %parallel_loop3A_171 {offsets = [8], sizes = [1], strides = [1]} : vector<16xf32> to vector<1xf32>
    %squeeze3A_193 = vector.extract %slice3A_192[0] : f32 from vector<1xf32>
    %min3A_194 = arith.minimumf %min3A_191, %squeeze3A_193 : f32
    %slice3A_195 = vector.extract_strided_slice %parallel_loop3A_171 {offsets = [9], sizes = [1], strides = [1]} : vector<16xf32> to vector<1xf32>
    %squeeze3A_196 = vector.extract %slice3A_195[0] : f32 from vector<1xf32>
    %min3A_197 = arith.minimumf %min3A_194, %squeeze3A_196 : f32
    %slice3A_198 = vector.extract_strided_slice %parallel_loop3A_171 {offsets = [10], sizes = [1], strides = [1]} : vector<16xf32> to vector<1xf32>
    %squeeze3A_199 = vector.extract %slice3A_198[0] : f32 from vector<1xf32>
    %min3A_200 = arith.minimumf %min3A_197, %squeeze3A_199 : f32
    %slice3A_201 = vector.extract_strided_slice %parallel_loop3A_171 {offsets = [11], sizes = [1], strides = [1]} : vector<16xf32> to vector<1xf32>
    %squeeze3A_202 = vector.extract %slice3A_201[0] : f32 from vector<1xf32>
    %min3A_203 = arith.minimumf %min3A_200, %squeeze3A_202 : f32
    %slice3A_204 = vector.extract_strided_slice %parallel_loop3A_171 {offsets = [12], sizes = [1], strides = [1]} : vector<16xf32> to vector<1xf32>
    %squeeze3A_205 = vector.extract %slice3A_204[0] : f32 from vector<1xf32>
    %min3A_206 = arith.minimumf %min3A_203, %squeeze3A_205 : f32
    %slice3A_207 = vector.extract_strided_slice %parallel_loop3A_171 {offsets = [13], sizes = [1], strides = [1]} : vector<16xf32> to vector<1xf32>
    %squeeze3A_208 = vector.extract %slice3A_207[0] : f32 from vector<1xf32>
    %min3A_209 = arith.minimumf %min3A_206, %squeeze3A_208 : f32
    %slice3A_210 = vector.extract_strided_slice %parallel_loop3A_171 {offsets = [14], sizes = [1], strides = [1]} : vector<16xf32> to vector<1xf32>
    %squeeze3A_211 = vector.extract %slice3A_210[0] : f32 from vector<1xf32>
    %min3A_212 = arith.minimumf %min3A_209, %squeeze3A_211 : f32
    %slice3A_213 = vector.extract_strided_slice %parallel_loop3A_171 {offsets = [15], sizes = [1], strides = [1]} : vector<16xf32> to vector<1xf32>
    %squeeze3A_214 = vector.extract %slice3A_213[0] : f32 from vector<1xf32>
    %min3A_215 = arith.minimumf %min3A_212, %squeeze3A_214 : f32
    %lt3A_216 = arith.constant 6.250000e+00 : f32
    %lt3A_217 = arith.cmpf olt, %min3A_215, %lt3A_216 : f32
    %convert_element_type3A_218 = arith.extui %lt3A_217 : i1 to i32
    %cond3A_219 = arith.constant 0 : i32
    %cond3A_220 = arith.cmpi ne, %convert_element_type3A_218, %cond3A_219 : i32
    scf.if %cond3A_220 {
      %add3A_342 = arith.constant 96000 : i32
      %add3A_343 = arith.addi %mul3A_97, %add3A_342 : i32
      %multiple_of3A_344 = tpu.assume_multiple %add3A_343, 2000 : i32
      %dma_start3A_345 = tpu.memref_slice %arg5[%multiple_of3A_344] : memref<3200000xf32, #tpu.memory_space<hbm>> -> memref<2000xf32, #tpu.memory_space<hbm>>
      %dma_start3A_346 = tpu.memref_slice %arg5[%multiple_of3A_344] : memref<3200000xf32, #tpu.memory_space<hbm>> -> memref<2000xf32, #tpu.memory_space<hbm>>
      tpu.enqueue_dma source(%dma_start3A_346 : memref<2000xf32, #tpu.memory_space<hbm>>) target(%arg25 : memref<2000xf32, #tpu.memory_space<vmem>>) target_semaphore(%arg32 : memref<!tpu.dma_semaphore, #tpu.memory_space<semaphore_mem>>)
      %add3A_347 = arith.constant 96000 : i32
      %add3A_348 = arith.addi %mul3A_97, %add3A_347 : i32
      %multiple_of3A_349 = tpu.assume_multiple %add3A_348, 2000 : i32
      %dma_start3A_350 = tpu.memref_slice %arg6[%multiple_of3A_349] : memref<3200000xf32, #tpu.memory_space<hbm>> -> memref<2000xf32, #tpu.memory_space<hbm>>
      %dma_start3A_351 = tpu.memref_slice %arg6[%multiple_of3A_349] : memref<3200000xf32, #tpu.memory_space<hbm>> -> memref<2000xf32, #tpu.memory_space<hbm>>
      tpu.enqueue_dma source(%dma_start3A_351 : memref<2000xf32, #tpu.memory_space<hbm>>) target(%arg26 : memref<2000xf32, #tpu.memory_space<vmem>>) target_semaphore(%arg32 : memref<!tpu.dma_semaphore, #tpu.memory_space<semaphore_mem>>)
      %dma_wait3A_352 = tpu.memref_slice %arg5[%multiple_of3A_344] : memref<3200000xf32, #tpu.memory_space<hbm>> -> memref<2000xf32, #tpu.memory_space<hbm>>
      %dma_wait3A_353 = tpu.memref_slice %arg5[%multiple_of3A_344] : memref<3200000xf32, #tpu.memory_space<hbm>> -> memref<2000xf32, #tpu.memory_space<hbm>>
      tpu.wait_dma2 semaphore(%arg32 : memref<!tpu.dma_semaphore, #tpu.memory_space<semaphore_mem>>) src(%dma_wait3A_353 : memref<2000xf32, #tpu.memory_space<hbm>>) dst(%arg25 : memref<2000xf32, #tpu.memory_space<vmem>>)
      %dma_wait3A_354 = tpu.memref_slice %arg6[%multiple_of3A_349] : memref<3200000xf32, #tpu.memory_space<hbm>> -> memref<2000xf32, #tpu.memory_space<hbm>>
      %dma_wait3A_355 = tpu.memref_slice %arg6[%multiple_of3A_349] : memref<3200000xf32, #tpu.memory_space<hbm>> -> memref<2000xf32, #tpu.memory_space<hbm>>
      tpu.wait_dma2 semaphore(%arg32 : memref<!tpu.dma_semaphore, #tpu.memory_space<semaphore_mem>>) src(%dma_wait3A_355 : memref<2000xf32, #tpu.memory_space<hbm>>) dst(%arg26 : memref<2000xf32, #tpu.memory_space<vmem>>)
      %scan3A_356 = arith.constant 0 : i32
      %scan3A_357 = arith.constant 0 : i32
      %scan3A_358 = arith.constant 125 : i32
      %scan3A_359 = arith.addi %scan3A_357, %scan3A_358 : i32
      %scan3A_360 = arith.constant 1 : i32
      %scan3A_361 = scf.for %scan3A_363 = %scan3A_357 to %scan3A_359 step %scan3A_360 iter_args(%scan3A_364 = %scan3A_356) -> (i32)  : i32 {
        %mul3A_365 = arith.constant 16 : i32
        %mul3A_366 = arith.muli %scan3A_363, %mul3A_365 : i32
        %mul3A_367 = arith.constant 16 : i32
        %mul3A_368 = arith.muli %scan3A_363, %mul3A_367 : i32
        %add3A_369 = arith.constant 2000 : i32
        %add3A_370 = arith.addi %add3A_369, %mul3A_368 : i32
        %get3A = arith.index_cast %mul3A_366 : i32 to index
        %get3A_371 = tpu.vector_load %arg19[%get3A] {strides = array<i32>} : memref<4000xf32, #tpu.memory_space<vmem>>, vector<16xf32>,
        %get3A_372 = vector.shape_cast %get3A_371 : vector<16xf32> to vector<16xf32>
        %get3A_373 = arith.index_cast %add3A_370 : i32 to index
        %get3A_374 = tpu.vector_load %arg19[%get3A_373] {strides = array<i32>} : memref<4000xf32, #tpu.memory_space<vmem>>, vector<16xf32>,
        %get3A_375 = vector.shape_cast %get3A_374 : vector<16xf32> to vector<16xf32>
        %sub3A = arith.subf %get3A_372, %get3A_375 : vector<16xf32>
        %get3A_376 = arith.index_cast %mul3A_366 : i32 to index
        %get3A_377 = tpu.vector_load %arg20[%get3A_376] {strides = array<i32>} : memref<4000xf32, #tpu.memory_space<vmem>>, vector<16xf32>,
        %get3A_378 = vector.shape_cast %get3A_377 : vector<16xf32> to vector<16xf32>
        %get3A_379 = arith.index_cast %add3A_370 : i32 to index
        %get3A_380 = tpu.vector_load %arg20[%get3A_379] {strides = array<i32>} : memref<4000xf32, #tpu.memory_space<vmem>>, vector<16xf32>,
        %get3A_381 = vector.shape_cast %get3A_380 : vector<16xf32> to vector<16xf32>
        %sub3A_382 = arith.subf %get3A_378, %get3A_381 : vector<16xf32>
        %get3A_383 = arith.index_cast %mul3A_366 : i32 to index
        %get3A_384 = tpu.vector_load %arg21[%get3A_383] {strides = array<i32>} : memref<4000xf32, #tpu.memory_space<vmem>>, vector<16xf32>,
        %get3A_385 = vector.shape_cast %get3A_384 : vector<16xf32> to vector<16xf32>
        %get3A_386 = arith.index_cast %add3A_370 : i32 to index
        %get3A_387 = tpu.vector_load %arg21[%get3A_386] {strides = array<i32>} : memref<4000xf32, #tpu.memory_space<vmem>>, vector<16xf32>,
        %get3A_388 = vector.shape_cast %get3A_387 : vector<16xf32> to vector<16xf32>
        %sub3A_389 = arith.subf %get3A_385, %get3A_388 : vector<16xf32>
        %gt3A = arith.constant 5.000000e+01 : f32
        %gt3A_390 = vector.broadcast %gt3A : f32 to vector<16xf32>
        %gt3A_391 = arith.cmpf ogt, %sub3A, %gt3A_390 : vector<16xf32>
        %jit3A = arith.constant 1.000000e+02 : f32
        %jit3A_392 = arith.constant 0.000000e+00 : f32
        %broadcast_in_dim3A_393 = vector.broadcast %jit3A : f32 to vector<16xf32>
        %broadcast_in_dim3A_394 = vector.broadcast %jit3A_392 : f32 to vector<16xf32>
        %select_n3A = arith.select %gt3A_391, %broadcast_in_dim3A_393, %broadcast_in_dim3A_394 : vector<16xi1>, vector<16xf32>
        %sub3A_395 = arith.subf %sub3A, %select_n3A : vector<16xf32>
        %lt3A_396 = arith.constant -5.000000e+01 : f32
        %lt3A_397 = vector.broadcast %lt3A_396 : f32 to vector<16xf32>
        %lt3A_398 = arith.cmpf olt, %sub3A, %lt3A_397 : vector<16xf32>
        %jit3A_399 = arith.constant 1.000000e+02 : f32
        %jit3A_400 = arith.constant 0.000000e+00 : f32
        %broadcast_in_dim3A_401 = vector.broadcast %jit3A_399 : f32 to vector<16xf32>
        %broadcast_in_dim3A_402 = vector.broadcast %jit3A_400 : f32 to vector<16xf32>
        %select_n3A_403 = arith.select %lt3A_398, %broadcast_in_dim3A_401, %broadcast_in_dim3A_402 : vector<16xi1>, vector<16xf32>
        %add3A_404 = arith.addf %sub3A_395, %select_n3A_403 : vector<16xf32>
        %gt3A_405 = arith.constant 5.000000e+01 : f32
        %gt3A_406 = vector.broadcast %gt3A_405 : f32 to vector<16xf32>
        %gt3A_407 = arith.cmpf ogt, %sub3A_382, %gt3A_406 : vector<16xf32>
        %jit3A_408 = arith.constant 1.000000e+02 : f32
        %jit3A_409 = arith.constant 0.000000e+00 : f32
        %broadcast_in_dim3A_410 = vector.broadcast %jit3A_408 : f32 to vector<16xf32>
        %broadcast_in_dim3A_411 = vector.broadcast %jit3A_409 : f32 to vector<16xf32>
        %select_n3A_412 = arith.select %gt3A_407, %broadcast_in_dim3A_410, %broadcast_in_dim3A_411 : vector<16xi1>, vector<16xf32>
        %sub3A_413 = arith.subf %sub3A_382, %select_n3A_412 : vector<16xf32>
        %lt3A_414 = arith.constant -5.000000e+01 : f32
        %lt3A_415 = vector.broadcast %lt3A_414 : f32 to vector<16xf32>
        %lt3A_416 = arith.cmpf olt, %sub3A_382, %lt3A_415 : vector<16xf32>
        %jit3A_417 = arith.constant 1.000000e+02 : f32
        %jit3A_418 = arith.constant 0.000000e+00 : f32
        %broadcast_in_dim3A_419 = vector.broadcast %jit3A_417 : f32 to vector<16xf32>
        %broadcast_in_dim3A_420 = vector.broadcast %jit3A_418 : f32 to vector<16xf32>
        %select_n3A_421 = arith.select %lt3A_416, %broadcast_in_dim3A_419, %broadcast_in_dim3A_420 : vector<16xi1>, vector<16xf32>
        %add3A_422 = arith.addf %sub3A_413, %select_n3A_421 : vector<16xf32>
        %gt3A_423 = arith.constant 5.000000e+01 : f32
        %gt3A_424 = vector.broadcast %gt3A_423 : f32 to vector<16xf32>
        %gt3A_425 = arith.cmpf ogt, %sub3A_389, %gt3A_424 : vector<16xf32>
        %jit3A_426 = arith.constant 1.000000e+02 : f32
        %jit3A_427 = arith.constant 0.000000e+00 : f32
        %broadcast_in_dim3A_428 = vector.broadcast %jit3A_426 : f32 to vector<16xf32>
        %broadcast_in_dim3A_429 = vector.broadcast %jit3A_427 : f32 to vector<16xf32>
        %select_n3A_430 = arith.select %gt3A_425, %broadcast_in_dim3A_428, %broadcast_in_dim3A_429 : vector<16xi1>, vector<16xf32>
        %sub3A_431 = arith.subf %sub3A_389, %select_n3A_430 : vector<16xf32>
        %lt3A_432 = arith.constant -5.000000e+01 : f32
        %lt3A_433 = vector.broadcast %lt3A_432 : f32 to vector<16xf32>
        %lt3A_434 = arith.cmpf olt, %sub3A_389, %lt3A_433 : vector<16xf32>
        %jit3A_435 = arith.constant 1.000000e+02 : f32
        %jit3A_436 = arith.constant 0.000000e+00 : f32
        %broadcast_in_dim3A_437 = vector.broadcast %jit3A_435 : f32 to vector<16xf32>
        %broadcast_in_dim3A_438 = vector.broadcast %jit3A_436 : f32 to vector<16xf32>
        %select_n3A_439 = arith.select %lt3A_434, %broadcast_in_dim3A_437, %broadcast_in_dim3A_438 : vector<16xi1>, vector<16xf32>
        %add3A_440 = arith.addf %sub3A_431, %select_n3A_439 : vector<16xf32>
        %mul3A_441 = arith.mulf %add3A_404, %add3A_404 : vector<16xf32>
        %mul3A_442 = arith.mulf %add3A_422, %add3A_422 : vector<16xf32>
        %add3A_443 = arith.addf %mul3A_441, %mul3A_442 : vector<16xf32>
        %mul3A_444 = arith.mulf %add3A_440, %add3A_440 : vector<16xf32>
        %add3A_445 = arith.addf %add3A_443, %mul3A_444 : vector<16xf32>
        %max3A = arith.constant 1.000000e-24 : f32
        %max3A_446 = vector.broadcast %max3A : f32 to vector<16xf32>
        %max3A_447 = arith.maximumf %add3A_445, %max3A_446 : vector<16xf32>
        %div3A = arith.constant 1.000000e+00 : f32
        %div3A_448 = vector.broadcast %div3A : f32 to vector<16xf32>
        %div3A_449 = arith.divf %div3A_448, %max3A_447 : vector<16xf32>
        %lt3A_450 = arith.constant 6.250000e+00 : f32
        %lt3A_451 = vector.broadcast %lt3A_450 : f32 to vector<16xf32>
        %lt3A_452 = arith.cmpf olt, %max3A_447, %lt3A_451 : vector<16xf32>
        %get3A_453 = arith.index_cast %mul3A_366 : i32 to index
        %get3A_454 = tpu.vector_load %arg25[%get3A_453] {strides = array<i32>} : memref<2000xf32, #tpu.memory_space<vmem>>, vector<16xf32>,
        %get3A_455 = vector.shape_cast %get3A_454 : vector<16xf32> to vector<16xf32>
        %get3A_456 = arith.index_cast %mul3A_366 : i32 to index
        %get3A_457 = tpu.vector_load %arg26[%get3A_456] {strides = array<i32>} : memref<2000xf32, #tpu.memory_space<vmem>>, vector<16xf32>,
        %get3A_458 = vector.shape_cast %get3A_457 : vector<16xf32> to vector<16xf32>
        %mul3A_459 = arith.mulf %get3A_458, %get3A_458 : vector<16xf32>
        %mul3A_460 = arith.mulf %mul3A_459, %div3A_449 : vector<16xf32>
        %mul3A_461 = arith.mulf %mul3A_460, %mul3A_460 : vector<16xf32>
        %mul3A_462 = arith.mulf %mul3A_461, %mul3A_460 : vector<16xf32>
        %mul3A_463 = arith.mulf %mul3A_462, %mul3A_462 : vector<16xf32>
        %mul3A_464 = arith.constant 4.000000e+00 : f32
        %mul3A_465 = vector.broadcast %mul3A_464 : f32 to vector<16xf32>
        %mul3A_466 = arith.mulf %mul3A_465, %get3A_455 : vector<16xf32>
        %sub3A_467 = arith.subf %mul3A_463, %mul3A_462 : vector<16xf32>
        %mul3A_468 = arith.mulf %mul3A_466, %sub3A_467 : vector<16xf32>
        %jit3A_469 = arith.constant 0.000000e+00 : f32
        %broadcast_in_dim3A_470 = vector.broadcast %jit3A_469 : f32 to vector<16xf32>
        %select_n3A_471 = arith.select %lt3A_452, %mul3A_468, %broadcast_in_dim3A_470 : vector<16xi1>, vector<16xf32>
        %mul3A_472 = arith.constant 2.400000e+01 : f32
        %mul3A_473 = vector.broadcast %mul3A_472 : f32 to vector<16xf32>
        %mul3A_474 = arith.mulf %mul3A_473, %get3A_455 : vector<16xf32>
        %mul3A_475 = arith.constant 2.000000e+00 : f32
        %mul3A_476 = vector.broadcast %mul3A_475 : f32 to vector<16xf32>
        %mul3A_477 = arith.mulf %mul3A_476, %mul3A_463 : vector<16xf32>
        %sub3A_478 = arith.subf %mul3A_477, %mul3A_462 : vector<16xf32>
        %mul3A_479 = arith.mulf %mul3A_474, %sub3A_478 : vector<16xf32>
        %jit3A_480 = arith.constant 0.000000e+00 : f32
        %broadcast_in_dim3A_481 = vector.broadcast %jit3A_480 : f32 to vector<16xf32>
        %select_n3A_482 = arith.select %lt3A_452, %mul3A_479, %broadcast_in_dim3A_481 : vector<16xi1>, vector<16xf32>
        %mul3A_483 = arith.mulf %select_n3A_482, %div3A_449 : vector<16xf32>
        %mul3A_484 = arith.mulf %mul3A_483, %add3A_404 : vector<16xf32>
        %mul3A_485 = arith.mulf %mul3A_483, %add3A_422 : vector<16xf32>
        %mul3A_486 = arith.mulf %mul3A_483, %add3A_440 : vector<16xf32>
        %swap3A_487 = arith.index_cast %mul3A_366 : i32 to index
        %swap3A_488 = tpu.vector_load %arg27[%swap3A_487] {strides = array<i32>} : memref<4000xf32, #tpu.memory_space<vmem>>, vector<16xf32>,
        %swap3A_489 = vector.shape_cast %swap3A_488 : vector<16xf32> to vector<16xf32>
        %swap3A_490 = vector.shape_cast %mul3A_484 : vector<16xf32> to vector<16xf32>
        tpu.vector_store %arg27[%swap3A_487], %swap3A_490 {strides = array<i32>} : memref<4000xf32, #tpu.memory_space<vmem>>, vector<16xf32>,
        %swap3A_491 = arith.index_cast %mul3A_366 : i32 to index
        %swap3A_492 = tpu.vector_load %arg28[%swap3A_491] {strides = array<i32>} : memref<4000xf32, #tpu.memory_space<vmem>>, vector<16xf32>,
        %swap3A_493 = vector.shape_cast %swap3A_492 : vector<16xf32> to vector<16xf32>
        %swap3A_494 = vector.shape_cast %mul3A_485 : vector<16xf32> to vector<16xf32>
        tpu.vector_store %arg28[%swap3A_491], %swap3A_494 {strides = array<i32>} : memref<4000xf32, #tpu.memory_space<vmem>>, vector<16xf32>,
        %swap3A_495 = arith.index_cast %mul3A_366 : i32 to index
        %swap3A_496 = tpu.vector_load %arg29[%swap3A_495] {strides = array<i32>} : memref<4000xf32, #tpu.memory_space<vmem>>, vector<16xf32>,
        %swap3A_497 = vector.shape_cast %swap3A_496 : vector<16xf32> to vector<16xf32>
        %swap3A_498 = vector.shape_cast %mul3A_486 : vector<16xf32> to vector<16xf32>
        tpu.vector_store %arg29[%swap3A_495], %swap3A_498 {strides = array<i32>} : memref<4000xf32, #tpu.memory_space<vmem>>, vector<16xf32>,
        %neg3A = arith.constant 0.000000e+00 : f32
        %neg3A_499 = vector.broadcast %neg3A : f32 to vector<16xf32>
        %neg3A_500 = arith.subf %neg3A_499, %mul3A_484 : vector<16xf32>
        %swap3A_501 = arith.index_cast %add3A_370 : i32 to index
        %swap3A_502 = tpu.vector_load %arg27[%swap3A_501] {strides = array<i32>} : memref<4000xf32, #tpu.memory_space<vmem>>, vector<16xf32>,
        %swap3A_503 = vector.shape_cast %swap3A_502 : vector<16xf32> to vector<16xf32>
        %swap3A_504 = vector.shape_cast %neg3A_500 : vector<16xf32> to vector<16xf32>
        tpu.vector_store %arg27[%swap3A_501], %swap3A_504 {strides = array<i32>} : memref<4000xf32, #tpu.memory_space<vmem>>, vector<16xf32>,
        %neg3A_505 = arith.constant 0.000000e+00 : f32
        %neg3A_506 = vector.broadcast %neg3A_505 : f32 to vector<16xf32>
        %neg3A_507 = arith.subf %neg3A_506, %mul3A_485 : vector<16xf32>
        %swap3A_508 = arith.index_cast %add3A_370 : i32 to index
        %swap3A_509 = tpu.vector_load %arg28[%swap3A_508] {strides = array<i32>} : memref<4000xf32, #tpu.memory_space<vmem>>, vector<16xf32>,
        %swap3A_510 = vector.shape_cast %swap3A_509 : vector<16xf32> to vector<16xf32>
        %swap3A_511 = vector.shape_cast %neg3A_507 : vector<16xf32> to vector<16xf32>
        tpu.vector_store %arg28[%swap3A_508], %swap3A_511 {strides = array<i32>} : memref<4000xf32, #tpu.memory_space<vmem>>, vector<16xf32>,
        %neg3A_512 = arith.constant 0.000000e+00 : f32
        %neg3A_513 = vector.broadcast %neg3A_512 : f32 to vector<16xf32>
        %neg3A_514 = arith.subf %neg3A_513, %mul3A_486 : vector<16xf32>
        %swap3A_515 = arith.index_cast %add3A_370 : i32 to index
        %swap3A_516 = tpu.vector_load %arg29[%swap3A_515] {strides = array<i32>} : memref<4000xf32, #tpu.memory_space<vmem>>, vector<16xf32>,
        %swap3A_517 = vector.shape_cast %swap3A_516 : vector<16xf32> to vector<16xf32>
        %swap3A_518 = vector.shape_cast %neg3A_514 : vector<16xf32> to vector<16xf32>
        tpu.vector_store %arg29[%swap3A_515], %swap3A_518 {strides = array<i32>} : memref<4000xf32, #tpu.memory_space<vmem>>, vector<16xf32>,
        %mul3A_519 = arith.mulf %mul3A_484, %add3A_404 : vector<16xf32>
        %mul3A_520 = arith.mulf %mul3A_484, %add3A_422 : vector<16xf32>
        %mul3A_521 = arith.mulf %mul3A_484, %add3A_440 : vector<16xf32>
        %mul3A_522 = arith.mulf %mul3A_485, %add3A_404 : vector<16xf32>
        %mul3A_523 = arith.mulf %mul3A_485, %add3A_422 : vector<16xf32>
        %mul3A_524 = arith.mulf %mul3A_485, %add3A_440 : vector<16xf32>
        %mul3A_525 = arith.mulf %mul3A_486, %add3A_404 : vector<16xf32>
        %mul3A_526 = arith.mulf %mul3A_486, %add3A_422 : vector<16xf32>
        %mul3A_527 = arith.mulf %mul3A_486, %add3A_440 : vector<16xf32>
        %get3A_528 = arith.constant 0 : index
        %get3A_529 = tpu.vector_load %arg30[%get3A_528] {strides = array<i32>} : memref<176xf32, #tpu.memory_space<vmem>>, vector<16xf32>,
        %get3A_530 = vector.shape_cast %get3A_529 : vector<16xf32> to vector<16xf32>
        %add3A_531 = arith.addf %get3A_530, %select_n3A_471 : vector<16xf32>
        %swap3A_532 = arith.constant 0 : index
        %swap3A_533 = tpu.vector_load %arg30[%swap3A_532] {strides = array<i32>} : memref<176xf32, #tpu.memory_space<vmem>>, vector<16xf32>,
        %swap3A_534 = vector.shape_cast %swap3A_533 : vector<16xf32> to vector<16xf32>
        %swap3A_535 = vector.shape_cast %add3A_531 : vector<16xf32> to vector<16xf32>
        tpu.vector_store %arg30[%swap3A_532], %swap3A_535 {strides = array<i32>} : memref<176xf32, #tpu.memory_space<vmem>>, vector<16xf32>,
        %get3A_536 = arith.constant 16 : index
        %get3A_537 = tpu.vector_load %arg30[%get3A_536] {strides = array<i32>} : memref<176xf32, #tpu.memory_space<vmem>>, vector<16xf32>,
        %get3A_538 = vector.shape_cast %get3A_537 : vector<16xf32> to vector<16xf32>
        %add3A_539 = arith.addf %get3A_538, %select_n3A_482 : vector<16xf32>
        %swap3A_540 = arith.constant 16 : index
        %swap3A_541 = tpu.vector_load %arg30[%swap3A_540] {strides = array<i32>} : memref<176xf32, #tpu.memory_space<vmem>>, vector<16xf32>,
        %swap3A_542 = vector.shape_cast %swap3A_541 : vector<16xf32> to vector<16xf32>
        %swap3A_543 = vector.shape_cast %add3A_539 : vector<16xf32> to vector<16xf32>
        tpu.vector_store %arg30[%swap3A_540], %swap3A_543 {strides = array<i32>} : memref<176xf32, #tpu.memory_space<vmem>>, vector<16xf32>,
        %get3A_544 = arith.constant 32 : index
        %get3A_545 = tpu.vector_load %arg30[%get3A_544] {strides = array<i32>} : memref<176xf32, #tpu.memory_space<vmem>>, vector<16xf32>,
        %get3A_546 = vector.shape_cast %get3A_545 : vector<16xf32> to vector<16xf32>
        %add3A_547 = arith.addf %get3A_546, %mul3A_519 : vector<16xf32>
        %swap3A_548 = arith.constant 32 : index
        %swap3A_549 = tpu.vector_load %arg30[%swap3A_548] {strides = array<i32>} : memref<176xf32, #tpu.memory_space<vmem>>, vector<16xf32>,
        %swap3A_550 = vector.shape_cast %swap3A_549 : vector<16xf32> to vector<16xf32>
        %swap3A_551 = vector.shape_cast %add3A_547 : vector<16xf32> to vector<16xf32>
        tpu.vector_store %arg30[%swap3A_548], %swap3A_551 {strides = array<i32>} : memref<176xf32, #tpu.memory_space<vmem>>, vector<16xf32>,
        %get3A_552 = arith.constant 48 : index
        %get3A_553 = tpu.vector_load %arg30[%get3A_552] {strides = array<i32>} : memref<176xf32, #tpu.memory_space<vmem>>, vector<16xf32>,
        %get3A_554 = vector.shape_cast %get3A_553 : vector<16xf32> to vector<16xf32>
        %add3A_555 = arith.addf %get3A_554, %mul3A_520 : vector<16xf32>
        %swap3A_556 = arith.constant 48 : index
        %swap3A_557 = tpu.vector_load %arg30[%swap3A_556] {strides = array<i32>} : memref<176xf32, #tpu.memory_space<vmem>>, vector<16xf32>,
        %swap3A_558 = vector.shape_cast %swap3A_557 : vector<16xf32> to vector<16xf32>
        %swap3A_559 = vector.shape_cast %add3A_555 : vector<16xf32> to vector<16xf32>
        tpu.vector_store %arg30[%swap3A_556], %swap3A_559 {strides = array<i32>} : memref<176xf32, #tpu.memory_space<vmem>>, vector<16xf32>,
        %get3A_560 = arith.constant 64 : index
        %get3A_561 = tpu.vector_load %arg30[%get3A_560] {strides = array<i32>} : memref<176xf32, #tpu.memory_space<vmem>>, vector<16xf32>,
        %get3A_562 = vector.shape_cast %get3A_561 : vector<16xf32> to vector<16xf32>
        %add3A_563 = arith.addf %get3A_562, %mul3A_521 : vector<16xf32>
        %swap3A_564 = arith.constant 64 : index
        %swap3A_565 = tpu.vector_load %arg30[%swap3A_564] {strides = array<i32>} : memref<176xf32, #tpu.memory_space<vmem>>, vector<16xf32>,
        %swap3A_566 = vector.shape_cast %swap3A_565 : vector<16xf32> to vector<16xf32>
        %swap3A_567 = vector.shape_cast %add3A_563 : vector<16xf32> to vector<16xf32>
        tpu.vector_store %arg30[%swap3A_564], %swap3A_567 {strides = array<i32>} : memref<176xf32, #tpu.memory_space<vmem>>, vector<16xf32>,
        %get3A_568 = arith.constant 80 : index
        %get3A_569 = tpu.vector_load %arg30[%get3A_568] {strides = array<i32>} : memref<176xf32, #tpu.memory_space<vmem>>, vector<16xf32>,
        %get3A_570 = vector.shape_cast %get3A_569 : vector<16xf32> to vector<16xf32>
        %add3A_571 = arith.addf %get3A_570, %mul3A_522 : vector<16xf32>
        %swap3A_572 = arith.constant 80 : index
        %swap3A_573 = tpu.vector_load %arg30[%swap3A_572] {strides = array<i32>} : memref<176xf32, #tpu.memory_space<vmem>>, vector<16xf32>,
        %swap3A_574 = vector.shape_cast %swap3A_573 : vector<16xf32> to vector<16xf32>
        %swap3A_575 = vector.shape_cast %add3A_571 : vector<16xf32> to vector<16xf32>
        tpu.vector_store %arg30[%swap3A_572], %swap3A_575 {strides = array<i32>} : memref<176xf32, #tpu.memory_space<vmem>>, vector<16xf32>,
        %get3A_576 = arith.constant 96 : index
        %get3A_577 = tpu.vector_load %arg30[%get3A_576] {strides = array<i32>} : memref<176xf32, #tpu.memory_space<vmem>>, vector<16xf32>,
        %get3A_578 = vector.shape_cast %get3A_577 : vector<16xf32> to vector<16xf32>
        %add3A_579 = arith.addf %get3A_578, %mul3A_523 : vector<16xf32>
        %swap3A_580 = arith.constant 96 : index
        %swap3A_581 = tpu.vector_load %arg30[%swap3A_580] {strides = array<i32>} : memref<176xf32, #tpu.memory_space<vmem>>, vector<16xf32>,
        %swap3A_582 = vector.shape_cast %swap3A_581 : vector<16xf32> to vector<16xf32>
        %swap3A_583 = vector.shape_cast %add3A_579 : vector<16xf32> to vector<16xf32>
        tpu.vector_store %arg30[%swap3A_580], %swap3A_583 {strides = array<i32>} : memref<176xf32, #tpu.memory_space<vmem>>, vector<16xf32>,
        %get3A_584 = arith.constant 112 : index
        %get3A_585 = tpu.vector_load %arg30[%get3A_584] {strides = array<i32>} : memref<176xf32, #tpu.memory_space<vmem>>, vector<16xf32>,
        %get3A_586 = vector.shape_cast %get3A_585 : vector<16xf32> to vector<16xf32>
        %add3A_587 = arith.addf %get3A_586, %mul3A_524 : vector<16xf32>
        %swap3A_588 = arith.constant 112 : index
        %swap3A_589 = tpu.vector_load %arg30[%swap3A_588] {strides = array<i32>} : memref<176xf32, #tpu.memory_space<vmem>>, vector<16xf32>,
        %swap3A_590 = vector.shape_cast %swap3A_589 : vector<16xf32> to vector<16xf32>
        %swap3A_591 = vector.shape_cast %add3A_587 : vector<16xf32> to vector<16xf32>
        tpu.vector_store %arg30[%swap3A_588], %swap3A_591 {strides = array<i32>} : memref<176xf32, #tpu.memory_space<vmem>>, vector<16xf32>,
        %get3A_592 = arith.constant 128 : index
        %get3A_593 = tpu.vector_load %arg30[%get3A_592] {strides = array<i32>} : memref<176xf32, #tpu.memory_space<vmem>>, vector<16xf32>,
        %get3A_594 = vector.shape_cast %get3A_593 : vector<16xf32> to vector<16xf32>
        %add3A_595 = arith.addf %get3A_594, %mul3A_525 : vector<16xf32>
        %swap3A_596 = arith.constant 128 : index
        %swap3A_597 = tpu.vector_load %arg30[%swap3A_596] {strides = array<i32>} : memref<176xf32, #tpu.memory_space<vmem>>, vector<16xf32>,
        %swap3A_598 = vector.shape_cast %swap3A_597 : vector<16xf32> to vector<16xf32>
        %swap3A_599 = vector.shape_cast %add3A_595 : vector<16xf32> to vector<16xf32>
        tpu.vector_store %arg30[%swap3A_596], %swap3A_599 {strides = array<i32>} : memref<176xf32, #tpu.memory_space<vmem>>, vector<16xf32>,
        %get3A_600 = arith.constant 144 : index
        %get3A_601 = tpu.vector_load %arg30[%get3A_600] {strides = array<i32>} : memref<176xf32, #tpu.memory_space<vmem>>, vector<16xf32>,
        %get3A_602 = vector.shape_cast %get3A_601 : vector<16xf32> to vector<16xf32>
        %add3A_603 = arith.addf %get3A_602, %mul3A_526 : vector<16xf32>
        %swap3A_604 = arith.constant 144 : index
        %swap3A_605 = tpu.vector_load %arg30[%swap3A_604] {strides = array<i32>} : memref<176xf32, #tpu.memory_space<vmem>>, vector<16xf32>,
        %swap3A_606 = vector.shape_cast %swap3A_605 : vector<16xf32> to vector<16xf32>
        %swap3A_607 = vector.shape_cast %add3A_603 : vector<16xf32> to vector<16xf32>
        tpu.vector_store %arg30[%swap3A_604], %swap3A_607 {strides = array<i32>} : memref<176xf32, #tpu.memory_space<vmem>>, vector<16xf32>,
        %get3A_608 = arith.constant 160 : index
        %get3A_609 = tpu.vector_load %arg30[%get3A_608] {strides = array<i32>} : memref<176xf32, #tpu.memory_space<vmem>>, vector<16xf32>,
        %get3A_610 = vector.shape_cast %get3A_609 : vector<16xf32> to vector<16xf32>
        %add3A_611 = arith.addf %get3A_610, %mul3A_527 : vector<16xf32>
        %swap3A_612 = arith.constant 160 : index
        %swap3A_613 = tpu.vector_load %arg30[%swap3A_612] {strides = array<i32>} : memref<176xf32, #tpu.memory_space<vmem>>, vector<16xf32>,
        %swap3A_614 = vector.shape_cast %swap3A_613 : vector<16xf32> to vector<16xf32>
        %swap3A_615 = vector.shape_cast %add3A_611 : vector<16xf32> to vector<16xf32>
        tpu.vector_store %arg30[%swap3A_612], %swap3A_615 {strides = array<i32>} : memref<176xf32, #tpu.memory_space<vmem>>, vector<16xf32>,
        %scan3A_616 = arith.constant 0 : i32
        scf.yield %scan3A_616 : i32
      }
      %scan3A_362 = arith.constant 125 : i32
      "tpu.region"() ({
        %run_scoped3A = tpu.sem_alloc : memref<!tpu.dma_semaphore, #tpu.memory_space<semaphore_mem>>
        %dma_start3A_363 = arith.constant 0 : i32
        %dma_start3A_364 = tpu.memref_slice %arg14[%dma_start3A_363] : memref<100000xf32, #tpu.memory_space<vmem_shared>> -> memref<100000xf32, #tpu.memory_space<vmem_shared>>
        tpu.enqueue_indirect_dma source(%arg27 : memref<4000xf32, #tpu.memory_space<vmem>>) target(%dma_start3A_364 : memref<100000xf32, #tpu.memory_space<vmem_shared>>) offsets(%arg17 : memref<4000xi32, #tpu.memory_space<vmem>>) semaphore(%run_scoped3A : memref<!tpu.dma_semaphore, #tpu.memory_space<semaphore_mem>>) {add = true}
        %dma_wait3A_365 = arith.constant 0 : i32
        %dma_wait3A_366 = tpu.memref_slice %arg14[%dma_wait3A_365] : memref<100000xf32, #tpu.memory_space<vmem_shared>> -> memref<100000xf32, #tpu.memory_space<vmem_shared>>
        tpu.wait_indirect_dma semaphore(%run_scoped3A : memref<!tpu.dma_semaphore, #tpu.memory_space<semaphore_mem>>) src(%arg27 : memref<4000xf32, #tpu.memory_space<vmem>>) dst(%dma_wait3A_366 : memref<100000xf32, #tpu.memory_space<vmem_shared>>)
        tpu.yield
      }) : () -> ()
      "tpu.region"() ({
        %run_scoped3A = tpu.sem_alloc : memref<!tpu.dma_semaphore, #tpu.memory_space<semaphore_mem>>
        %dma_start3A_363 = arith.constant 0 : i32
        %dma_start3A_364 = tpu.memref_slice %arg15[%dma_start3A_363] : memref<100000xf32, #tpu.memory_space<vmem_shared>> -> memref<100000xf32, #tpu.memory_space<vmem_shared>>
        tpu.enqueue_indirect_dma source(%arg28 : memref<4000xf32, #tpu.memory_space<vmem>>) target(%dma_start3A_364 : memref<100000xf32, #tpu.memory_space<vmem_shared>>) offsets(%arg17 : memref<4000xi32, #tpu.memory_space<vmem>>) semaphore(%run_scoped3A : memref<!tpu.dma_semaphore, #tpu.memory_space<semaphore_mem>>) {add = true}
        %dma_wait3A_365 = arith.constant 0 : i32
        %dma_wait3A_366 = tpu.memref_slice %arg15[%dma_wait3A_365] : memref<100000xf32, #tpu.memory_space<vmem_shared>> -> memref<100000xf32, #tpu.memory_space<vmem_shared>>
        tpu.wait_indirect_dma semaphore(%run_scoped3A : memref<!tpu.dma_semaphore, #tpu.memory_space<semaphore_mem>>) src(%arg28 : memref<4000xf32, #tpu.memory_space<vmem>>) dst(%dma_wait3A_366 : memref<100000xf32, #tpu.memory_space<vmem_shared>>)
        tpu.yield
      }) : () -> ()
      "tpu.region"() ({
        %run_scoped3A = tpu.sem_alloc : memref<!tpu.dma_semaphore, #tpu.memory_space<semaphore_mem>>
        %dma_start3A_363 = arith.constant 0 : i32
        %dma_start3A_364 = tpu.memref_slice %arg16[%dma_start3A_363] : memref<100000xf32, #tpu.memory_space<vmem_shared>> -> memref<100000xf32, #tpu.memory_space<vmem_shared>>
        tpu.enqueue_indirect_dma source(%arg29 : memref<4000xf32, #tpu.memory_space<vmem>>) target(%dma_start3A_364 : memref<100000xf32, #tpu.memory_space<vmem_shared>>) offsets(%arg17 : memref<4000xi32, #tpu.memory_space<vmem>>) semaphore(%run_scoped3A : memref<!tpu.dma_semaphore, #tpu.memory_space<semaphore_mem>>) {add = true}
        %dma_wait3A_365 = arith.constant 0 : i32
        %dma_wait3A_366 = tpu.memref_slice %arg16[%dma_wait3A_365] : memref<100000xf32, #tpu.memory_space<vmem_shared>> -> memref<100000xf32, #tpu.memory_space<vmem_shared>>
        tpu.wait_indirect_dma semaphore(%run_scoped3A : memref<!tpu.dma_semaphore, #tpu.memory_space<semaphore_mem>>) src(%arg29 : memref<4000xf32, #tpu.memory_space<vmem>>) dst(%dma_wait3A_366 : memref<100000xf32, #tpu.memory_space<vmem_shared>>)
        tpu.yield
      }) : () -> ()
    } else {
    }
    %add3A_221 = arith.constant 98000 : i32
    %add3A_222 = arith.addi %mul3A_97, %add3A_221 : i32
    %multiple_of3A_223 = tpu.assume_multiple %add3A_222, 2000 : i32
    %dma_wait3A_224 = arith.constant 0 : i32
    %dma_wait3A_225 = tpu.memref_slice %arg18[%dma_wait3A_224] : memref<4000xi32, #tpu.memory_space<vmem>> -> memref<2000xi32, #tpu.memory_space<vmem>>
    %dma_wait3A_226 = tpu.memref_slice %arg7[%multiple_of3A_223] : memref<3200000xi32, #tpu.memory_space<hbm>> -> memref<2000xi32, #tpu.memory_space<hbm>>
    %dma_wait3A_227 = arith.constant 0 : i32
    %dma_wait3A_228 = tpu.memref_slice %arg18[%dma_wait3A_227] : memref<4000xi32, #tpu.memory_space<vmem>> -> memref<2000xi32, #tpu.memory_space<vmem>>
    %dma_wait3A_229 = tpu.memref_slice %arg7[%multiple_of3A_223] : memref<3200000xi32, #tpu.memory_space<hbm>> -> memref<2000xi32, #tpu.memory_space<hbm>>
    tpu.wait_dma2 semaphore(%arg33 : memref<!tpu.dma_semaphore, #tpu.memory_space<semaphore_mem>>) src(%dma_wait3A_229 : memref<2000xi32, #tpu.memory_space<hbm>>) dst(%dma_wait3A_228 : memref<2000xi32, #tpu.memory_space<vmem>>)
    %add3A_230 = arith.constant 98000 : i32
    %add3A_231 = arith.addi %mul3A_97, %add3A_230 : i32
    %multiple_of3A_232 = tpu.assume_multiple %add3A_231, 2000 : i32
    %dma_wait3A_233 = arith.constant 2000 : i32
    %dma_wait3A_234 = tpu.memref_slice %arg18[%dma_wait3A_233] : memref<4000xi32, #tpu.memory_space<vmem>> -> memref<2000xi32, #tpu.memory_space<vmem>>
    %dma_wait3A_235 = tpu.memref_slice %arg8[%multiple_of3A_232] : memref<3200000xi32, #tpu.memory_space<hbm>> -> memref<2000xi32, #tpu.memory_space<hbm>>
    %dma_wait3A_236 = arith.constant 2000 : i32
    %dma_wait3A_237 = tpu.memref_slice %arg18[%dma_wait3A_236] : memref<4000xi32, #tpu.memory_space<vmem>> -> memref<2000xi32, #tpu.memory_space<vmem>>
    %dma_wait3A_238 = tpu.memref_slice %arg8[%multiple_of3A_232] : memref<3200000xi32, #tpu.memory_space<hbm>> -> memref<2000xi32, #tpu.memory_space<hbm>>
    tpu.wait_dma2 semaphore(%arg33 : memref<!tpu.dma_semaphore, #tpu.memory_space<semaphore_mem>>) src(%dma_wait3A_238 : memref<2000xi32, #tpu.memory_space<hbm>>) dst(%dma_wait3A_237 : memref<2000xi32, #tpu.memory_space<vmem>>)
    %dma_start3A_239 = arith.constant 0 : i32
    %dma_start3A_240 = tpu.memref_slice %arg11[%dma_start3A_239] : memref<100000xf32, #tpu.memory_space<vmem_shared>> -> memref<100000xf32, #tpu.memory_space<vmem_shared>>
    tpu.enqueue_indirect_dma source(%dma_start3A_240 : memref<100000xf32, #tpu.memory_space<vmem_shared>>) target(%arg22 : memref<4000xf32, #tpu.memory_space<vmem>>) offsets(%arg18 : memref<4000xi32, #tpu.memory_space<vmem>>) semaphore(%arg35 : memref<!tpu.dma_semaphore, #tpu.memory_space<semaphore_mem>>)
    %dma_start3A_241 = arith.constant 0 : i32
    %dma_start3A_242 = tpu.memref_slice %arg12[%dma_start3A_241] : memref<100000xf32, #tpu.memory_space<vmem_shared>> -> memref<100000xf32, #tpu.memory_space<vmem_shared>>
    tpu.enqueue_indirect_dma source(%dma_start3A_242 : memref<100000xf32, #tpu.memory_space<vmem_shared>>) target(%arg23 : memref<4000xf32, #tpu.memory_space<vmem>>) offsets(%arg18 : memref<4000xi32, #tpu.memory_space<vmem>>) semaphore(%arg35 : memref<!tpu.dma_semaphore, #tpu.memory_space<semaphore_mem>>)
    %dma_start3A_243 = arith.constant 0 : i32
    %dma_start3A_244 = tpu.memref_slice %arg13[%dma_start3A_243] : memref<100000xf32, #tpu.memory_space<vmem_shared>> -> memref<100000xf32, #tpu.memory_space<vmem_shared>>
    tpu.enqueue_indirect_dma source(%dma_start3A_244 : memref<100000xf32, #tpu.memory_space<vmem_shared>>) target(%arg24 : memref<4000xf32, #tpu.memory_space<vmem>>) offsets(%arg18 : memref<4000xi32, #tpu.memory_space<vmem>>) semaphore(%arg35 : memref<!tpu.dma_semaphore, #tpu.memory_space<semaphore_mem>>)
    %dma_wait3A_245 = arith.constant 0 : i32
    %dma_wait3A_246 = tpu.memref_slice %arg11[%dma_wait3A_245] : memref<100000xf32, #tpu.memory_space<vmem_shared>> -> memref<100000xf32, #tpu.memory_space<vmem_shared>>
    tpu.wait_indirect_dma semaphore(%arg35 : memref<!tpu.dma_semaphore, #tpu.memory_space<semaphore_mem>>) src(%dma_wait3A_246 : memref<100000xf32, #tpu.memory_space<vmem_shared>>) dst(%arg22 : memref<4000xf32, #tpu.memory_space<vmem>>)
    %dma_wait3A_247 = arith.constant 0 : i32
    %dma_wait3A_248 = tpu.memref_slice %arg12[%dma_wait3A_247] : memref<100000xf32, #tpu.memory_space<vmem_shared>> -> memref<100000xf32, #tpu.memory_space<vmem_shared>>
    tpu.wait_indirect_dma semaphore(%arg35 : memref<!tpu.dma_semaphore, #tpu.memory_space<semaphore_mem>>) src(%dma_wait3A_248 : memref<100000xf32, #tpu.memory_space<vmem_shared>>) dst(%arg23 : memref<4000xf32, #tpu.memory_space<vmem>>)
    %dma_wait3A_249 = arith.constant 0 : i32
    %dma_wait3A_250 = tpu.memref_slice %arg13[%dma_wait3A_249] : memref<100000xf32, #tpu.memory_space<vmem_shared>> -> memref<100000xf32, #tpu.memory_space<vmem_shared>>
    tpu.wait_indirect_dma semaphore(%arg35 : memref<!tpu.dma_semaphore, #tpu.memory_space<semaphore_mem>>) src(%dma_wait3A_250 : memref<100000xf32, #tpu.memory_space<vmem_shared>>) dst(%arg24 : memref<4000xf32, #tpu.memory_space<vmem>>)
    %broadcast_in_dim3A_251 = arith.constant 1.000000e+30 : f32
    %broadcast_in_dim3A_252 = vector.broadcast %broadcast_in_dim3A_251 : f32 to vector<16xf32>
    %parallel_loop3A_253 = arith.constant 0 : i32
    %parallel_loop3A_254 = arith.constant 125 : i32
    %parallel_loop3A_255 = arith.constant 1 : i32
    %parallel_loop3A_256 = scf.for %parallel_loop3A_342 = %parallel_loop3A_253 to %parallel_loop3A_254 step %parallel_loop3A_255 iter_args(%parallel_loop3A_343 = %broadcast_in_dim3A_252) -> (vector<16xf32>)  : i32 {
      %parallel_loop3A_344 = arith.constant 16 : i32
      %parallel_loop3A_345 = arith.muli %parallel_loop3A_342, %parallel_loop3A_344 : i32
      %parallel_loop3A_346 = arith.constant 16 : i32
      %parallel_loop3A_347 = arith.muli %parallel_loop3A_342, %parallel_loop3A_346 : i32
      %parallel_loop3A_348 = arith.constant 2000 : i32
      %parallel_loop3A_349 = arith.addi %parallel_loop3A_348, %parallel_loop3A_347 : i32
      %parallel_loop3A_350 = arith.index_cast %parallel_loop3A_345 : i32 to index
      %parallel_loop3A_351 = tpu.vector_load %arg22[%parallel_loop3A_350] {strides = array<i32>} : memref<4000xf32, #tpu.memory_space<vmem>>, vector<16xf32>,
      %parallel_loop3A_352 = vector.shape_cast %parallel_loop3A_351 : vector<16xf32> to vector<16xf32>
      %parallel_loop3A_353 = arith.index_cast %parallel_loop3A_349 : i32 to index
      %parallel_loop3A_354 = tpu.vector_load %arg22[%parallel_loop3A_353] {strides = array<i32>} : memref<4000xf32, #tpu.memory_space<vmem>>, vector<16xf32>,
      %parallel_loop3A_355 = vector.shape_cast %parallel_loop3A_354 : vector<16xf32> to vector<16xf32>
      %parallel_loop3A_356 = arith.subf %parallel_loop3A_352, %parallel_loop3A_355 : vector<16xf32>
      %parallel_loop3A_357 = arith.index_cast %parallel_loop3A_345 : i32 to index
      %parallel_loop3A_358 = tpu.vector_load %arg23[%parallel_loop3A_357] {strides = array<i32>} : memref<4000xf32, #tpu.memory_space<vmem>>, vector<16xf32>,
      %parallel_loop3A_359 = vector.shape_cast %parallel_loop3A_358 : vector<16xf32> to vector<16xf32>
      %parallel_loop3A_360 = arith.index_cast %parallel_loop3A_349 : i32 to index
      %parallel_loop3A_361 = tpu.vector_load %arg23[%parallel_loop3A_360] {strides = array<i32>} : memref<4000xf32, #tpu.memory_space<vmem>>, vector<16xf32>,
      %parallel_loop3A_362 = vector.shape_cast %parallel_loop3A_361 : vector<16xf32> to vector<16xf32>
      %parallel_loop3A_363 = arith.subf %parallel_loop3A_359, %parallel_loop3A_362 : vector<16xf32>
      %parallel_loop3A_364 = arith.index_cast %parallel_loop3A_345 : i32 to index
      %parallel_loop3A_365 = tpu.vector_load %arg24[%parallel_loop3A_364] {strides = array<i32>} : memref<4000xf32, #tpu.memory_space<vmem>>, vector<16xf32>,
      %parallel_loop3A_366 = vector.shape_cast %parallel_loop3A_365 : vector<16xf32> to vector<16xf32>
      %parallel_loop3A_367 = arith.index_cast %parallel_loop3A_349 : i32 to index
      %parallel_loop3A_368 = tpu.vector_load %arg24[%parallel_loop3A_367] {strides = array<i32>} : memref<4000xf32, #tpu.memory_space<vmem>>, vector<16xf32>,
      %parallel_loop3A_369 = vector.shape_cast %parallel_loop3A_368 : vector<16xf32> to vector<16xf32>
      %parallel_loop3A_370 = arith.subf %parallel_loop3A_366, %parallel_loop3A_369 : vector<16xf32>
      %parallel_loop3A_371 = math.absf %parallel_loop3A_356 : vector<16xf32>
      %parallel_loop3A_372 = arith.constant 1.000000e+02 : f32
      %parallel_loop3A_373 = vector.broadcast %parallel_loop3A_372 : f32 to vector<16xf32>
      %parallel_loop3A_374 = arith.subf %parallel_loop3A_373, %parallel_loop3A_371 : vector<16xf32>
      %parallel_loop3A_375 = math.absf %parallel_loop3A_363 : vector<16xf32>
      %parallel_loop3A_376 = arith.constant 1.000000e+02 : f32
      %parallel_loop3A_377 = vector.broadcast %parallel_loop3A_376 : f32 to vector<16xf32>
      %parallel_loop3A_378 = arith.subf %parallel_loop3A_377, %parallel_loop3A_375 : vector<16xf32>
      %parallel_loop3A_379 = math.absf %parallel_loop3A_370 : vector<16xf32>
      %parallel_loop3A_380 = arith.constant 1.000000e+02 : f32
      %parallel_loop3A_381 = vector.broadcast %parallel_loop3A_380 : f32 to vector<16xf32>
      %parallel_loop3A_382 = arith.subf %parallel_loop3A_381, %parallel_loop3A_379 : vector<16xf32>
      %parallel_loop3A_383 = arith.mulf %parallel_loop3A_356, %parallel_loop3A_356 : vector<16xf32>
      %parallel_loop3A_384 = arith.mulf %parallel_loop3A_374, %parallel_loop3A_374 : vector<16xf32>
      %parallel_loop3A_385 = arith.minimumf %parallel_loop3A_383, %parallel_loop3A_384 : vector<16xf32>
      %parallel_loop3A_386 = arith.mulf %parallel_loop3A_363, %parallel_loop3A_363 : vector<16xf32>
      %parallel_loop3A_387 = arith.mulf %parallel_loop3A_378, %parallel_loop3A_378 : vector<16xf32>
      %parallel_loop3A_388 = arith.minimumf %parallel_loop3A_386, %parallel_loop3A_387 : vector<16xf32>
      %parallel_loop3A_389 = arith.addf %parallel_loop3A_385, %parallel_loop3A_388 : vector<16xf32>
      %parallel_loop3A_390 = arith.mulf %parallel_loop3A_370, %parallel_loop3A_370 : vector<16xf32>
      %parallel_loop3A_391 = arith.mulf %parallel_loop3A_382, %parallel_loop3A_382 : vector<16xf32>
      %parallel_loop3A_392 = arith.minimumf %parallel_loop3A_390, %parallel_loop3A_391 : vector<16xf32>
      %parallel_loop3A_393 = arith.addf %parallel_loop3A_389, %parallel_loop3A_392 : vector<16xf32>
      %parallel_loop3A_394 = arith.minimumf %parallel_loop3A_343, %parallel_loop3A_393 : vector<16xf32>
      scf.yield %parallel_loop3A_394 : vector<16xf32>
    } {sc.loop_unroll_factor = 8 : i64, sc.parallel_access}
    %slice3A_257 = vector.extract_strided_slice %parallel_loop3A_256 {offsets = [0], sizes = [1], strides = [1]} : vector<16xf32> to vector<1xf32>
    %squeeze3A_258 = vector.extract %slice3A_257[0] : f32 from vector<1xf32>
    %slice3A_259 = vector.extract_strided_slice %parallel_loop3A_256 {offsets = [1], sizes = [1], strides = [1]} : vector<16xf32> to vector<1xf32>
    %squeeze3A_260 = vector.extract %slice3A_259[0] : f32 from vector<1xf32>
    %min3A_261 = arith.minimumf %squeeze3A_258, %squeeze3A_260 : f32
    %slice3A_262 = vector.extract_strided_slice %parallel_loop3A_256 {offsets = [2], sizes = [1], strides = [1]} : vector<16xf32> to vector<1xf32>
    %squeeze3A_263 = vector.extract %slice3A_262[0] : f32 from vector<1xf32>
    %min3A_264 = arith.minimumf %min3A_261, %squeeze3A_263 : f32
    %slice3A_265 = vector.extract_strided_slice %parallel_loop3A_256 {offsets = [3], sizes = [1], strides = [1]} : vector<16xf32> to vector<1xf32>
    %squeeze3A_266 = vector.extract %slice3A_265[0] : f32 from vector<1xf32>
    %min3A_267 = arith.minimumf %min3A_264, %squeeze3A_266 : f32
    %slice3A_268 = vector.extract_strided_slice %parallel_loop3A_256 {offsets = [4], sizes = [1], strides = [1]} : vector<16xf32> to vector<1xf32>
    %squeeze3A_269 = vector.extract %slice3A_268[0] : f32 from vector<1xf32>
    %min3A_270 = arith.minimumf %min3A_267, %squeeze3A_269 : f32
    %slice3A_271 = vector.extract_strided_slice %parallel_loop3A_256 {offsets = [5], sizes = [1], strides = [1]} : vector<16xf32> to vector<1xf32>
    %squeeze3A_272 = vector.extract %slice3A_271[0] : f32 from vector<1xf32>
    %min3A_273 = arith.minimumf %min3A_270, %squeeze3A_272 : f32
    %slice3A_274 = vector.extract_strided_slice %parallel_loop3A_256 {offsets = [6], sizes = [1], strides = [1]} : vector<16xf32> to vector<1xf32>
    %squeeze3A_275 = vector.extract %slice3A_274[0] : f32 from vector<1xf32>
    %min3A_276 = arith.minimumf %min3A_273, %squeeze3A_275 : f32
    %slice3A_277 = vector.extract_strided_slice %parallel_loop3A_256 {offsets = [7], sizes = [1], strides = [1]} : vector<16xf32> to vector<1xf32>
    %squeeze3A_278 = vector.extract %slice3A_277[0] : f32 from vector<1xf32>
    %min3A_279 = arith.minimumf %min3A_276, %squeeze3A_278 : f32
    %slice3A_280 = vector.extract_strided_slice %parallel_loop3A_256 {offsets = [8], sizes = [1], strides = [1]} : vector<16xf32> to vector<1xf32>
    %squeeze3A_281 = vector.extract %slice3A_280[0] : f32 from vector<1xf32>
    %min3A_282 = arith.minimumf %min3A_279, %squeeze3A_281 : f32
    %slice3A_283 = vector.extract_strided_slice %parallel_loop3A_256 {offsets = [9], sizes = [1], strides = [1]} : vector<16xf32> to vector<1xf32>
    %squeeze3A_284 = vector.extract %slice3A_283[0] : f32 from vector<1xf32>
    %min3A_285 = arith.minimumf %min3A_282, %squeeze3A_284 : f32
    %slice3A_286 = vector.extract_strided_slice %parallel_loop3A_256 {offsets = [10], sizes = [1], strides = [1]} : vector<16xf32> to vector<1xf32>
    %squeeze3A_287 = vector.extract %slice3A_286[0] : f32 from vector<1xf32>
    %min3A_288 = arith.minimumf %min3A_285, %squeeze3A_287 : f32
    %slice3A_289 = vector.extract_strided_slice %parallel_loop3A_256 {offsets = [11], sizes = [1], strides = [1]} : vector<16xf32> to vector<1xf32>
    %squeeze3A_290 = vector.extract %slice3A_289[0] : f32 from vector<1xf32>
    %min3A_291 = arith.minimumf %min3A_288, %squeeze3A_290 : f32
    %slice3A_292 = vector.extract_strided_slice %parallel_loop3A_256 {offsets = [12], sizes = [1], strides = [1]} : vector<16xf32> to vector<1xf32>
    %squeeze3A_293 = vector.extract %slice3A_292[0] : f32 from vector<1xf32>
    %min3A_294 = arith.minimumf %min3A_291, %squeeze3A_293 : f32
    %slice3A_295 = vector.extract_strided_slice %parallel_loop3A_256 {offsets = [13], sizes = [1], strides = [1]} : vector<16xf32> to vector<1xf32>
    %squeeze3A_296 = vector.extract %slice3A_295[0] : f32 from vector<1xf32>
    %min3A_297 = arith.minimumf %min3A_294, %squeeze3A_296 : f32
    %slice3A_298 = vector.extract_strided_slice %parallel_loop3A_256 {offsets = [14], sizes = [1], strides = [1]} : vector<16xf32> to vector<1xf32>
    %squeeze3A_299 = vector.extract %slice3A_298[0] : f32 from vector<1xf32>
    %min3A_300 = arith.minimumf %min3A_297, %squeeze3A_299 : f32
    %slice3A_301 = vector.extract_strided_slice %parallel_loop3A_256 {offsets = [15], sizes = [1], strides = [1]} : vector<16xf32> to vector<1xf32>
    %squeeze3A_302 = vector.extract %slice3A_301[0] : f32 from vector<1xf32>
    %min3A_303 = arith.minimumf %min3A_300, %squeeze3A_302 : f32
    %lt3A_304 = arith.constant 6.250000e+00 : f32
    %lt3A_305 = arith.cmpf olt, %min3A_303, %lt3A_304 : f32
    %convert_element_type3A_306 = arith.extui %lt3A_305 : i1 to i32
    %cond3A_307 = arith.constant 0 : i32
    %cond3A_308 = arith.cmpi ne, %convert_element_type3A_306, %cond3A_307 : i32
    scf.if %cond3A_308 {
      %add3A_342 = arith.constant 98000 : i32
      %add3A_343 = arith.addi %mul3A_97, %add3A_342 : i32
      %multiple_of3A_344 = tpu.assume_multiple %add3A_343, 2000 : i32
      %dma_start3A_345 = tpu.memref_slice %arg5[%multiple_of3A_344] : memref<3200000xf32, #tpu.memory_space<hbm>> -> memref<2000xf32, #tpu.memory_space<hbm>>
      %dma_start3A_346 = tpu.memref_slice %arg5[%multiple_of3A_344] : memref<3200000xf32, #tpu.memory_space<hbm>> -> memref<2000xf32, #tpu.memory_space<hbm>>
      tpu.enqueue_dma source(%dma_start3A_346 : memref<2000xf32, #tpu.memory_space<hbm>>) target(%arg25 : memref<2000xf32, #tpu.memory_space<vmem>>) target_semaphore(%arg33 : memref<!tpu.dma_semaphore, #tpu.memory_space<semaphore_mem>>)
      %add3A_347 = arith.constant 98000 : i32
      %add3A_348 = arith.addi %mul3A_97, %add3A_347 : i32
      %multiple_of3A_349 = tpu.assume_multiple %add3A_348, 2000 : i32
      %dma_start3A_350 = tpu.memref_slice %arg6[%multiple_of3A_349] : memref<3200000xf32, #tpu.memory_space<hbm>> -> memref<2000xf32, #tpu.memory_space<hbm>>
      %dma_start3A_351 = tpu.memref_slice %arg6[%multiple_of3A_349] : memref<3200000xf32, #tpu.memory_space<hbm>> -> memref<2000xf32, #tpu.memory_space<hbm>>
      tpu.enqueue_dma source(%dma_start3A_351 : memref<2000xf32, #tpu.memory_space<hbm>>) target(%arg26 : memref<2000xf32, #tpu.memory_space<vmem>>) target_semaphore(%arg33 : memref<!tpu.dma_semaphore, #tpu.memory_space<semaphore_mem>>)
      %dma_wait3A_352 = tpu.memref_slice %arg5[%multiple_of3A_344] : memref<3200000xf32, #tpu.memory_space<hbm>> -> memref<2000xf32, #tpu.memory_space<hbm>>
      %dma_wait3A_353 = tpu.memref_slice %arg5[%multiple_of3A_344] : memref<3200000xf32, #tpu.memory_space<hbm>> -> memref<2000xf32, #tpu.memory_space<hbm>>
      tpu.wait_dma2 semaphore(%arg33 : memref<!tpu.dma_semaphore, #tpu.memory_space<semaphore_mem>>) src(%dma_wait3A_353 : memref<2000xf32, #tpu.memory_space<hbm>>) dst(%arg25 : memref<2000xf32, #tpu.memory_space<vmem>>)
      %dma_wait3A_354 = tpu.memref_slice %arg6[%multiple_of3A_349] : memref<3200000xf32, #tpu.memory_space<hbm>> -> memref<2000xf32, #tpu.memory_space<hbm>>
      %dma_wait3A_355 = tpu.memref_slice %arg6[%multiple_of3A_349] : memref<3200000xf32, #tpu.memory_space<hbm>> -> memref<2000xf32, #tpu.memory_space<hbm>>
      tpu.wait_dma2 semaphore(%arg33 : memref<!tpu.dma_semaphore, #tpu.memory_space<semaphore_mem>>) src(%dma_wait3A_355 : memref<2000xf32, #tpu.memory_space<hbm>>) dst(%arg26 : memref<2000xf32, #tpu.memory_space<vmem>>)
      %scan3A_356 = arith.constant 0 : i32
      %scan3A_357 = arith.constant 0 : i32
      %scan3A_358 = arith.constant 125 : i32
      %scan3A_359 = arith.addi %scan3A_357, %scan3A_358 : i32
      %scan3A_360 = arith.constant 1 : i32
      %scan3A_361 = scf.for %scan3A_363 = %scan3A_357 to %scan3A_359 step %scan3A_360 iter_args(%scan3A_364 = %scan3A_356) -> (i32)  : i32 {
        %mul3A_365 = arith.constant 16 : i32
        %mul3A_366 = arith.muli %scan3A_363, %mul3A_365 : i32
        %mul3A_367 = arith.constant 16 : i32
        %mul3A_368 = arith.muli %scan3A_363, %mul3A_367 : i32
        %add3A_369 = arith.constant 2000 : i32
        %add3A_370 = arith.addi %add3A_369, %mul3A_368 : i32
        %get3A = arith.index_cast %mul3A_366 : i32 to index
        %get3A_371 = tpu.vector_load %arg22[%get3A] {strides = array<i32>} : memref<4000xf32, #tpu.memory_space<vmem>>, vector<16xf32>,
        %get3A_372 = vector.shape_cast %get3A_371 : vector<16xf32> to vector<16xf32>
        %get3A_373 = arith.index_cast %add3A_370 : i32 to index
        %get3A_374 = tpu.vector_load %arg22[%get3A_373] {strides = array<i32>} : memref<4000xf32, #tpu.memory_space<vmem>>, vector<16xf32>,
        %get3A_375 = vector.shape_cast %get3A_374 : vector<16xf32> to vector<16xf32>
        %sub3A = arith.subf %get3A_372, %get3A_375 : vector<16xf32>
        %get3A_376 = arith.index_cast %mul3A_366 : i32 to index
        %get3A_377 = tpu.vector_load %arg23[%get3A_376] {strides = array<i32>} : memref<4000xf32, #tpu.memory_space<vmem>>, vector<16xf32>,
        %get3A_378 = vector.shape_cast %get3A_377 : vector<16xf32> to vector<16xf32>
        %get3A_379 = arith.index_cast %add3A_370 : i32 to index
        %get3A_380 = tpu.vector_load %arg23[%get3A_379] {strides = array<i32>} : memref<4000xf32, #tpu.memory_space<vmem>>, vector<16xf32>,
        %get3A_381 = vector.shape_cast %get3A_380 : vector<16xf32> to vector<16xf32>
        %sub3A_382 = arith.subf %get3A_378, %get3A_381 : vector<16xf32>
        %get3A_383 = arith.index_cast %mul3A_366 : i32 to index
        %get3A_384 = tpu.vector_load %arg24[%get3A_383] {strides = array<i32>} : memref<4000xf32, #tpu.memory_space<vmem>>, vector<16xf32>,
        %get3A_385 = vector.shape_cast %get3A_384 : vector<16xf32> to vector<16xf32>
        %get3A_386 = arith.index_cast %add3A_370 : i32 to index
        %get3A_387 = tpu.vector_load %arg24[%get3A_386] {strides = array<i32>} : memref<4000xf32, #tpu.memory_space<vmem>>, vector<16xf32>,
        %get3A_388 = vector.shape_cast %get3A_387 : vector<16xf32> to vector<16xf32>
        %sub3A_389 = arith.subf %get3A_385, %get3A_388 : vector<16xf32>
        %gt3A = arith.constant 5.000000e+01 : f32
        %gt3A_390 = vector.broadcast %gt3A : f32 to vector<16xf32>
        %gt3A_391 = arith.cmpf ogt, %sub3A, %gt3A_390 : vector<16xf32>
        %jit3A = arith.constant 1.000000e+02 : f32
        %jit3A_392 = arith.constant 0.000000e+00 : f32
        %broadcast_in_dim3A_393 = vector.broadcast %jit3A : f32 to vector<16xf32>
        %broadcast_in_dim3A_394 = vector.broadcast %jit3A_392 : f32 to vector<16xf32>
        %select_n3A = arith.select %gt3A_391, %broadcast_in_dim3A_393, %broadcast_in_dim3A_394 : vector<16xi1>, vector<16xf32>
        %sub3A_395 = arith.subf %sub3A, %select_n3A : vector<16xf32>
        %lt3A_396 = arith.constant -5.000000e+01 : f32
        %lt3A_397 = vector.broadcast %lt3A_396 : f32 to vector<16xf32>
        %lt3A_398 = arith.cmpf olt, %sub3A, %lt3A_397 : vector<16xf32>
        %jit3A_399 = arith.constant 1.000000e+02 : f32
        %jit3A_400 = arith.constant 0.000000e+00 : f32
        %broadcast_in_dim3A_401 = vector.broadcast %jit3A_399 : f32 to vector<16xf32>
        %broadcast_in_dim3A_402 = vector.broadcast %jit3A_400 : f32 to vector<16xf32>
        %select_n3A_403 = arith.select %lt3A_398, %broadcast_in_dim3A_401, %broadcast_in_dim3A_402 : vector<16xi1>, vector<16xf32>
        %add3A_404 = arith.addf %sub3A_395, %select_n3A_403 : vector<16xf32>
        %gt3A_405 = arith.constant 5.000000e+01 : f32
        %gt3A_406 = vector.broadcast %gt3A_405 : f32 to vector<16xf32>
        %gt3A_407 = arith.cmpf ogt, %sub3A_382, %gt3A_406 : vector<16xf32>
        %jit3A_408 = arith.constant 1.000000e+02 : f32
        %jit3A_409 = arith.constant 0.000000e+00 : f32
        %broadcast_in_dim3A_410 = vector.broadcast %jit3A_408 : f32 to vector<16xf32>
        %broadcast_in_dim3A_411 = vector.broadcast %jit3A_409 : f32 to vector<16xf32>
        %select_n3A_412 = arith.select %gt3A_407, %broadcast_in_dim3A_410, %broadcast_in_dim3A_411 : vector<16xi1>, vector<16xf32>
        %sub3A_413 = arith.subf %sub3A_382, %select_n3A_412 : vector<16xf32>
        %lt3A_414 = arith.constant -5.000000e+01 : f32
        %lt3A_415 = vector.broadcast %lt3A_414 : f32 to vector<16xf32>
        %lt3A_416 = arith.cmpf olt, %sub3A_382, %lt3A_415 : vector<16xf32>
        %jit3A_417 = arith.constant 1.000000e+02 : f32
        %jit3A_418 = arith.constant 0.000000e+00 : f32
        %broadcast_in_dim3A_419 = vector.broadcast %jit3A_417 : f32 to vector<16xf32>
        %broadcast_in_dim3A_420 = vector.broadcast %jit3A_418 : f32 to vector<16xf32>
        %select_n3A_421 = arith.select %lt3A_416, %broadcast_in_dim3A_419, %broadcast_in_dim3A_420 : vector<16xi1>, vector<16xf32>
        %add3A_422 = arith.addf %sub3A_413, %select_n3A_421 : vector<16xf32>
        %gt3A_423 = arith.constant 5.000000e+01 : f32
        %gt3A_424 = vector.broadcast %gt3A_423 : f32 to vector<16xf32>
        %gt3A_425 = arith.cmpf ogt, %sub3A_389, %gt3A_424 : vector<16xf32>
        %jit3A_426 = arith.constant 1.000000e+02 : f32
        %jit3A_427 = arith.constant 0.000000e+00 : f32
        %broadcast_in_dim3A_428 = vector.broadcast %jit3A_426 : f32 to vector<16xf32>
        %broadcast_in_dim3A_429 = vector.broadcast %jit3A_427 : f32 to vector<16xf32>
        %select_n3A_430 = arith.select %gt3A_425, %broadcast_in_dim3A_428, %broadcast_in_dim3A_429 : vector<16xi1>, vector<16xf32>
        %sub3A_431 = arith.subf %sub3A_389, %select_n3A_430 : vector<16xf32>
        %lt3A_432 = arith.constant -5.000000e+01 : f32
        %lt3A_433 = vector.broadcast %lt3A_432 : f32 to vector<16xf32>
        %lt3A_434 = arith.cmpf olt, %sub3A_389, %lt3A_433 : vector<16xf32>
        %jit3A_435 = arith.constant 1.000000e+02 : f32
        %jit3A_436 = arith.constant 0.000000e+00 : f32
        %broadcast_in_dim3A_437 = vector.broadcast %jit3A_435 : f32 to vector<16xf32>
        %broadcast_in_dim3A_438 = vector.broadcast %jit3A_436 : f32 to vector<16xf32>
        %select_n3A_439 = arith.select %lt3A_434, %broadcast_in_dim3A_437, %broadcast_in_dim3A_438 : vector<16xi1>, vector<16xf32>
        %add3A_440 = arith.addf %sub3A_431, %select_n3A_439 : vector<16xf32>
        %mul3A_441 = arith.mulf %add3A_404, %add3A_404 : vector<16xf32>
        %mul3A_442 = arith.mulf %add3A_422, %add3A_422 : vector<16xf32>
        %add3A_443 = arith.addf %mul3A_441, %mul3A_442 : vector<16xf32>
        %mul3A_444 = arith.mulf %add3A_440, %add3A_440 : vector<16xf32>
        %add3A_445 = arith.addf %add3A_443, %mul3A_444 : vector<16xf32>
        %max3A = arith.constant 1.000000e-24 : f32
        %max3A_446 = vector.broadcast %max3A : f32 to vector<16xf32>
        %max3A_447 = arith.maximumf %add3A_445, %max3A_446 : vector<16xf32>
        %div3A = arith.constant 1.000000e+00 : f32
        %div3A_448 = vector.broadcast %div3A : f32 to vector<16xf32>
        %div3A_449 = arith.divf %div3A_448, %max3A_447 : vector<16xf32>
        %lt3A_450 = arith.constant 6.250000e+00 : f32
        %lt3A_451 = vector.broadcast %lt3A_450 : f32 to vector<16xf32>
        %lt3A_452 = arith.cmpf olt, %max3A_447, %lt3A_451 : vector<16xf32>
        %get3A_453 = arith.index_cast %mul3A_366 : i32 to index
        %get3A_454 = tpu.vector_load %arg25[%get3A_453] {strides = array<i32>} : memref<2000xf32, #tpu.memory_space<vmem>>, vector<16xf32>,
        %get3A_455 = vector.shape_cast %get3A_454 : vector<16xf32> to vector<16xf32>
        %get3A_456 = arith.index_cast %mul3A_366 : i32 to index
        %get3A_457 = tpu.vector_load %arg26[%get3A_456] {strides = array<i32>} : memref<2000xf32, #tpu.memory_space<vmem>>, vector<16xf32>,
        %get3A_458 = vector.shape_cast %get3A_457 : vector<16xf32> to vector<16xf32>
        %mul3A_459 = arith.mulf %get3A_458, %get3A_458 : vector<16xf32>
        %mul3A_460 = arith.mulf %mul3A_459, %div3A_449 : vector<16xf32>
        %mul3A_461 = arith.mulf %mul3A_460, %mul3A_460 : vector<16xf32>
        %mul3A_462 = arith.mulf %mul3A_461, %mul3A_460 : vector<16xf32>
        %mul3A_463 = arith.mulf %mul3A_462, %mul3A_462 : vector<16xf32>
        %mul3A_464 = arith.constant 4.000000e+00 : f32
        %mul3A_465 = vector.broadcast %mul3A_464 : f32 to vector<16xf32>
        %mul3A_466 = arith.mulf %mul3A_465, %get3A_455 : vector<16xf32>
        %sub3A_467 = arith.subf %mul3A_463, %mul3A_462 : vector<16xf32>
        %mul3A_468 = arith.mulf %mul3A_466, %sub3A_467 : vector<16xf32>
        %jit3A_469 = arith.constant 0.000000e+00 : f32
        %broadcast_in_dim3A_470 = vector.broadcast %jit3A_469 : f32 to vector<16xf32>
        %select_n3A_471 = arith.select %lt3A_452, %mul3A_468, %broadcast_in_dim3A_470 : vector<16xi1>, vector<16xf32>
        %mul3A_472 = arith.constant 2.400000e+01 : f32
        %mul3A_473 = vector.broadcast %mul3A_472 : f32 to vector<16xf32>
        %mul3A_474 = arith.mulf %mul3A_473, %get3A_455 : vector<16xf32>
        %mul3A_475 = arith.constant 2.000000e+00 : f32
        %mul3A_476 = vector.broadcast %mul3A_475 : f32 to vector<16xf32>
        %mul3A_477 = arith.mulf %mul3A_476, %mul3A_463 : vector<16xf32>
        %sub3A_478 = arith.subf %mul3A_477, %mul3A_462 : vector<16xf32>
        %mul3A_479 = arith.mulf %mul3A_474, %sub3A_478 : vector<16xf32>
        %jit3A_480 = arith.constant 0.000000e+00 : f32
        %broadcast_in_dim3A_481 = vector.broadcast %jit3A_480 : f32 to vector<16xf32>
        %select_n3A_482 = arith.select %lt3A_452, %mul3A_479, %broadcast_in_dim3A_481 : vector<16xi1>, vector<16xf32>
        %mul3A_483 = arith.mulf %select_n3A_482, %div3A_449 : vector<16xf32>
        %mul3A_484 = arith.mulf %mul3A_483, %add3A_404 : vector<16xf32>
        %mul3A_485 = arith.mulf %mul3A_483, %add3A_422 : vector<16xf32>
        %mul3A_486 = arith.mulf %mul3A_483, %add3A_440 : vector<16xf32>
        %swap3A_487 = arith.index_cast %mul3A_366 : i32 to index
        %swap3A_488 = tpu.vector_load %arg27[%swap3A_487] {strides = array<i32>} : memref<4000xf32, #tpu.memory_space<vmem>>, vector<16xf32>,
        %swap3A_489 = vector.shape_cast %swap3A_488 : vector<16xf32> to vector<16xf32>
        %swap3A_490 = vector.shape_cast %mul3A_484 : vector<16xf32> to vector<16xf32>
        tpu.vector_store %arg27[%swap3A_487], %swap3A_490 {strides = array<i32>} : memref<4000xf32, #tpu.memory_space<vmem>>, vector<16xf32>,
        %swap3A_491 = arith.index_cast %mul3A_366 : i32 to index
        %swap3A_492 = tpu.vector_load %arg28[%swap3A_491] {strides = array<i32>} : memref<4000xf32, #tpu.memory_space<vmem>>, vector<16xf32>,
        %swap3A_493 = vector.shape_cast %swap3A_492 : vector<16xf32> to vector<16xf32>
        %swap3A_494 = vector.shape_cast %mul3A_485 : vector<16xf32> to vector<16xf32>
        tpu.vector_store %arg28[%swap3A_491], %swap3A_494 {strides = array<i32>} : memref<4000xf32, #tpu.memory_space<vmem>>, vector<16xf32>,
        %swap3A_495 = arith.index_cast %mul3A_366 : i32 to index
        %swap3A_496 = tpu.vector_load %arg29[%swap3A_495] {strides = array<i32>} : memref<4000xf32, #tpu.memory_space<vmem>>, vector<16xf32>,
        %swap3A_497 = vector.shape_cast %swap3A_496 : vector<16xf32> to vector<16xf32>
        %swap3A_498 = vector.shape_cast %mul3A_486 : vector<16xf32> to vector<16xf32>
        tpu.vector_store %arg29[%swap3A_495], %swap3A_498 {strides = array<i32>} : memref<4000xf32, #tpu.memory_space<vmem>>, vector<16xf32>,
        %neg3A = arith.constant 0.000000e+00 : f32
        %neg3A_499 = vector.broadcast %neg3A : f32 to vector<16xf32>
        %neg3A_500 = arith.subf %neg3A_499, %mul3A_484 : vector<16xf32>
        %swap3A_501 = arith.index_cast %add3A_370 : i32 to index
        %swap3A_502 = tpu.vector_load %arg27[%swap3A_501] {strides = array<i32>} : memref<4000xf32, #tpu.memory_space<vmem>>, vector<16xf32>,
        %swap3A_503 = vector.shape_cast %swap3A_502 : vector<16xf32> to vector<16xf32>
        %swap3A_504 = vector.shape_cast %neg3A_500 : vector<16xf32> to vector<16xf32>
        tpu.vector_store %arg27[%swap3A_501], %swap3A_504 {strides = array<i32>} : memref<4000xf32, #tpu.memory_space<vmem>>, vector<16xf32>,
        %neg3A_505 = arith.constant 0.000000e+00 : f32
        %neg3A_506 = vector.broadcast %neg3A_505 : f32 to vector<16xf32>
        %neg3A_507 = arith.subf %neg3A_506, %mul3A_485 : vector<16xf32>
        %swap3A_508 = arith.index_cast %add3A_370 : i32 to index
        %swap3A_509 = tpu.vector_load %arg28[%swap3A_508] {strides = array<i32>} : memref<4000xf32, #tpu.memory_space<vmem>>, vector<16xf32>,
        %swap3A_510 = vector.shape_cast %swap3A_509 : vector<16xf32> to vector<16xf32>
        %swap3A_511 = vector.shape_cast %neg3A_507 : vector<16xf32> to vector<16xf32>
        tpu.vector_store %arg28[%swap3A_508], %swap3A_511 {strides = array<i32>} : memref<4000xf32, #tpu.memory_space<vmem>>, vector<16xf32>,
        %neg3A_512 = arith.constant 0.000000e+00 : f32
        %neg3A_513 = vector.broadcast %neg3A_512 : f32 to vector<16xf32>
        %neg3A_514 = arith.subf %neg3A_513, %mul3A_486 : vector<16xf32>
        %swap3A_515 = arith.index_cast %add3A_370 : i32 to index
        %swap3A_516 = tpu.vector_load %arg29[%swap3A_515] {strides = array<i32>} : memref<4000xf32, #tpu.memory_space<vmem>>, vector<16xf32>,
        %swap3A_517 = vector.shape_cast %swap3A_516 : vector<16xf32> to vector<16xf32>
        %swap3A_518 = vector.shape_cast %neg3A_514 : vector<16xf32> to vector<16xf32>
        tpu.vector_store %arg29[%swap3A_515], %swap3A_518 {strides = array<i32>} : memref<4000xf32, #tpu.memory_space<vmem>>, vector<16xf32>,
        %mul3A_519 = arith.mulf %mul3A_484, %add3A_404 : vector<16xf32>
        %mul3A_520 = arith.mulf %mul3A_484, %add3A_422 : vector<16xf32>
        %mul3A_521 = arith.mulf %mul3A_484, %add3A_440 : vector<16xf32>
        %mul3A_522 = arith.mulf %mul3A_485, %add3A_404 : vector<16xf32>
        %mul3A_523 = arith.mulf %mul3A_485, %add3A_422 : vector<16xf32>
        %mul3A_524 = arith.mulf %mul3A_485, %add3A_440 : vector<16xf32>
        %mul3A_525 = arith.mulf %mul3A_486, %add3A_404 : vector<16xf32>
        %mul3A_526 = arith.mulf %mul3A_486, %add3A_422 : vector<16xf32>
        %mul3A_527 = arith.mulf %mul3A_486, %add3A_440 : vector<16xf32>
        %get3A_528 = arith.constant 0 : index
        %get3A_529 = tpu.vector_load %arg30[%get3A_528] {strides = array<i32>} : memref<176xf32, #tpu.memory_space<vmem>>, vector<16xf32>,
        %get3A_530 = vector.shape_cast %get3A_529 : vector<16xf32> to vector<16xf32>
        %add3A_531 = arith.addf %get3A_530, %select_n3A_471 : vector<16xf32>
        %swap3A_532 = arith.constant 0 : index
        %swap3A_533 = tpu.vector_load %arg30[%swap3A_532] {strides = array<i32>} : memref<176xf32, #tpu.memory_space<vmem>>, vector<16xf32>,
        %swap3A_534 = vector.shape_cast %swap3A_533 : vector<16xf32> to vector<16xf32>
        %swap3A_535 = vector.shape_cast %add3A_531 : vector<16xf32> to vector<16xf32>
        tpu.vector_store %arg30[%swap3A_532], %swap3A_535 {strides = array<i32>} : memref<176xf32, #tpu.memory_space<vmem>>, vector<16xf32>,
        %get3A_536 = arith.constant 16 : index
        %get3A_537 = tpu.vector_load %arg30[%get3A_536] {strides = array<i32>} : memref<176xf32, #tpu.memory_space<vmem>>, vector<16xf32>,
        %get3A_538 = vector.shape_cast %get3A_537 : vector<16xf32> to vector<16xf32>
        %add3A_539 = arith.addf %get3A_538, %select_n3A_482 : vector<16xf32>
        %swap3A_540 = arith.constant 16 : index
        %swap3A_541 = tpu.vector_load %arg30[%swap3A_540] {strides = array<i32>} : memref<176xf32, #tpu.memory_space<vmem>>, vector<16xf32>,
        %swap3A_542 = vector.shape_cast %swap3A_541 : vector<16xf32> to vector<16xf32>
        %swap3A_543 = vector.shape_cast %add3A_539 : vector<16xf32> to vector<16xf32>
        tpu.vector_store %arg30[%swap3A_540], %swap3A_543 {strides = array<i32>} : memref<176xf32, #tpu.memory_space<vmem>>, vector<16xf32>,
        %get3A_544 = arith.constant 32 : index
        %get3A_545 = tpu.vector_load %arg30[%get3A_544] {strides = array<i32>} : memref<176xf32, #tpu.memory_space<vmem>>, vector<16xf32>,
        %get3A_546 = vector.shape_cast %get3A_545 : vector<16xf32> to vector<16xf32>
        %add3A_547 = arith.addf %get3A_546, %mul3A_519 : vector<16xf32>
        %swap3A_548 = arith.constant 32 : index
        %swap3A_549 = tpu.vector_load %arg30[%swap3A_548] {strides = array<i32>} : memref<176xf32, #tpu.memory_space<vmem>>, vector<16xf32>,
        %swap3A_550 = vector.shape_cast %swap3A_549 : vector<16xf32> to vector<16xf32>
        %swap3A_551 = vector.shape_cast %add3A_547 : vector<16xf32> to vector<16xf32>
        tpu.vector_store %arg30[%swap3A_548], %swap3A_551 {strides = array<i32>} : memref<176xf32, #tpu.memory_space<vmem>>, vector<16xf32>,
        %get3A_552 = arith.constant 48 : index
        %get3A_553 = tpu.vector_load %arg30[%get3A_552] {strides = array<i32>} : memref<176xf32, #tpu.memory_space<vmem>>, vector<16xf32>,
        %get3A_554 = vector.shape_cast %get3A_553 : vector<16xf32> to vector<16xf32>
        %add3A_555 = arith.addf %get3A_554, %mul3A_520 : vector<16xf32>
        %swap3A_556 = arith.constant 48 : index
        %swap3A_557 = tpu.vector_load %arg30[%swap3A_556] {strides = array<i32>} : memref<176xf32, #tpu.memory_space<vmem>>, vector<16xf32>,
        %swap3A_558 = vector.shape_cast %swap3A_557 : vector<16xf32> to vector<16xf32>
        %swap3A_559 = vector.shape_cast %add3A_555 : vector<16xf32> to vector<16xf32>
        tpu.vector_store %arg30[%swap3A_556], %swap3A_559 {strides = array<i32>} : memref<176xf32, #tpu.memory_space<vmem>>, vector<16xf32>,
        %get3A_560 = arith.constant 64 : index
        %get3A_561 = tpu.vector_load %arg30[%get3A_560] {strides = array<i32>} : memref<176xf32, #tpu.memory_space<vmem>>, vector<16xf32>,
        %get3A_562 = vector.shape_cast %get3A_561 : vector<16xf32> to vector<16xf32>
        %add3A_563 = arith.addf %get3A_562, %mul3A_521 : vector<16xf32>
        %swap3A_564 = arith.constant 64 : index
        %swap3A_565 = tpu.vector_load %arg30[%swap3A_564] {strides = array<i32>} : memref<176xf32, #tpu.memory_space<vmem>>, vector<16xf32>,
        %swap3A_566 = vector.shape_cast %swap3A_565 : vector<16xf32> to vector<16xf32>
        %swap3A_567 = vector.shape_cast %add3A_563 : vector<16xf32> to vector<16xf32>
        tpu.vector_store %arg30[%swap3A_564], %swap3A_567 {strides = array<i32>} : memref<176xf32, #tpu.memory_space<vmem>>, vector<16xf32>,
        %get3A_568 = arith.constant 80 : index
        %get3A_569 = tpu.vector_load %arg30[%get3A_568] {strides = array<i32>} : memref<176xf32, #tpu.memory_space<vmem>>, vector<16xf32>,
        %get3A_570 = vector.shape_cast %get3A_569 : vector<16xf32> to vector<16xf32>
        %add3A_571 = arith.addf %get3A_570, %mul3A_522 : vector<16xf32>
        %swap3A_572 = arith.constant 80 : index
        %swap3A_573 = tpu.vector_load %arg30[%swap3A_572] {strides = array<i32>} : memref<176xf32, #tpu.memory_space<vmem>>, vector<16xf32>,
        %swap3A_574 = vector.shape_cast %swap3A_573 : vector<16xf32> to vector<16xf32>
        %swap3A_575 = vector.shape_cast %add3A_571 : vector<16xf32> to vector<16xf32>
        tpu.vector_store %arg30[%swap3A_572], %swap3A_575 {strides = array<i32>} : memref<176xf32, #tpu.memory_space<vmem>>, vector<16xf32>,
        %get3A_576 = arith.constant 96 : index
        %get3A_577 = tpu.vector_load %arg30[%get3A_576] {strides = array<i32>} : memref<176xf32, #tpu.memory_space<vmem>>, vector<16xf32>,
        %get3A_578 = vector.shape_cast %get3A_577 : vector<16xf32> to vector<16xf32>
        %add3A_579 = arith.addf %get3A_578, %mul3A_523 : vector<16xf32>
        %swap3A_580 = arith.constant 96 : index
        %swap3A_581 = tpu.vector_load %arg30[%swap3A_580] {strides = array<i32>} : memref<176xf32, #tpu.memory_space<vmem>>, vector<16xf32>,
        %swap3A_582 = vector.shape_cast %swap3A_581 : vector<16xf32> to vector<16xf32>
        %swap3A_583 = vector.shape_cast %add3A_579 : vector<16xf32> to vector<16xf32>
        tpu.vector_store %arg30[%swap3A_580], %swap3A_583 {strides = array<i32>} : memref<176xf32, #tpu.memory_space<vmem>>, vector<16xf32>,
        %get3A_584 = arith.constant 112 : index
        %get3A_585 = tpu.vector_load %arg30[%get3A_584] {strides = array<i32>} : memref<176xf32, #tpu.memory_space<vmem>>, vector<16xf32>,
        %get3A_586 = vector.shape_cast %get3A_585 : vector<16xf32> to vector<16xf32>
        %add3A_587 = arith.addf %get3A_586, %mul3A_524 : vector<16xf32>
        %swap3A_588 = arith.constant 112 : index
        %swap3A_589 = tpu.vector_load %arg30[%swap3A_588] {strides = array<i32>} : memref<176xf32, #tpu.memory_space<vmem>>, vector<16xf32>,
        %swap3A_590 = vector.shape_cast %swap3A_589 : vector<16xf32> to vector<16xf32>
        %swap3A_591 = vector.shape_cast %add3A_587 : vector<16xf32> to vector<16xf32>
        tpu.vector_store %arg30[%swap3A_588], %swap3A_591 {strides = array<i32>} : memref<176xf32, #tpu.memory_space<vmem>>, vector<16xf32>,
        %get3A_592 = arith.constant 128 : index
        %get3A_593 = tpu.vector_load %arg30[%get3A_592] {strides = array<i32>} : memref<176xf32, #tpu.memory_space<vmem>>, vector<16xf32>,
        %get3A_594 = vector.shape_cast %get3A_593 : vector<16xf32> to vector<16xf32>
        %add3A_595 = arith.addf %get3A_594, %mul3A_525 : vector<16xf32>
        %swap3A_596 = arith.constant 128 : index
        %swap3A_597 = tpu.vector_load %arg30[%swap3A_596] {strides = array<i32>} : memref<176xf32, #tpu.memory_space<vmem>>, vector<16xf32>,
        %swap3A_598 = vector.shape_cast %swap3A_597 : vector<16xf32> to vector<16xf32>
        %swap3A_599 = vector.shape_cast %add3A_595 : vector<16xf32> to vector<16xf32>
        tpu.vector_store %arg30[%swap3A_596], %swap3A_599 {strides = array<i32>} : memref<176xf32, #tpu.memory_space<vmem>>, vector<16xf32>,
        %get3A_600 = arith.constant 144 : index
        %get3A_601 = tpu.vector_load %arg30[%get3A_600] {strides = array<i32>} : memref<176xf32, #tpu.memory_space<vmem>>, vector<16xf32>,
        %get3A_602 = vector.shape_cast %get3A_601 : vector<16xf32> to vector<16xf32>
        %add3A_603 = arith.addf %get3A_602, %mul3A_526 : vector<16xf32>
        %swap3A_604 = arith.constant 144 : index
        %swap3A_605 = tpu.vector_load %arg30[%swap3A_604] {strides = array<i32>} : memref<176xf32, #tpu.memory_space<vmem>>, vector<16xf32>,
        %swap3A_606 = vector.shape_cast %swap3A_605 : vector<16xf32> to vector<16xf32>
        %swap3A_607 = vector.shape_cast %add3A_603 : vector<16xf32> to vector<16xf32>
        tpu.vector_store %arg30[%swap3A_604], %swap3A_607 {strides = array<i32>} : memref<176xf32, #tpu.memory_space<vmem>>, vector<16xf32>,
        %get3A_608 = arith.constant 160 : index
        %get3A_609 = tpu.vector_load %arg30[%get3A_608] {strides = array<i32>} : memref<176xf32, #tpu.memory_space<vmem>>, vector<16xf32>,
        %get3A_610 = vector.shape_cast %get3A_609 : vector<16xf32> to vector<16xf32>
        %add3A_611 = arith.addf %get3A_610, %mul3A_527 : vector<16xf32>
        %swap3A_612 = arith.constant 160 : index
        %swap3A_613 = tpu.vector_load %arg30[%swap3A_612] {strides = array<i32>} : memref<176xf32, #tpu.memory_space<vmem>>, vector<16xf32>,
        %swap3A_614 = vector.shape_cast %swap3A_613 : vector<16xf32> to vector<16xf32>
        %swap3A_615 = vector.shape_cast %add3A_611 : vector<16xf32> to vector<16xf32>
        tpu.vector_store %arg30[%swap3A_612], %swap3A_615 {strides = array<i32>} : memref<176xf32, #tpu.memory_space<vmem>>, vector<16xf32>,
        %scan3A_616 = arith.constant 0 : i32
        scf.yield %scan3A_616 : i32
      }
      %scan3A_362 = arith.constant 125 : i32
      "tpu.region"() ({
        %run_scoped3A = tpu.sem_alloc : memref<!tpu.dma_semaphore, #tpu.memory_space<semaphore_mem>>
        %dma_start3A_363 = arith.constant 0 : i32
        %dma_start3A_364 = tpu.memref_slice %arg14[%dma_start3A_363] : memref<100000xf32, #tpu.memory_space<vmem_shared>> -> memref<100000xf32, #tpu.memory_space<vmem_shared>>
        tpu.enqueue_indirect_dma source(%arg27 : memref<4000xf32, #tpu.memory_space<vmem>>) target(%dma_start3A_364 : memref<100000xf32, #tpu.memory_space<vmem_shared>>) offsets(%arg18 : memref<4000xi32, #tpu.memory_space<vmem>>) semaphore(%run_scoped3A : memref<!tpu.dma_semaphore, #tpu.memory_space<semaphore_mem>>) {add = true}
        %dma_wait3A_365 = arith.constant 0 : i32
        %dma_wait3A_366 = tpu.memref_slice %arg14[%dma_wait3A_365] : memref<100000xf32, #tpu.memory_space<vmem_shared>> -> memref<100000xf32, #tpu.memory_space<vmem_shared>>
        tpu.wait_indirect_dma semaphore(%run_scoped3A : memref<!tpu.dma_semaphore, #tpu.memory_space<semaphore_mem>>) src(%arg27 : memref<4000xf32, #tpu.memory_space<vmem>>) dst(%dma_wait3A_366 : memref<100000xf32, #tpu.memory_space<vmem_shared>>)
        tpu.yield
      }) : () -> ()
      "tpu.region"() ({
        %run_scoped3A = tpu.sem_alloc : memref<!tpu.dma_semaphore, #tpu.memory_space<semaphore_mem>>
        %dma_start3A_363 = arith.constant 0 : i32
        %dma_start3A_364 = tpu.memref_slice %arg15[%dma_start3A_363] : memref<100000xf32, #tpu.memory_space<vmem_shared>> -> memref<100000xf32, #tpu.memory_space<vmem_shared>>
        tpu.enqueue_indirect_dma source(%arg28 : memref<4000xf32, #tpu.memory_space<vmem>>) target(%dma_start3A_364 : memref<100000xf32, #tpu.memory_space<vmem_shared>>) offsets(%arg18 : memref<4000xi32, #tpu.memory_space<vmem>>) semaphore(%run_scoped3A : memref<!tpu.dma_semaphore, #tpu.memory_space<semaphore_mem>>) {add = true}
        %dma_wait3A_365 = arith.constant 0 : i32
        %dma_wait3A_366 = tpu.memref_slice %arg15[%dma_wait3A_365] : memref<100000xf32, #tpu.memory_space<vmem_shared>> -> memref<100000xf32, #tpu.memory_space<vmem_shared>>
        tpu.wait_indirect_dma semaphore(%run_scoped3A : memref<!tpu.dma_semaphore, #tpu.memory_space<semaphore_mem>>) src(%arg28 : memref<4000xf32, #tpu.memory_space<vmem>>) dst(%dma_wait3A_366 : memref<100000xf32, #tpu.memory_space<vmem_shared>>)
        tpu.yield
      }) : () -> ()
      "tpu.region"() ({
        %run_scoped3A = tpu.sem_alloc : memref<!tpu.dma_semaphore, #tpu.memory_space<semaphore_mem>>
        %dma_start3A_363 = arith.constant 0 : i32
        %dma_start3A_364 = tpu.memref_slice %arg16[%dma_start3A_363] : memref<100000xf32, #tpu.memory_space<vmem_shared>> -> memref<100000xf32, #tpu.memory_space<vmem_shared>>
        tpu.enqueue_indirect_dma source(%arg29 : memref<4000xf32, #tpu.memory_space<vmem>>) target(%dma_start3A_364 : memref<100000xf32, #tpu.memory_space<vmem_shared>>) offsets(%arg18 : memref<4000xi32, #tpu.memory_space<vmem>>) semaphore(%run_scoped3A : memref<!tpu.dma_semaphore, #tpu.memory_space<semaphore_mem>>) {add = true}
        %dma_wait3A_365 = arith.constant 0 : i32
        %dma_wait3A_366 = tpu.memref_slice %arg16[%dma_wait3A_365] : memref<100000xf32, #tpu.memory_space<vmem_shared>> -> memref<100000xf32, #tpu.memory_space<vmem_shared>>
        tpu.wait_indirect_dma semaphore(%run_scoped3A : memref<!tpu.dma_semaphore, #tpu.memory_space<semaphore_mem>>) src(%arg29 : memref<4000xf32, #tpu.memory_space<vmem>>) dst(%dma_wait3A_366 : memref<100000xf32, #tpu.memory_space<vmem_shared>>)
        tpu.yield
      }) : () -> ()
    } else {
    }
    %mul3A_309 = arith.constant 11 : i32
    %mul3A_310 = arith.muli %add3A, %mul3A_309 : i32
    %mul3A_311 = arith.constant 16 : i32
    %mul3A_312 = arith.muli %mul3A_310, %mul3A_311 : i32
    "tpu.region"() ({
      %run_scoped3A = tpu.sem_alloc : memref<!tpu.dma_semaphore, #tpu.memory_space<semaphore_mem>>
      %dma_start3A_342 = tpu.memref_slice %arg10[%mul3A_312] : memref<5632xf32, #tpu.memory_space<hbm>> -> memref<176xf32, #tpu.memory_space<hbm>>
      %dma_start3A_343 = tpu.memref_slice %arg10[%mul3A_312] : memref<5632xf32, #tpu.memory_space<hbm>> -> memref<176xf32, #tpu.memory_space<hbm>>
      tpu.enqueue_dma source(%arg30 : memref<176xf32, #tpu.memory_space<vmem>>) target(%dma_start3A_343 : memref<176xf32, #tpu.memory_space<hbm>>) target_semaphore(%run_scoped3A : memref<!tpu.dma_semaphore, #tpu.memory_space<semaphore_mem>>)
      %dma_wait3A_344 = tpu.memref_slice %arg10[%mul3A_312] : memref<5632xf32, #tpu.memory_space<hbm>> -> memref<176xf32, #tpu.memory_space<hbm>>
      %dma_wait3A_345 = tpu.memref_slice %arg10[%mul3A_312] : memref<5632xf32, #tpu.memory_space<hbm>> -> memref<176xf32, #tpu.memory_space<hbm>>
      tpu.wait_dma2 semaphore(%run_scoped3A : memref<!tpu.dma_semaphore, #tpu.memory_space<semaphore_mem>>) src(%arg30 : memref<176xf32, #tpu.memory_space<vmem>>) dst(%dma_wait3A_345 : memref<176xf32, #tpu.memory_space<hbm>>)
      tpu.yield
    }) : () -> ()
    %barrier3A_313 = arith.constant 0 : index
    tpu.barrier barrier_id(%barrier3A_313)
    %add3A_314 = arith.constant 0 : i32
    %add3A_315 = arith.addi %arg1, %add3A_314 : i32
    %lt3A_316 = arith.constant 50 : i32
    %lt3A_317 = arith.cmpi slt, %add3A_315, %lt3A_316 : i32
    %convert_element_type3A_318 = arith.extui %lt3A_317 : i1 to i32
    %cond3A_319 = arith.constant 0 : i32
    %cond3A_320 = arith.cmpi ne, %convert_element_type3A_318, %cond3A_319 : i32
    scf.if %cond3A_320 {
      %mul3A_342 = arith.constant 2000 : i32
      %mul3A_343 = arith.muli %add3A_315, %mul3A_342 : i32
      %multiple_of3A_344 = tpu.assume_multiple %mul3A_343, 2000 : i32
      %mul3A_345 = arith.constant 300000 : i32
      %mul3A_346 = arith.muli %arg0, %mul3A_345 : i32
      %add3A_347 = arith.constant 0 : i32
      %add3A_348 = arith.addi %mul3A_346, %add3A_347 : i32
      "tpu.region"() ({
        %run_scoped3A = tpu.sem_alloc : memref<!tpu.dma_semaphore, #tpu.memory_space<semaphore_mem>>
        %dma_start3A_360 = arith.constant 0 : i32
        %dma_start3A_361 = tpu.memref_slice %arg19[%dma_start3A_360] : memref<4000xf32, #tpu.memory_space<vmem>> -> memref<2000xf32, #tpu.memory_space<vmem>>
        %dma_start3A_362 = tpu.memref_slice %arg14[%multiple_of3A_344] : memref<100000xf32, #tpu.memory_space<vmem_shared>> -> memref<2000xf32, #tpu.memory_space<vmem_shared>>
        %dma_start3A_363 = arith.constant 0 : i32
        %dma_start3A_364 = tpu.memref_slice %arg19[%dma_start3A_363] : memref<4000xf32, #tpu.memory_space<vmem>> -> memref<2000xf32, #tpu.memory_space<vmem>>
        %dma_start3A_365 = tpu.memref_slice %arg14[%multiple_of3A_344] : memref<100000xf32, #tpu.memory_space<vmem_shared>> -> memref<2000xf32, #tpu.memory_space<vmem_shared>>
        tpu.enqueue_dma source(%dma_start3A_365 : memref<2000xf32, #tpu.memory_space<vmem_shared>>) target(%dma_start3A_364 : memref<2000xf32, #tpu.memory_space<vmem>>) target_semaphore(%run_scoped3A : memref<!tpu.dma_semaphore, #tpu.memory_space<semaphore_mem>>)
        %dma_wait3A_366 = arith.constant 0 : i32
        %dma_wait3A_367 = tpu.memref_slice %arg19[%dma_wait3A_366] : memref<4000xf32, #tpu.memory_space<vmem>> -> memref<2000xf32, #tpu.memory_space<vmem>>
        %dma_wait3A_368 = tpu.memref_slice %arg14[%multiple_of3A_344] : memref<100000xf32, #tpu.memory_space<vmem_shared>> -> memref<2000xf32, #tpu.memory_space<vmem_shared>>
        %dma_wait3A_369 = arith.constant 0 : i32
        %dma_wait3A_370 = tpu.memref_slice %arg19[%dma_wait3A_369] : memref<4000xf32, #tpu.memory_space<vmem>> -> memref<2000xf32, #tpu.memory_space<vmem>>
        %dma_wait3A_371 = tpu.memref_slice %arg14[%multiple_of3A_344] : memref<100000xf32, #tpu.memory_space<vmem_shared>> -> memref<2000xf32, #tpu.memory_space<vmem_shared>>
        tpu.wait_dma2 semaphore(%run_scoped3A : memref<!tpu.dma_semaphore, #tpu.memory_space<semaphore_mem>>) src(%dma_wait3A_371 : memref<2000xf32, #tpu.memory_space<vmem_shared>>) dst(%dma_wait3A_370 : memref<2000xf32, #tpu.memory_space<vmem>>)
        tpu.yield
      }) : () -> ()
      %add3A_349 = arith.addi %add3A_348, %multiple_of3A_344 : i32
      "tpu.region"() ({
        %run_scoped3A = tpu.sem_alloc : memref<!tpu.dma_semaphore, #tpu.memory_space<semaphore_mem>>
        %dma_start3A_360 = arith.constant 0 : i32
        %dma_start3A_361 = tpu.memref_slice %arg19[%dma_start3A_360] : memref<4000xf32, #tpu.memory_space<vmem>> -> memref<2000xf32, #tpu.memory_space<vmem>>
        %dma_start3A_362 = tpu.memref_slice %arg9[%add3A_349] : memref<600000xf32, #tpu.memory_space<hbm>> -> memref<2000xf32, #tpu.memory_space<hbm>>
        %dma_start3A_363 = tpu.memref_slice %arg9[%add3A_349] : memref<600000xf32, #tpu.memory_space<hbm>> -> memref<2000xf32, #tpu.memory_space<hbm>>
        %dma_start3A_364 = arith.constant 0 : i32
        %dma_start3A_365 = tpu.memref_slice %arg19[%dma_start3A_364] : memref<4000xf32, #tpu.memory_space<vmem>> -> memref<2000xf32, #tpu.memory_space<vmem>>
        tpu.enqueue_dma source(%dma_start3A_365 : memref<2000xf32, #tpu.memory_space<vmem>>) target(%dma_start3A_363 : memref<2000xf32, #tpu.memory_space<hbm>>) target_semaphore(%run_scoped3A : memref<!tpu.dma_semaphore, #tpu.memory_space<semaphore_mem>>)
        %dma_wait3A_366 = arith.constant 0 : i32
        %dma_wait3A_367 = tpu.memref_slice %arg19[%dma_wait3A_366] : memref<4000xf32, #tpu.memory_space<vmem>> -> memref<2000xf32, #tpu.memory_space<vmem>>
        %dma_wait3A_368 = tpu.memref_slice %arg9[%add3A_349] : memref<600000xf32, #tpu.memory_space<hbm>> -> memref<2000xf32, #tpu.memory_space<hbm>>
        %dma_wait3A_369 = tpu.memref_slice %arg9[%add3A_349] : memref<600000xf32, #tpu.memory_space<hbm>> -> memref<2000xf32, #tpu.memory_space<hbm>>
        %dma_wait3A_370 = arith.constant 0 : i32
        %dma_wait3A_371 = tpu.memref_slice %arg19[%dma_wait3A_370] : memref<4000xf32, #tpu.memory_space<vmem>> -> memref<2000xf32, #tpu.memory_space<vmem>>
        tpu.wait_dma2 semaphore(%run_scoped3A : memref<!tpu.dma_semaphore, #tpu.memory_space<semaphore_mem>>) src(%dma_wait3A_371 : memref<2000xf32, #tpu.memory_space<vmem>>) dst(%dma_wait3A_369 : memref<2000xf32, #tpu.memory_space<hbm>>)
        tpu.yield
      }) : () -> ()
      %mul3A_350 = arith.constant 300000 : i32
      %mul3A_351 = arith.muli %arg0, %mul3A_350 : i32
      %add3A_352 = arith.constant 100000 : i32
      %add3A_353 = arith.addi %mul3A_351, %add3A_352 : i32
      "tpu.region"() ({
        %run_scoped3A = tpu.sem_alloc : memref<!tpu.dma_semaphore, #tpu.memory_space<semaphore_mem>>
        %dma_start3A_360 = arith.constant 0 : i32
        %dma_start3A_361 = tpu.memref_slice %arg19[%dma_start3A_360] : memref<4000xf32, #tpu.memory_space<vmem>> -> memref<2000xf32, #tpu.memory_space<vmem>>
        %dma_start3A_362 = tpu.memref_slice %arg15[%multiple_of3A_344] : memref<100000xf32, #tpu.memory_space<vmem_shared>> -> memref<2000xf32, #tpu.memory_space<vmem_shared>>
        %dma_start3A_363 = arith.constant 0 : i32
        %dma_start3A_364 = tpu.memref_slice %arg19[%dma_start3A_363] : memref<4000xf32, #tpu.memory_space<vmem>> -> memref<2000xf32, #tpu.memory_space<vmem>>
        %dma_start3A_365 = tpu.memref_slice %arg15[%multiple_of3A_344] : memref<100000xf32, #tpu.memory_space<vmem_shared>> -> memref<2000xf32, #tpu.memory_space<vmem_shared>>
        tpu.enqueue_dma source(%dma_start3A_365 : memref<2000xf32, #tpu.memory_space<vmem_shared>>) target(%dma_start3A_364 : memref<2000xf32, #tpu.memory_space<vmem>>) target_semaphore(%run_scoped3A : memref<!tpu.dma_semaphore, #tpu.memory_space<semaphore_mem>>)
        %dma_wait3A_366 = arith.constant 0 : i32
        %dma_wait3A_367 = tpu.memref_slice %arg19[%dma_wait3A_366] : memref<4000xf32, #tpu.memory_space<vmem>> -> memref<2000xf32, #tpu.memory_space<vmem>>
        %dma_wait3A_368 = tpu.memref_slice %arg15[%multiple_of3A_344] : memref<100000xf32, #tpu.memory_space<vmem_shared>> -> memref<2000xf32, #tpu.memory_space<vmem_shared>>
        %dma_wait3A_369 = arith.constant 0 : i32
        %dma_wait3A_370 = tpu.memref_slice %arg19[%dma_wait3A_369] : memref<4000xf32, #tpu.memory_space<vmem>> -> memref<2000xf32, #tpu.memory_space<vmem>>
        %dma_wait3A_371 = tpu.memref_slice %arg15[%multiple_of3A_344] : memref<100000xf32, #tpu.memory_space<vmem_shared>> -> memref<2000xf32, #tpu.memory_space<vmem_shared>>
        tpu.wait_dma2 semaphore(%run_scoped3A : memref<!tpu.dma_semaphore, #tpu.memory_space<semaphore_mem>>) src(%dma_wait3A_371 : memref<2000xf32, #tpu.memory_space<vmem_shared>>) dst(%dma_wait3A_370 : memref<2000xf32, #tpu.memory_space<vmem>>)
        tpu.yield
      }) : () -> ()
      %add3A_354 = arith.addi %add3A_353, %multiple_of3A_344 : i32
      "tpu.region"() ({
        %run_scoped3A = tpu.sem_alloc : memref<!tpu.dma_semaphore, #tpu.memory_space<semaphore_mem>>
        %dma_start3A_360 = arith.constant 0 : i32
        %dma_start3A_361 = tpu.memref_slice %arg19[%dma_start3A_360] : memref<4000xf32, #tpu.memory_space<vmem>> -> memref<2000xf32, #tpu.memory_space<vmem>>
        %dma_start3A_362 = tpu.memref_slice %arg9[%add3A_354] : memref<600000xf32, #tpu.memory_space<hbm>> -> memref<2000xf32, #tpu.memory_space<hbm>>
        %dma_start3A_363 = tpu.memref_slice %arg9[%add3A_354] : memref<600000xf32, #tpu.memory_space<hbm>> -> memref<2000xf32, #tpu.memory_space<hbm>>
        %dma_start3A_364 = arith.constant 0 : i32
        %dma_start3A_365 = tpu.memref_slice %arg19[%dma_start3A_364] : memref<4000xf32, #tpu.memory_space<vmem>> -> memref<2000xf32, #tpu.memory_space<vmem>>
        tpu.enqueue_dma source(%dma_start3A_365 : memref<2000xf32, #tpu.memory_space<vmem>>) target(%dma_start3A_363 : memref<2000xf32, #tpu.memory_space<hbm>>) target_semaphore(%run_scoped3A : memref<!tpu.dma_semaphore, #tpu.memory_space<semaphore_mem>>)
        %dma_wait3A_366 = arith.constant 0 : i32
        %dma_wait3A_367 = tpu.memref_slice %arg19[%dma_wait3A_366] : memref<4000xf32, #tpu.memory_space<vmem>> -> memref<2000xf32, #tpu.memory_space<vmem>>
        %dma_wait3A_368 = tpu.memref_slice %arg9[%add3A_354] : memref<600000xf32, #tpu.memory_space<hbm>> -> memref<2000xf32, #tpu.memory_space<hbm>>
        %dma_wait3A_369 = tpu.memref_slice %arg9[%add3A_354] : memref<600000xf32, #tpu.memory_space<hbm>> -> memref<2000xf32, #tpu.memory_space<hbm>>
        %dma_wait3A_370 = arith.constant 0 : i32
        %dma_wait3A_371 = tpu.memref_slice %arg19[%dma_wait3A_370] : memref<4000xf32, #tpu.memory_space<vmem>> -> memref<2000xf32, #tpu.memory_space<vmem>>
        tpu.wait_dma2 semaphore(%run_scoped3A : memref<!tpu.dma_semaphore, #tpu.memory_space<semaphore_mem>>) src(%dma_wait3A_371 : memref<2000xf32, #tpu.memory_space<vmem>>) dst(%dma_wait3A_369 : memref<2000xf32, #tpu.memory_space<hbm>>)
        tpu.yield
      }) : () -> ()
      %mul3A_355 = arith.constant 300000 : i32
      %mul3A_356 = arith.muli %arg0, %mul3A_355 : i32
      %add3A_357 = arith.constant 200000 : i32
      %add3A_358 = arith.addi %mul3A_356, %add3A_357 : i32
      "tpu.region"() ({
        %run_scoped3A = tpu.sem_alloc : memref<!tpu.dma_semaphore, #tpu.memory_space<semaphore_mem>>
        %dma_start3A_360 = arith.constant 0 : i32
        %dma_start3A_361 = tpu.memref_slice %arg19[%dma_start3A_360] : memref<4000xf32, #tpu.memory_space<vmem>> -> memref<2000xf32, #tpu.memory_space<vmem>>
        %dma_start3A_362 = tpu.memref_slice %arg16[%multiple_of3A_344] : memref<100000xf32, #tpu.memory_space<vmem_shared>> -> memref<2000xf32, #tpu.memory_space<vmem_shared>>
        %dma_start3A_363 = arith.constant 0 : i32
        %dma_start3A_364 = tpu.memref_slice %arg19[%dma_start3A_363] : memref<4000xf32, #tpu.memory_space<vmem>> -> memref<2000xf32, #tpu.memory_space<vmem>>
        %dma_start3A_365 = tpu.memref_slice %arg16[%multiple_of3A_344] : memref<100000xf32, #tpu.memory_space<vmem_shared>> -> memref<2000xf32, #tpu.memory_space<vmem_shared>>
        tpu.enqueue_dma source(%dma_start3A_365 : memref<2000xf32, #tpu.memory_space<vmem_shared>>) target(%dma_start3A_364 : memref<2000xf32, #tpu.memory_space<vmem>>) target_semaphore(%run_scoped3A : memref<!tpu.dma_semaphore, #tpu.memory_space<semaphore_mem>>)
        %dma_wait3A_366 = arith.constant 0 : i32
        %dma_wait3A_367 = tpu.memref_slice %arg19[%dma_wait3A_366] : memref<4000xf32, #tpu.memory_space<vmem>> -> memref<2000xf32, #tpu.memory_space<vmem>>
        %dma_wait3A_368 = tpu.memref_slice %arg16[%multiple_of3A_344] : memref<100000xf32, #tpu.memory_space<vmem_shared>> -> memref<2000xf32, #tpu.memory_space<vmem_shared>>
        %dma_wait3A_369 = arith.constant 0 : i32
        %dma_wait3A_370 = tpu.memref_slice %arg19[%dma_wait3A_369] : memref<4000xf32, #tpu.memory_space<vmem>> -> memref<2000xf32, #tpu.memory_space<vmem>>
        %dma_wait3A_371 = tpu.memref_slice %arg16[%multiple_of3A_344] : memref<100000xf32, #tpu.memory_space<vmem_shared>> -> memref<2000xf32, #tpu.memory_space<vmem_shared>>
        tpu.wait_dma2 semaphore(%run_scoped3A : memref<!tpu.dma_semaphore, #tpu.memory_space<semaphore_mem>>) src(%dma_wait3A_371 : memref<2000xf32, #tpu.memory_space<vmem_shared>>) dst(%dma_wait3A_370 : memref<2000xf32, #tpu.memory_space<vmem>>)
        tpu.yield
      }) : () -> ()
      %add3A_359 = arith.addi %add3A_358, %multiple_of3A_344 : i32
      "tpu.region"() ({
        %run_scoped3A = tpu.sem_alloc : memref<!tpu.dma_semaphore, #tpu.memory_space<semaphore_mem>>
        %dma_start3A_360 = arith.constant 0 : i32
        %dma_start3A_361 = tpu.memref_slice %arg19[%dma_start3A_360] : memref<4000xf32, #tpu.memory_space<vmem>> -> memref<2000xf32, #tpu.memory_space<vmem>>
        %dma_start3A_362 = tpu.memref_slice %arg9[%add3A_359] : memref<600000xf32, #tpu.memory_space<hbm>> -> memref<2000xf32, #tpu.memory_space<hbm>>
        %dma_start3A_363 = tpu.memref_slice %arg9[%add3A_359] : memref<600000xf32, #tpu.memory_space<hbm>> -> memref<2000xf32, #tpu.memory_space<hbm>>
        %dma_start3A_364 = arith.constant 0 : i32
        %dma_start3A_365 = tpu.memref_slice %arg19[%dma_start3A_364] : memref<4000xf32, #tpu.memory_space<vmem>> -> memref<2000xf32, #tpu.memory_space<vmem>>
        tpu.enqueue_dma source(%dma_start3A_365 : memref<2000xf32, #tpu.memory_space<vmem>>) target(%dma_start3A_363 : memref<2000xf32, #tpu.memory_space<hbm>>) target_semaphore(%run_scoped3A : memref<!tpu.dma_semaphore, #tpu.memory_space<semaphore_mem>>)
        %dma_wait3A_366 = arith.constant 0 : i32
        %dma_wait3A_367 = tpu.memref_slice %arg19[%dma_wait3A_366] : memref<4000xf32, #tpu.memory_space<vmem>> -> memref<2000xf32, #tpu.memory_space<vmem>>
        %dma_wait3A_368 = tpu.memref_slice %arg9[%add3A_359] : memref<600000xf32, #tpu.memory_space<hbm>> -> memref<2000xf32, #tpu.memory_space<hbm>>
        %dma_wait3A_369 = tpu.memref_slice %arg9[%add3A_359] : memref<600000xf32, #tpu.memory_space<hbm>> -> memref<2000xf32, #tpu.memory_space<hbm>>
        %dma_wait3A_370 = arith.constant 0 : i32
        %dma_wait3A_371 = tpu.memref_slice %arg19[%dma_wait3A_370] : memref<4000xf32, #tpu.memory_space<vmem>> -> memref<2000xf32, #tpu.memory_space<vmem>>
        tpu.wait_dma2 semaphore(%run_scoped3A : memref<!tpu.dma_semaphore, #tpu.memory_space<semaphore_mem>>) src(%dma_wait3A_371 : memref<2000xf32, #tpu.memory_space<vmem>>) dst(%dma_wait3A_369 : memref<2000xf32, #tpu.memory_space<hbm>>)
        tpu.yield
      }) : () -> ()
    } else {
    }
    %add3A_321 = arith.constant 16 : i32
    %add3A_322 = arith.addi %arg1, %add3A_321 : i32
    %lt3A_323 = arith.constant 50 : i32
    %lt3A_324 = arith.cmpi slt, %add3A_322, %lt3A_323 : i32
    %convert_element_type3A_325 = arith.extui %lt3A_324 : i1 to i32
    %cond3A_326 = arith.constant 0 : i32
    %cond3A_327 = arith.cmpi ne, %convert_element_type3A_325, %cond3A_326 : i32
    scf.if %cond3A_327 {
      %mul3A_342 = arith.constant 2000 : i32
      %mul3A_343 = arith.muli %add3A_322, %mul3A_342 : i32
      %multiple_of3A_344 = tpu.assume_multiple %mul3A_343, 2000 : i32
      %mul3A_345 = arith.constant 300000 : i32
      %mul3A_346 = arith.muli %arg0, %mul3A_345 : i32
      %add3A_347 = arith.constant 0 : i32
      %add3A_348 = arith.addi %mul3A_346, %add3A_347 : i32
      "tpu.region"() ({
        %run_scoped3A = tpu.sem_alloc : memref<!tpu.dma_semaphore, #tpu.memory_space<semaphore_mem>>
        %dma_start3A_360 = arith.constant 0 : i32
        %dma_start3A_361 = tpu.memref_slice %arg19[%dma_start3A_360] : memref<4000xf32, #tpu.memory_space<vmem>> -> memref<2000xf32, #tpu.memory_space<vmem>>
        %dma_start3A_362 = tpu.memref_slice %arg14[%multiple_of3A_344] : memref<100000xf32, #tpu.memory_space<vmem_shared>> -> memref<2000xf32, #tpu.memory_space<vmem_shared>>
        %dma_start3A_363 = arith.constant 0 : i32
        %dma_start3A_364 = tpu.memref_slice %arg19[%dma_start3A_363] : memref<4000xf32, #tpu.memory_space<vmem>> -> memref<2000xf32, #tpu.memory_space<vmem>>
        %dma_start3A_365 = tpu.memref_slice %arg14[%multiple_of3A_344] : memref<100000xf32, #tpu.memory_space<vmem_shared>> -> memref<2000xf32, #tpu.memory_space<vmem_shared>>
        tpu.enqueue_dma source(%dma_start3A_365 : memref<2000xf32, #tpu.memory_space<vmem_shared>>) target(%dma_start3A_364 : memref<2000xf32, #tpu.memory_space<vmem>>) target_semaphore(%run_scoped3A : memref<!tpu.dma_semaphore, #tpu.memory_space<semaphore_mem>>)
        %dma_wait3A_366 = arith.constant 0 : i32
        %dma_wait3A_367 = tpu.memref_slice %arg19[%dma_wait3A_366] : memref<4000xf32, #tpu.memory_space<vmem>> -> memref<2000xf32, #tpu.memory_space<vmem>>
        %dma_wait3A_368 = tpu.memref_slice %arg14[%multiple_of3A_344] : memref<100000xf32, #tpu.memory_space<vmem_shared>> -> memref<2000xf32, #tpu.memory_space<vmem_shared>>
        %dma_wait3A_369 = arith.constant 0 : i32
        %dma_wait3A_370 = tpu.memref_slice %arg19[%dma_wait3A_369] : memref<4000xf32, #tpu.memory_space<vmem>> -> memref<2000xf32, #tpu.memory_space<vmem>>
        %dma_wait3A_371 = tpu.memref_slice %arg14[%multiple_of3A_344] : memref<100000xf32, #tpu.memory_space<vmem_shared>> -> memref<2000xf32, #tpu.memory_space<vmem_shared>>
        tpu.wait_dma2 semaphore(%run_scoped3A : memref<!tpu.dma_semaphore, #tpu.memory_space<semaphore_mem>>) src(%dma_wait3A_371 : memref<2000xf32, #tpu.memory_space<vmem_shared>>) dst(%dma_wait3A_370 : memref<2000xf32, #tpu.memory_space<vmem>>)
        tpu.yield
      }) : () -> ()
      %add3A_349 = arith.addi %add3A_348, %multiple_of3A_344 : i32
      "tpu.region"() ({
        %run_scoped3A = tpu.sem_alloc : memref<!tpu.dma_semaphore, #tpu.memory_space<semaphore_mem>>
        %dma_start3A_360 = arith.constant 0 : i32
        %dma_start3A_361 = tpu.memref_slice %arg19[%dma_start3A_360] : memref<4000xf32, #tpu.memory_space<vmem>> -> memref<2000xf32, #tpu.memory_space<vmem>>
        %dma_start3A_362 = tpu.memref_slice %arg9[%add3A_349] : memref<600000xf32, #tpu.memory_space<hbm>> -> memref<2000xf32, #tpu.memory_space<hbm>>
        %dma_start3A_363 = tpu.memref_slice %arg9[%add3A_349] : memref<600000xf32, #tpu.memory_space<hbm>> -> memref<2000xf32, #tpu.memory_space<hbm>>
        %dma_start3A_364 = arith.constant 0 : i32
        %dma_start3A_365 = tpu.memref_slice %arg19[%dma_start3A_364] : memref<4000xf32, #tpu.memory_space<vmem>> -> memref<2000xf32, #tpu.memory_space<vmem>>
        tpu.enqueue_dma source(%dma_start3A_365 : memref<2000xf32, #tpu.memory_space<vmem>>) target(%dma_start3A_363 : memref<2000xf32, #tpu.memory_space<hbm>>) target_semaphore(%run_scoped3A : memref<!tpu.dma_semaphore, #tpu.memory_space<semaphore_mem>>)
        %dma_wait3A_366 = arith.constant 0 : i32
        %dma_wait3A_367 = tpu.memref_slice %arg19[%dma_wait3A_366] : memref<4000xf32, #tpu.memory_space<vmem>> -> memref<2000xf32, #tpu.memory_space<vmem>>
        %dma_wait3A_368 = tpu.memref_slice %arg9[%add3A_349] : memref<600000xf32, #tpu.memory_space<hbm>> -> memref<2000xf32, #tpu.memory_space<hbm>>
        %dma_wait3A_369 = tpu.memref_slice %arg9[%add3A_349] : memref<600000xf32, #tpu.memory_space<hbm>> -> memref<2000xf32, #tpu.memory_space<hbm>>
        %dma_wait3A_370 = arith.constant 0 : i32
        %dma_wait3A_371 = tpu.memref_slice %arg19[%dma_wait3A_370] : memref<4000xf32, #tpu.memory_space<vmem>> -> memref<2000xf32, #tpu.memory_space<vmem>>
        tpu.wait_dma2 semaphore(%run_scoped3A : memref<!tpu.dma_semaphore, #tpu.memory_space<semaphore_mem>>) src(%dma_wait3A_371 : memref<2000xf32, #tpu.memory_space<vmem>>) dst(%dma_wait3A_369 : memref<2000xf32, #tpu.memory_space<hbm>>)
        tpu.yield
      }) : () -> ()
      %mul3A_350 = arith.constant 300000 : i32
      %mul3A_351 = arith.muli %arg0, %mul3A_350 : i32
      %add3A_352 = arith.constant 100000 : i32
      %add3A_353 = arith.addi %mul3A_351, %add3A_352 : i32
      "tpu.region"() ({
        %run_scoped3A = tpu.sem_alloc : memref<!tpu.dma_semaphore, #tpu.memory_space<semaphore_mem>>
        %dma_start3A_360 = arith.constant 0 : i32
        %dma_start3A_361 = tpu.memref_slice %arg19[%dma_start3A_360] : memref<4000xf32, #tpu.memory_space<vmem>> -> memref<2000xf32, #tpu.memory_space<vmem>>
        %dma_start3A_362 = tpu.memref_slice %arg15[%multiple_of3A_344] : memref<100000xf32, #tpu.memory_space<vmem_shared>> -> memref<2000xf32, #tpu.memory_space<vmem_shared>>
        %dma_start3A_363 = arith.constant 0 : i32
        %dma_start3A_364 = tpu.memref_slice %arg19[%dma_start3A_363] : memref<4000xf32, #tpu.memory_space<vmem>> -> memref<2000xf32, #tpu.memory_space<vmem>>
        %dma_start3A_365 = tpu.memref_slice %arg15[%multiple_of3A_344] : memref<100000xf32, #tpu.memory_space<vmem_shared>> -> memref<2000xf32, #tpu.memory_space<vmem_shared>>
        tpu.enqueue_dma source(%dma_start3A_365 : memref<2000xf32, #tpu.memory_space<vmem_shared>>) target(%dma_start3A_364 : memref<2000xf32, #tpu.memory_space<vmem>>) target_semaphore(%run_scoped3A : memref<!tpu.dma_semaphore, #tpu.memory_space<semaphore_mem>>)
        %dma_wait3A_366 = arith.constant 0 : i32
        %dma_wait3A_367 = tpu.memref_slice %arg19[%dma_wait3A_366] : memref<4000xf32, #tpu.memory_space<vmem>> -> memref<2000xf32, #tpu.memory_space<vmem>>
        %dma_wait3A_368 = tpu.memref_slice %arg15[%multiple_of3A_344] : memref<100000xf32, #tpu.memory_space<vmem_shared>> -> memref<2000xf32, #tpu.memory_space<vmem_shared>>
        %dma_wait3A_369 = arith.constant 0 : i32
        %dma_wait3A_370 = tpu.memref_slice %arg19[%dma_wait3A_369] : memref<4000xf32, #tpu.memory_space<vmem>> -> memref<2000xf32, #tpu.memory_space<vmem>>
        %dma_wait3A_371 = tpu.memref_slice %arg15[%multiple_of3A_344] : memref<100000xf32, #tpu.memory_space<vmem_shared>> -> memref<2000xf32, #tpu.memory_space<vmem_shared>>
        tpu.wait_dma2 semaphore(%run_scoped3A : memref<!tpu.dma_semaphore, #tpu.memory_space<semaphore_mem>>) src(%dma_wait3A_371 : memref<2000xf32, #tpu.memory_space<vmem_shared>>) dst(%dma_wait3A_370 : memref<2000xf32, #tpu.memory_space<vmem>>)
        tpu.yield
      }) : () -> ()
      %add3A_354 = arith.addi %add3A_353, %multiple_of3A_344 : i32
      "tpu.region"() ({
        %run_scoped3A = tpu.sem_alloc : memref<!tpu.dma_semaphore, #tpu.memory_space<semaphore_mem>>
        %dma_start3A_360 = arith.constant 0 : i32
        %dma_start3A_361 = tpu.memref_slice %arg19[%dma_start3A_360] : memref<4000xf32, #tpu.memory_space<vmem>> -> memref<2000xf32, #tpu.memory_space<vmem>>
        %dma_start3A_362 = tpu.memref_slice %arg9[%add3A_354] : memref<600000xf32, #tpu.memory_space<hbm>> -> memref<2000xf32, #tpu.memory_space<hbm>>
        %dma_start3A_363 = tpu.memref_slice %arg9[%add3A_354] : memref<600000xf32, #tpu.memory_space<hbm>> -> memref<2000xf32, #tpu.memory_space<hbm>>
        %dma_start3A_364 = arith.constant 0 : i32
        %dma_start3A_365 = tpu.memref_slice %arg19[%dma_start3A_364] : memref<4000xf32, #tpu.memory_space<vmem>> -> memref<2000xf32, #tpu.memory_space<vmem>>
        tpu.enqueue_dma source(%dma_start3A_365 : memref<2000xf32, #tpu.memory_space<vmem>>) target(%dma_start3A_363 : memref<2000xf32, #tpu.memory_space<hbm>>) target_semaphore(%run_scoped3A : memref<!tpu.dma_semaphore, #tpu.memory_space<semaphore_mem>>)
        %dma_wait3A_366 = arith.constant 0 : i32
        %dma_wait3A_367 = tpu.memref_slice %arg19[%dma_wait3A_366] : memref<4000xf32, #tpu.memory_space<vmem>> -> memref<2000xf32, #tpu.memory_space<vmem>>
        %dma_wait3A_368 = tpu.memref_slice %arg9[%add3A_354] : memref<600000xf32, #tpu.memory_space<hbm>> -> memref<2000xf32, #tpu.memory_space<hbm>>
        %dma_wait3A_369 = tpu.memref_slice %arg9[%add3A_354] : memref<600000xf32, #tpu.memory_space<hbm>> -> memref<2000xf32, #tpu.memory_space<hbm>>
        %dma_wait3A_370 = arith.constant 0 : i32
        %dma_wait3A_371 = tpu.memref_slice %arg19[%dma_wait3A_370] : memref<4000xf32, #tpu.memory_space<vmem>> -> memref<2000xf32, #tpu.memory_space<vmem>>
        tpu.wait_dma2 semaphore(%run_scoped3A : memref<!tpu.dma_semaphore, #tpu.memory_space<semaphore_mem>>) src(%dma_wait3A_371 : memref<2000xf32, #tpu.memory_space<vmem>>) dst(%dma_wait3A_369 : memref<2000xf32, #tpu.memory_space<hbm>>)
        tpu.yield
      }) : () -> ()
      %mul3A_355 = arith.constant 300000 : i32
      %mul3A_356 = arith.muli %arg0, %mul3A_355 : i32
      %add3A_357 = arith.constant 200000 : i32
      %add3A_358 = arith.addi %mul3A_356, %add3A_357 : i32
      "tpu.region"() ({
        %run_scoped3A = tpu.sem_alloc : memref<!tpu.dma_semaphore, #tpu.memory_space<semaphore_mem>>
        %dma_start3A_360 = arith.constant 0 : i32
        %dma_start3A_361 = tpu.memref_slice %arg19[%dma_start3A_360] : memref<4000xf32, #tpu.memory_space<vmem>> -> memref<2000xf32, #tpu.memory_space<vmem>>
        %dma_start3A_362 = tpu.memref_slice %arg16[%multiple_of3A_344] : memref<100000xf32, #tpu.memory_space<vmem_shared>> -> memref<2000xf32, #tpu.memory_space<vmem_shared>>
        %dma_start3A_363 = arith.constant 0 : i32
        %dma_start3A_364 = tpu.memref_slice %arg19[%dma_start3A_363] : memref<4000xf32, #tpu.memory_space<vmem>> -> memref<2000xf32, #tpu.memory_space<vmem>>
        %dma_start3A_365 = tpu.memref_slice %arg16[%multiple_of3A_344] : memref<100000xf32, #tpu.memory_space<vmem_shared>> -> memref<2000xf32, #tpu.memory_space<vmem_shared>>
        tpu.enqueue_dma source(%dma_start3A_365 : memref<2000xf32, #tpu.memory_space<vmem_shared>>) target(%dma_start3A_364 : memref<2000xf32, #tpu.memory_space<vmem>>) target_semaphore(%run_scoped3A : memref<!tpu.dma_semaphore, #tpu.memory_space<semaphore_mem>>)
        %dma_wait3A_366 = arith.constant 0 : i32
        %dma_wait3A_367 = tpu.memref_slice %arg19[%dma_wait3A_366] : memref<4000xf32, #tpu.memory_space<vmem>> -> memref<2000xf32, #tpu.memory_space<vmem>>
        %dma_wait3A_368 = tpu.memref_slice %arg16[%multiple_of3A_344] : memref<100000xf32, #tpu.memory_space<vmem_shared>> -> memref<2000xf32, #tpu.memory_space<vmem_shared>>
        %dma_wait3A_369 = arith.constant 0 : i32
        %dma_wait3A_370 = tpu.memref_slice %arg19[%dma_wait3A_369] : memref<4000xf32, #tpu.memory_space<vmem>> -> memref<2000xf32, #tpu.memory_space<vmem>>
        %dma_wait3A_371 = tpu.memref_slice %arg16[%multiple_of3A_344] : memref<100000xf32, #tpu.memory_space<vmem_shared>> -> memref<2000xf32, #tpu.memory_space<vmem_shared>>
        tpu.wait_dma2 semaphore(%run_scoped3A : memref<!tpu.dma_semaphore, #tpu.memory_space<semaphore_mem>>) src(%dma_wait3A_371 : memref<2000xf32, #tpu.memory_space<vmem_shared>>) dst(%dma_wait3A_370 : memref<2000xf32, #tpu.memory_space<vmem>>)
        tpu.yield
      }) : () -> ()
      %add3A_359 = arith.addi %add3A_358, %multiple_of3A_344 : i32
      "tpu.region"() ({
        %run_scoped3A = tpu.sem_alloc : memref<!tpu.dma_semaphore, #tpu.memory_space<semaphore_mem>>
        %dma_start3A_360 = arith.constant 0 : i32
        %dma_start3A_361 = tpu.memref_slice %arg19[%dma_start3A_360] : memref<4000xf32, #tpu.memory_space<vmem>> -> memref<2000xf32, #tpu.memory_space<vmem>>
        %dma_start3A_362 = tpu.memref_slice %arg9[%add3A_359] : memref<600000xf32, #tpu.memory_space<hbm>> -> memref<2000xf32, #tpu.memory_space<hbm>>
        %dma_start3A_363 = tpu.memref_slice %arg9[%add3A_359] : memref<600000xf32, #tpu.memory_space<hbm>> -> memref<2000xf32, #tpu.memory_space<hbm>>
        %dma_start3A_364 = arith.constant 0 : i32
        %dma_start3A_365 = tpu.memref_slice %arg19[%dma_start3A_364] : memref<4000xf32, #tpu.memory_space<vmem>> -> memref<2000xf32, #tpu.memory_space<vmem>>
        tpu.enqueue_dma source(%dma_start3A_365 : memref<2000xf32, #tpu.memory_space<vmem>>) target(%dma_start3A_363 : memref<2000xf32, #tpu.memory_space<hbm>>) target_semaphore(%run_scoped3A : memref<!tpu.dma_semaphore, #tpu.memory_space<semaphore_mem>>)
        %dma_wait3A_366 = arith.constant 0 : i32
        %dma_wait3A_367 = tpu.memref_slice %arg19[%dma_wait3A_366] : memref<4000xf32, #tpu.memory_space<vmem>> -> memref<2000xf32, #tpu.memory_space<vmem>>
        %dma_wait3A_368 = tpu.memref_slice %arg9[%add3A_359] : memref<600000xf32, #tpu.memory_space<hbm>> -> memref<2000xf32, #tpu.memory_space<hbm>>
        %dma_wait3A_369 = tpu.memref_slice %arg9[%add3A_359] : memref<600000xf32, #tpu.memory_space<hbm>> -> memref<2000xf32, #tpu.memory_space<hbm>>
        %dma_wait3A_370 = arith.constant 0 : i32
        %dma_wait3A_371 = tpu.memref_slice %arg19[%dma_wait3A_370] : memref<4000xf32, #tpu.memory_space<vmem>> -> memref<2000xf32, #tpu.memory_space<vmem>>
        tpu.wait_dma2 semaphore(%run_scoped3A : memref<!tpu.dma_semaphore, #tpu.memory_space<semaphore_mem>>) src(%dma_wait3A_371 : memref<2000xf32, #tpu.memory_space<vmem>>) dst(%dma_wait3A_369 : memref<2000xf32, #tpu.memory_space<hbm>>)
        tpu.yield
      }) : () -> ()
    } else {
    }
    %add3A_328 = arith.constant 32 : i32
    %add3A_329 = arith.addi %arg1, %add3A_328 : i32
    %lt3A_330 = arith.constant 50 : i32
    %lt3A_331 = arith.cmpi slt, %add3A_329, %lt3A_330 : i32
    %convert_element_type3A_332 = arith.extui %lt3A_331 : i1 to i32
    %cond3A_333 = arith.constant 0 : i32
    %cond3A_334 = arith.cmpi ne, %convert_element_type3A_332, %cond3A_333 : i32
    scf.if %cond3A_334 {
      %mul3A_342 = arith.constant 2000 : i32
      %mul3A_343 = arith.muli %add3A_329, %mul3A_342 : i32
      %multiple_of3A_344 = tpu.assume_multiple %mul3A_343, 2000 : i32
      %mul3A_345 = arith.constant 300000 : i32
      %mul3A_346 = arith.muli %arg0, %mul3A_345 : i32
      %add3A_347 = arith.constant 0 : i32
      %add3A_348 = arith.addi %mul3A_346, %add3A_347 : i32
      "tpu.region"() ({
        %run_scoped3A = tpu.sem_alloc : memref<!tpu.dma_semaphore, #tpu.memory_space<semaphore_mem>>
        %dma_start3A_360 = arith.constant 0 : i32
        %dma_start3A_361 = tpu.memref_slice %arg19[%dma_start3A_360] : memref<4000xf32, #tpu.memory_space<vmem>> -> memref<2000xf32, #tpu.memory_space<vmem>>
        %dma_start3A_362 = tpu.memref_slice %arg14[%multiple_of3A_344] : memref<100000xf32, #tpu.memory_space<vmem_shared>> -> memref<2000xf32, #tpu.memory_space<vmem_shared>>
        %dma_start3A_363 = arith.constant 0 : i32
        %dma_start3A_364 = tpu.memref_slice %arg19[%dma_start3A_363] : memref<4000xf32, #tpu.memory_space<vmem>> -> memref<2000xf32, #tpu.memory_space<vmem>>
        %dma_start3A_365 = tpu.memref_slice %arg14[%multiple_of3A_344] : memref<100000xf32, #tpu.memory_space<vmem_shared>> -> memref<2000xf32, #tpu.memory_space<vmem_shared>>
        tpu.enqueue_dma source(%dma_start3A_365 : memref<2000xf32, #tpu.memory_space<vmem_shared>>) target(%dma_start3A_364 : memref<2000xf32, #tpu.memory_space<vmem>>) target_semaphore(%run_scoped3A : memref<!tpu.dma_semaphore, #tpu.memory_space<semaphore_mem>>)
        %dma_wait3A_366 = arith.constant 0 : i32
        %dma_wait3A_367 = tpu.memref_slice %arg19[%dma_wait3A_366] : memref<4000xf32, #tpu.memory_space<vmem>> -> memref<2000xf32, #tpu.memory_space<vmem>>
        %dma_wait3A_368 = tpu.memref_slice %arg14[%multiple_of3A_344] : memref<100000xf32, #tpu.memory_space<vmem_shared>> -> memref<2000xf32, #tpu.memory_space<vmem_shared>>
        %dma_wait3A_369 = arith.constant 0 : i32
        %dma_wait3A_370 = tpu.memref_slice %arg19[%dma_wait3A_369] : memref<4000xf32, #tpu.memory_space<vmem>> -> memref<2000xf32, #tpu.memory_space<vmem>>
        %dma_wait3A_371 = tpu.memref_slice %arg14[%multiple_of3A_344] : memref<100000xf32, #tpu.memory_space<vmem_shared>> -> memref<2000xf32, #tpu.memory_space<vmem_shared>>
        tpu.wait_dma2 semaphore(%run_scoped3A : memref<!tpu.dma_semaphore, #tpu.memory_space<semaphore_mem>>) src(%dma_wait3A_371 : memref<2000xf32, #tpu.memory_space<vmem_shared>>) dst(%dma_wait3A_370 : memref<2000xf32, #tpu.memory_space<vmem>>)
        tpu.yield
      }) : () -> ()
      %add3A_349 = arith.addi %add3A_348, %multiple_of3A_344 : i32
      "tpu.region"() ({
        %run_scoped3A = tpu.sem_alloc : memref<!tpu.dma_semaphore, #tpu.memory_space<semaphore_mem>>
        %dma_start3A_360 = arith.constant 0 : i32
        %dma_start3A_361 = tpu.memref_slice %arg19[%dma_start3A_360] : memref<4000xf32, #tpu.memory_space<vmem>> -> memref<2000xf32, #tpu.memory_space<vmem>>
        %dma_start3A_362 = tpu.memref_slice %arg9[%add3A_349] : memref<600000xf32, #tpu.memory_space<hbm>> -> memref<2000xf32, #tpu.memory_space<hbm>>
        %dma_start3A_363 = tpu.memref_slice %arg9[%add3A_349] : memref<600000xf32, #tpu.memory_space<hbm>> -> memref<2000xf32, #tpu.memory_space<hbm>>
        %dma_start3A_364 = arith.constant 0 : i32
        %dma_start3A_365 = tpu.memref_slice %arg19[%dma_start3A_364] : memref<4000xf32, #tpu.memory_space<vmem>> -> memref<2000xf32, #tpu.memory_space<vmem>>
        tpu.enqueue_dma source(%dma_start3A_365 : memref<2000xf32, #tpu.memory_space<vmem>>) target(%dma_start3A_363 : memref<2000xf32, #tpu.memory_space<hbm>>) target_semaphore(%run_scoped3A : memref<!tpu.dma_semaphore, #tpu.memory_space<semaphore_mem>>)
        %dma_wait3A_366 = arith.constant 0 : i32
        %dma_wait3A_367 = tpu.memref_slice %arg19[%dma_wait3A_366] : memref<4000xf32, #tpu.memory_space<vmem>> -> memref<2000xf32, #tpu.memory_space<vmem>>
        %dma_wait3A_368 = tpu.memref_slice %arg9[%add3A_349] : memref<600000xf32, #tpu.memory_space<hbm>> -> memref<2000xf32, #tpu.memory_space<hbm>>
        %dma_wait3A_369 = tpu.memref_slice %arg9[%add3A_349] : memref<600000xf32, #tpu.memory_space<hbm>> -> memref<2000xf32, #tpu.memory_space<hbm>>
        %dma_wait3A_370 = arith.constant 0 : i32
        %dma_wait3A_371 = tpu.memref_slice %arg19[%dma_wait3A_370] : memref<4000xf32, #tpu.memory_space<vmem>> -> memref<2000xf32, #tpu.memory_space<vmem>>
        tpu.wait_dma2 semaphore(%run_scoped3A : memref<!tpu.dma_semaphore, #tpu.memory_space<semaphore_mem>>) src(%dma_wait3A_371 : memref<2000xf32, #tpu.memory_space<vmem>>) dst(%dma_wait3A_369 : memref<2000xf32, #tpu.memory_space<hbm>>)
        tpu.yield
      }) : () -> ()
      %mul3A_350 = arith.constant 300000 : i32
      %mul3A_351 = arith.muli %arg0, %mul3A_350 : i32
      %add3A_352 = arith.constant 100000 : i32
      %add3A_353 = arith.addi %mul3A_351, %add3A_352 : i32
      "tpu.region"() ({
        %run_scoped3A = tpu.sem_alloc : memref<!tpu.dma_semaphore, #tpu.memory_space<semaphore_mem>>
        %dma_start3A_360 = arith.constant 0 : i32
        %dma_start3A_361 = tpu.memref_slice %arg19[%dma_start3A_360] : memref<4000xf32, #tpu.memory_space<vmem>> -> memref<2000xf32, #tpu.memory_space<vmem>>
        %dma_start3A_362 = tpu.memref_slice %arg15[%multiple_of3A_344] : memref<100000xf32, #tpu.memory_space<vmem_shared>> -> memref<2000xf32, #tpu.memory_space<vmem_shared>>
        %dma_start3A_363 = arith.constant 0 : i32
        %dma_start3A_364 = tpu.memref_slice %arg19[%dma_start3A_363] : memref<4000xf32, #tpu.memory_space<vmem>> -> memref<2000xf32, #tpu.memory_space<vmem>>
        %dma_start3A_365 = tpu.memref_slice %arg15[%multiple_of3A_344] : memref<100000xf32, #tpu.memory_space<vmem_shared>> -> memref<2000xf32, #tpu.memory_space<vmem_shared>>
        tpu.enqueue_dma source(%dma_start3A_365 : memref<2000xf32, #tpu.memory_space<vmem_shared>>) target(%dma_start3A_364 : memref<2000xf32, #tpu.memory_space<vmem>>) target_semaphore(%run_scoped3A : memref<!tpu.dma_semaphore, #tpu.memory_space<semaphore_mem>>)
        %dma_wait3A_366 = arith.constant 0 : i32
        %dma_wait3A_367 = tpu.memref_slice %arg19[%dma_wait3A_366] : memref<4000xf32, #tpu.memory_space<vmem>> -> memref<2000xf32, #tpu.memory_space<vmem>>
        %dma_wait3A_368 = tpu.memref_slice %arg15[%multiple_of3A_344] : memref<100000xf32, #tpu.memory_space<vmem_shared>> -> memref<2000xf32, #tpu.memory_space<vmem_shared>>
        %dma_wait3A_369 = arith.constant 0 : i32
        %dma_wait3A_370 = tpu.memref_slice %arg19[%dma_wait3A_369] : memref<4000xf32, #tpu.memory_space<vmem>> -> memref<2000xf32, #tpu.memory_space<vmem>>
        %dma_wait3A_371 = tpu.memref_slice %arg15[%multiple_of3A_344] : memref<100000xf32, #tpu.memory_space<vmem_shared>> -> memref<2000xf32, #tpu.memory_space<vmem_shared>>
        tpu.wait_dma2 semaphore(%run_scoped3A : memref<!tpu.dma_semaphore, #tpu.memory_space<semaphore_mem>>) src(%dma_wait3A_371 : memref<2000xf32, #tpu.memory_space<vmem_shared>>) dst(%dma_wait3A_370 : memref<2000xf32, #tpu.memory_space<vmem>>)
        tpu.yield
      }) : () -> ()
      %add3A_354 = arith.addi %add3A_353, %multiple_of3A_344 : i32
      "tpu.region"() ({
        %run_scoped3A = tpu.sem_alloc : memref<!tpu.dma_semaphore, #tpu.memory_space<semaphore_mem>>
        %dma_start3A_360 = arith.constant 0 : i32
        %dma_start3A_361 = tpu.memref_slice %arg19[%dma_start3A_360] : memref<4000xf32, #tpu.memory_space<vmem>> -> memref<2000xf32, #tpu.memory_space<vmem>>
        %dma_start3A_362 = tpu.memref_slice %arg9[%add3A_354] : memref<600000xf32, #tpu.memory_space<hbm>> -> memref<2000xf32, #tpu.memory_space<hbm>>
        %dma_start3A_363 = tpu.memref_slice %arg9[%add3A_354] : memref<600000xf32, #tpu.memory_space<hbm>> -> memref<2000xf32, #tpu.memory_space<hbm>>
        %dma_start3A_364 = arith.constant 0 : i32
        %dma_start3A_365 = tpu.memref_slice %arg19[%dma_start3A_364] : memref<4000xf32, #tpu.memory_space<vmem>> -> memref<2000xf32, #tpu.memory_space<vmem>>
        tpu.enqueue_dma source(%dma_start3A_365 : memref<2000xf32, #tpu.memory_space<vmem>>) target(%dma_start3A_363 : memref<2000xf32, #tpu.memory_space<hbm>>) target_semaphore(%run_scoped3A : memref<!tpu.dma_semaphore, #tpu.memory_space<semaphore_mem>>)
        %dma_wait3A_366 = arith.constant 0 : i32
        %dma_wait3A_367 = tpu.memref_slice %arg19[%dma_wait3A_366] : memref<4000xf32, #tpu.memory_space<vmem>> -> memref<2000xf32, #tpu.memory_space<vmem>>
        %dma_wait3A_368 = tpu.memref_slice %arg9[%add3A_354] : memref<600000xf32, #tpu.memory_space<hbm>> -> memref<2000xf32, #tpu.memory_space<hbm>>
        %dma_wait3A_369 = tpu.memref_slice %arg9[%add3A_354] : memref<600000xf32, #tpu.memory_space<hbm>> -> memref<2000xf32, #tpu.memory_space<hbm>>
        %dma_wait3A_370 = arith.constant 0 : i32
        %dma_wait3A_371 = tpu.memref_slice %arg19[%dma_wait3A_370] : memref<4000xf32, #tpu.memory_space<vmem>> -> memref<2000xf32, #tpu.memory_space<vmem>>
        tpu.wait_dma2 semaphore(%run_scoped3A : memref<!tpu.dma_semaphore, #tpu.memory_space<semaphore_mem>>) src(%dma_wait3A_371 : memref<2000xf32, #tpu.memory_space<vmem>>) dst(%dma_wait3A_369 : memref<2000xf32, #tpu.memory_space<hbm>>)
        tpu.yield
      }) : () -> ()
      %mul3A_355 = arith.constant 300000 : i32
      %mul3A_356 = arith.muli %arg0, %mul3A_355 : i32
      %add3A_357 = arith.constant 200000 : i32
      %add3A_358 = arith.addi %mul3A_356, %add3A_357 : i32
      "tpu.region"() ({
        %run_scoped3A = tpu.sem_alloc : memref<!tpu.dma_semaphore, #tpu.memory_space<semaphore_mem>>
        %dma_start3A_360 = arith.constant 0 : i32
        %dma_start3A_361 = tpu.memref_slice %arg19[%dma_start3A_360] : memref<4000xf32, #tpu.memory_space<vmem>> -> memref<2000xf32, #tpu.memory_space<vmem>>
        %dma_start3A_362 = tpu.memref_slice %arg16[%multiple_of3A_344] : memref<100000xf32, #tpu.memory_space<vmem_shared>> -> memref<2000xf32, #tpu.memory_space<vmem_shared>>
        %dma_start3A_363 = arith.constant 0 : i32
        %dma_start3A_364 = tpu.memref_slice %arg19[%dma_start3A_363] : memref<4000xf32, #tpu.memory_space<vmem>> -> memref<2000xf32, #tpu.memory_space<vmem>>
        %dma_start3A_365 = tpu.memref_slice %arg16[%multiple_of3A_344] : memref<100000xf32, #tpu.memory_space<vmem_shared>> -> memref<2000xf32, #tpu.memory_space<vmem_shared>>
        tpu.enqueue_dma source(%dma_start3A_365 : memref<2000xf32, #tpu.memory_space<vmem_shared>>) target(%dma_start3A_364 : memref<2000xf32, #tpu.memory_space<vmem>>) target_semaphore(%run_scoped3A : memref<!tpu.dma_semaphore, #tpu.memory_space<semaphore_mem>>)
        %dma_wait3A_366 = arith.constant 0 : i32
        %dma_wait3A_367 = tpu.memref_slice %arg19[%dma_wait3A_366] : memref<4000xf32, #tpu.memory_space<vmem>> -> memref<2000xf32, #tpu.memory_space<vmem>>
        %dma_wait3A_368 = tpu.memref_slice %arg16[%multiple_of3A_344] : memref<100000xf32, #tpu.memory_space<vmem_shared>> -> memref<2000xf32, #tpu.memory_space<vmem_shared>>
        %dma_wait3A_369 = arith.constant 0 : i32
        %dma_wait3A_370 = tpu.memref_slice %arg19[%dma_wait3A_369] : memref<4000xf32, #tpu.memory_space<vmem>> -> memref<2000xf32, #tpu.memory_space<vmem>>
        %dma_wait3A_371 = tpu.memref_slice %arg16[%multiple_of3A_344] : memref<100000xf32, #tpu.memory_space<vmem_shared>> -> memref<2000xf32, #tpu.memory_space<vmem_shared>>
        tpu.wait_dma2 semaphore(%run_scoped3A : memref<!tpu.dma_semaphore, #tpu.memory_space<semaphore_mem>>) src(%dma_wait3A_371 : memref<2000xf32, #tpu.memory_space<vmem_shared>>) dst(%dma_wait3A_370 : memref<2000xf32, #tpu.memory_space<vmem>>)
        tpu.yield
      }) : () -> ()
      %add3A_359 = arith.addi %add3A_358, %multiple_of3A_344 : i32
      "tpu.region"() ({
        %run_scoped3A = tpu.sem_alloc : memref<!tpu.dma_semaphore, #tpu.memory_space<semaphore_mem>>
        %dma_start3A_360 = arith.constant 0 : i32
        %dma_start3A_361 = tpu.memref_slice %arg19[%dma_start3A_360] : memref<4000xf32, #tpu.memory_space<vmem>> -> memref<2000xf32, #tpu.memory_space<vmem>>
        %dma_start3A_362 = tpu.memref_slice %arg9[%add3A_359] : memref<600000xf32, #tpu.memory_space<hbm>> -> memref<2000xf32, #tpu.memory_space<hbm>>
        %dma_start3A_363 = tpu.memref_slice %arg9[%add3A_359] : memref<600000xf32, #tpu.memory_space<hbm>> -> memref<2000xf32, #tpu.memory_space<hbm>>
        %dma_start3A_364 = arith.constant 0 : i32
        %dma_start3A_365 = tpu.memref_slice %arg19[%dma_start3A_364] : memref<4000xf32, #tpu.memory_space<vmem>> -> memref<2000xf32, #tpu.memory_space<vmem>>
        tpu.enqueue_dma source(%dma_start3A_365 : memref<2000xf32, #tpu.memory_space<vmem>>) target(%dma_start3A_363 : memref<2000xf32, #tpu.memory_space<hbm>>) target_semaphore(%run_scoped3A : memref<!tpu.dma_semaphore, #tpu.memory_space<semaphore_mem>>)
        %dma_wait3A_366 = arith.constant 0 : i32
        %dma_wait3A_367 = tpu.memref_slice %arg19[%dma_wait3A_366] : memref<4000xf32, #tpu.memory_space<vmem>> -> memref<2000xf32, #tpu.memory_space<vmem>>
        %dma_wait3A_368 = tpu.memref_slice %arg9[%add3A_359] : memref<600000xf32, #tpu.memory_space<hbm>> -> memref<2000xf32, #tpu.memory_space<hbm>>
        %dma_wait3A_369 = tpu.memref_slice %arg9[%add3A_359] : memref<600000xf32, #tpu.memory_space<hbm>> -> memref<2000xf32, #tpu.memory_space<hbm>>
        %dma_wait3A_370 = arith.constant 0 : i32
        %dma_wait3A_371 = tpu.memref_slice %arg19[%dma_wait3A_370] : memref<4000xf32, #tpu.memory_space<vmem>> -> memref<2000xf32, #tpu.memory_space<vmem>>
        tpu.wait_dma2 semaphore(%run_scoped3A : memref<!tpu.dma_semaphore, #tpu.memory_space<semaphore_mem>>) src(%dma_wait3A_371 : memref<2000xf32, #tpu.memory_space<vmem>>) dst(%dma_wait3A_369 : memref<2000xf32, #tpu.memory_space<hbm>>)
        tpu.yield
      }) : () -> ()
    } else {
    }
    %add3A_335 = arith.constant 48 : i32
    %add3A_336 = arith.addi %arg1, %add3A_335 : i32
    %lt3A_337 = arith.constant 50 : i32
    %lt3A_338 = arith.cmpi slt, %add3A_336, %lt3A_337 : i32
    %convert_element_type3A_339 = arith.extui %lt3A_338 : i1 to i32
    %cond3A_340 = arith.constant 0 : i32
    %cond3A_341 = arith.cmpi ne, %convert_element_type3A_339, %cond3A_340 : i32
    scf.if %cond3A_341 {
      %mul3A_342 = arith.constant 2000 : i32
      %mul3A_343 = arith.muli %add3A_336, %mul3A_342 : i32
      %multiple_of3A_344 = tpu.assume_multiple %mul3A_343, 2000 : i32
      %mul3A_345 = arith.constant 300000 : i32
      %mul3A_346 = arith.muli %arg0, %mul3A_345 : i32
      %add3A_347 = arith.constant 0 : i32
      %add3A_348 = arith.addi %mul3A_346, %add3A_347 : i32
      "tpu.region"() ({
        %run_scoped3A = tpu.sem_alloc : memref<!tpu.dma_semaphore, #tpu.memory_space<semaphore_mem>>
        %dma_start3A_360 = arith.constant 0 : i32
        %dma_start3A_361 = tpu.memref_slice %arg19[%dma_start3A_360] : memref<4000xf32, #tpu.memory_space<vmem>> -> memref<2000xf32, #tpu.memory_space<vmem>>
        %dma_start3A_362 = tpu.memref_slice %arg14[%multiple_of3A_344] : memref<100000xf32, #tpu.memory_space<vmem_shared>> -> memref<2000xf32, #tpu.memory_space<vmem_shared>>
        %dma_start3A_363 = arith.constant 0 : i32
        %dma_start3A_364 = tpu.memref_slice %arg19[%dma_start3A_363] : memref<4000xf32, #tpu.memory_space<vmem>> -> memref<2000xf32, #tpu.memory_space<vmem>>
        %dma_start3A_365 = tpu.memref_slice %arg14[%multiple_of3A_344] : memref<100000xf32, #tpu.memory_space<vmem_shared>> -> memref<2000xf32, #tpu.memory_space<vmem_shared>>
        tpu.enqueue_dma source(%dma_start3A_365 : memref<2000xf32, #tpu.memory_space<vmem_shared>>) target(%dma_start3A_364 : memref<2000xf32, #tpu.memory_space<vmem>>) target_semaphore(%run_scoped3A : memref<!tpu.dma_semaphore, #tpu.memory_space<semaphore_mem>>)
        %dma_wait3A_366 = arith.constant 0 : i32
        %dma_wait3A_367 = tpu.memref_slice %arg19[%dma_wait3A_366] : memref<4000xf32, #tpu.memory_space<vmem>> -> memref<2000xf32, #tpu.memory_space<vmem>>
        %dma_wait3A_368 = tpu.memref_slice %arg14[%multiple_of3A_344] : memref<100000xf32, #tpu.memory_space<vmem_shared>> -> memref<2000xf32, #tpu.memory_space<vmem_shared>>
        %dma_wait3A_369 = arith.constant 0 : i32
        %dma_wait3A_370 = tpu.memref_slice %arg19[%dma_wait3A_369] : memref<4000xf32, #tpu.memory_space<vmem>> -> memref<2000xf32, #tpu.memory_space<vmem>>
        %dma_wait3A_371 = tpu.memref_slice %arg14[%multiple_of3A_344] : memref<100000xf32, #tpu.memory_space<vmem_shared>> -> memref<2000xf32, #tpu.memory_space<vmem_shared>>
        tpu.wait_dma2 semaphore(%run_scoped3A : memref<!tpu.dma_semaphore, #tpu.memory_space<semaphore_mem>>) src(%dma_wait3A_371 : memref<2000xf32, #tpu.memory_space<vmem_shared>>) dst(%dma_wait3A_370 : memref<2000xf32, #tpu.memory_space<vmem>>)
        tpu.yield
      }) : () -> ()
      %add3A_349 = arith.addi %add3A_348, %multiple_of3A_344 : i32
      "tpu.region"() ({
        %run_scoped3A = tpu.sem_alloc : memref<!tpu.dma_semaphore, #tpu.memory_space<semaphore_mem>>
        %dma_start3A_360 = arith.constant 0 : i32
        %dma_start3A_361 = tpu.memref_slice %arg19[%dma_start3A_360] : memref<4000xf32, #tpu.memory_space<vmem>> -> memref<2000xf32, #tpu.memory_space<vmem>>
        %dma_start3A_362 = tpu.memref_slice %arg9[%add3A_349] : memref<600000xf32, #tpu.memory_space<hbm>> -> memref<2000xf32, #tpu.memory_space<hbm>>
        %dma_start3A_363 = tpu.memref_slice %arg9[%add3A_349] : memref<600000xf32, #tpu.memory_space<hbm>> -> memref<2000xf32, #tpu.memory_space<hbm>>
        %dma_start3A_364 = arith.constant 0 : i32
        %dma_start3A_365 = tpu.memref_slice %arg19[%dma_start3A_364] : memref<4000xf32, #tpu.memory_space<vmem>> -> memref<2000xf32, #tpu.memory_space<vmem>>
        tpu.enqueue_dma source(%dma_start3A_365 : memref<2000xf32, #tpu.memory_space<vmem>>) target(%dma_start3A_363 : memref<2000xf32, #tpu.memory_space<hbm>>) target_semaphore(%run_scoped3A : memref<!tpu.dma_semaphore, #tpu.memory_space<semaphore_mem>>)
        %dma_wait3A_366 = arith.constant 0 : i32
        %dma_wait3A_367 = tpu.memref_slice %arg19[%dma_wait3A_366] : memref<4000xf32, #tpu.memory_space<vmem>> -> memref<2000xf32, #tpu.memory_space<vmem>>
        %dma_wait3A_368 = tpu.memref_slice %arg9[%add3A_349] : memref<600000xf32, #tpu.memory_space<hbm>> -> memref<2000xf32, #tpu.memory_space<hbm>>
        %dma_wait3A_369 = tpu.memref_slice %arg9[%add3A_349] : memref<600000xf32, #tpu.memory_space<hbm>> -> memref<2000xf32, #tpu.memory_space<hbm>>
        %dma_wait3A_370 = arith.constant 0 : i32
        %dma_wait3A_371 = tpu.memref_slice %arg19[%dma_wait3A_370] : memref<4000xf32, #tpu.memory_space<vmem>> -> memref<2000xf32, #tpu.memory_space<vmem>>
        tpu.wait_dma2 semaphore(%run_scoped3A : memref<!tpu.dma_semaphore, #tpu.memory_space<semaphore_mem>>) src(%dma_wait3A_371 : memref<2000xf32, #tpu.memory_space<vmem>>) dst(%dma_wait3A_369 : memref<2000xf32, #tpu.memory_space<hbm>>)
        tpu.yield
      }) : () -> ()
      %mul3A_350 = arith.constant 300000 : i32
      %mul3A_351 = arith.muli %arg0, %mul3A_350 : i32
      %add3A_352 = arith.constant 100000 : i32
      %add3A_353 = arith.addi %mul3A_351, %add3A_352 : i32
      "tpu.region"() ({
        %run_scoped3A = tpu.sem_alloc : memref<!tpu.dma_semaphore, #tpu.memory_space<semaphore_mem>>
        %dma_start3A_360 = arith.constant 0 : i32
        %dma_start3A_361 = tpu.memref_slice %arg19[%dma_start3A_360] : memref<4000xf32, #tpu.memory_space<vmem>> -> memref<2000xf32, #tpu.memory_space<vmem>>
        %dma_start3A_362 = tpu.memref_slice %arg15[%multiple_of3A_344] : memref<100000xf32, #tpu.memory_space<vmem_shared>> -> memref<2000xf32, #tpu.memory_space<vmem_shared>>
        %dma_start3A_363 = arith.constant 0 : i32
        %dma_start3A_364 = tpu.memref_slice %arg19[%dma_start3A_363] : memref<4000xf32, #tpu.memory_space<vmem>> -> memref<2000xf32, #tpu.memory_space<vmem>>
        %dma_start3A_365 = tpu.memref_slice %arg15[%multiple_of3A_344] : memref<100000xf32, #tpu.memory_space<vmem_shared>> -> memref<2000xf32, #tpu.memory_space<vmem_shared>>
        tpu.enqueue_dma source(%dma_start3A_365 : memref<2000xf32, #tpu.memory_space<vmem_shared>>) target(%dma_start3A_364 : memref<2000xf32, #tpu.memory_space<vmem>>) target_semaphore(%run_scoped3A : memref<!tpu.dma_semaphore, #tpu.memory_space<semaphore_mem>>)
        %dma_wait3A_366 = arith.constant 0 : i32
        %dma_wait3A_367 = tpu.memref_slice %arg19[%dma_wait3A_366] : memref<4000xf32, #tpu.memory_space<vmem>> -> memref<2000xf32, #tpu.memory_space<vmem>>
        %dma_wait3A_368 = tpu.memref_slice %arg15[%multiple_of3A_344] : memref<100000xf32, #tpu.memory_space<vmem_shared>> -> memref<2000xf32, #tpu.memory_space<vmem_shared>>
        %dma_wait3A_369 = arith.constant 0 : i32
        %dma_wait3A_370 = tpu.memref_slice %arg19[%dma_wait3A_369] : memref<4000xf32, #tpu.memory_space<vmem>> -> memref<2000xf32, #tpu.memory_space<vmem>>
        %dma_wait3A_371 = tpu.memref_slice %arg15[%multiple_of3A_344] : memref<100000xf32, #tpu.memory_space<vmem_shared>> -> memref<2000xf32, #tpu.memory_space<vmem_shared>>
        tpu.wait_dma2 semaphore(%run_scoped3A : memref<!tpu.dma_semaphore, #tpu.memory_space<semaphore_mem>>) src(%dma_wait3A_371 : memref<2000xf32, #tpu.memory_space<vmem_shared>>) dst(%dma_wait3A_370 : memref<2000xf32, #tpu.memory_space<vmem>>)
        tpu.yield
      }) : () -> ()
      %add3A_354 = arith.addi %add3A_353, %multiple_of3A_344 : i32
      "tpu.region"() ({
        %run_scoped3A = tpu.sem_alloc : memref<!tpu.dma_semaphore, #tpu.memory_space<semaphore_mem>>
        %dma_start3A_360 = arith.constant 0 : i32
        %dma_start3A_361 = tpu.memref_slice %arg19[%dma_start3A_360] : memref<4000xf32, #tpu.memory_space<vmem>> -> memref<2000xf32, #tpu.memory_space<vmem>>
        %dma_start3A_362 = tpu.memref_slice %arg9[%add3A_354] : memref<600000xf32, #tpu.memory_space<hbm>> -> memref<2000xf32, #tpu.memory_space<hbm>>
        %dma_start3A_363 = tpu.memref_slice %arg9[%add3A_354] : memref<600000xf32, #tpu.memory_space<hbm>> -> memref<2000xf32, #tpu.memory_space<hbm>>
        %dma_start3A_364 = arith.constant 0 : i32
        %dma_start3A_365 = tpu.memref_slice %arg19[%dma_start3A_364] : memref<4000xf32, #tpu.memory_space<vmem>> -> memref<2000xf32, #tpu.memory_space<vmem>>
        tpu.enqueue_dma source(%dma_start3A_365 : memref<2000xf32, #tpu.memory_space<vmem>>) target(%dma_start3A_363 : memref<2000xf32, #tpu.memory_space<hbm>>) target_semaphore(%run_scoped3A : memref<!tpu.dma_semaphore, #tpu.memory_space<semaphore_mem>>)
        %dma_wait3A_366 = arith.constant 0 : i32
        %dma_wait3A_367 = tpu.memref_slice %arg19[%dma_wait3A_366] : memref<4000xf32, #tpu.memory_space<vmem>> -> memref<2000xf32, #tpu.memory_space<vmem>>
        %dma_wait3A_368 = tpu.memref_slice %arg9[%add3A_354] : memref<600000xf32, #tpu.memory_space<hbm>> -> memref<2000xf32, #tpu.memory_space<hbm>>
        %dma_wait3A_369 = tpu.memref_slice %arg9[%add3A_354] : memref<600000xf32, #tpu.memory_space<hbm>> -> memref<2000xf32, #tpu.memory_space<hbm>>
        %dma_wait3A_370 = arith.constant 0 : i32
        %dma_wait3A_371 = tpu.memref_slice %arg19[%dma_wait3A_370] : memref<4000xf32, #tpu.memory_space<vmem>> -> memref<2000xf32, #tpu.memory_space<vmem>>
        tpu.wait_dma2 semaphore(%run_scoped3A : memref<!tpu.dma_semaphore, #tpu.memory_space<semaphore_mem>>) src(%dma_wait3A_371 : memref<2000xf32, #tpu.memory_space<vmem>>) dst(%dma_wait3A_369 : memref<2000xf32, #tpu.memory_space<hbm>>)
        tpu.yield
      }) : () -> ()
      %mul3A_355 = arith.constant 300000 : i32
      %mul3A_356 = arith.muli %arg0, %mul3A_355 : i32
      %add3A_357 = arith.constant 200000 : i32
      %add3A_358 = arith.addi %mul3A_356, %add3A_357 : i32
      "tpu.region"() ({
        %run_scoped3A = tpu.sem_alloc : memref<!tpu.dma_semaphore, #tpu.memory_space<semaphore_mem>>
        %dma_start3A_360 = arith.constant 0 : i32
        %dma_start3A_361 = tpu.memref_slice %arg19[%dma_start3A_360] : memref<4000xf32, #tpu.memory_space<vmem>> -> memref<2000xf32, #tpu.memory_space<vmem>>
        %dma_start3A_362 = tpu.memref_slice %arg16[%multiple_of3A_344] : memref<100000xf32, #tpu.memory_space<vmem_shared>> -> memref<2000xf32, #tpu.memory_space<vmem_shared>>
        %dma_start3A_363 = arith.constant 0 : i32
        %dma_start3A_364 = tpu.memref_slice %arg19[%dma_start3A_363] : memref<4000xf32, #tpu.memory_space<vmem>> -> memref<2000xf32, #tpu.memory_space<vmem>>
        %dma_start3A_365 = tpu.memref_slice %arg16[%multiple_of3A_344] : memref<100000xf32, #tpu.memory_space<vmem_shared>> -> memref<2000xf32, #tpu.memory_space<vmem_shared>>
        tpu.enqueue_dma source(%dma_start3A_365 : memref<2000xf32, #tpu.memory_space<vmem_shared>>) target(%dma_start3A_364 : memref<2000xf32, #tpu.memory_space<vmem>>) target_semaphore(%run_scoped3A : memref<!tpu.dma_semaphore, #tpu.memory_space<semaphore_mem>>)
        %dma_wait3A_366 = arith.constant 0 : i32
        %dma_wait3A_367 = tpu.memref_slice %arg19[%dma_wait3A_366] : memref<4000xf32, #tpu.memory_space<vmem>> -> memref<2000xf32, #tpu.memory_space<vmem>>
        %dma_wait3A_368 = tpu.memref_slice %arg16[%multiple_of3A_344] : memref<100000xf32, #tpu.memory_space<vmem_shared>> -> memref<2000xf32, #tpu.memory_space<vmem_shared>>
        %dma_wait3A_369 = arith.constant 0 : i32
        %dma_wait3A_370 = tpu.memref_slice %arg19[%dma_wait3A_369] : memref<4000xf32, #tpu.memory_space<vmem>> -> memref<2000xf32, #tpu.memory_space<vmem>>
        %dma_wait3A_371 = tpu.memref_slice %arg16[%multiple_of3A_344] : memref<100000xf32, #tpu.memory_space<vmem_shared>> -> memref<2000xf32, #tpu.memory_space<vmem_shared>>
        tpu.wait_dma2 semaphore(%run_scoped3A : memref<!tpu.dma_semaphore, #tpu.memory_space<semaphore_mem>>) src(%dma_wait3A_371 : memref<2000xf32, #tpu.memory_space<vmem_shared>>) dst(%dma_wait3A_370 : memref<2000xf32, #tpu.memory_space<vmem>>)
        tpu.yield
      }) : () -> ()
      %add3A_359 = arith.addi %add3A_358, %multiple_of3A_344 : i32
      "tpu.region"() ({
        %run_scoped3A = tpu.sem_alloc : memref<!tpu.dma_semaphore, #tpu.memory_space<semaphore_mem>>
        %dma_start3A_360 = arith.constant 0 : i32
        %dma_start3A_361 = tpu.memref_slice %arg19[%dma_start3A_360] : memref<4000xf32, #tpu.memory_space<vmem>> -> memref<2000xf32, #tpu.memory_space<vmem>>
        %dma_start3A_362 = tpu.memref_slice %arg9[%add3A_359] : memref<600000xf32, #tpu.memory_space<hbm>> -> memref<2000xf32, #tpu.memory_space<hbm>>
        %dma_start3A_363 = tpu.memref_slice %arg9[%add3A_359] : memref<600000xf32, #tpu.memory_space<hbm>> -> memref<2000xf32, #tpu.memory_space<hbm>>
        %dma_start3A_364 = arith.constant 0 : i32
        %dma_start3A_365 = tpu.memref_slice %arg19[%dma_start3A_364] : memref<4000xf32, #tpu.memory_space<vmem>> -> memref<2000xf32, #tpu.memory_space<vmem>>
        tpu.enqueue_dma source(%dma_start3A_365 : memref<2000xf32, #tpu.memory_space<vmem>>) target(%dma_start3A_363 : memref<2000xf32, #tpu.memory_space<hbm>>) target_semaphore(%run_scoped3A : memref<!tpu.dma_semaphore, #tpu.memory_space<semaphore_mem>>)
        %dma_wait3A_366 = arith.constant 0 : i32
        %dma_wait3A_367 = tpu.memref_slice %arg19[%dma_wait3A_366] : memref<4000xf32, #tpu.memory_space<vmem>> -> memref<2000xf32, #tpu.memory_space<vmem>>
        %dma_wait3A_368 = tpu.memref_slice %arg9[%add3A_359] : memref<600000xf32, #tpu.memory_space<hbm>> -> memref<2000xf32, #tpu.memory_space<hbm>>
        %dma_wait3A_369 = tpu.memref_slice %arg9[%add3A_359] : memref<600000xf32, #tpu.memory_space<hbm>> -> memref<2000xf32, #tpu.memory_space<hbm>>
        %dma_wait3A_370 = arith.constant 0 : i32
        %dma_wait3A_371 = tpu.memref_slice %arg19[%dma_wait3A_370] : memref<4000xf32, #tpu.memory_space<vmem>> -> memref<2000xf32, #tpu.memory_space<vmem>>
        tpu.wait_dma2 semaphore(%run_scoped3A : memref<!tpu.dma_semaphore, #tpu.memory_space<semaphore_mem>>) src(%dma_wait3A_371 : memref<2000xf32, #tpu.memory_space<vmem>>) dst(%dma_wait3A_369 : memref<2000xf32, #tpu.memory_space<hbm>>)
        tpu.yield
      }) : () -> ()
    } else {
    }
    return
  }
}

</mosaic_0001>

<sc_bundles>
// kernel: kernel.3.cloned.1.call-start
scs
__scs_entry_jumppad:
0x0: {  	(pc) =	sbr.rel $0x88, $3  }
0x1: {  	(tag) =	ssettag $0x0;
	lr =	simm.s32 $0x1  }
0x2: {  	[smem:$0x3F9D] =	sst lr;
	_ =	strace $0xD0000000  }
0x3: {  	_ = 	snop  }
0x4: {  	_ = 	snop  }
0x5: {  	_ = 	snop  }
0x6: {  	_ = 	snop  }
0x7: {  	_ = 	snop  }
__scs_overlays_trampoline_lowered:
0x8: {  	[smem:$0x3FAC] =	sst s0  }
0x9: {  	[smem:$0x3FAD] =	sst s1  }
0xa: {  	[smem:$0x3FAE] =	sst s2  }
0xb: {  	[smem:$0x3FAF] =	sst s3  }
0xc: {  	[smem:$0x3FB0] =	sst s4  }
0xd: {  	[smem:$0x3FB1] =	sst s5  }
0xe: {  	[smem:$0x3FB2] =	sst s6  }
0xf: {  	[smem:$0x3FB3] =	sst s7  }
0x10: {  	[smem:$0x3FB4] =	sst s8  }
0x11: {  	[smem:$0x3FB5] =	sst s9;
	s0 =	simm.s32 @!p0 $0x0  }
0x12: {  	s1 =	sld [smem:$0x3F9B];
	s0 =	simm.s32 @p0 $0x1  }
0x13: {  	[smem:$0x3FB6] =	sst s0;
	s0 =	simm.s32 @!p1 $0x0  }
0x14: {  	s2 =	sld [smem:$0x3F9A];
	s0 =	simm.s32 @p1 $0x1  }
0x15: {  	[smem:$0x3FB7] =	sst s0;
	s0 =	simm.s32 @!p2 $0x0  }
0x16: {  	s3 =	sld [smem:$0x3FDB];
	s0 =	simm.s32 @p2 $0x1  }
0x17: {  	s4 =	simm.s32 $0x1BF5;
	[smem:$0x3FB9] =	sst s0  }
0x18: {  	s0 =	sld [smem:$0x3F9C];
	_ =	swait.ge [sflag:s4], $0x0  }
0x19: {  	s7 =	sld [smem:$0x3F9D]  }
0x1a: {  	s8 =	sadd.s32 $0xFFFFE003, lr  }
0x1b: {  	s9 =	sadd.s32 $0xFFFFFEF7, lr;
	s5 =	simm.s32 $0xFFFFFFFF;
	p2 =	slt.u32 s8, $0xFFFFF086  }
0x1c: {  	p1 =	slt.u32 s9, $0xF7A;
	s5 =	simm.s32 @!p2 $0x0  }
0x1d: {  	s5 =	simm.s32 @p1 $0x1;
	p0 =	seq.s32 s7, s2  }
0x1e: {  	s7 =	smul.u32 @!p0 $0xF7A, s2;
	p2 =	seq.s32 @!p0 s5, $0x0  }
0x1f: {  	s9 =	smul.u32 $0xF7A, s1;
	s8 =	simm.s32 @!p0 $0x1BF5;
	p2 =	por !p2, p0  }
0x20: {  	[sflag:s8] =	ssyncset.s32 @!p0 $0xFFFFF086;
	s6 =	sadd.s32 @!p0 s3, s7;
	s7 =	simm.s32 @!p0 $0x108  }
0x21: {  	s3 =	sadd.s32 s3, s9;
	s6 =	sadd.s32 @!p0 $0x88, s6;
	s7 =	simm.s32 @p2 $0x1082  }
0x22: {  	[simem:s7], [sflag:s8] =	dma.local @!p0 [hbm:s6], $0xF7A  }
0x23: {  	s9 =	sor.u32 $0xD0000000, s2;
	s6 =	simm.s32 $0x108;
	_ =	swait.ge @!p0 [sflag:s8], $0x0  }
0x24: {  	s3 =	sadd.s32 $0x88, s3;
	s6 =	simm.s32 @!p1 $0x1082;
	[sflag:s4] =	ssyncset.s32 $0xFFFFF086  }
0x25: {  	[simem:s6], [sflag:s4] =	dma.local [hbm:s3], $0xF7A  }
0x26: {  	[smem:$0x3F9D] =	sst s1;
	(tag) =	ssettag s2;
	_ =	strace s9  }
0x27: {  	s1 =	sld [smem:$0x3FAD]  }
0x28: {  	s2 =	sld [smem:$0x3FAE]  }
0x29: {  	s4 =	sld [smem:$0x3FB0]  }
0x2a: {  	p0 =	seq.s32 s5, $0x0;
	s5 =	sld [smem:$0x3FB1]  }
0x2b: {  	s6 =	sld [smem:$0x3FB2]  }
0x2c: {  	s7 =	sld [smem:$0x3FB3]  }
0x2d: {  	s3 =	simm.s32 $0x108;
	s8 =	sld [smem:$0x3FB4]  }
0x2e: {  	s3 =	simm.s32 @!p0 $0x1082;
	s9 =	sld [smem:$0x3FB5]  }
0x2f: {  	lr =	sadd.s32 s0, s3;
	s0 =	sld [smem:$0x3FAC]  }
0x30: {  	s3 =	sld [smem:$0x3FAF]  }
0x31: {  	[smem:$0x3FB8] =	sst s10  }
0x32: {  	s10 =	sld [smem:$0x3FB6];
	_ =	sdelay $0x3  }
0x33: {  	p0 =	seq.s32 s10, $0x1;
	s10 =	sld [smem:$0x3FB8];
	_ =	sdelay $0x3  }
0x34: {  	[smem:$0x3FB8] =	sst s10  }
0x35: {  	s10 =	sld [smem:$0x3FB7];
	_ =	sdelay $0x3  }
0x36: {  	p1 =	seq.s32 s10, $0x1;
	s10 =	sld [smem:$0x3FB8];
	_ =	sdelay $0x3  }
0x37: {  	[smem:$0x3FB8] =	sst s10  }
0x38: {  	s10 =	sld [smem:$0x3FB9]  }
0x39: {  	_ = 	snop;
	(pc) =	sbr.ind lr, $3  }
0x3a: {  	_ = 	snop  }
0x3b: {  	_ = 	snop  }
0x3c: {  	p2 =	seq.s32 s10, $0x1;
	s10 =	sld [smem:$0x3FB8]  }
0x3d: {  	_ =	shalt  }
0x3e: {  	_ =	shalt  }
0x3f: {  	_ =	shalt  }
0x40: {  	_ =	shalt  }
0x41: {  	_ =	shalt  }
0x42: {  	_ =	shalt  }
0x43: {  	_ =	shalt  }
0x44: {  	_ =	shalt  }
0x45: {  	_ =	shalt  }
0x46: {  	_ =	shalt  }
0x47: {  	_ =	shalt  }
0x48: {  	_ =	shalt  }
0x49: {  	_ =	shalt  }
0x4a: {  	_ =	shalt  }
0x4b: {  	_ =	shalt  }
0x4c: {  	_ =	shalt  }
0x4d: {  	_ =	shalt  }
0x4e: {  	_ =	shalt  }
0x4f: {  	_ =	shalt  }
0x50: {  	_ =	shalt  }
0x51: {  	_ =	shalt  }
0x52: {  	_ =	shalt  }
0x53: {  	_ =	shalt  }
0x54: {  	_ =	shalt  }
0x55: {  	_ =	shalt  }
0x56: {  	_ =	shalt  }
0x57: {  	_ =	shalt  }
0x58: {  	_ =	shalt  }
0x59: {  	_ =	shalt  }
0x5a: {  	_ =	shalt  }
0x5b: {  	_ =	shalt  }
0x5c: {  	_ =	shalt  }
0x5d: {  	_ =	shalt  }
0x5e: {  	_ =	shalt  }
0x5f: {  	_ =	shalt  }
0x60: {  	_ =	shalt  }
0x61: {  	_ =	shalt  }
0x62: {  	_ =	shalt  }
0x63: {  	_ =	shalt  }
0x64: {  	_ =	shalt  }
0x65: {  	_ =	shalt  }
0x66: {  	_ =	shalt  }
0x67: {  	_ =	shalt  }
0x68: {  	_ =	shalt  }
0x69: {  	_ =	shalt  }
0x6a: {  	_ =	shalt  }
0x6b: {  	_ =	shalt  }
0x6c: {  	_ =	shalt  }
0x6d: {  	_ =	shalt  }
0x6e: {  	_ =	shalt  }
0x6f: {  	_ =	shalt  }
0x70: {  	_ =	shalt  }
0x71: {  	_ =	shalt  }
0x72: {  	_ =	shalt  }
0x73: {  	_ =	shalt  }
0x74: {  	_ =	shalt  }
0x75: {  	_ =	shalt  }
0x76: {  	_ =	shalt  }
0x77: {  	_ =	shalt  }
0x78: {  	_ =	shalt  }
0x79: {  	_ =	shalt  }
0x7a: {  	_ =	shalt  }
0x7b: {  	_ =	shalt  }
0x7c: {  	_ =	shalt  }
0x7d: {  	_ =	shalt  }
0x7e: {  	_ =	shalt  }
0x7f: {  	_ =	shalt  }
0x80: {  	_ =	shalt  }
0x81: {  	_ =	shalt  }
0x82: {  	_ =	shalt  }
0x83: {  	_ =	shalt  }
0x84: {  	_ =	shalt  }
0x85: {  	_ =	shalt  }
0x86: {  	_ =	shalt  }
0x87: {  	_ =	shalt  }
.Lfunc_end0:
.L_simem_size_0:
called_computation_lowered:
.L_overlay_start_0:
0x88: {  	s2 =	sld [smem:$0x3FD9]  }
0x89: {  	s3 =	sld [smem:$0x3FFE];
	_ =	sdelay $0x1  }
0x8a: {  	s1 =	srdreg.scid  }
0x8b: {  	s0 =	sand.u32 $0x1, s1  }
0x8c: {  	s14 =	sshll.u32 s0, $0xA;
	s2 =	sadd.s32 s3, s2  }
0x8d: {  	s2 =	sadd.s32 s2, s14  }
0x8e: {  	[smem:$0x3FC4] =	sst s2  }
0x8f: {  	_ = 	snop  }
0x90: {  	s2 =	sld [smem:$0x3FD0];
	_ =	sdelay $0x1  }
0x91: {  	s15 =	sld [smem:$0x3FC8]  }
0x92: {  	s5 =	simm.s32 $0xA;
	s6 =	simm.s32 $0x10;
	s4 =	sld [smem:$0x3FC7]  }
0x93: {  	[smem:s6], [sflag:s5] =	dma.local [hbm:s2], $0x1  }
0x94: {  	_ =	swait.eq [sflag:s5], $0x1  }
0x95: {  	[sflag:s5] =	ssyncset.done $0x0  }
0x96: {  	[sflag:s5] =	ssyncadd.s32 $0xFFFFFFFF  }
0x97: {  	s16 =	sld [smem:$0x11];
	(tm) =	ssettm $0x1  }
0x98: {  	s17 =	sld [smem:$0x3FFB];
	_ =	sdelay $0x3  }
0x99: {  	_ =	strace s17  }
0x9a: {  	s5 =	sld [smem:$0x3FFC];
	_ =	sdelay $0x3  }
0x9b: {  	_ =	strace s5  }
0x9c: {  	s5 =	sld [smem:$0x3FFD];
	_ =	sdelay $0x3  }
0x9d: {  	_ =	strace s5  }
0x9e: {  	_ =	strace $0x8FFFFFFF  }
0x9f: {  	s18 =	sld [smem:$0x3FDB];
	_ =	sdelay $0x1  }
0xa0: {  	s19 =	simm.s32 $_scs_section_size  }
0xa1: {  	s7 =	simm.s32 $_size__tile_overlayer_lowered;
	s8 =	simm.s32 $_tile_overlayer_lowered  }
0xa2: {  	s22 =	simm.s32 $0x1BFF;
	s21 =	sshll.u32 s8, $0x1;
	s5 =	sadd.s32 s19, s18  }
0xa3: {  	s9 =	simm.s32 $0x0;
	s20 =	sshll.u32 s7, $0x1;
	s7 =	sadd.s32 s21, s5  }
0xa4: {  	[timem:s9], [sflag:s22] =	dma.local [hbm:s7], s20  }
0xa5: {  	_ =	swait.ge [sflag:s22], s20  }
0xa6: {  	s6 =	ssub.s32 $0x0, s20;
	[sflag:s22] =	ssyncset.done $0x0  }
0xa7: {  	[sflag:s22] =	ssyncadd.s32 s6;
	_ =	sdelay $0x1  }
0xa8: {  	s23 =	simm.s32 $0x1B8B  }
0xa9: {  	_ =	swait.ge [sflag:s23], $0x1  }
0xaa: {  	[sflag:s23] =	ssyncset.done $0x0  }
0xab: {  	s25 =	simm.s32 $0x1B8E;
	s24 =	sld [smem:$0x3FFE];
	[sflag:s23] =	ssyncadd.s32 $0xFFFFFFFF  }
0xac: {  	s26 =	simm.s32 $execute0_lowered;
	[smem:$0x3FD2] =	sst s25  }
0xad: {  	s7 =	sshll.u32 s26, $0x1;
	_ =	strace $0x80000046;
	[dreg:$0x1] =	wrdreg $0xFFFFFFFF  }
0xae: {  	s28 =	simm.s32 $_size_execute0_lowered;
	s5 =	sadd.s32 s5, s7;
	[dreg:$0x0] =	wrdreg $0x0  }
0xaf: {  	s7 =	sshll.u32 s28, $0x1;
	[dreg:$0x2] =	wrdreg s5  }
0xb0: {  	[dreg:$0x3] =	wrdreg s7  }
0xb1: {  	[dreg:$0x4] =	wrdreg $0xC0  }
0xb2: {  	_ =	task [dreg:s9], $0x5FFFF  }
0xb3: {  	[dreg:$0x1] =	wrdreg $0xFFFFFFFF  }
0xb4: {  	[dreg:$0x0] =	wrdreg $0x60  }
0xb5: {  	[dreg:$0x2] =	wrdreg s24  }
0xb6: {  	[dreg:$0x3] =	wrdreg s16  }
0xb7: {  	[dreg:$0x4] =	wrdreg s15  }
0xb8: {  	[dreg:$0x5] =	wrdreg s4  }
0xb9: {  	[dreg:$0x6] =	wrdreg $0x0  }
0xba: {  	[dreg:$0x7] =	wrdreg $0x18700  }
0xbb: {  	[dreg:$0x8] =	wrdreg $0x30E00  }
0xbc: {  	[dreg:$0x9] =	wrdreg $0x49500  }
0xbd: {  	[dreg:$0xa] =	wrdreg $0x61C00  }
0xbe: {  	[dreg:$0xb] =	wrdreg $0x7A300  }
0xbf: {  	[dreg:$0xc] =	wrdreg $0x9  }
0xc0: {  	_ =	task.clear_ibuf [dreg:s9], $0xDFFFF;
	_ =	strace $0x90000046  }
0xc1: {  	s29 =	simm.s32 $0x9;
	_ =	strace $0x80000048  }
0xc2: {  	_ =	swait.ge [sflag:s29], $0x1  }
0xc3: {  	[sflag:s29] =	ssyncadd.s32 $0xFFFFFFFF  }
0xc4: {  	_ =	strace $0x90000048  }
0xc5: {  	_ =	sfence  }
0xc6: {  	s30 =	sld [smem:$0x0];
	_ =	sdelay $0x2  }
0xc7: {  	s31 =	sshll.u32 s1, $0xD;
	s1 =	sshrl.u32 s1, $0x2  }
0xc8: {  	s3 =	sand.u32 $0x4000, s31;
	s1 =	sadd.s32 s1, s30  }
0xc9: {  	s0 =	sor.u32 s3, s0;
	s1 =	sshll.u32 s1, $0x11  }
0xca: {  	s0 =	sor.u32 s1, s0  }
0xcb: {  	s0 =	sadd.s32 $0x8F2B, s0  }
0xcc: {  	[sflag:s0] =	ssyncadd.remote.s32 $0x1  }
0xcd: {  	_ =	sfence.sel $0xFFFF  }
0xce: {  	[dreg:$0x0] =	wrdreg $0xFFFFFFFF;
	(pc) =	sbr.abs _section_cstart, $3  }
0xcf: {  	[dreg:$0x1] =	wrdreg $0xFFFFFFFF  }
0xd0: {  	_ =	task.clear_ibuf [dreg:s9], $0x2FFFF;
	_ =	strace $0x9FFFFFFF  }
0xd1: {  	(tm) =	ssettm $0x7FFFFFFF  }
tec
execute0_lowered:
.L_overlay_start_1:
0x0: {  	(tag) =	ssettag $0x1  }
0x1: {  	s4 =	rddreg [dreg:$0x0]  }
0x2: {  	s6 =	rddreg [dreg:$0x1]  }
0x3: {  	s26 =	rddreg [dreg:$0x2]  }
0x4: {  	s17 =	rddreg [dreg:$0x3]  }
0x5: {  	s2 =	rddreg [dreg:$0x4];
	s0 =	srdreg.scid  }
0x6: {  	s20 =	simm.s32 $0x0;
	s18 =	stileid.u32;
	s0 =	sand.u32 $0x1, s0  }
0x7: {  	[smem:$0x7FF] =	sst s20;
	s10 =	smul.u32 $0x7D0, s18;
	s3 =	ssub.s32 $0x2, s0  }
0x8: {  	s7 =	sadd.s32 $0xCA000, s4;
	s8 =	smul.u32 $0x493E0, s0;
	s5 =	sshrl.u32 s3, $0x1  }
0x9: {  	s1 =	sshll.u32 s0, $0x4;
	s9 =	sadd.s32 $0x7D00, s10;
	s0 =	ssub.s32 s3, s5  }
0xa: {  	s5 =	sadd.s32 $0xFA00, s10;
	s3 =	sadd.s32 $0x17700, s10;
	s11 =	sadd.s32 s10, s8  }
0xb: {  	s12 =	sadd.s32 $0x186A0, s8;
	s15 =	sadd.s32 $0x30D40, s8;
	s21 =	sadd.s32 s8, s9  }
0xc: {  	s11 =	sshrl.u32 s11, $0x3;
	s13 =	sadd.s32 s10, s12;
	s16 =	sadd.s32 s10, s15  }
0xd: {  	s22 =	sshrl.u32 s21, $0x3;
	s23 =	sadd.s32 s9, s12;
	s25 =	sadd.s32 s9, s15  }
0xe: {  	s11 =	sadd.s32 s7, s11;
	s14 =	sshrl.u32 s13, $0x3;
	s19 =	sshrl.u32 s16, $0x3  }
0xf: {  	s13 =	sshrl.u32 s25, $0x3;
	[dreg:$0xb] =	wrdreg s11;
	s11 =	sadd.s32 s7, s14  }
0x10: {  	s25 =	sadd.s32 s3, s15;
	s14 =	sadd.s32 s8, s5;
	[dreg:$0xc] =	wrdreg s11  }
0x11: {  	s11 =	sadd.s32 s7, s19;
	s16 =	sshrl.u32 s14, $0x3;
	s14 =	rddreg [dreg:$0x5]  }
0x12: {  	s8 =	sadd.s32 s8, s3;
	s19 =	sadd.s32 s5, s12;
	[dreg:$0xd] =	wrdreg s11  }
0x13: {  	s11 =	sadd.s32 s7, s22;
	s22 =	sadd.s32 s5, s15;
	s15 =	rddreg [dreg:$0x8]  }
0x14: {  	s8 =	sshrl.u32 s8, $0x3;
	s21 =	sshrl.u32 s19, $0x3;
	s19 =	rddreg [dreg:$0x9]  }
0x15: {  	s24 =	sshrl.u32 s23, $0x3;
	s8 =	sadd.s32 s7, s8;
	[dreg:$0xe] =	wrdreg s11  }
0x16: {  	s11 =	sadd.s32 s7, s24;
	[dreg:$0x14] =	wrdreg s8  }
0x17: {  	[dreg:$0xf] =	wrdreg s11  }
0x18: {  	s11 =	sadd.s32 s7, s13;
	s13 =	rddreg [dreg:$0x7]  }
0x19: {  	s24 =	sadd.s32 s3, s12;
	[dreg:$0x10] =	wrdreg s11  }
0x1a: {  	s8 =	sshrl.u32 s24, $0x3;
	s11 =	sadd.s32 s7, s16;
	s16 =	rddreg [dreg:$0x6]  }
0x1b: {  	s8 =	sadd.s32 s7, s8;
	[dreg:$0x11] =	wrdreg s11  }
0x1c: {  	s23 =	sshrl.u32 s22, $0x3;
	s11 =	sadd.s32 s7, s21;
	[dreg:$0x15] =	wrdreg s8  }
0x1d: {  	[dreg:$0x12] =	wrdreg s11;
	s11 =	sadd.s32 s7, s23  }
0x1e: {  	[dreg:$0x13] =	wrdreg s11;
	s11 =	sshrl.u32 s25, $0x3  }
0x1f: {  	s8 =	sadd.s32 $0x3200, s4;
	s21 =	sshrl.u32 s10, $0x3;
	s7 =	sadd.s32 s7, s11  }
0x20: {  	s22 =	sadd.s32 s8, s21;
	[dreg:$0x16] =	wrdreg s7  }
0x21: {  	s23 =	sadd.s32 s4, s21;
	_ =	strace $0x80000047;
	[dreg:$0x17] =	wrdreg s22  }
0x22: {  	s24 =	sadd.s32 s6, s21;
	s25 =	sshrl.u32 s9, $0x3;
	[dreg:$0x18] =	wrdreg s23  }
0x23: {  	s21 =	sadd.s32 s8, s25;
	[dreg:$0x19] =	wrdreg s24  }
0x24: {  	s7 =	sadd.s32 s6, s25;
	[dreg:$0x1a] =	wrdreg s21  }
0x25: {  	s0 =	smax.u32 s0, $0x1;
	[dreg:$0x1c] =	wrdreg s7  }
0x26: {  	s22 =	sadd.s32 s4, s25;
	s23 =	sshrl.u32 s5, $0x3;
	[smem:$0x7FB] =	sst s0  }
0x27: {  	[dreg:$0x1b] =	wrdreg s22;
	s24 =	sadd.s32 s8, s23  }
0x28: {  	s21 =	sadd.s32 s4, s23;
	[dreg:$0x1d] =	wrdreg s24  }
0x29: {  	s25 =	sshrl.u32 s3, $0x3;
	s11 =	sadd.s32 s6, s23;
	[dreg:$0x1e] =	wrdreg s21  }
0x2a: {  	s8 =	sadd.s32 s8, s25;
	[dreg:$0x1f] =	wrdreg s11  }
0x2b: {  	s6 =	sadd.s32 s6, s25;
	[smem:$0x7D8] =	sst s8  }
0x2c: {  	s22 =	sadd.s32 s10, s14;
	[smem:$0x7D9] =	sst s6  }
0x2d: {  	s23 =	sadd.s32 s10, s16;
	[smem:$0x7DC] =	sst s22  }
0x2e: {  	s11 =	sadd.s32 s4, s25;
	[smem:$0x7DD] =	sst s23  }
0x2f: {  	s21 =	sadd.s32 s10, s2;
	[smem:$0x7DA] =	sst s11  }
0x30: {  	s24 =	sadd.s32 s10, s15;
	[smem:$0x7DB] =	sst s21  }
0x31: {  	s25 =	sadd.s32 s10, s19;
	[smem:$0x7DE] =	sst s24  }
0x32: {  	s6 =	sadd.s32 s9, s2;
	[smem:$0x7DF] =	sst s25  }
0x33: {  	s22 =	sadd.s32 s10, s13;
	s10 =	sadd.s32 s9, s14;
	[smem:$0x7E0] =	sst s6  }
0x34: {  	s23 =	sadd.s32 s9, s15;
	[smem:$0x7E1] =	sst s10  }
0x35: {  	[smem:$0x7E4] =	sst s23  }
0x36: {  	s11 =	sadd.s32 s9, s16;
	[smem:$0x7FD] =	sst s22  }
0x37: {  	s1 =	sor.u32 s18, s1;
	s21 =	sadd.s32 s9, s13;
	[smem:$0x7E2] =	sst s11  }
0x38: {  	s12 =	smul.u32 $0x16, s1;
	s24 =	sadd.s32 s9, s19;
	[smem:$0x7E3] =	sst s21  }
0x39: {  	s25 =	sadd.s32 s5, s2;
	[smem:$0x7E5] =	sst s24  }
0x3a: {  	s12 =	sadd.s32 s12, s4;
	s6 =	sadd.s32 s5, s14;
	[smem:$0x7E6] =	sst s25  }
0x3b: {  	s7 =	sadd.s32 $0x68000, s4;
	s9 =	sadd.s32 s5, s16;
	[smem:$0x7E7] =	sst s6  }
0x3c: {  	s8 =	sadd.s32 $0x6400, s4;
	s10 =	sadd.s32 s5, s13;
	[smem:$0x7E8] =	sst s9  }
0x3d: {  	s4 =	smul.u32 $0x186A0, s1;
	s23 =	sadd.s32 s3, s2;
	[smem:$0x7E9] =	sst s10  }
0x3e: {  	[smem:$0x7EC] =	sst s23  }
0x3f: {  	s11 =	sadd.s32 s5, s15;
	[smem:$0x7FC] =	sst s4  }
0x40: {  	s28 =	simm.s32 $0xB2A0;
	s21 =	sadd.s32 s5, s19;
	[smem:$0x7EA] =	sst s11  }
0x41: {  	s29 =	simm.s32 $0x5;
	s24 =	sadd.s32 s3, s14;
	[smem:$0x7EB] =	sst s21  }
0x42: {  	s31 =	simm.s32 $0x3;
	s25 =	sadd.s32 s3, s16;
	[smem:$0x7ED] =	sst s24  }
0x43: {  	s30 =	simm.s32 $0x2;
	s5 =	sadd.s32 s3, s13;
	[smem:$0x7EE] =	sst s25  }
0x44: {  	p0 =	sgt.u32 s18, $0x1;
	s6 =	sadd.s32 s3, s15;
	[smem:$0x7EF] =	sst s5  }
0x45: {  	s9 =	sadd.s32 s3, s19;
	s10 =	sshrl.u32 s4, $0x3;
	[smem:$0x7F0] =	sst s6  }
0x46: {  	s0 =	simm.s32 $0xF2A0;
	[smem:$0x7F1] =	sst s9;
	s11 =	sadd.s32 s7, s10  }
0x47: {  	s13 =	sadd.s32 s8, s10;
	s15 =	sadd.s32 $0x2EE0, s10;
	[smem:$0x7F2] =	sst s11  }
0x48: {  	s1 =	sadd.s32 $0x2FDA, s10;
	s25 =	sadd.s32 $0xC9C00, s12;
	[smem:$0x7F3] =	sst s13  }
0x49: {  	s10 =	sadd.s32 $0x7D0, s4;
	s19 =	sadd.s32 s26, s15;
	[smem:$0x7FA] =	sst s25  }
0x4a: {  	s6 =	simm.s32 $0x92A0;
	s3 =	sadd.s32 s17, s15;
	[smem:$0x7F4] =	sst s19  }
0x4b: {  	s12 =	simm.s32 $0x1;
	s21 =	sadd.s32 s7, s1;
	[smem:$0x7F5] =	sst s3  }
0x4c: {  	s5 =	simm.s32 $0x4;
	s23 =	sadd.s32 s8, s1;
	[smem:$0x7F6] =	sst s21  }
.Ltmp0:
0x4d: {  	s24 =	sadd.s32 s26, s1;
	[smem:$0x7F7] =	sst s23;
	(pc) =	sbr.rel .LBB2_1-.Ltmp0, $4  }
0x4e: {  	s1 =	sadd.s32 s17, s1;
	s13 =	simm.s32 $0xFA0;
	[smem:$0x7F8] =	sst s24  }
0x4f: {  	s25 =	simm.s32 $0xA2A0;
	s11 =	simm.s32 $0x122A0;
	[smem:$0x7F9] =	sst s1  }
0x50: {  	s23 =	sadd.s32 $0xFA0, s4;
	s19 =	simm.s32 $0x132A0;
	s21 =	simm.s32 $0x142A0  }
0x51: {  	v0 =	vimm.f32 $0.0e+00;
	s4 =	simm.s32 $0xE2A0;
	s1 =	simm.s32 $0x102A0;
	s24 =	simm.s32 $0x0  }
.LBB2_29:
0x52: {  	s9 =	sld [smem:$0x7FA];
	_ =	sdelay $0x1  }
0x53: {  	s3 =	simm.s32 $0x152A0  }
0x54: {  	[hbm4b:s9+s20] =	stream.linear.scatter [tilespmem:s3], [sflag:$0x5], $0xB0, $0x38;
	[tilespmem:$0x15BA0] =	vst v63  }
0x55: {  	_ =	swait.ge [sflag:s29], $0xB0  }
0x56: {  	[sflag:s29] =	ssyncset.done $0x0  }
0x57: {  	[sflag:s29] =	ssyncadd.s32 $0xFFFFFF50  }
0x58: {  	[bflag:$0x0] =	sbarrier.arrive $0xFFFF  }
0x59: {  	[tilespmem:s28], [sflag:$0x5] =	stream.linear.gather [spmem:s22], $0x7D0, $0x38;
	[tilespmem:$0x15BA0] =	vst v63  }
0x5a: {  	_ =	swait.ge [sflag:s29], $0x7D0  }
0x5b: {  	[sflag:s29] =	ssyncset.done $0x0  }
0x5c: {  	s17 =	rddreg [dreg:$0xb];
	[sflag:s29] =	ssyncadd.s32 $0xFFFFF830  }
0x5d: {  	[hbm4b:s17+s20] =	stream.linear.scatter [tilespmem:s28], [sflag:$0x5], $0x7D0, $0x38;
	[tilespmem:$0x15BA0] =	vst v63  }
0x5e: {  	_ =	swait.ge [sflag:s29], $0x7D0  }
0x5f: {  	s18 =	sld [smem:$0x7DE]  }
0x60: {  	[sflag:s29] =	ssyncset.done $0x0  }
0x61: {  	[sflag:s29] =	ssyncadd.s32 $0xFFFFF830  }
0x62: {  	[tilespmem:s28], [sflag:$0x5] =	stream.linear.gather [spmem:s18], $0x7D0, $0x38;
	[tilespmem:$0x15BA0] =	vst v63  }
0x63: {  	_ =	swait.ge [sflag:s29], $0x7D0  }
0x64: {  	[sflag:s29] =	ssyncset.done $0x0  }
0x65: {  	s3 =	rddreg [dreg:$0xc];
	[sflag:s29] =	ssyncadd.s32 $0xFFFFF830  }
0x66: {  	[hbm4b:s3+s20] =	stream.linear.scatter [tilespmem:s28], [sflag:$0x5], $0x7D0, $0x38;
	[tilespmem:$0x15BA0] =	vst v63  }
0x67: {  	_ =	swait.ge [sflag:s29], $0x7D0  }
0x68: {  	s15 =	sld [smem:$0x7DF]  }
0x69: {  	[sflag:s29] =	ssyncset.done $0x0  }
0x6a: {  	[sflag:s29] =	ssyncadd.s32 $0xFFFFF830  }
0x6b: {  	[tilespmem:s28], [sflag:$0x5] =	stream.linear.gather [spmem:s15], $0x7D0, $0x38;
	[tilespmem:$0x15BA0] =	vst v63  }
0x6c: {  	_ =	swait.ge [sflag:s29], $0x7D0  }
0x6d: {  	[sflag:s29] =	ssyncset.done $0x0  }
0x6e: {  	s17 =	rddreg [dreg:$0xd];
	[sflag:s29] =	ssyncadd.s32 $0xFFFFF830  }
0x6f: {  	[hbm4b:s17+s20] =	stream.linear.scatter [tilespmem:s28], [sflag:$0x5], $0x7D0, $0x38;
	[tilespmem:$0x15BA0] =	vst v63  }
0x70: {  	_ =	swait.ge [sflag:s29], $0x7D0  }
0x71: {  	s18 =	sld [smem:$0x7E3]  }
0x72: {  	[sflag:s29] =	ssyncset.done $0x0  }
0x73: {  	[sflag:s29] =	ssyncadd.s32 $0xFFFFF830  }
0x74: {  	[tilespmem:s28], [sflag:$0x5] =	stream.linear.gather [spmem:s18], $0x7D0, $0x38;
	[tilespmem:$0x15BA0] =	vst v63  }
0x75: {  	_ =	swait.ge [sflag:s29], $0x7D0  }
0x76: {  	[sflag:s29] =	ssyncset.done $0x0  }
0x77: {  	s3 =	rddreg [dreg:$0xe];
	[sflag:s29] =	ssyncadd.s32 $0xFFFFF830  }
0x78: {  	[hbm4b:s3+s20] =	stream.linear.scatter [tilespmem:s28], [sflag:$0x5], $0x7D0, $0x38;
	[tilespmem:$0x15BA0] =	vst v63  }
0x79: {  	_ =	swait.ge [sflag:s29], $0x7D0  }
0x7a: {  	s15 =	sld [smem:$0x7E4]  }
0x7b: {  	[sflag:s29] =	ssyncset.done $0x0  }
0x7c: {  	[sflag:s29] =	ssyncadd.s32 $0xFFFFF830  }
0x7d: {  	[tilespmem:s28], [sflag:$0x5] =	stream.linear.gather [spmem:s15], $0x7D0, $0x38;
	[tilespmem:$0x15BA0] =	vst v63  }
0x7e: {  	_ =	swait.ge [sflag:s29], $0x7D0  }
0x7f: {  	[sflag:s29] =	ssyncset.done $0x0  }
0x80: {  	s17 =	rddreg [dreg:$0xf];
	[sflag:s29] =	ssyncadd.s32 $0xFFFFF830  }
0x81: {  	[hbm4b:s17+s20] =	stream.linear.scatter [tilespmem:s28], [sflag:$0x5], $0x7D0, $0x38;
	[tilespmem:$0x15BA0] =	vst v63  }
0x82: {  	_ =	swait.ge [sflag:s29], $0x7D0  }
0x83: {  	s18 =	sld [smem:$0x7E5]  }
0x84: {  	[sflag:s29] =	ssyncset.done $0x0  }
0x85: {  	[sflag:s29] =	ssyncadd.s32 $0xFFFFF830  }
0x86: {  	[tilespmem:s28], [sflag:$0x5] =	stream.linear.gather [spmem:s18], $0x7D0, $0x38;
	[tilespmem:$0x15BA0] =	vst v63  }
0x87: {  	_ =	swait.ge [sflag:s29], $0x7D0  }
0x88: {  	[sflag:s29] =	ssyncset.done $0x0  }
0x89: {  	s3 =	rddreg [dreg:$0x10];
	[sflag:s29] =	ssyncadd.s32 $0xFFFFF830  }
0x8a: {  	[hbm4b:s3+s20] =	stream.linear.scatter [tilespmem:s28], [sflag:$0x5], $0x7D0, $0x38;
	[tilespmem:$0x15BA0] =	vst v63  }
0x8b: {  	_ =	swait.ge [sflag:s29], $0x7D0  }
0x8c: {  	s15 =	sld [smem:$0x7E9]  }
0x8d: {  	[sflag:s29] =	ssyncset.done $0x0  }
0x8e: {  	[sflag:s29] =	ssyncadd.s32 $0xFFFFF830  }
0x8f: {  	[tilespmem:s28], [sflag:$0x5] =	stream.linear.gather [spmem:s15], $0x7D0, $0x38;
	[tilespmem:$0x15BA0] =	vst v63  }
0x90: {  	_ =	swait.ge [sflag:s29], $0x7D0  }
0x91: {  	[sflag:s29] =	ssyncset.done $0x0  }
0x92: {  	s17 =	rddreg [dreg:$0x11];
	[sflag:s29] =	ssyncadd.s32 $0xFFFFF830  }
0x93: {  	[hbm4b:s17+s20] =	stream.linear.scatter [tilespmem:s28], [sflag:$0x5], $0x7D0, $0x38;
	[tilespmem:$0x15BA0] =	vst v63  }
0x94: {  	_ =	swait.ge [sflag:s29], $0x7D0  }
0x95: {  	s18 =	sld [smem:$0x7EA]  }
0x96: {  	[sflag:s29] =	ssyncset.done $0x0  }
0x97: {  	[sflag:s29] =	ssyncadd.s32 $0xFFFFF830  }
0x98: {  	[tilespmem:s28], [sflag:$0x5] =	stream.linear.gather [spmem:s18], $0x7D0, $0x38;
	[tilespmem:$0x15BA0] =	vst v63  }
0x99: {  	_ =	swait.ge [sflag:s29], $0x7D0  }
0x9a: {  	[sflag:s29] =	ssyncset.done $0x0  }
0x9b: {  	s3 =	rddreg [dreg:$0x12];
	[sflag:s29] =	ssyncadd.s32 $0xFFFFF830  }
0x9c: {  	[hbm4b:s3+s20] =	stream.linear.scatter [tilespmem:s28], [sflag:$0x5], $0x7D0, $0x38;
	[tilespmem:$0x15BA0] =	vst v63  }
0x9d: {  	_ =	swait.ge [sflag:s29], $0x7D0  }
0x9e: {  	s15 =	sld [smem:$0x7EB]  }
0x9f: {  	[sflag:s29] =	ssyncset.done $0x0  }
0xa0: {  	[sflag:s29] =	ssyncadd.s32 $0xFFFFF830  }
0xa1: {  	[tilespmem:s28], [sflag:$0x5] =	stream.linear.gather [spmem:s15], $0x7D0, $0x38;
	[tilespmem:$0x15BA0] =	vst v63  }
0xa2: {  	_ =	swait.ge [sflag:s29], $0x7D0  }
0xa3: {  	[sflag:s29] =	ssyncset.done $0x0  }
0xa4: {  	s17 =	rddreg [dreg:$0x13];
	[sflag:s29] =	ssyncadd.s32 $0xFFFFF830  }
0xa5: {  	[hbm4b:s17+s20] =	stream.linear.scatter [tilespmem:s28], [sflag:$0x5], $0x7D0, $0x38;
	[tilespmem:$0x15BA0] =	vst v63  }
0xa6: {  	_ =	swait.ge [sflag:s29], $0x7D0  }
0xa7: {  	s15 =	sld [smem:$0x7EF]  }
0xa8: {  	[sflag:s29] =	ssyncset.done $0x0  }
0xa9: {  	s9 =	simm.s32 @!p0 $0xB2A0;
	[sflag:s29] =	ssyncadd.s32 $0xFFFFF830  }
0xaa: {  	[tilespmem:s9], [sflag:$0x5] =	stream.linear.gather @!p0 [spmem:s15], $0x7D0, $0x38;
	[tilespmem:$0x15BA0] =	vst v63  }
0xab: {  	s15 =	simm.s32 @!p0 $0x5  }
0xac: {  	_ =	swait.ge @!p0 [sflag:s15], $0x7D0  }
0xad: {  	[sflag:s15] =	ssyncset.done @!p0 $0x0  }
0xae: {  	s17 =	simm.s32 @!p0 $0x0;
	s18 =	rddreg [dreg:$0x14];
	[sflag:s15] =	ssyncadd.s32 @!p0 $0xFFFFF830  }
0xaf: {  	[hbm4b:s18+s17] =	stream.linear.scatter @!p0 [tilespmem:s9], [sflag:$0x5], $0x7D0, $0x38;
	[tilespmem:$0x15BA0] =	vst v63  }
0xb0: {  	_ =	swait.ge @!p0 [sflag:s15], $0x7D0  }
0xb1: {  	s18 =	sld [smem:$0x7F0]  }
0xb2: {  	[sflag:s15] =	ssyncset.done @!p0 $0x0  }
0xb3: {  	[sflag:s15] =	ssyncadd.s32 @!p0 $0xFFFFF830  }
0xb4: {  	[tilespmem:s9], [sflag:$0x5] =	stream.linear.gather @!p0 [spmem:s18], $0x7D0, $0x38;
	[tilespmem:$0x15BA0] =	vst v63  }
0xb5: {  	_ =	swait.ge @!p0 [sflag:s15], $0x7D0  }
0xb6: {  	[sflag:s15] =	ssyncset.done @!p0 $0x0  }
0xb7: {  	s18 =	rddreg [dreg:$0x15];
	[sflag:s15] =	ssyncadd.s32 @!p0 $0xFFFFF830  }
0xb8: {  	[hbm4b:s18+s17] =	stream.linear.scatter @!p0 [tilespmem:s9], [sflag:$0x5], $0x7D0, $0x38;
	[tilespmem:$0x15BA0] =	vst v63  }
0xb9: {  	_ =	swait.ge @!p0 [sflag:s15], $0x7D0  }
0xba: {  	s18 =	sld [smem:$0x7F1]  }
0xbb: {  	[sflag:s15] =	ssyncset.done @!p0 $0x0  }
0xbc: {  	[sflag:s15] =	ssyncadd.s32 @!p0 $0xFFFFF830  }
0xbd: {  	[tilespmem:s9], [sflag:$0x5] =	stream.linear.gather @!p0 [spmem:s18], $0x7D0, $0x38;
	[tilespmem:$0x15BA0] =	vst v63  }
0xbe: {  	_ =	swait.ge @!p0 [sflag:s15], $0x7D0  }
0xbf: {  	[sflag:s15] =	ssyncset.done @!p0 $0x0  }
0xc0: {  	s18 =	rddreg [dreg:$0x16];
	[sflag:s15] =	ssyncadd.s32 @!p0 $0xFFFFF830  }
0xc1: {  	[hbm4b:s18+s17] =	stream.linear.scatter @!p0 [tilespmem:s9], [sflag:$0x5], $0x7D0, $0x38;
	[tilespmem:$0x15BA0] =	vst v63  }
0xc2: {  	_ =	swait.ge @!p0 [sflag:s15], $0x7D0  }
0xc3: {  	s18 =	sld [smem:$0x7FB];
	_ =	sdelay $0x1  }
0xc4: {  	s24 =	sadd.s32 $0x1, s24  }
0xc5: {  	p1 =	sne.s32 s24, s18  }
.Ltmp1:
0xc6: {  	_ = 	snop;
	(pc) =	sbr.rel @!p1 .LBB2_30-.Ltmp1, $3  }
0xc7: {  	_ =	sdelay $0x1  }
0xc8: {  	[sflag:s15] =	ssyncset.done @!p0 $0x0  }
0xc9: {  	[sflag:s15] =	ssyncadd.s32 @!p0 $0xFFFFF830  }
.LBB2_1:
0xca: {  	[smem:$0x7D7] =	sst s24;
	s9 =	simm.s32 $0x40;
	s15 =	simm.s32 $0x0  }
.LBB2_2:
0xcb: {  	p1 =	sne.s32 s9, $0x1F00;
	[tilespmem:s15+$0x153A0] =	vst v0;
	s15 =	smov.u32 s9;
	s9 =	sadd.s32 $0x40, s9  }
.Ltmp2:
0xcc: {  	(pc) =	sbr.rel @p1 .LBB2_2-.Ltmp2, $2  }
0xcd: {  	_ =	sdelay $0x2  }
0xce: {  	s15 =	sshra.s32 s15, $0x2  }
0xcf: {  	[tilespmem:s15+$0x153A0] =	vst v0  }
0xd0: {  	[tilespmem:$0x152A0] =	vst v0  }
0xd1: {  	[tilespmem:$0x152B0] =	vst v0  }
0xd2: {  	[tilespmem:$0x152C0] =	vst v0  }
0xd3: {  	[tilespmem:$0x152D0] =	vst v0  }
0xd4: {  	[tilespmem:$0x152E0] =	vst v0  }
0xd5: {  	[tilespmem:$0x152F0] =	vst v0  }
0xd6: {  	[tilespmem:$0x15300] =	vst v0  }
0xd7: {  	[tilespmem:$0x15310] =	vst v0  }
0xd8: {  	[tilespmem:$0x15320] =	vst v0  }
0xd9: {  	[tilespmem:$0x15330] =	vst v0  }
0xda: {  	s9 =	rddreg [dreg:$0x17];
	[tilespmem:$0x15340] =	vst v0  }
0xdb: {  	[tilespmem:s28], [sflag:$0x5] =	stream.linear.gather [hbm4b:s9+s20], $0x7D0, $0x38;
	[tilespmem:$0x15BA0] =	vst v63  }
0xdc: {  	_ =	swait.ge [sflag:s29], $0x7D0  }
0xdd: {  	s18 =	sld [smem:$0x7DB]  }
0xde: {  	[sflag:s29] =	ssyncset.done $0x0  }
0xdf: {  	[sflag:s29] =	ssyncadd.s32 $0xFFFFF830  }
0xe0: {  	[spmem:s18] =	stream.linear.scatter [tilespmem:s28], [sflag:$0x5], $0x7D0, $0x38;
	[tilespmem:$0x15BA0] =	vst v63  }
0xe1: {  	_ =	swait.ge [sflag:s29], $0x7D0  }
0xe2: {  	[sflag:s29] =	ssyncset.done $0x0  }
0xe3: {  	s24 =	rddreg [dreg:$0x18];
	[sflag:s29] =	ssyncadd.s32 $0xFFFFF830  }
0xe4: {  	[tilespmem:s28], [sflag:$0x5] =	stream.linear.gather [hbm4b:s24+s20], $0x7D0, $0x38;
	[tilespmem:$0x15BA0] =	vst v63  }
0xe5: {  	_ =	swait.ge [sflag:s29], $0x7D0  }
0xe6: {  	s3 =	sld [smem:$0x7DC]  }
0xe7: {  	[sflag:s29] =	ssyncset.done $0x0  }
0xe8: {  	[sflag:s29] =	ssyncadd.s32 $0xFFFFF830  }
0xe9: {  	[spmem:s3] =	stream.linear.scatter [tilespmem:s28], [sflag:$0x5], $0x7D0, $0x38;
	[tilespmem:$0x15BA0] =	vst v63  }
0xea: {  	_ =	swait.ge [sflag:s29], $0x7D0  }
0xeb: {  	[sflag:s29] =	ssyncset.done $0x0  }
0xec: {  	s15 =	rddreg [dreg:$0x19];
	[sflag:s29] =	ssyncadd.s32 $0xFFFFF830  }
0xed: {  	[tilespmem:s28], [sflag:$0x5] =	stream.linear.gather [hbm4b:s15+s20], $0x7D0, $0x38;
	[tilespmem:$0x15BA0] =	vst v63  }
0xee: {  	_ =	swait.ge [sflag:s29], $0x7D0  }
0xef: {  	s17 =	sld [smem:$0x7DD]  }
0xf0: {  	[sflag:s29] =	ssyncset.done $0x0  }
0xf1: {  	[sflag:s29] =	ssyncadd.s32 $0xFFFFF830  }
0xf2: {  	[spmem:s17] =	stream.linear.scatter [tilespmem:s28], [sflag:$0x5], $0x7D0, $0x38;
	[tilespmem:$0x15BA0] =	vst v63  }
0xf3: {  	_ =	swait.ge [sflag:s29], $0x7D0  }
0xf4: {  	[sflag:s29] =	ssyncset.done $0x0  }
0xf5: {  	s15 =	simm.s32 $0x153A0;
	[sflag:s29] =	ssyncadd.s32 $0xFFFFF830  }
0xf6: {  	[spmem:s22] =	stream.linear.scatter [tilespmem:s15], [sflag:$0x5], $0x7D0, $0x38;
	[tilespmem:$0x15BA0] =	vst v63  }
0xf7: {  	_ =	swait.ge [sflag:s29], $0x7D0  }
0xf8: {  	s18 =	sld [smem:$0x7DE]  }
0xf9: {  	[sflag:s29] =	ssyncset.done $0x0  }
0xfa: {  	[sflag:s29] =	ssyncadd.s32 $0xFFFFF830  }
0xfb: {  	[spmem:s18] =	stream.linear.scatter [tilespmem:s15], [sflag:$0x5], $0x7D0, $0x38;
	[tilespmem:$0x15BA0] =	vst v63  }
0xfc: {  	_ =	swait.ge [sflag:s29], $0x7D0  }
0xfd: {  	s22 =	sld [smem:$0x7DF]  }
0xfe: {  	[sflag:s29] =	ssyncset.done $0x0  }
0xff: {  	[sflag:s29] =	ssyncadd.s32 $0xFFFFF830  }
0x100: {  	[spmem:s22] =	stream.linear.scatter [tilespmem:s15], [sflag:$0x5], $0x7D0, $0x38;
	[tilespmem:$0x15BA0] =	vst v63  }
0x101: {  	_ =	swait.ge [sflag:s29], $0x7D0  }
0x102: {  	[sflag:s29] =	ssyncset.done $0x0  }
0x103: {  	s24 =	rddreg [dreg:$0x1a];
	[sflag:s29] =	ssyncadd.s32 $0xFFFFF830  }
0x104: {  	[tilespmem:s28], [sflag:$0x5] =	stream.linear.gather [hbm4b:s24+s20], $0x7D0, $0x38;
	[tilespmem:$0x15BA0] =	vst v63  }
0x105: {  	_ =	swait.ge [sflag:s29], $0x7D0  }
0x106: {  	s3 =	sld [smem:$0x7E0]  }
0x107: {  	[sflag:s29] =	ssyncset.done $0x0  }
0x108: {  	[sflag:s29] =	ssyncadd.s32 $0xFFFFF830  }
0x109: {  	[spmem:s3] =	stream.linear.scatter [tilespmem:s28], [sflag:$0x5], $0x7D0, $0x38;
	[tilespmem:$0x15BA0] =	vst v63  }
0x10a: {  	_ =	swait.ge [sflag:s29], $0x7D0  }
0x10b: {  	[sflag:s29] =	ssyncset.done $0x0  }
0x10c: {  	s17 =	rddreg [dreg:$0x1b];
	[sflag:s29] =	ssyncadd.s32 $0xFFFFF830  }
0x10d: {  	[tilespmem:s28], [sflag:$0x5] =	stream.linear.gather [hbm4b:s17+s20], $0x7D0, $0x38;
	[tilespmem:$0x15BA0] =	vst v63  }
0x10e: {  	_ =	swait.ge [sflag:s29], $0x7D0  }
0x10f: {  	s18 =	sld [smem:$0x7E1]  }
0x110: {  	[sflag:s29] =	ssyncset.done $0x0  }
0x111: {  	[sflag:s29] =	ssyncadd.s32 $0xFFFFF830  }
0x112: {  	[spmem:s18] =	stream.linear.scatter [tilespmem:s28], [sflag:$0x5], $0x7D0, $0x38;
	[tilespmem:$0x15BA0] =	vst v63  }
0x113: {  	_ =	swait.ge [sflag:s29], $0x7D0  }
0x114: {  	[sflag:s29] =	ssyncset.done $0x0  }
0x115: {  	s22 =	rddreg [dreg:$0x1c];
	[sflag:s29] =	ssyncadd.s32 $0xFFFFF830  }
0x116: {  	[tilespmem:s28], [sflag:$0x5] =	stream.linear.gather [hbm4b:s22+s20], $0x7D0, $0x38;
	[tilespmem:$0x15BA0] =	vst v63  }
0x117: {  	_ =	swait.ge [sflag:s29], $0x7D0  }
0x118: {  	s24 =	sld [smem:$0x7E2]  }
0x119: {  	[sflag:s29] =	ssyncset.done $0x0  }
0x11a: {  	[sflag:s29] =	ssyncadd.s32 $0xFFFFF830  }
0x11b: {  	[spmem:s24] =	stream.linear.scatter [tilespmem:s28], [sflag:$0x5], $0x7D0, $0x38;
	[tilespmem:$0x15BA0] =	vst v63  }
0x11c: {  	_ =	swait.ge [sflag:s29], $0x7D0  }
0x11d: {  	s3 =	sld [smem:$0x7E3]  }
0x11e: {  	[sflag:s29] =	ssyncset.done $0x0  }
0x11f: {  	[sflag:s29] =	ssyncadd.s32 $0xFFFFF830  }
0x120: {  	[spmem:s3] =	stream.linear.scatter [tilespmem:s15], [sflag:$0x5], $0x7D0, $0x38;
	[tilespmem:$0x15BA0] =	vst v63  }
0x121: {  	_ =	swait.ge [sflag:s29], $0x7D0  }
0x122: {  	s17 =	sld [smem:$0x7E4]  }
0x123: {  	[sflag:s29] =	ssyncset.done $0x0  }
0x124: {  	[sflag:s29] =	ssyncadd.s32 $0xFFFFF830  }
0x125: {  	[spmem:s17] =	stream.linear.scatter [tilespmem:s15], [sflag:$0x5], $0x7D0, $0x38;
	[tilespmem:$0x15BA0] =	vst v63  }
0x126: {  	_ =	swait.ge [sflag:s29], $0x7D0  }
0x127: {  	s18 =	sld [smem:$0x7E5]  }
0x128: {  	[sflag:s29] =	ssyncset.done $0x0  }
0x129: {  	[sflag:s29] =	ssyncadd.s32 $0xFFFFF830  }
0x12a: {  	[spmem:s18] =	stream.linear.scatter [tilespmem:s15], [sflag:$0x5], $0x7D0, $0x38;
	[tilespmem:$0x15BA0] =	vst v63  }
0x12b: {  	_ =	swait.ge [sflag:s29], $0x7D0  }
0x12c: {  	[sflag:s29] =	ssyncset.done $0x0  }
0x12d: {  	s22 =	rddreg [dreg:$0x1d];
	[sflag:s29] =	ssyncadd.s32 $0xFFFFF830  }
0x12e: {  	[tilespmem:s28], [sflag:$0x5] =	stream.linear.gather [hbm4b:s22+s20], $0x7D0, $0x38;
	[tilespmem:$0x15BA0] =	vst v63  }
0x12f: {  	_ =	swait.ge [sflag:s29], $0x7D0  }
0x130: {  	s24 =	sld [smem:$0x7E6]  }
0x131: {  	[sflag:s29] =	ssyncset.done $0x0  }
0x132: {  	[sflag:s29] =	ssyncadd.s32 $0xFFFFF830  }
0x133: {  	[spmem:s24] =	stream.linear.scatter [tilespmem:s28], [sflag:$0x5], $0x7D0, $0x38;
	[tilespmem:$0x15BA0] =	vst v63  }
0x134: {  	_ =	swait.ge [sflag:s29], $0x7D0  }
0x135: {  	[sflag:s29] =	ssyncset.done $0x0  }
0x136: {  	s3 =	rddreg [dreg:$0x1e];
	[sflag:s29] =	ssyncadd.s32 $0xFFFFF830  }
0x137: {  	[tilespmem:s28], [sflag:$0x5] =	stream.linear.gather [hbm4b:s3+s20], $0x7D0, $0x38;
	[tilespmem:$0x15BA0] =	vst v63  }
0x138: {  	_ =	swait.ge [sflag:s29], $0x7D0  }
0x139: {  	s17 =	sld [smem:$0x7E7]  }
0x13a: {  	[sflag:s29] =	ssyncset.done $0x0  }
0x13b: {  	[sflag:s29] =	ssyncadd.s32 $0xFFFFF830  }
0x13c: {  	[spmem:s17] =	stream.linear.scatter [tilespmem:s28], [sflag:$0x5], $0x7D0, $0x38;
	[tilespmem:$0x15BA0] =	vst v63  }
0x13d: {  	_ =	swait.ge [sflag:s29], $0x7D0  }
0x13e: {  	[sflag:s29] =	ssyncset.done $0x0  }
0x13f: {  	s18 =	rddreg [dreg:$0x1f];
	[sflag:s29] =	ssyncadd.s32 $0xFFFFF830  }
0x140: {  	[tilespmem:s28], [sflag:$0x5] =	stream.linear.gather [hbm4b:s18+s20], $0x7D0, $0x38;
	[tilespmem:$0x15BA0] =	vst v63  }
0x141: {  	_ =	swait.ge [sflag:s29], $0x7D0  }
0x142: {  	s20 =	sld [smem:$0x7E8]  }
0x143: {  	[sflag:s29] =	ssyncset.done $0x0  }
0x144: {  	[sflag:s29] =	ssyncadd.s32 $0xFFFFF830  }
0x145: {  	[spmem:s20] =	stream.linear.scatter [tilespmem:s28], [sflag:$0x5], $0x7D0, $0x38;
	[tilespmem:$0x15BA0] =	vst v63  }
0x146: {  	_ =	swait.ge [sflag:s29], $0x7D0  }
0x147: {  	s22 =	sld [smem:$0x7E9]  }
0x148: {  	[sflag:s29] =	ssyncset.done $0x0  }
0x149: {  	[sflag:s29] =	ssyncadd.s32 $0xFFFFF830  }
0x14a: {  	[spmem:s22] =	stream.linear.scatter [tilespmem:s15], [sflag:$0x5], $0x7D0, $0x38;
	[tilespmem:$0x15BA0] =	vst v63  }
0x14b: {  	_ =	swait.ge [sflag:s29], $0x7D0  }
0x14c: {  	s24 =	sld [smem:$0x7EA]  }
0x14d: {  	[sflag:s29] =	ssyncset.done $0x0  }
0x14e: {  	[sflag:s29] =	ssyncadd.s32 $0xFFFFF830  }
0x14f: {  	[spmem:s24] =	stream.linear.scatter [tilespmem:s15], [sflag:$0x5], $0x7D0, $0x38;
	[tilespmem:$0x15BA0] =	vst v63  }
0x150: {  	_ =	swait.ge [sflag:s29], $0x7D0  }
0x151: {  	s3 =	sld [smem:$0x7EB]  }
0x152: {  	[sflag:s29] =	ssyncset.done $0x0  }
0x153: {  	[sflag:s29] =	ssyncadd.s32 $0xFFFFF830  }
0x154: {  	[spmem:s3] =	stream.linear.scatter [tilespmem:s15], [sflag:$0x5], $0x7D0, $0x38;
	[tilespmem:$0x15BA0] =	vst v63  }
0x155: {  	_ =	swait.ge [sflag:s29], $0x7D0  }
0x156: {  	s17 =	sld [smem:$0x7D8]  }
0x157: {  	[sflag:s29] =	ssyncset.done $0x0  }
0x158: {  	s9 =	simm.s32 @!p0 $0x0;
	s15 =	simm.s32 @!p0 $0xB2A0;
	[sflag:s29] =	ssyncadd.s32 $0xFFFFF830  }
0x159: {  	[tilespmem:s15], [sflag:$0x5] =	stream.linear.gather @!p0 [hbm4b:s17+s9], $0x7D0, $0x38;
	[tilespmem:$0x15BA0] =	vst v63  }
0x15a: {  	s17 =	simm.s32 @!p0 $0x5  }
0x15b: {  	_ =	swait.ge @!p0 [sflag:s17], $0x7D0  }
0x15c: {  	s18 =	sld [smem:$0x7EC]  }
0x15d: {  	[sflag:s17] =	ssyncset.done @!p0 $0x0  }
0x15e: {  	[sflag:s17] =	ssyncadd.s32 @!p0 $0xFFFFF830  }
0x15f: {  	[spmem:s18] =	stream.linear.scatter @!p0 [tilespmem:s15], [sflag:$0x5], $0x7D0, $0x38;
	[tilespmem:$0x15BA0] =	vst v63  }
0x160: {  	_ =	swait.ge @!p0 [sflag:s17], $0x7D0  }
0x161: {  	s18 =	sld [smem:$0x7DA]  }
0x162: {  	[sflag:s17] =	ssyncset.done @!p0 $0x0  }
0x163: {  	[sflag:s17] =	ssyncadd.s32 @!p0 $0xFFFFF830  }
0x164: {  	[tilespmem:s15], [sflag:$0x5] =	stream.linear.gather @!p0 [hbm4b:s18+s9], $0x7D0, $0x38;
	[tilespmem:$0x15BA0] =	vst v63  }
0x165: {  	_ =	swait.ge @!p0 [sflag:s17], $0x7D0  }
0x166: {  	s18 =	sld [smem:$0x7ED]  }
0x167: {  	[sflag:s17] =	ssyncset.done @!p0 $0x0  }
0x168: {  	[sflag:s17] =	ssyncadd.s32 @!p0 $0xFFFFF830  }
0x169: {  	[spmem:s18] =	stream.linear.scatter @!p0 [tilespmem:s15], [sflag:$0x5], $0x7D0, $0x38;
	[tilespmem:$0x15BA0] =	vst v63  }
0x16a: {  	_ =	swait.ge @!p0 [sflag:s17], $0x7D0  }
0x16b: {  	s18 =	sld [smem:$0x7D9]  }
0x16c: {  	[sflag:s17] =	ssyncset.done @!p0 $0x0  }
0x16d: {  	[sflag:s17] =	ssyncadd.s32 @!p0 $0xFFFFF830  }
0x16e: {  	[tilespmem:s15], [sflag:$0x5] =	stream.linear.gather @!p0 [hbm4b:s18+s9], $0x7D0, $0x38;
	[tilespmem:$0x15BA0] =	vst v63  }
0x16f: {  	_ =	swait.ge @!p0 [sflag:s17], $0x7D0  }
0x170: {  	s9 =	sld [smem:$0x7EE]  }
0x171: {  	[sflag:s17] =	ssyncset.done @!p0 $0x0  }
0x172: {  	[sflag:s17] =	ssyncadd.s32 @!p0 $0xFFFFF830  }
0x173: {  	[spmem:s9] =	stream.linear.scatter @!p0 [tilespmem:s15], [sflag:$0x5], $0x7D0, $0x38;
	[tilespmem:$0x15BA0] =	vst v63  }
0x174: {  	_ =	swait.ge @!p0 [sflag:s17], $0x7D0  }
0x175: {  	s15 =	sld [smem:$0x7EF]  }
0x176: {  	[sflag:s17] =	ssyncset.done @!p0 $0x0  }
0x177: {  	s9 =	simm.s32 @!p0 $0x153A0;
	[sflag:s17] =	ssyncadd.s32 @!p0 $0xFFFFF830  }
0x178: {  	[spmem:s15] =	stream.linear.scatter @!p0 [tilespmem:s9], [sflag:$0x5], $0x7D0, $0x38;
	[tilespmem:$0x15BA0] =	vst v63  }
0x179: {  	_ =	swait.ge @!p0 [sflag:s17], $0x7D0  }
0x17a: {  	s15 =	sld [smem:$0x7F0]  }
0x17b: {  	[sflag:s17] =	ssyncset.done @!p0 $0x0  }
0x17c: {  	[sflag:s17] =	ssyncadd.s32 @!p0 $0xFFFFF830  }
0x17d: {  	[spmem:s15] =	stream.linear.scatter @!p0 [tilespmem:s9], [sflag:$0x5], $0x7D0, $0x38;
	[tilespmem:$0x15BA0] =	vst v63  }
0x17e: {  	_ =	swait.ge @!p0 [sflag:s17], $0x7D0  }
0x17f: {  	s15 =	sld [smem:$0x7F1]  }
0x180: {  	[sflag:s17] =	ssyncset.done @!p0 $0x0  }
0x181: {  	[sflag:s17] =	ssyncadd.s32 @!p0 $0xFFFFF830  }
0x182: {  	[spmem:s15] =	stream.linear.scatter @!p0 [tilespmem:s9], [sflag:$0x5], $0x7D0, $0x38;
	[tilespmem:$0x15BA0] =	vst v63  }
0x183: {  	_ =	swait.ge @!p0 [sflag:s17], $0x7D0  }
0x184: {  	[sflag:s17] =	ssyncset.done @!p0 $0x0  }
0x185: {  	[sflag:s17] =	ssyncadd.s32 @!p0 $0xFFFFF830  }
0x186: {  	[bflag:$0x0] =	sbarrier.arrive $0xFFFF  }
0x187: {  	s15 =	sld [smem:$0x7F2];
	_ =	sdelay $0x1  }
0x188: {  	s17 =	simm.s32 $0x0;
	s18 =	sld [smem:$0x7F3]  }
0x189: {  	[tilespmem:s6], [sflag:$0x1] =	stream.linear.gather [hbm4b:s15+s17], $0x7D0, $0x38;
	[tilespmem:$0x15BA0] =	vst v63  }
0x18a: {  	s20 =	simm.s32 $0x9A70  }
0x18b: {  	[tilespmem:s20], [sflag:$0x1] =	stream.linear.gather [hbm4b:s18+s17], $0x7D0, $0x38;
	[tilespmem:$0x15BA0] =	vst v63  }
0x18c: {  	_ =	swait.ge [sflag:s12], $0x7D0  }
0x18d: {  	[sflag:s12] =	ssyncset.done $0x0  }
0x18e: {  	[sflag:s12] =	ssyncadd.s32 $0xFFFFF830  }
0x18f: {  	_ =	swait.ge [sflag:s12], $0x7D0  }
0x190: {  	[sflag:s12] =	ssyncset.done $0x0  }
0x191: {  	[sflag:s12] =	ssyncadd.s32 $0xFFFFF830  }
0x192: {  	[tilespmem:s28], [sflag:$0x3] =	stream.indirect.gather [spmem:s2], $0x1, s6, s13, $0xb8;
	[tilespmem:$0x15BA0] =	vst v63  }
.Ltmp3:
0x193: {  	_ = 	snop;
	(pc) =	sbr.rel .LBB2_4-.Ltmp3, $4  }
0x194: {  	s22 =	simm.s32 $0xC2A0  }
0x195: {  	[tilespmem:s22], [sflag:$0x3] =	stream.indirect.gather [spmem:s14], $0x1, s6, s13, $0xb8;
	[tilespmem:$0x15BA0] =	vst v63  }
0x196: {  	s24 =	simm.s32 $0xD2A0;
	s20 =	simm.s32 $0x0  }
0x197: {  	[tilespmem:s24], [sflag:$0x3] =	stream.indirect.gather [spmem:s16], $0x1, s6, s13, $0xb8;
	[tilespmem:$0x15BA0] =	vst v63  }
.LBB2_16:
0x198: {  	_ =	swait.ge [sflag:s12], $0x7D0  }
0x199: {  	[sflag:s12] =	ssyncset.done $0x0  }
0x19a: {  	[sflag:s12] =	ssyncadd.s32 $0xFFFFF830  }
0x19b: {  	_ =	swait.ge [sflag:s12], $0x7D0  }
0x19c: {  	s20 =	sadd.s32 $0x1, s20;
	[sflag:s12] =	ssyncset.done $0x0  }
0x19d: {  	p1 =	sne.s32 s20, $0x18;
	[sflag:s12] =	ssyncadd.s32 $0xFFFFF830  }
0x19e: {  	[tilespmem:s28], [sflag:$0x3] =	stream.indirect.gather [spmem:s2], $0x1, s6, s13, $0xb8;
	[tilespmem:$0x15BA0] =	vst v63  }
.Ltmp4:
0x19f: {  	_ = 	snop;
	(pc) =	sbr.rel @!p1 .LBB2_17-.Ltmp4, $4  }
0x1a0: {  	s9 =	simm.s32 $0xC2A0  }
0x1a1: {  	[tilespmem:s9], [sflag:$0x3] =	stream.indirect.gather [spmem:s14], $0x1, s6, s13, $0xb8;
	[tilespmem:$0x15BA0] =	vst v63  }
0x1a2: {  	s24 =	simm.s32 $0xD2A0  }
0x1a3: {  	[tilespmem:s24], [sflag:$0x3] =	stream.indirect.gather [spmem:s16], $0x1, s6, s13, $0xb8;
	[tilespmem:$0x15BA0] =	vst v63  }
.LBB2_4:
0x1a4: {  	s9 =	smul.u32 $0xFA0, s20;
	_ =	sdelay $0x1  }
0x1a5: {  	s15 =	sadd.s32 s9, s10  }
0x1a6: {  	s22 =	sshrl.u32 s15, $0x3  }
0x1a7: {  	s15 =	sadd.s32 s7, s22  }
0x1a8: {  	[tilespmem:s25], [sflag:$0x2] =	stream.linear.gather [hbm4b:s15+s17], $0x7D0, $0x38;
	[tilespmem:$0x15BA0] =	vst v63  }
0x1a9: {  	s18 =	simm.s32 $0xAA70;
	s3 =	sadd.s32 s8, s22  }
0x1aa: {  	[tilespmem:s18], [sflag:$0x2] =	stream.linear.gather [hbm4b:s3+s17], $0x7D0, $0x38;
	[tilespmem:$0x15BA0] =	vst v63  }
0x1ab: {  	_ =	swait.ge [sflag:s31], $0xFA0  }
0x1ac: {  	[sflag:s31] =	ssyncset.done $0x0  }
0x1ad: {  	[sflag:s31] =	ssyncadd.s32 $0xFFFFF060  }
0x1ae: {  	_ =	swait.ge [sflag:s31], $0xFA0  }
0x1af: {  	[sflag:s31] =	ssyncset.done $0x0  }
0x1b0: {  	[sflag:s31] =	ssyncadd.s32 $0xFFFFF060  }
0x1b1: {  	_ =	swait.ge [sflag:s31], $0xFA0  }
0x1b2: {  	[sflag:s31] =	ssyncset.done $0x0  }
0x1b3: {  	s18 =	simm.s32 $0x0;
	[sflag:s31] =	ssyncadd.s32 $0xFFFFF060  }
0x1b4: {  	v1 =	vld [tilespmem:s18+$0xB2A0]  }
0x1b5: {  	v2 =	vld [tilespmem:s18+$0xBA70]  }
0x1b6: {  	v3 =	vld [tilespmem:s18+$0xC2A0]  }
0x1b7: {  	v4 =	vld [tilespmem:s18+$0xCA70]  }
0x1b8: {  	v5 =	vld [tilespmem:s18+$0xD2A0]  }
0x1b9: {  	s24 =	simm.s32 $0x10;
	v6 =	vld [tilespmem:s18+$0xDA70]  }
0x1ba: {  	v7 =	vld [tilespmem:s24+$0xB2A0]  }
0x1bb: {  	v8 =	vld [tilespmem:s24+$0xBA70]  }
0x1bc: {  	v9 =	vld [tilespmem:s24+$0xCA70];
	v2 =	vsub.f32 v1, v2;
	v3 =	vsub.f32 v3, v4  }
0x1bd: {  	v4 =	vld [tilespmem:s24+$0xC2A0]  }
0x1be: {  	v12 =	vld [tilespmem:s24+$0xD2A0];
	v10 =	vsub.f32 v5, v6;
	v5 =	vand.u32 $0x7FFFFFFF, v2;
	v6 =	vand.u32 $0x7FFFFFFF, v3  }
0x1bf: {  	v13 =	vld [tilespmem:s24+$0xDA70];
	v1 =	vimm.f32 $1.000000020e+30;
	v5 =	vsub.f32 $1.000000000e+02, v5;
	v6 =	vsub.f32 $1.000000000e+02, v6  }
0x1c0: {  	s15 =	simm.s32 $0x20;
	v11 =	vand.u32 $0x7FFFFFFF, v10;
	v14 =	vmul.f32 v2, v2;
	v15 =	vmul.f32 v3, v3  }
0x1c1: {  	v3 =	vld [tilespmem:s15+$0xB2A0];
	v11 =	vsub.f32 $1.000000000e+02, v11;
	v16 =	vmul.f32 v5, v5;
	v17 =	vmul.f32 v6, v6  }
0x1c2: {  	v2 =	vld [tilespmem:s15+$0xBA70];
	v10 =	vmul.f32 v10, v10;
	v6 =	vsub.f32 v7, v8;
	v5 =	vsub.f32 v4, v9  }
0x1c3: {  	v4 =	vld [tilespmem:s15+$0xC2A0];
	v11 =	vmul.f32 v11, v11;
	v9 =	vmin.f32 v14, v16;
	v14 =	vmin.f32 v15, v17  }
0x1c4: {  	s24 =	simm.s32 $0xC0;
	v7 =	vld [tilespmem:s15+$0xCA70];
	v8 =	vsub.f32 v12, v13;
	v12 =	vand.u32 $0x7FFFFFFF, v6;
	v9 =	vadd.f32 v14, v9  }
.LBB2_5:
0x1c5: {  	p1 =	sne.s32 s24, $0x1F00;
	v13 =	vld [tilespmem:s15+$0xD2A0];
	v12 =	vsub.f32 $1.000000000e+02, v12;
	v14 =	vand.u32 $0x7FFFFFFF, v5;
	v16 =	vmin.f32 v10, v11  }
0x1c6: {  	v15 =	vld [tilespmem:s15+$0xDA70];
	v11 =	vsub.f32 $1.000000000e+02, v14;
	v14 =	vand.u32 $0x7FFFFFFF, v8;
	v9 =	vadd.f32 v16, v9;
	v10 =	vmovc v3  }
.Ltmp5:
0x1c7: {  	v17 =	vmul.f32 v5, v5;
	s15 =	sshra.s32 s24, $0x2;
	v16 =	vmul.f32 v6, v6;
	v14 =	vsub.f32 $1.000000000e+02, v14;
	(pc) =	sbr.rel @p1 .LBB2_5-.Ltmp5, $4  }
0x1c8: {  	v12 =	vmul.f32 v12, v12;
	v3 =	vld [tilespmem:s15+$0xB2A0];
	v11 =	vmul.f32 v11, v11;
	v1 =	vmin.f32 v1, v9  }
0x1c9: {  	v6 =	vsub.f32 v10, v2;
	v10 =	vmul.f32 v8, v8;
	v2 =	vld [tilespmem:s15+$0xBA70];
	v5 =	vsub.f32 v4, v7  }
0x1ca: {  	v9 =	vmin.f32 v16, v12;
	v4 =	vld [tilespmem:s15+$0xC2A0];
	v16 =	vmin.f32 v17, v11;
	v11 =	vmul.f32 v14, v14  }
0x1cb: {  	s24 =	sadd.s32 $0x40, s24;
	v12 =	vand.u32 $0x7FFFFFFF, v6;
	v7 =	vld [tilespmem:s15+$0xCA70];
	v8 =	vsub.f32 v13, v15;
	v9 =	vadd.f32 v16, v9  }
0x1cc: {  	v13 =	vld [tilespmem:s15+$0xD2A0]  }
0x1cd: {  	v12 =	vsub.f32 $1.000000000e+02, v12;
	v14 =	vand.u32 $0x7FFFFFFF, v5;
	v15 =	vld [tilespmem:s15+$0xDA70]  }
0x1ce: {  	v10 =	vmin.f32 v10, v11;
	v6 =	vmul.f32 v6, v6;
	v50 =	vmul.f32 v5, v5  }
0x1cf: {  	v48 =	vsub.f32 $1.000000000e+02, v14;
	v49 =	vand.u32 $0x7FFFFFFF, v8;
	v12 =	vmul.f32 v12, v12  }
0x1d0: {  	v52 =	vmul.f32 v8, v8;
	v2 =	vsub.f32 v3, v2;
	v3 =	vsub.f32 v4, v7  }
0x1d1: {  	v14 =	vsub.f32 $1.000000000e+02, v49;
	v51 =	vmul.f32 v48, v48;
	v6 =	vmin.f32 v6, v12  }
0x1d2: {  	v54 =	vand.u32 $0x7FFFFFFF, v2;
	v53 =	vsub.f32 v13, v15;
	v55 =	vand.u32 $0x7FFFFFFF, v3  }
0x1d3: {  	v2 =	vmul.f32 v2, v2;
	v56 =	vsub.f32 $1.000000000e+02, v54;
	v57 =	vsub.f32 $1.000000000e+02, v55  }
0x1d4: {  	v4 =	vmin.f32 v50, v51;
	v3 =	vmul.f32 v3, v3;
	v58 =	vand.u32 $0x7FFFFFFF, v53  }
0x1d5: {  	v5 =	vmul.f32 v56, v56;
	v12 =	vsub.f32 $1.000000000e+02, v58;
	v11 =	vmul.f32 v57, v57  }
0x1d6: {  	v59 =	vmul.f32 v14, v14;
	v4 =	vadd.f32 v4, v6;
	v60 =	vmul.f32 v53, v53  }
0x1d7: {  	v2 =	vmin.f32 v2, v5;
	v61 =	vmul.f32 v12, v12;
	v3 =	vmin.f32 v3, v11  }
0x1d8: {  	v62 =	vadd.f32 v10, v9;
	v7 =	vmin.f32 v52, v59;
	v2 =	vadd.f32 v3, v2  }
0x1d9: {  	v3 =	vadd.f32 v7, v4;
	v63 =	vmin.f32 v60, v61  }
0x1da: {  	v1 =	vmin.f32 v1, v62;
	v2 =	vadd.f32 v63, v2  }
0x1db: {  	v1 =	vmin.f32 v1, v3  }
0x1dc: {  	v1 =	vmin.f32 v1, v2  }
0x1dd: {  	(v2sf) =	vpush v1, $0x0  }
0x1de: {  	(v2sf) =	vpush v1, $0x1  }
0x1df: {  	(v2sf) =	vpush v1, $0x2  }
0x1e0: {  	(v2sf) =	vpush v1, $0x3  }
0x1e1: {  	(v2sf) =	vpush v1, $0x4  }
0x1e2: {  	(v2sf) =	vpush v1, $0x5  }
0x1e3: {  	(v2sf) =	vpush v1, $0x6  }
0x1e4: {  	(v2sf) =	vpush v1, $0x7  }
0x1e5: {  	(v2sf) =	vpush v1, $0x8  }
0x1e6: {  	(v2sf) =	vpush v1, $0x9  }
0x1e7: {  	(v2sf) =	vpush v1, $0xA  }
0x1e8: {  	(v2sf) =	vpush v1, $0xB  }
0x1e9: {  	(v2sf) =	vpush v1, $0xC  }
0x1ea: {  	(v2sf) =	vpush v1, $0xD  }
0x1eb: {  	(v2sf) =	vpush v1, $0xE  }
0x1ec: {  	s18 =	spop (v2sf);
	(v2sf) =	vpush v1, $0xF  }
0x1ed: {  	s24 =	spop (v2sf)  }
0x1ee: {  	s15 =	smin.f32 s18, s24;
	s3 =	spop (v2sf)  }
0x1ef: {  	s15 =	smin.f32 s15, s3;
	s18 =	spop (v2sf)  }
0x1f0: {  	s15 =	smin.f32 s15, s18;
	s3 =	spop (v2sf)  }
0x1f1: {  	s15 =	smin.f32 s15, s3;
	s18 =	spop (v2sf)  }
0x1f2: {  	s15 =	smin.f32 s15, s18;
	s3 =	spop (v2sf)  }
0x1f3: {  	s15 =	smin.f32 s15, s3;
	s18 =	spop (v2sf)  }
0x1f4: {  	s15 =	smin.f32 s15, s18;
	s3 =	spop (v2sf)  }
0x1f5: {  	s15 =	smin.f32 s15, s3;
	s18 =	spop (v2sf)  }
0x1f6: {  	s15 =	smin.f32 s15, s18;
	s3 =	spop (v2sf)  }
0x1f7: {  	s15 =	smin.f32 s15, s3;
	s18 =	spop (v2sf)  }
0x1f8: {  	s15 =	smin.f32 s15, s18;
	s3 =	spop (v2sf)  }
0x1f9: {  	s15 =	smin.f32 s15, s3;
	s18 =	spop (v2sf)  }
0x1fa: {  	s15 =	smin.f32 s15, s18;
	s3 =	spop (v2sf)  }
0x1fb: {  	s15 =	smin.f32 s15, s3;
	s18 =	spop (v2sf)  }
0x1fc: {  	s15 =	smin.f32 s15, s18  }
0x1fd: {  	p1 =	slt.f32 s15, $6.250000000e+00  }
.Ltmp6:
0x1fe: {  	_ = 	snop;
	(pc) =	sbr.rel @!p1 .LBB2_10-.Ltmp6, $1  }
0x1ff: {  	_ =	sdelay $0x3  }
0x200: {  	s15 =	sld [smem:$0x7FC];
	_ =	sdelay $0x2  }
0x201: {  	s15 =	sadd.s32 s15, s9  }
0x202: {  	s18 =	smov.u32 s26;
	s15 =	sshrl.u32 s15, $0x3  }
0x203: {  	s3 =	simm.s32 $0x112A0;
	s24 =	sadd.s32 s26, s15;
	s26 =	simm.s32 $0x0  }
0x204: {  	[tilespmem:s3], [sflag:$0x1] =	stream.linear.gather [hbm4b:s24+s26], $0x7D0, $0x38;
	[tilespmem:$0x15BA0] =	vst v63  }
0x205: {  	s3 =	rddreg [dreg:$0x3]  }
0x206: {  	s24 =	simm.s32 $0x11AA0;
	s15 =	sadd.s32 s3, s15  }
0x207: {  	[tilespmem:s24], [sflag:$0x1] =	stream.linear.gather [hbm4b:s15+s26], $0x7D0, $0x38;
	[tilespmem:$0x15BA0] =	vst v63  }
0x208: {  	_ =	swait.ge [sflag:s12], $0x7D0  }
0x209: {  	[sflag:s12] =	ssyncset.done $0x0  }
0x20a: {  	[sflag:s12] =	ssyncadd.s32 $0xFFFFF830  }
0x20b: {  	_ =	swait.ge [sflag:s12], $0x7D0  }
0x20c: {  	[sflag:s12] =	ssyncset.done $0x0  }
0x20d: {  	s26 =	simm.s32 $0x0;
	[sflag:s12] =	ssyncadd.s32 $0xFFFFF830  }
0x20e: {  	v1 =	vld [tilespmem:s26+$0xCA70]  }
0x20f: {  	v2 =	vld [tilespmem:s26+$0xB2A0]  }
0x210: {  	v3 =	vld [tilespmem:s26+$0xC2A0]  }
0x211: {  	v4 =	vld [tilespmem:s26+$0xBA70]  }
0x212: {  	v5 =	vld [tilespmem:s26+$0xDA70]  }
0x213: {  	v6 =	vld [tilespmem:s26+$0xD2A0];
	_ =	sdelay $0x2  }
0x214: {  	v1 =	vsub.f32 v3, v1  }
0x215: {  	v2 =	vsub.f32 v2, v4  }
0x216: {  	v3 =	vsub.f32 v6, v5;
	vm0 =	vgt.f32 v1, $5.000000000e+01  }
0x217: {  	vm1 =	vlt.f32 v1, $-5.000000000e+01;
	vm2 =	vgt.f32 v2, $5.000000000e+01;
	v4 =	vsel vm0, $0x42C80000, v0  }
0x218: {  	v5 =	vsel vm2, $0x42C80000, v0;
	vm0 =	vlt.f32 v2, $-5.000000000e+01;
	v1 =	vsub.f32 v1, v4  }
0x219: {  	v2 =	vsub.f32 v2, v5;
	v4 =	vsel vm1, $0x42C80000, v0;
	vm1 =	vgt.f32 v3, $5.000000000e+01  }
0x21a: {  	v5 =	vsel vm0, $0x42C80000, v0;
	v8 =	vadd.f32 v1, v4;
	v1 =	vsel vm1, $0x42C80000, v0  }
0x21b: {  	vm0 =	vlt.f32 v3, $-5.000000000e+01;
	v13 =	vadd.f32 v2, v5;
	v1 =	vsub.f32 v3, v1  }
0x21c: {  	v2 =	vsel vm0, $0x42C80000, v0  }
0x21d: {  	v3 =	vmul.f32 v8, v8;
	v4 =	vadd.f32 v1, v2;
	v1 =	vmul.f32 v13, v13;
	_ =	sdelay $0x1  }
0x21e: {  	v1 =	vadd.f32 v3, v1;
	v2 =	vmul.f32 v4, v4;
	_ =	sdelay $0x1  }
0x21f: {  	v1 =	vadd.f32 v2, v1;
	_ =	sdelay $0x1  }
0x220: {  	v1 =	vmax.f32 v1, $1.000000020e-24  }
0x221: {  	(erf) = vrcp.f32 v1;
	_ =	sdelay $0x2  }
0x222: {  	v2 =	vld [tilespmem:s26+$0x11AA0];
	_ =	sdelay $0x4  }
0x223: {  	v2 =	vmul.f32 v2, v2  }
0x224: {  	v3 =	vpop (erf)  }
0x225: {  	v2 =	vmul.f32 v3, v2;
	_ =	sdelay $0x1  }
0x226: {  	v5 =	vmul.f32 v2, v2;
	_ =	sdelay $0x1  }
0x227: {  	v5 =	vmul.f32 v5, v2  }
0x228: {  	v2 =	vld [tilespmem:s26+$0x112A0]  }
0x229: {  	v14 =	vmul.f32 v5, v5;
	_ =	sdelay $0x1  }
0x22a: {  	v6 =	vadd.f32 v14, v14;
	_ =	sdelay $0x1  }
0x22b: {  	v7 =	vmul.f32 $2.400000000e+01, v2;
	v6 =	vsub.f32 v6, v5;
	_ =	sdelay $0x1  }
0x22c: {  	v6 =	vmul.f32 v6, v7  }
0x22d: {  	vm0 =	vlt.f32 v1, $6.250000000e+00  }
0x22e: {  	v1 =	vnsel vm0, $0x0, v6  }
0x22f: {  	v3 =	vmul.f32 v1, v3;
	_ =	sdelay $0x1  }
0x230: {  	v15 =	vmul.f32 v3, v13  }
0x231: {  	v7 =	vmul.f32 v3, v4  }
0x232: {  	v16 =	vmul.f32 v3, v8;
	[tilespmem:s26+$0x122A0] =	vst v15  }
0x233: {  	v3 =	vsub.f32 $0.0e+00, v15;
	[tilespmem:s26+$0x142A0] =	vst v7  }
0x234: {  	v6 =	vmul.f32 v15, v13;
	v17 =	vsub.f32 $0.0e+00, v7;
	[tilespmem:s26+$0x132A0] =	vst v16  }
0x235: {  	v18 =	vsub.f32 $0.0e+00, v16;
	v11 =	vmul.f32 v7, v8;
	v10 =	vmul.f32 v7, v4;
	[tilespmem:s26+$0x12A70] =	vst v3  }
0x236: {  	v9 =	vmul.f32 v16, v4;
	v12 =	vmul.f32 v7, v13;
	[tilespmem:s26+$0x14A70] =	vst v17  }
0x237: {  	v7 =	vmul.f32 v15, v4;
	v4 =	vmul.f32 v16, v8;
	[tilespmem:s26+$0x13A70] =	vst v18  }
0x238: {  	s15 =	simm.s32 $0x40;
	v3 =	vsub.f32 v14, v5;
	v5 =	vmul.f32 v15, v8;
	v8 =	vmul.f32 v16, v13;
	v13 =	vld [tilespmem:$0x15330]  }
.LBB2_8:
0x239: {  	p1 =	sne.s32 s15, $0x1F00;
	v14 =	vld [tilespmem:$0x15320];
	s24 =	smov.u32 s15;
	s15 =	sadd.s32 $0x40, s15  }
0x23a: {  	v15 =	vld [tilespmem:$0x15340]  }
0x23b: {  	v16 =	vld [tilespmem:$0x152C0]  }
0x23c: {  	v17 =	vld [tilespmem:$0x15310]  }
0x23d: {  	v18 =	vld [tilespmem:$0x15300];
	v11 =	vadd.f32 v13, v11  }
0x23e: {  	v13 =	vld [tilespmem:$0x152E0];
	v12 =	vadd.f32 v14, v12  }
0x23f: {  	v14 =	vld [tilespmem:$0x152D0];
	[tilespmem:$0x15330] =	vst v11;
	v10 =	vadd.f32 v15, v10  }
0x240: {  	v11 =	vld [tilespmem:$0x152F0];
	[tilespmem:$0x15320] =	vst v12  }
0x241: {  	v6 =	vadd.f32 v6, v16;
	v12 =	vld [tilespmem:$0x152B0];
	v9 =	vadd.f32 v17, v9;
	[tilespmem:$0x15340] =	vst v10  }
0x242: {  	v2 =	vmul.f32 $4.000000000e+00, v2;
	v10 =	vld [tilespmem:$0x152A0]  }
0x243: {  	[tilespmem:$0x152C0] =	vst v6;
	v6 =	vadd.f32 v7, v13  }
0x244: {  	v2 =	vmul.f32 v3, v2;
	v3 =	vadd.f32 v18, v4;
	[tilespmem:$0x15310] =	vst v9  }
0x245: {  	v4 =	vadd.f32 v5, v14;
	v5 =	vadd.f32 v8, v11  }
0x246: {  	v2 =	vnsel vm0, $0x0, v2;
	v1 =	vadd.f32 v1, v12;
	[tilespmem:$0x152E0] =	vst v6  }
0x247: {  	v2 =	vadd.f32 v2, v10;
	[tilespmem:$0x152F0] =	vst v5  }
0x248: {  	[tilespmem:$0x152B0] =	vst v1  }
0x249: {  	[tilespmem:$0x152A0] =	vst v2  }
0x24a: {  	[tilespmem:$0x15300] =	vst v3  }
0x24b: {  	s24 =	sshra.s32 s24, $0x2;
	[tilespmem:$0x152D0] =	vst v4  }
0x24c: {  	v1 =	vld [tilespmem:s24+$0xCA70]  }
0x24d: {  	v2 =	vld [tilespmem:s24+$0xB2A0]  }
0x24e: {  	v3 =	vld [tilespmem:s24+$0xC2A0]  }
0x24f: {  	v4 =	vld [tilespmem:s24+$0xBA70]  }
0x250: {  	v5 =	vld [tilespmem:s24+$0xDA70]  }
0x251: {  	v6 =	vld [tilespmem:s24+$0xD2A0];
	_ =	sdelay $0x1  }
0x252: {  	v1 =	vsub.f32 v3, v1  }
0x253: {  	v2 =	vsub.f32 v2, v4  }
0x254: {  	vm0 =	vgt.f32 v1, $5.000000000e+01;
	vm1 =	vlt.f32 v1, $-5.000000000e+01  }
0x255: {  	v3 =	vsub.f32 v6, v5;
	vm2 =	vgt.f32 v2, $5.000000000e+01;
	v4 =	vsel vm0, $0x42C80000, v0  }
0x256: {  	vm0 =	vlt.f32 v2, $-5.000000000e+01;
	v5 =	vsel vm2, $0x42C80000, v0;
	v1 =	vsub.f32 v1, v4  }
0x257: {  	v4 =	vsel vm1, $0x42C80000, v0;
	v2 =	vsub.f32 v2, v5;
	vm1 =	vgt.f32 v3, $5.000000000e+01  }
0x258: {  	v5 =	vsel vm0, $0x42C80000, v0;
	v8 =	vadd.f32 v1, v4;
	v1 =	vsel vm1, $0x42C80000, v0  }
0x259: {  	vm0 =	vlt.f32 v3, $-5.000000000e+01;
	v13 =	vadd.f32 v2, v5;
	v1 =	vsub.f32 v3, v1  }
0x25a: {  	v2 =	vsel vm0, $0x42C80000, v0;
	v3 =	vmul.f32 v8, v8  }
0x25b: {  	v4 =	vadd.f32 v1, v2;
	v1 =	vmul.f32 v13, v13;
	_ =	sdelay $0x1  }
0x25c: {  	v1 =	vadd.f32 v3, v1;
	v2 =	vmul.f32 v4, v4;
	_ =	sdelay $0x1  }
0x25d: {  	v1 =	vadd.f32 v2, v1;
	_ =	sdelay $0x1  }
0x25e: {  	v1 =	vmax.f32 v1, $1.000000020e-24  }
0x25f: {  	(erf) = vrcp.f32 v1;
	_ =	sdelay $0x2  }
0x260: {  	v2 =	vld [tilespmem:s24+$0x11AA0];
	_ =	sdelay $0x4  }
0x261: {  	v2 =	vmul.f32 v2, v2  }
0x262: {  	v5 =	vpop (erf)  }
0x263: {  	v2 =	vmul.f32 v5, v2;
	_ =	sdelay $0x1  }
0x264: {  	v3 =	vmul.f32 v2, v2;
	_ =	sdelay $0x1  }
0x265: {  	v6 =	vmul.f32 v3, v2  }
0x266: {  	v2 =	vld [tilespmem:s24+$0x112A0]  }
0x267: {  	v7 =	vmul.f32 v6, v6;
	_ =	sdelay $0x1  }
0x268: {  	v3 =	vsub.f32 v7, v6;
	v7 =	vadd.f32 v7, v7;
	_ =	sdelay $0x1  }
0x269: {  	v9 =	vmul.f32 $2.400000000e+01, v2;
	v6 =	vsub.f32 v7, v6;
	_ =	sdelay $0x1  }
0x26a: {  	v6 =	vmul.f32 v6, v9  }
0x26b: {  	vm0 =	vlt.f32 v1, $6.250000000e+00  }
0x26c: {  	v1 =	vnsel vm0, $0x0, v6  }
0x26d: {  	v5 =	vmul.f32 v1, v5;
	_ =	sdelay $0x1  }
0x26e: {  	v14 =	vmul.f32 v5, v13;
	v15 =	vmul.f32 v5, v8  }
0x26f: {  	v5 =	vmul.f32 v5, v4  }
0x270: {  	[tilespmem:s24+$0x122A0] =	vst v14;
	v7 =	vsub.f32 $0.0e+00, v14;
	v16 =	vsub.f32 $0.0e+00, v15;
	v6 =	vmul.f32 v14, v13  }
0x271: {  	v17 =	vsub.f32 $0.0e+00, v5;
	v11 =	vmul.f32 v5, v8;
	v10 =	vmul.f32 v5, v4;
	[tilespmem:s24+$0x142A0] =	vst v5  }
.Ltmp7:
0x272: {  	v9 =	vmul.f32 v15, v4;
	v12 =	vmul.f32 v5, v13;
	[tilespmem:s24+$0x132A0] =	vst v15;
	(pc) =	sbr.rel @p1 .LBB2_8-.Ltmp7, $4  }
0x273: {  	[tilespmem:s24+$0x12A70] =	vst v7;
	v7 =	vmul.f32 v14, v4;
	v4 =	vmul.f32 v15, v8  }
0x274: {  	v5 =	vmul.f32 v14, v8;
	v8 =	vmul.f32 v15, v13;
	[tilespmem:s24+$0x14A70] =	vst v17  }
0x275: {  	[tilespmem:s24+$0x13A70] =	vst v16  }
0x276: {  	v13 =	vld [tilespmem:$0x15330]  }
0x277: {  	v14 =	vld [tilespmem:$0x15320]  }
0x278: {  	v15 =	vld [tilespmem:$0x15340]  }
0x279: {  	v16 =	vld [tilespmem:$0x152C0]  }
0x27a: {  	v17 =	vld [tilespmem:$0x15310]  }
0x27b: {  	v57 =	vld [tilespmem:$0x152E0];
	v11 =	vadd.f32 v13, v11  }
0x27c: {  	v58 =	vld [tilespmem:$0x152F0];
	v12 =	vadd.f32 v14, v12  }
0x27d: {  	v59 =	vld [tilespmem:$0x152B0];
	v10 =	vadd.f32 v15, v10;
	[tilespmem:$0x15330] =	vst v11  }
0x27e: {  	v2 =	vmul.f32 $4.000000000e+00, v2;
	v60 =	vld [tilespmem:$0x152A0];
	v6 =	vadd.f32 v6, v16;
	[tilespmem:$0x15320] =	vst v12  }
0x27f: {  	v61 =	vld [tilespmem:$0x15300];
	v9 =	vadd.f32 v17, v9;
	[tilespmem:$0x15340] =	vst v10  }
0x280: {  	v62 =	vld [tilespmem:$0x152D0];
	v2 =	vmul.f32 v3, v2;
	v63 =	vadd.f32 v7, v57;
	[tilespmem:$0x152C0] =	vst v6  }
0x281: {  	v3 =	vadd.f32 v8, v58;
	[tilespmem:$0x15310] =	vst v9  }
0x282: {  	v2 =	vnsel vm0, $0x0, v2;
	v1 =	vadd.f32 v1, v59;
	[tilespmem:$0x152E0] =	vst v63  }
0x283: {  	v2 =	vadd.f32 v2, v60;
	[tilespmem:$0x152F0] =	vst v3  }
0x284: {  	v3 =	vadd.f32 v61, v4;
	[tilespmem:$0x152B0] =	vst v1  }
0x285: {  	v1 =	vadd.f32 v5, v62;
	[tilespmem:$0x152A0] =	vst v2  }
0x286: {  	[tilespmem:$0x15300] =	vst v3  }
0x287: {  	s15 =	rddreg [dreg:$0x7];
	[tilespmem:$0x152D0] =	vst v1  }
0x288: {  	[spmem:s15] =	stream.indirect.scatter.add.f32 [tilespmem:s11], [sflag:$0x5], $0x1, s6, s13, $0xb8;
	[tilespmem:$0x15BA0] =	vst v63  }
0x289: {  	_ =	swait.ge [sflag:s29], $0xFA0  }
0x28a: {  	[sflag:s29] =	ssyncset.done $0x0  }
0x28b: {  	[sflag:s29] =	ssyncadd.s32 $0xFFFFF060  }
0x28c: {  	s24 =	rddreg [dreg:$0x8]  }
0x28d: {  	[spmem:s24] =	stream.indirect.scatter.add.f32 [tilespmem:s19], [sflag:$0x5], $0x1, s6, s13, $0xb8;
	[tilespmem:$0x15BA0] =	vst v63  }
0x28e: {  	_ =	swait.ge [sflag:s29], $0xFA0  }
0x28f: {  	[sflag:s29] =	ssyncset.done $0x0  }
0x290: {  	[sflag:s29] =	ssyncadd.s32 $0xFFFFF060  }
0x291: {  	s26 =	rddreg [dreg:$0x9]  }
0x292: {  	[spmem:s26] =	stream.indirect.scatter.add.f32 [tilespmem:s21], [sflag:$0x5], $0x1, s6, s13, $0xb8;
	[tilespmem:$0x15BA0] =	vst v63  }
0x293: {  	_ =	swait.ge [sflag:s29], $0xFA0  }
0x294: {  	[sflag:s29] =	ssyncset.done $0x0  }
0x295: {  	s26 =	smov.u32 s18;
	[sflag:s29] =	ssyncadd.s32 $0xFFFFF060  }
.LBB2_10:
0x296: {  	_ =	swait.ge [sflag:s30], $0x7D0  }
0x297: {  	[sflag:s30] =	ssyncset.done $0x0  }
0x298: {  	[sflag:s30] =	ssyncadd.s32 $0xFFFFF830  }
0x299: {  	_ =	swait.ge [sflag:s30], $0x7D0  }
0x29a: {  	[sflag:s30] =	ssyncset.done $0x0  }
0x29b: {  	[sflag:s30] =	ssyncadd.s32 $0xFFFFF830  }
0x29c: {  	[tilespmem:s4], [sflag:$0x4] =	stream.indirect.gather [spmem:s2], $0x1, s25, s13, $0xb8;
	[tilespmem:$0x15BA0] =	vst v63  }
0x29d: {  	s9 =	sadd.s32 s9, s23  }
0x29e: {  	[tilespmem:s0], [sflag:$0x4] =	stream.indirect.gather [spmem:s14], $0x1, s25, s13, $0xb8;
	[tilespmem:$0x15BA0] =	vst v63  }
0x29f: {  	s9 =	sshrl.u32 s9, $0x3  }
0x2a0: {  	[tilespmem:s1], [sflag:$0x4] =	stream.indirect.gather [spmem:s16], $0x1, s25, s13, $0xb8;
	[tilespmem:$0x15BA0] =	vst v63  }
0x2a1: {  	s24 =	simm.s32 $0x0;
	s15 =	sadd.s32 s7, s9  }
0x2a2: {  	[tilespmem:s6], [sflag:$0x1] =	stream.linear.gather [hbm4b:s15+s24], $0x7D0, $0x38;
	[tilespmem:$0x15BA0] =	vst v63  }
0x2a3: {  	s3 =	simm.s32 $0x9A70;
	s9 =	sadd.s32 s8, s9  }
0x2a4: {  	[tilespmem:s3], [sflag:$0x1] =	stream.linear.gather [hbm4b:s9+s24], $0x7D0, $0x38;
	[tilespmem:$0x15BA0] =	vst v63  }
0x2a5: {  	_ =	swait.ge [sflag:s5], $0xFA0  }
0x2a6: {  	[sflag:s5] =	ssyncset.done $0x0  }
0x2a7: {  	[sflag:s5] =	ssyncadd.s32 $0xFFFFF060  }
0x2a8: {  	_ =	swait.ge [sflag:s5], $0xFA0  }
0x2a9: {  	[sflag:s5] =	ssyncset.done $0x0  }
0x2aa: {  	[sflag:s5] =	ssyncadd.s32 $0xFFFFF060  }
0x2ab: {  	_ =	swait.ge [sflag:s5], $0xFA0  }
0x2ac: {  	[sflag:s5] =	ssyncset.done $0x0  }
0x2ad: {  	s18 =	simm.s32 $0x0;
	[sflag:s5] =	ssyncadd.s32 $0xFFFFF060  }
0x2ae: {  	v1 =	vld [tilespmem:s18+$0xE2A0]  }
0x2af: {  	v2 =	vld [tilespmem:s18+$0xEA70]  }
0x2b0: {  	v3 =	vld [tilespmem:s18+$0xF2A0]  }
0x2b1: {  	v4 =	vld [tilespmem:s18+$0xFA70]  }
0x2b2: {  	v5 =	vld [tilespmem:s18+$0x102A0]  }
0x2b3: {  	s24 =	simm.s32 $0x10;
	v6 =	vld [tilespmem:s18+$0x10A70]  }
0x2b4: {  	v7 =	vld [tilespmem:s24+$0xE2A0]  }
0x2b5: {  	v8 =	vld [tilespmem:s24+$0xEA70]  }
0x2b6: {  	v9 =	vld [tilespmem:s24+$0xFA70];
	v2 =	vsub.f32 v1, v2;
	v3 =	vsub.f32 v3, v4  }
0x2b7: {  	v4 =	vld [tilespmem:s24+$0xF2A0]  }
0x2b8: {  	v12 =	vld [tilespmem:s24+$0x102A0];
	v10 =	vsub.f32 v5, v6;
	v5 =	vand.u32 $0x7FFFFFFF, v2;
	v6 =	vand.u32 $0x7FFFFFFF, v3  }
0x2b9: {  	v13 =	vld [tilespmem:s24+$0x10A70];
	v1 =	vimm.f32 $1.000000020e+30;
	v5 =	vsub.f32 $1.000000000e+02, v5;
	v6 =	vsub.f32 $1.000000000e+02, v6  }
0x2ba: {  	s9 =	simm.s32 $0x20;
	v11 =	vand.u32 $0x7FFFFFFF, v10;
	v14 =	vmul.f32 v2, v2;
	v15 =	vmul.f32 v3, v3  }
0x2bb: {  	v3 =	vld [tilespmem:s9+$0xE2A0];
	v11 =	vsub.f32 $1.000000000e+02, v11;
	v16 =	vmul.f32 v5, v5;
	v17 =	vmul.f32 v6, v6  }
0x2bc: {  	v2 =	vld [tilespmem:s9+$0xEA70];
	v10 =	vmul.f32 v10, v10;
	v6 =	vsub.f32 v7, v8;
	v5 =	vsub.f32 v4, v9  }
0x2bd: {  	v4 =	vld [tilespmem:s9+$0xF2A0];
	v11 =	vmul.f32 v11, v11;
	v9 =	vmin.f32 v14, v16;
	v14 =	vmin.f32 v15, v17  }
0x2be: {  	s15 =	simm.s32 $0xC0;
	v7 =	vld [tilespmem:s9+$0xFA70];
	v8 =	vsub.f32 v12, v13;
	v12 =	vand.u32 $0x7FFFFFFF, v6;
	v9 =	vadd.f32 v14, v9  }
.LBB2_11:
0x2bf: {  	p1 =	sne.s32 s15, $0x1F00;
	v13 =	vld [tilespmem:s9+$0x102A0];
	v12 =	vsub.f32 $1.000000000e+02, v12;
	v14 =	vand.u32 $0x7FFFFFFF, v5;
	v16 =	vmin.f32 v10, v11  }
0x2c0: {  	v15 =	vld [tilespmem:s9+$0x10A70];
	v11 =	vsub.f32 $1.000000000e+02, v14;
	v14 =	vand.u32 $0x7FFFFFFF, v8;
	v9 =	vadd.f32 v16, v9;
	v10 =	vmovc v3  }
.Ltmp8:
0x2c1: {  	v17 =	vmul.f32 v5, v5;
	s9 =	sshra.s32 s15, $0x2;
	v16 =	vmul.f32 v6, v6;
	v14 =	vsub.f32 $1.000000000e+02, v14;
	(pc) =	sbr.rel @p1 .LBB2_11-.Ltmp8, $4  }
0x2c2: {  	v12 =	vmul.f32 v12, v12;
	v3 =	vld [tilespmem:s9+$0xE2A0];
	v11 =	vmul.f32 v11, v11;
	v1 =	vmin.f32 v1, v9  }
0x2c3: {  	v6 =	vsub.f32 v10, v2;
	v10 =	vmul.f32 v8, v8;
	v2 =	vld [tilespmem:s9+$0xEA70];
	v5 =	vsub.f32 v4, v7  }
0x2c4: {  	v9 =	vmin.f32 v16, v12;
	v4 =	vld [tilespmem:s9+$0xF2A0];
	v16 =	vmin.f32 v17, v11;
	v11 =	vmul.f32 v14, v14  }
0x2c5: {  	s15 =	sadd.s32 $0x40, s15;
	v12 =	vand.u32 $0x7FFFFFFF, v6;
	v7 =	vld [tilespmem:s9+$0xFA70];
	v8 =	vsub.f32 v13, v15;
	v9 =	vadd.f32 v16, v9  }
0x2c6: {  	v13 =	vld [tilespmem:s9+$0x102A0]  }
0x2c7: {  	v12 =	vsub.f32 $1.000000000e+02, v12;
	v14 =	vand.u32 $0x7FFFFFFF, v5;
	v15 =	vld [tilespmem:s9+$0x10A70]  }
0x2c8: {  	v10 =	vmin.f32 v10, v11;
	v6 =	vmul.f32 v6, v6;
	v50 =	vmul.f32 v5, v5  }
0x2c9: {  	v48 =	vsub.f32 $1.000000000e+02, v14;
	v49 =	vand.u32 $0x7FFFFFFF, v8;
	v12 =	vmul.f32 v12, v12  }
0x2ca: {  	v52 =	vmul.f32 v8, v8;
	v2 =	vsub.f32 v3, v2;
	v3 =	vsub.f32 v4, v7  }
0x2cb: {  	v14 =	vsub.f32 $1.000000000e+02, v49;
	v51 =	vmul.f32 v48, v48;
	v6 =	vmin.f32 v6, v12  }
0x2cc: {  	v54 =	vand.u32 $0x7FFFFFFF, v2;
	v53 =	vsub.f32 v13, v15;
	v55 =	vand.u32 $0x7FFFFFFF, v3  }
0x2cd: {  	v2 =	vmul.f32 v2, v2;
	v56 =	vsub.f32 $1.000000000e+02, v54;
	v57 =	vsub.f32 $1.000000000e+02, v55  }
0x2ce: {  	v4 =	vmin.f32 v50, v51;
	v3 =	vmul.f32 v3, v3;
	v58 =	vand.u32 $0x7FFFFFFF, v53  }
0x2cf: {  	v5 =	vmul.f32 v56, v56;
	v12 =	vsub.f32 $1.000000000e+02, v58;
	v11 =	vmul.f32 v57, v57  }
0x2d0: {  	v59 =	vmul.f32 v14, v14;
	v4 =	vadd.f32 v4, v6;
	v60 =	vmul.f32 v53, v53  }
0x2d1: {  	v2 =	vmin.f32 v2, v5;
	v61 =	vmul.f32 v12, v12;
	v3 =	vmin.f32 v3, v11  }
0x2d2: {  	v62 =	vadd.f32 v10, v9;
	v7 =	vmin.f32 v52, v59;
	v2 =	vadd.f32 v3, v2  }
0x2d3: {  	v3 =	vadd.f32 v7, v4;
	v63 =	vmin.f32 v60, v61  }
0x2d4: {  	v1 =	vmin.f32 v1, v62;
	v2 =	vadd.f32 v63, v2  }
0x2d5: {  	v1 =	vmin.f32 v1, v3  }
0x2d6: {  	v1 =	vmin.f32 v1, v2  }
0x2d7: {  	(v2sf) =	vpush v1, $0x0  }
0x2d8: {  	(v2sf) =	vpush v1, $0x1  }
0x2d9: {  	(v2sf) =	vpush v1, $0x2  }
0x2da: {  	(v2sf) =	vpush v1, $0x3  }
0x2db: {  	(v2sf) =	vpush v1, $0x4  }
0x2dc: {  	(v2sf) =	vpush v1, $0x5  }
0x2dd: {  	(v2sf) =	vpush v1, $0x6  }
0x2de: {  	(v2sf) =	vpush v1, $0x7  }
0x2df: {  	(v2sf) =	vpush v1, $0x8  }
0x2e0: {  	(v2sf) =	vpush v1, $0x9  }
0x2e1: {  	(v2sf) =	vpush v1, $0xA  }
0x2e2: {  	(v2sf) =	vpush v1, $0xB  }
0x2e3: {  	(v2sf) =	vpush v1, $0xC  }
0x2e4: {  	(v2sf) =	vpush v1, $0xD  }
0x2e5: {  	(v2sf) =	vpush v1, $0xE  }
0x2e6: {  	s3 =	spop (v2sf);
	(v2sf) =	vpush v1, $0xF  }
0x2e7: {  	s15 =	spop (v2sf)  }
0x2e8: {  	s9 =	smin.f32 s3, s15;
	s18 =	spop (v2sf)  }
0x2e9: {  	s9 =	smin.f32 s9, s18;
	s24 =	spop (v2sf)  }
0x2ea: {  	s9 =	smin.f32 s9, s24;
	s3 =	spop (v2sf)  }
0x2eb: {  	s9 =	smin.f32 s9, s3;
	s18 =	spop (v2sf)  }
0x2ec: {  	s9 =	smin.f32 s9, s18;
	s24 =	spop (v2sf)  }
0x2ed: {  	s9 =	smin.f32 s9, s24;
	s3 =	spop (v2sf)  }
0x2ee: {  	s9 =	smin.f32 s9, s3;
	s18 =	spop (v2sf)  }
0x2ef: {  	s9 =	smin.f32 s9, s18;
	s24 =	spop (v2sf)  }
0x2f0: {  	s9 =	smin.f32 s9, s24;
	s3 =	spop (v2sf)  }
0x2f1: {  	s9 =	smin.f32 s9, s3;
	s18 =	spop (v2sf)  }
0x2f2: {  	s9 =	smin.f32 s9, s18;
	s24 =	spop (v2sf)  }
0x2f3: {  	s9 =	smin.f32 s9, s24;
	s3 =	spop (v2sf)  }
0x2f4: {  	s9 =	smin.f32 s9, s3;
	s18 =	spop (v2sf)  }
0x2f5: {  	s9 =	smin.f32 s9, s18;
	s24 =	spop (v2sf)  }
0x2f6: {  	s9 =	smin.f32 s9, s24  }
0x2f7: {  	p1 =	slt.f32 s9, $6.250000000e+00  }
.Ltmp9:
0x2f8: {  	_ = 	snop;
	(pc) =	sbr.rel @!p1 .LBB2_16-.Ltmp9, $1  }
0x2f9: {  	_ =	sdelay $0x3  }
0x2fa: {  	s9 =	sadd.s32 s26, s22  }
0x2fb: {  	s15 =	simm.s32 $0x0;
	s3 =	simm.s32 $0x112A0;
	s18 =	rddreg [dreg:$0x3]  }
0x2fc: {  	[tilespmem:s3], [sflag:$0x2] =	stream.linear.gather [hbm4b:s9+s15], $0x7D0, $0x38;
	[tilespmem:$0x15BA0] =	vst v63  }
0x2fd: {  	s9 =	sadd.s32 s18, s22;
	s22 =	simm.s32 $0x11AA0  }
0x2fe: {  	[tilespmem:s22], [sflag:$0x2] =	stream.linear.gather [hbm4b:s9+s15], $0x7D0, $0x38;
	[tilespmem:$0x15BA0] =	vst v63  }
0x2ff: {  	_ =	swait.ge [sflag:s30], $0x7D0  }
0x300: {  	[sflag:s30] =	ssyncset.done $0x0  }
0x301: {  	[sflag:s30] =	ssyncadd.s32 $0xFFFFF830  }
0x302: {  	_ =	swait.ge [sflag:s30], $0x7D0  }
0x303: {  	[sflag:s30] =	ssyncset.done $0x0  }
0x304: {  	s24 =	simm.s32 $0x0;
	[sflag:s30] =	ssyncadd.s32 $0xFFFFF830  }
0x305: {  	v1 =	vld [tilespmem:s24+$0xFA70]  }
0x306: {  	v2 =	vld [tilespmem:s24+$0xE2A0]  }
0x307: {  	v3 =	vld [tilespmem:s24+$0xF2A0]  }
0x308: {  	v4 =	vld [tilespmem:s24+$0xEA70]  }
0x309: {  	v5 =	vld [tilespmem:s24+$0x10A70]  }
0x30a: {  	v6 =	vld [tilespmem:s24+$0x102A0];
	_ =	sdelay $0x2  }
0x30b: {  	v1 =	vsub.f32 v3, v1  }
0x30c: {  	v2 =	vsub.f32 v2, v4  }
0x30d: {  	v3 =	vsub.f32 v6, v5;
	vm0 =	vgt.f32 v1, $5.000000000e+01  }
0x30e: {  	vm1 =	vlt.f32 v1, $-5.000000000e+01;
	vm2 =	vgt.f32 v2, $5.000000000e+01;
	v4 =	vsel vm0, $0x42C80000, v0  }
0x30f: {  	v5 =	vsel vm2, $0x42C80000, v0;
	vm0 =	vlt.f32 v2, $-5.000000000e+01;
	v1 =	vsub.f32 v1, v4  }
0x310: {  	v2 =	vsub.f32 v2, v5;
	v4 =	vsel vm1, $0x42C80000, v0;
	vm1 =	vgt.f32 v3, $5.000000000e+01  }
0x311: {  	v5 =	vsel vm0, $0x42C80000, v0;
	v8 =	vadd.f32 v1, v4;
	v1 =	vsel vm1, $0x42C80000, v0  }
0x312: {  	vm0 =	vlt.f32 v3, $-5.000000000e+01;
	v13 =	vadd.f32 v2, v5;
	v1 =	vsub.f32 v3, v1  }
0x313: {  	v2 =	vsel vm0, $0x42C80000, v0  }
0x314: {  	v3 =	vmul.f32 v8, v8;
	v4 =	vadd.f32 v1, v2;
	v1 =	vmul.f32 v13, v13;
	_ =	sdelay $0x1  }
0x315: {  	v1 =	vadd.f32 v3, v1;
	v2 =	vmul.f32 v4, v4;
	_ =	sdelay $0x1  }
0x316: {  	v1 =	vadd.f32 v2, v1;
	_ =	sdelay $0x1  }
0x317: {  	v1 =	vmax.f32 v1, $1.000000020e-24  }
0x318: {  	(erf) = vrcp.f32 v1;
	_ =	sdelay $0x2  }
0x319: {  	v2 =	vld [tilespmem:s24+$0x11AA0];
	_ =	sdelay $0x4  }
0x31a: {  	v2 =	vmul.f32 v2, v2  }
0x31b: {  	v3 =	vpop (erf)  }
0x31c: {  	v2 =	vmul.f32 v3, v2;
	_ =	sdelay $0x1  }
0x31d: {  	v5 =	vmul.f32 v2, v2;
	_ =	sdelay $0x1  }
0x31e: {  	v5 =	vmul.f32 v5, v2  }
0x31f: {  	v2 =	vld [tilespmem:s24+$0x112A0]  }
0x320: {  	v14 =	vmul.f32 v5, v5;
	_ =	sdelay $0x1  }
0x321: {  	v6 =	vadd.f32 v14, v14;
	_ =	sdelay $0x1  }
0x322: {  	v7 =	vmul.f32 $2.400000000e+01, v2;
	v6 =	vsub.f32 v6, v5;
	_ =	sdelay $0x1  }
0x323: {  	v6 =	vmul.f32 v6, v7  }
0x324: {  	vm0 =	vlt.f32 v1, $6.250000000e+00  }
0x325: {  	v1 =	vnsel vm0, $0x0, v6  }
0x326: {  	v3 =	vmul.f32 v1, v3;
	_ =	sdelay $0x1  }
0x327: {  	v15 =	vmul.f32 v3, v13  }
0x328: {  	v7 =	vmul.f32 v3, v4  }
0x329: {  	v16 =	vmul.f32 v3, v8;
	[tilespmem:s24+$0x122A0] =	vst v15  }
0x32a: {  	v3 =	vsub.f32 $0.0e+00, v15;
	[tilespmem:s24+$0x142A0] =	vst v7  }
0x32b: {  	v6 =	vmul.f32 v15, v13;
	v17 =	vsub.f32 $0.0e+00, v7;
	[tilespmem:s24+$0x132A0] =	vst v16  }
0x32c: {  	v18 =	vsub.f32 $0.0e+00, v16;
	v11 =	vmul.f32 v7, v8;
	v10 =	vmul.f32 v7, v4;
	[tilespmem:s24+$0x12A70] =	vst v3  }
0x32d: {  	v9 =	vmul.f32 v16, v4;
	v12 =	vmul.f32 v7, v13;
	[tilespmem:s24+$0x14A70] =	vst v17  }
0x32e: {  	v7 =	vmul.f32 v15, v4;
	v4 =	vmul.f32 v16, v8;
	[tilespmem:s24+$0x13A70] =	vst v18  }
0x32f: {  	s9 =	simm.s32 $0x40;
	v3 =	vsub.f32 v14, v5;
	v5 =	vmul.f32 v15, v8;
	v8 =	vmul.f32 v16, v13;
	v13 =	vld [tilespmem:$0x15330]  }
.LBB2_14:
0x330: {  	p1 =	sne.s32 s9, $0x1F00;
	v14 =	vld [tilespmem:$0x15320];
	s15 =	smov.u32 s9;
	s9 =	sadd.s32 $0x40, s9  }
0x331: {  	v15 =	vld [tilespmem:$0x15340]  }
0x332: {  	v16 =	vld [tilespmem:$0x152C0]  }
0x333: {  	v17 =	vld [tilespmem:$0x15310]  }
0x334: {  	v18 =	vld [tilespmem:$0x15300];
	v11 =	vadd.f32 v13, v11  }
0x335: {  	v13 =	vld [tilespmem:$0x152E0];
	v12 =	vadd.f32 v14, v12  }
0x336: {  	v14 =	vld [tilespmem:$0x152D0];
	[tilespmem:$0x15330] =	vst v11;
	v10 =	vadd.f32 v15, v10  }
0x337: {  	v11 =	vld [tilespmem:$0x152F0];
	[tilespmem:$0x15320] =	vst v12  }
0x338: {  	v6 =	vadd.f32 v6, v16;
	v12 =	vld [tilespmem:$0x152B0];
	v9 =	vadd.f32 v17, v9;
	[tilespmem:$0x15340] =	vst v10  }
0x339: {  	v2 =	vmul.f32 $4.000000000e+00, v2;
	v10 =	vld [tilespmem:$0x152A0]  }
0x33a: {  	[tilespmem:$0x152C0] =	vst v6;
	v6 =	vadd.f32 v7, v13  }
0x33b: {  	v2 =	vmul.f32 v3, v2;
	v3 =	vadd.f32 v18, v4;
	[tilespmem:$0x15310] =	vst v9  }
0x33c: {  	v4 =	vadd.f32 v5, v14;
	v5 =	vadd.f32 v8, v11  }
0x33d: {  	v2 =	vnsel vm0, $0x0, v2;
	v1 =	vadd.f32 v1, v12;
	[tilespmem:$0x152E0] =	vst v6  }
0x33e: {  	v2 =	vadd.f32 v2, v10;
	[tilespmem:$0x152F0] =	vst v5  }
0x33f: {  	[tilespmem:$0x152B0] =	vst v1  }
0x340: {  	[tilespmem:$0x152A0] =	vst v2  }
0x341: {  	[tilespmem:$0x15300] =	vst v3  }
0x342: {  	s15 =	sshra.s32 s15, $0x2;
	[tilespmem:$0x152D0] =	vst v4  }
0x343: {  	v1 =	vld [tilespmem:s15+$0xFA70]  }
0x344: {  	v2 =	vld [tilespmem:s15+$0xE2A0]  }
0x345: {  	v3 =	vld [tilespmem:s15+$0xF2A0]  }
0x346: {  	v4 =	vld [tilespmem:s15+$0xEA70]  }
0x347: {  	v5 =	vld [tilespmem:s15+$0x10A70]  }
0x348: {  	v6 =	vld [tilespmem:s15+$0x102A0];
	_ =	sdelay $0x1  }
0x349: {  	v1 =	vsub.f32 v3, v1  }
0x34a: {  	v2 =	vsub.f32 v2, v4  }
0x34b: {  	vm0 =	vgt.f32 v1, $5.000000000e+01;
	vm1 =	vlt.f32 v1, $-5.000000000e+01  }
0x34c: {  	v3 =	vsub.f32 v6, v5;
	vm2 =	vgt.f32 v2, $5.000000000e+01;
	v4 =	vsel vm0, $0x42C80000, v0  }
0x34d: {  	vm0 =	vlt.f32 v2, $-5.000000000e+01;
	v5 =	vsel vm2, $0x42C80000, v0;
	v1 =	vsub.f32 v1, v4  }
0x34e: {  	v4 =	vsel vm1, $0x42C80000, v0;
	v2 =	vsub.f32 v2, v5;
	vm1 =	vgt.f32 v3, $5.000000000e+01  }
0x34f: {  	v5 =	vsel vm0, $0x42C80000, v0;
	v8 =	vadd.f32 v1, v4;
	v1 =	vsel vm1, $0x42C80000, v0  }
0x350: {  	vm0 =	vlt.f32 v3, $-5.000000000e+01;
	v13 =	vadd.f32 v2, v5;
	v1 =	vsub.f32 v3, v1  }
0x351: {  	v2 =	vsel vm0, $0x42C80000, v0;
	v3 =	vmul.f32 v8, v8  }
0x352: {  	v4 =	vadd.f32 v1, v2;
	v1 =	vmul.f32 v13, v13;
	_ =	sdelay $0x1  }
0x353: {  	v1 =	vadd.f32 v3, v1;
	v2 =	vmul.f32 v4, v4;
	_ =	sdelay $0x1  }
0x354: {  	v1 =	vadd.f32 v2, v1;
	_ =	sdelay $0x1  }
0x355: {  	v1 =	vmax.f32 v1, $1.000000020e-24  }
0x356: {  	(erf) = vrcp.f32 v1;
	_ =	sdelay $0x2  }
0x357: {  	v2 =	vld [tilespmem:s15+$0x11AA0];
	_ =	sdelay $0x4  }
0x358: {  	v2 =	vmul.f32 v2, v2  }
0x359: {  	v5 =	vpop (erf)  }
0x35a: {  	v2 =	vmul.f32 v5, v2;
	_ =	sdelay $0x1  }
0x35b: {  	v3 =	vmul.f32 v2, v2;
	_ =	sdelay $0x1  }
0x35c: {  	v6 =	vmul.f32 v3, v2  }
0x35d: {  	v2 =	vld [tilespmem:s15+$0x112A0]  }
0x35e: {  	v7 =	vmul.f32 v6, v6;
	_ =	sdelay $0x1  }
0x35f: {  	v3 =	vsub.f32 v7, v6;
	v7 =	vadd.f32 v7, v7;
	_ =	sdelay $0x1  }
0x360: {  	v9 =	vmul.f32 $2.400000000e+01, v2;
	v6 =	vsub.f32 v7, v6;
	_ =	sdelay $0x1  }
0x361: {  	v6 =	vmul.f32 v6, v9  }
0x362: {  	vm0 =	vlt.f32 v1, $6.250000000e+00  }
0x363: {  	v1 =	vnsel vm0, $0x0, v6  }
0x364: {  	v5 =	vmul.f32 v1, v5;
	_ =	sdelay $0x1  }
0x365: {  	v14 =	vmul.f32 v5, v13;
	v15 =	vmul.f32 v5, v8  }
0x366: {  	v5 =	vmul.f32 v5, v4  }
0x367: {  	[tilespmem:s15+$0x122A0] =	vst v14;
	v7 =	vsub.f32 $0.0e+00, v14;
	v16 =	vsub.f32 $0.0e+00, v15;
	v6 =	vmul.f32 v14, v13  }
0x368: {  	v17 =	vsub.f32 $0.0e+00, v5;
	v11 =	vmul.f32 v5, v8;
	v10 =	vmul.f32 v5, v4;
	[tilespmem:s15+$0x142A0] =	vst v5  }
.Ltmp10:
0x369: {  	v9 =	vmul.f32 v15, v4;
	v12 =	vmul.f32 v5, v13;
	[tilespmem:s15+$0x132A0] =	vst v15;
	(pc) =	sbr.rel @p1 .LBB2_14-.Ltmp10, $4  }
0x36a: {  	[tilespmem:s15+$0x12A70] =	vst v7;
	v7 =	vmul.f32 v14, v4;
	v4 =	vmul.f32 v15, v8  }
0x36b: {  	v5 =	vmul.f32 v14, v8;
	v8 =	vmul.f32 v15, v13;
	[tilespmem:s15+$0x14A70] =	vst v17  }
0x36c: {  	[tilespmem:s15+$0x13A70] =	vst v16  }
0x36d: {  	v13 =	vld [tilespmem:$0x15330]  }
0x36e: {  	v14 =	vld [tilespmem:$0x15320]  }
0x36f: {  	v15 =	vld [tilespmem:$0x15340]  }
0x370: {  	v16 =	vld [tilespmem:$0x152C0]  }
0x371: {  	v17 =	vld [tilespmem:$0x15310]  }
0x372: {  	v57 =	vld [tilespmem:$0x152E0];
	v11 =	vadd.f32 v13, v11  }
0x373: {  	v58 =	vld [tilespmem:$0x152F0];
	v12 =	vadd.f32 v14, v12  }
0x374: {  	v59 =	vld [tilespmem:$0x152B0];
	v10 =	vadd.f32 v15, v10;
	[tilespmem:$0x15330] =	vst v11  }
0x375: {  	v2 =	vmul.f32 $4.000000000e+00, v2;
	v60 =	vld [tilespmem:$0x152A0];
	v6 =	vadd.f32 v6, v16;
	[tilespmem:$0x15320] =	vst v12  }
0x376: {  	v61 =	vld [tilespmem:$0x15300];
	v9 =	vadd.f32 v17, v9;
	[tilespmem:$0x15340] =	vst v10  }
0x377: {  	v62 =	vld [tilespmem:$0x152D0];
	v2 =	vmul.f32 v3, v2;
	v63 =	vadd.f32 v7, v57;
	[tilespmem:$0x152C0] =	vst v6  }
0x378: {  	v3 =	vadd.f32 v8, v58;
	[tilespmem:$0x15310] =	vst v9  }
0x379: {  	v2 =	vnsel vm0, $0x0, v2;
	v1 =	vadd.f32 v1, v59;
	[tilespmem:$0x152E0] =	vst v63  }
0x37a: {  	v2 =	vadd.f32 v2, v60;
	[tilespmem:$0x152F0] =	vst v3  }
0x37b: {  	v3 =	vadd.f32 v61, v4;
	[tilespmem:$0x152B0] =	vst v1  }
0x37c: {  	v1 =	vadd.f32 v5, v62;
	[tilespmem:$0x152A0] =	vst v2  }
0x37d: {  	[tilespmem:$0x15300] =	vst v3  }
0x37e: {  	s9 =	rddreg [dreg:$0x7];
	[tilespmem:$0x152D0] =	vst v1  }
0x37f: {  	[spmem:s9] =	stream.indirect.scatter.add.f32 [tilespmem:s11], [sflag:$0x5], $0x1, s25, s13, $0xb8;
	[tilespmem:$0x15BA0] =	vst v63  }
0x380: {  	_ =	swait.ge [sflag:s29], $0xFA0  }
0x381: {  	[sflag:s29] =	ssyncset.done $0x0  }
0x382: {  	[sflag:s29] =	ssyncadd.s32 $0xFFFFF060  }
0x383: {  	s22 =	rddreg [dreg:$0x8]  }
0x384: {  	[spmem:s22] =	stream.indirect.scatter.add.f32 [tilespmem:s19], [sflag:$0x5], $0x1, s25, s13, $0xb8;
	[tilespmem:$0x15BA0] =	vst v63  }
0x385: {  	_ =	swait.ge [sflag:s29], $0xFA0  }
0x386: {  	[sflag:s29] =	ssyncset.done $0x0  }
0x387: {  	[sflag:s29] =	ssyncadd.s32 $0xFFFFF060  }
.Ltmp11:
0x388: {  	s24 =	rddreg [dreg:$0x9];
	(pc) =	sbr.rel .LBB2_16-.Ltmp11, $4  }
0x389: {  	[spmem:s24] =	stream.indirect.scatter.add.f32 [tilespmem:s21], [sflag:$0x5], $0x1, s25, s13, $0xb8;
	[tilespmem:$0x15BA0] =	vst v63  }
0x38a: {  	_ =	swait.ge [sflag:s29], $0xFA0  }
0x38b: {  	[sflag:s29] =	ssyncset.done $0x0  }
0x38c: {  	[sflag:s29] =	ssyncadd.s32 $0xFFFFF060  }
.LBB2_17:
0x38d: {  	s15 =	sld [smem:$0x7F6];
	_ =	sdelay $0x1  }
0x38e: {  	s9 =	simm.s32 $0x0;
	s20 =	sld [smem:$0x7F7]  }
0x38f: {  	[tilespmem:s25], [sflag:$0x2] =	stream.linear.gather [hbm4b:s15+s9], $0x7D0, $0x38;
	[tilespmem:$0x15BA0] =	vst v63  }
0x390: {  	s17 =	simm.s32 $0xAA70  }
0x391: {  	[tilespmem:s17], [sflag:$0x2] =	stream.linear.gather [hbm4b:s20+s9], $0x7D0, $0x38;
	[tilespmem:$0x15BA0] =	vst v63  }
0x392: {  	_ =	swait.ge [sflag:s31], $0xFA0  }
0x393: {  	[sflag:s31] =	ssyncset.done $0x0  }
0x394: {  	[sflag:s31] =	ssyncadd.s32 $0xFFFFF060  }
0x395: {  	_ =	swait.ge [sflag:s31], $0xFA0  }
0x396: {  	[sflag:s31] =	ssyncset.done $0x0  }
0x397: {  	[sflag:s31] =	ssyncadd.s32 $0xFFFFF060  }
0x398: {  	_ =	swait.ge [sflag:s31], $0xFA0  }
0x399: {  	[sflag:s31] =	ssyncset.done $0x0  }
0x39a: {  	s22 =	simm.s32 $0x0;
	[sflag:s31] =	ssyncadd.s32 $0xFFFFF060  }
0x39b: {  	v1 =	vld [tilespmem:s22+$0xB2A0]  }
0x39c: {  	v2 =	vld [tilespmem:s22+$0xBA70]  }
0x39d: {  	v3 =	vld [tilespmem:s22+$0xC2A0]  }
0x39e: {  	v4 =	vld [tilespmem:s22+$0xCA70]  }
0x39f: {  	v5 =	vld [tilespmem:s22+$0xD2A0]  }
0x3a0: {  	s24 =	simm.s32 $0x10;
	v6 =	vld [tilespmem:s22+$0xDA70]  }
0x3a1: {  	v7 =	vld [tilespmem:s24+$0xB2A0]  }
0x3a2: {  	v8 =	vld [tilespmem:s24+$0xBA70]  }
0x3a3: {  	v9 =	vld [tilespmem:s24+$0xCA70];
	v2 =	vsub.f32 v1, v2;
	v3 =	vsub.f32 v3, v4  }
0x3a4: {  	v4 =	vld [tilespmem:s24+$0xC2A0]  }
0x3a5: {  	v12 =	vld [tilespmem:s24+$0xD2A0];
	v10 =	vsub.f32 v5, v6;
	v5 =	vand.u32 $0x7FFFFFFF, v2;
	v6 =	vand.u32 $0x7FFFFFFF, v3  }
0x3a6: {  	v13 =	vld [tilespmem:s24+$0xDA70];
	v1 =	vimm.f32 $1.000000020e+30;
	v5 =	vsub.f32 $1.000000000e+02, v5;
	v6 =	vsub.f32 $1.000000000e+02, v6  }
0x3a7: {  	s9 =	simm.s32 $0x20;
	v11 =	vand.u32 $0x7FFFFFFF, v10;
	v14 =	vmul.f32 v2, v2;
	v15 =	vmul.f32 v3, v3  }
0x3a8: {  	v3 =	vld [tilespmem:s9+$0xB2A0];
	v11 =	vsub.f32 $1.000000000e+02, v11;
	v16 =	vmul.f32 v5, v5;
	v17 =	vmul.f32 v6, v6  }
0x3a9: {  	v2 =	vld [tilespmem:s9+$0xBA70];
	v10 =	vmul.f32 v10, v10;
	v6 =	vsub.f32 v7, v8;
	v5 =	vsub.f32 v4, v9  }
0x3aa: {  	v4 =	vld [tilespmem:s9+$0xC2A0];
	v11 =	vmul.f32 v11, v11;
	v9 =	vmin.f32 v14, v16;
	v14 =	vmin.f32 v15, v17  }
0x3ab: {  	s15 =	simm.s32 $0xC0;
	v7 =	vld [tilespmem:s9+$0xCA70];
	v8 =	vsub.f32 v12, v13;
	v12 =	vand.u32 $0x7FFFFFFF, v6;
	v9 =	vadd.f32 v14, v9  }
.LBB2_18:
0x3ac: {  	p1 =	sne.s32 s15, $0x1F00;
	v13 =	vld [tilespmem:s9+$0xD2A0];
	v12 =	vsub.f32 $1.000000000e+02, v12;
	v14 =	vand.u32 $0x7FFFFFFF, v5;
	v16 =	vmin.f32 v10, v11  }
0x3ad: {  	v15 =	vld [tilespmem:s9+$0xDA70];
	v11 =	vsub.f32 $1.000000000e+02, v14;
	v14 =	vand.u32 $0x7FFFFFFF, v8;
	v9 =	vadd.f32 v16, v9;
	v10 =	vmovc v3  }
.Ltmp12:
0x3ae: {  	v17 =	vmul.f32 v5, v5;
	s9 =	sshra.s32 s15, $0x2;
	v16 =	vmul.f32 v6, v6;
	v14 =	vsub.f32 $1.000000000e+02, v14;
	(pc) =	sbr.rel @p1 .LBB2_18-.Ltmp12, $4  }
0x3af: {  	v12 =	vmul.f32 v12, v12;
	v3 =	vld [tilespmem:s9+$0xB2A0];
	v11 =	vmul.f32 v11, v11;
	v1 =	vmin.f32 v1, v9  }
0x3b0: {  	v6 =	vsub.f32 v10, v2;
	v10 =	vmul.f32 v8, v8;
	v2 =	vld [tilespmem:s9+$0xBA70];
	v5 =	vsub.f32 v4, v7  }
0x3b1: {  	v9 =	vmin.f32 v16, v12;
	v4 =	vld [tilespmem:s9+$0xC2A0];
	v16 =	vmin.f32 v17, v11;
	v11 =	vmul.f32 v14, v14  }
0x3b2: {  	s15 =	sadd.s32 $0x40, s15;
	v12 =	vand.u32 $0x7FFFFFFF, v6;
	v7 =	vld [tilespmem:s9+$0xCA70];
	v8 =	vsub.f32 v13, v15;
	v9 =	vadd.f32 v16, v9  }
0x3b3: {  	v13 =	vld [tilespmem:s9+$0xD2A0]  }
0x3b4: {  	v12 =	vsub.f32 $1.000000000e+02, v12;
	v14 =	vand.u32 $0x7FFFFFFF, v5;
	v15 =	vld [tilespmem:s9+$0xDA70]  }
0x3b5: {  	v10 =	vmin.f32 v10, v11;
	v6 =	vmul.f32 v6, v6;
	v50 =	vmul.f32 v5, v5  }
0x3b6: {  	v48 =	vsub.f32 $1.000000000e+02, v14;
	v49 =	vand.u32 $0x7FFFFFFF, v8;
	v12 =	vmul.f32 v12, v12  }
0x3b7: {  	v52 =	vmul.f32 v8, v8;
	v2 =	vsub.f32 v3, v2;
	v3 =	vsub.f32 v4, v7  }
0x3b8: {  	v14 =	vsub.f32 $1.000000000e+02, v49;
	v51 =	vmul.f32 v48, v48;
	v6 =	vmin.f32 v6, v12  }
0x3b9: {  	v54 =	vand.u32 $0x7FFFFFFF, v2;
	v53 =	vsub.f32 v13, v15;
	v55 =	vand.u32 $0x7FFFFFFF, v3  }
0x3ba: {  	v2 =	vmul.f32 v2, v2;
	v56 =	vsub.f32 $1.000000000e+02, v54;
	v57 =	vsub.f32 $1.000000000e+02, v55  }
0x3bb: {  	v4 =	vmin.f32 v50, v51;
	v3 =	vmul.f32 v3, v3;
	v58 =	vand.u32 $0x7FFFFFFF, v53  }
0x3bc: {  	v5 =	vmul.f32 v56, v56;
	v12 =	vsub.f32 $1.000000000e+02, v58;
	v11 =	vmul.f32 v57, v57  }
0x3bd: {  	v59 =	vmul.f32 v14, v14;
	v4 =	vadd.f32 v4, v6;
	v60 =	vmul.f32 v53, v53  }
0x3be: {  	v2 =	vmin.f32 v2, v5;
	v61 =	vmul.f32 v12, v12;
	v3 =	vmin.f32 v3, v11  }
0x3bf: {  	v62 =	vadd.f32 v10, v9;
	v7 =	vmin.f32 v52, v59;
	v2 =	vadd.f32 v3, v2  }
0x3c0: {  	v3 =	vadd.f32 v7, v4;
	v63 =	vmin.f32 v60, v61  }
0x3c1: {  	v1 =	vmin.f32 v1, v62;
	v2 =	vadd.f32 v63, v2  }
0x3c2: {  	v1 =	vmin.f32 v1, v3  }
0x3c3: {  	v1 =	vmin.f32 v1, v2  }
0x3c4: {  	(v2sf) =	vpush v1, $0x0  }
0x3c5: {  	(v2sf) =	vpush v1, $0x1  }
0x3c6: {  	(v2sf) =	vpush v1, $0x2  }
0x3c7: {  	(v2sf) =	vpush v1, $0x3  }
0x3c8: {  	(v2sf) =	vpush v1, $0x4  }
0x3c9: {  	(v2sf) =	vpush v1, $0x5  }
0x3ca: {  	(v2sf) =	vpush v1, $0x6  }
0x3cb: {  	(v2sf) =	vpush v1, $0x7  }
0x3cc: {  	(v2sf) =	vpush v1, $0x8  }
0x3cd: {  	(v2sf) =	vpush v1, $0x9  }
0x3ce: {  	(v2sf) =	vpush v1, $0xA  }
0x3cf: {  	(v2sf) =	vpush v1, $0xB  }
0x3d0: {  	(v2sf) =	vpush v1, $0xC  }
0x3d1: {  	(v2sf) =	vpush v1, $0xD  }
0x3d2: {  	(v2sf) =	vpush v1, $0xE  }
0x3d3: {  	s20 =	spop (v2sf);
	(v2sf) =	vpush v1, $0xF  }
0x3d4: {  	s15 =	spop (v2sf)  }
0x3d5: {  	s9 =	smin.f32 s20, s15;
	s22 =	spop (v2sf)  }
0x3d6: {  	s9 =	smin.f32 s9, s22;
	s24 =	spop (v2sf)  }
0x3d7: {  	s9 =	smin.f32 s9, s24;
	s3 =	spop (v2sf)  }
0x3d8: {  	s9 =	smin.f32 s9, s3;
	s17 =	spop (v2sf)  }
0x3d9: {  	s9 =	smin.f32 s9, s17;
	s18 =	spop (v2sf)  }
0x3da: {  	s9 =	smin.f32 s9, s18;
	s20 =	spop (v2sf)  }
0x3db: {  	s9 =	smin.f32 s9, s20;
	s22 =	spop (v2sf)  }
0x3dc: {  	s9 =	smin.f32 s9, s22;
	s24 =	spop (v2sf)  }
0x3dd: {  	s9 =	smin.f32 s9, s24;
	s3 =	spop (v2sf)  }
0x3de: {  	s9 =	smin.f32 s9, s3;
	s17 =	spop (v2sf)  }
0x3df: {  	s9 =	smin.f32 s9, s17;
	s18 =	spop (v2sf)  }
0x3e0: {  	s9 =	smin.f32 s9, s18;
	s20 =	spop (v2sf)  }
0x3e1: {  	s9 =	smin.f32 s9, s20;
	s22 =	spop (v2sf)  }
0x3e2: {  	s9 =	smin.f32 s9, s22;
	s24 =	spop (v2sf)  }
0x3e3: {  	s9 =	smin.f32 s9, s24  }
0x3e4: {  	p1 =	slt.f32 s9, $6.250000000e+00  }
.Ltmp13:
0x3e5: {  	_ = 	snop;
	(pc) =	sbr.rel @!p1 .LBB2_23-.Ltmp13, $2  }
0x3e6: {  	_ =	sdelay $0x2  }
0x3e7: {  	s20 =	simm.s32 $0x0;
	s22 =	sld [smem:$0x7FD]  }
0x3e8: {  	s15 =	sld [smem:$0x7F4];
	_ =	sdelay $0x1  }
0x3e9: {  	s9 =	simm.s32 $0x0;
	s3 =	simm.s32 $0x112A0;
	s17 =	sld [smem:$0x7F5]  }
0x3ea: {  	[tilespmem:s3], [sflag:$0x1] =	stream.linear.gather [hbm4b:s15+s9], $0x7D0, $0x38;
	[tilespmem:$0x15BA0] =	vst v63  }
0x3eb: {  	s18 =	simm.s32 $0x11AA0  }
0x3ec: {  	[tilespmem:s18], [sflag:$0x1] =	stream.linear.gather [hbm4b:s17+s9], $0x7D0, $0x38;
	[tilespmem:$0x15BA0] =	vst v63  }
0x3ed: {  	_ =	swait.ge [sflag:s12], $0x7D0  }
0x3ee: {  	[sflag:s12] =	ssyncset.done $0x0  }
0x3ef: {  	[sflag:s12] =	ssyncadd.s32 $0xFFFFF830  }
0x3f0: {  	_ =	swait.ge [sflag:s12], $0x7D0  }
0x3f1: {  	[sflag:s12] =	ssyncset.done $0x0  }
0x3f2: {  	s24 =	simm.s32 $0x0;
	[sflag:s12] =	ssyncadd.s32 $0xFFFFF830  }
0x3f3: {  	v1 =	vld [tilespmem:s24+$0xCA70]  }
0x3f4: {  	v2 =	vld [tilespmem:s24+$0xB2A0]  }
0x3f5: {  	v3 =	vld [tilespmem:s24+$0xC2A0]  }
0x3f6: {  	v4 =	vld [tilespmem:s24+$0xBA70]  }
0x3f7: {  	v5 =	vld [tilespmem:s24+$0xDA70]  }
0x3f8: {  	v6 =	vld [tilespmem:s24+$0xD2A0];
	_ =	sdelay $0x2  }
0x3f9: {  	v1 =	vsub.f32 v3, v1  }
0x3fa: {  	v2 =	vsub.f32 v2, v4  }
0x3fb: {  	v3 =	vsub.f32 v6, v5;
	vm0 =	vgt.f32 v1, $5.000000000e+01  }
0x3fc: {  	vm1 =	vlt.f32 v1, $-5.000000000e+01;
	vm2 =	vgt.f32 v2, $5.000000000e+01;
	v4 =	vsel vm0, $0x42C80000, v0  }
0x3fd: {  	v5 =	vsel vm2, $0x42C80000, v0;
	vm0 =	vlt.f32 v2, $-5.000000000e+01;
	v1 =	vsub.f32 v1, v4  }
0x3fe: {  	v2 =	vsub.f32 v2, v5;
	v4 =	vsel vm1, $0x42C80000, v0;
	vm1 =	vgt.f32 v3, $5.000000000e+01  }
0x3ff: {  	v5 =	vsel vm0, $0x42C80000, v0;
	v8 =	vadd.f32 v1, v4;
	v1 =	vsel vm1, $0x42C80000, v0  }
0x400: {  	vm0 =	vlt.f32 v3, $-5.000000000e+01;
	v13 =	vadd.f32 v2, v5;
	v1 =	vsub.f32 v3, v1  }
0x401: {  	v2 =	vsel vm0, $0x42C80000, v0  }
0x402: {  	v3 =	vmul.f32 v8, v8;
	v4 =	vadd.f32 v1, v2;
	v1 =	vmul.f32 v13, v13;
	_ =	sdelay $0x1  }
0x403: {  	v1 =	vadd.f32 v3, v1;
	v2 =	vmul.f32 v4, v4;
	_ =	sdelay $0x1  }
0x404: {  	v1 =	vadd.f32 v2, v1;
	_ =	sdelay $0x1  }
0x405: {  	v1 =	vmax.f32 v1, $1.000000020e-24  }
0x406: {  	(erf) = vrcp.f32 v1;
	_ =	sdelay $0x2  }
0x407: {  	v2 =	vld [tilespmem:s24+$0x11AA0];
	_ =	sdelay $0x4  }
0x408: {  	v2 =	vmul.f32 v2, v2  }
0x409: {  	v3 =	vpop (erf)  }
0x40a: {  	v2 =	vmul.f32 v3, v2;
	_ =	sdelay $0x1  }
0x40b: {  	v5 =	vmul.f32 v2, v2;
	_ =	sdelay $0x1  }
0x40c: {  	v5 =	vmul.f32 v5, v2  }
0x40d: {  	v2 =	vld [tilespmem:s24+$0x112A0]  }
0x40e: {  	v14 =	vmul.f32 v5, v5;
	_ =	sdelay $0x1  }
0x40f: {  	v6 =	vadd.f32 v14, v14;
	_ =	sdelay $0x1  }
0x410: {  	v7 =	vmul.f32 $2.400000000e+01, v2;
	v6 =	vsub.f32 v6, v5;
	_ =	sdelay $0x1  }
0x411: {  	v6 =	vmul.f32 v6, v7  }
0x412: {  	vm0 =	vlt.f32 v1, $6.250000000e+00  }
0x413: {  	v1 =	vnsel vm0, $0x0, v6  }
0x414: {  	v3 =	vmul.f32 v1, v3;
	_ =	sdelay $0x1  }
0x415: {  	v15 =	vmul.f32 v3, v13  }
0x416: {  	v7 =	vmul.f32 v3, v4  }
0x417: {  	v16 =	vmul.f32 v3, v8;
	[tilespmem:s24+$0x122A0] =	vst v15  }
0x418: {  	v3 =	vsub.f32 $0.0e+00, v15;
	[tilespmem:s24+$0x142A0] =	vst v7  }
0x419: {  	v6 =	vmul.f32 v15, v13;
	v17 =	vsub.f32 $0.0e+00, v7;
	[tilespmem:s24+$0x132A0] =	vst v16  }
0x41a: {  	v18 =	vsub.f32 $0.0e+00, v16;
	v11 =	vmul.f32 v7, v8;
	v10 =	vmul.f32 v7, v4;
	[tilespmem:s24+$0x12A70] =	vst v3  }
0x41b: {  	v9 =	vmul.f32 v16, v4;
	v12 =	vmul.f32 v7, v13;
	[tilespmem:s24+$0x14A70] =	vst v17  }
0x41c: {  	v7 =	vmul.f32 v15, v4;
	v4 =	vmul.f32 v16, v8;
	[tilespmem:s24+$0x13A70] =	vst v18  }
0x41d: {  	s9 =	simm.s32 $0x40;
	v3 =	vsub.f32 v14, v5;
	v5 =	vmul.f32 v15, v8;
	v8 =	vmul.f32 v16, v13;
	v13 =	vld [tilespmem:$0x15330]  }
.LBB2_21:
0x41e: {  	p1 =	sne.s32 s9, $0x1F00;
	v14 =	vld [tilespmem:$0x15320];
	s15 =	smov.u32 s9;
	s9 =	sadd.s32 $0x40, s9  }
0x41f: {  	v15 =	vld [tilespmem:$0x15340]  }
0x420: {  	v16 =	vld [tilespmem:$0x152C0]  }
0x421: {  	v17 =	vld [tilespmem:$0x15310]  }
0x422: {  	v18 =	vld [tilespmem:$0x15300];
	v11 =	vadd.f32 v13, v11  }
0x423: {  	v13 =	vld [tilespmem:$0x152E0];
	v12 =	vadd.f32 v14, v12  }
0x424: {  	v14 =	vld [tilespmem:$0x152D0];
	[tilespmem:$0x15330] =	vst v11;
	v10 =	vadd.f32 v15, v10  }
0x425: {  	v11 =	vld [tilespmem:$0x152F0];
	[tilespmem:$0x15320] =	vst v12  }
0x426: {  	v6 =	vadd.f32 v6, v16;
	v12 =	vld [tilespmem:$0x152B0];
	v9 =	vadd.f32 v17, v9;
	[tilespmem:$0x15340] =	vst v10  }
0x427: {  	v2 =	vmul.f32 $4.000000000e+00, v2;
	v10 =	vld [tilespmem:$0x152A0]  }
0x428: {  	[tilespmem:$0x152C0] =	vst v6;
	v6 =	vadd.f32 v7, v13  }
0x429: {  	v2 =	vmul.f32 v3, v2;
	v3 =	vadd.f32 v18, v4;
	[tilespmem:$0x15310] =	vst v9  }
0x42a: {  	v4 =	vadd.f32 v5, v14;
	v5 =	vadd.f32 v8, v11  }
0x42b: {  	v2 =	vnsel vm0, $0x0, v2;
	v1 =	vadd.f32 v1, v12;
	[tilespmem:$0x152E0] =	vst v6  }
0x42c: {  	v2 =	vadd.f32 v2, v10;
	[tilespmem:$0x152F0] =	vst v5  }
0x42d: {  	[tilespmem:$0x152B0] =	vst v1  }
0x42e: {  	[tilespmem:$0x152A0] =	vst v2  }
0x42f: {  	[tilespmem:$0x15300] =	vst v3  }
0x430: {  	s15 =	sshra.s32 s15, $0x2;
	[tilespmem:$0x152D0] =	vst v4  }
0x431: {  	v1 =	vld [tilespmem:s15+$0xCA70]  }
0x432: {  	v2 =	vld [tilespmem:s15+$0xB2A0]  }
0x433: {  	v3 =	vld [tilespmem:s15+$0xC2A0]  }
0x434: {  	v4 =	vld [tilespmem:s15+$0xBA70]  }
0x435: {  	v5 =	vld [tilespmem:s15+$0xDA70]  }
0x436: {  	v6 =	vld [tilespmem:s15+$0xD2A0];
	_ =	sdelay $0x1  }
0x437: {  	v1 =	vsub.f32 v3, v1  }
0x438: {  	v2 =	vsub.f32 v2, v4  }
0x439: {  	vm0 =	vgt.f32 v1, $5.000000000e+01;
	vm1 =	vlt.f32 v1, $-5.000000000e+01  }
0x43a: {  	v3 =	vsub.f32 v6, v5;
	vm2 =	vgt.f32 v2, $5.000000000e+01;
	v4 =	vsel vm0, $0x42C80000, v0  }
0x43b: {  	vm0 =	vlt.f32 v2, $-5.000000000e+01;
	v5 =	vsel vm2, $0x42C80000, v0;
	v1 =	vsub.f32 v1, v4  }
0x43c: {  	v4 =	vsel vm1, $0x42C80000, v0;
	v2 =	vsub.f32 v2, v5;
	vm1 =	vgt.f32 v3, $5.000000000e+01  }
0x43d: {  	v5 =	vsel vm0, $0x42C80000, v0;
	v8 =	vadd.f32 v1, v4;
	v1 =	vsel vm1, $0x42C80000, v0  }
0x43e: {  	vm0 =	vlt.f32 v3, $-5.000000000e+01;
	v13 =	vadd.f32 v2, v5;
	v1 =	vsub.f32 v3, v1  }
0x43f: {  	v2 =	vsel vm0, $0x42C80000, v0;
	v3 =	vmul.f32 v8, v8  }
0x440: {  	v4 =	vadd.f32 v1, v2;
	v1 =	vmul.f32 v13, v13;
	_ =	sdelay $0x1  }
0x441: {  	v1 =	vadd.f32 v3, v1;
	v2 =	vmul.f32 v4, v4;
	_ =	sdelay $0x1  }
0x442: {  	v1 =	vadd.f32 v2, v1;
	_ =	sdelay $0x1  }
0x443: {  	v1 =	vmax.f32 v1, $1.000000020e-24  }
0x444: {  	(erf) = vrcp.f32 v1;
	_ =	sdelay $0x2  }
0x445: {  	v2 =	vld [tilespmem:s15+$0x11AA0];
	_ =	sdelay $0x4  }
0x446: {  	v2 =	vmul.f32 v2, v2  }
0x447: {  	v5 =	vpop (erf)  }
0x448: {  	v2 =	vmul.f32 v5, v2;
	_ =	sdelay $0x1  }
0x449: {  	v3 =	vmul.f32 v2, v2;
	_ =	sdelay $0x1  }
0x44a: {  	v6 =	vmul.f32 v3, v2  }
0x44b: {  	v2 =	vld [tilespmem:s15+$0x112A0]  }
0x44c: {  	v7 =	vmul.f32 v6, v6;
	_ =	sdelay $0x1  }
0x44d: {  	v3 =	vsub.f32 v7, v6;
	v7 =	vadd.f32 v7, v7;
	_ =	sdelay $0x1  }
0x44e: {  	v9 =	vmul.f32 $2.400000000e+01, v2;
	v6 =	vsub.f32 v7, v6;
	_ =	sdelay $0x1  }
0x44f: {  	v6 =	vmul.f32 v6, v9  }
0x450: {  	vm0 =	vlt.f32 v1, $6.250000000e+00  }
0x451: {  	v1 =	vnsel vm0, $0x0, v6  }
0x452: {  	v5 =	vmul.f32 v1, v5;
	_ =	sdelay $0x1  }
0x453: {  	v14 =	vmul.f32 v5, v13;
	v15 =	vmul.f32 v5, v8  }
0x454: {  	v5 =	vmul.f32 v5, v4  }
0x455: {  	[tilespmem:s15+$0x122A0] =	vst v14;
	v7 =	vsub.f32 $0.0e+00, v14;
	v16 =	vsub.f32 $0.0e+00, v15;
	v6 =	vmul.f32 v14, v13  }
0x456: {  	v17 =	vsub.f32 $0.0e+00, v5;
	v11 =	vmul.f32 v5, v8;
	v10 =	vmul.f32 v5, v4;
	[tilespmem:s15+$0x142A0] =	vst v5  }
.Ltmp14:
0x457: {  	v9 =	vmul.f32 v15, v4;
	v12 =	vmul.f32 v5, v13;
	[tilespmem:s15+$0x132A0] =	vst v15;
	(pc) =	sbr.rel @p1 .LBB2_21-.Ltmp14, $4  }
0x458: {  	[tilespmem:s15+$0x12A70] =	vst v7;
	v7 =	vmul.f32 v14, v4;
	v4 =	vmul.f32 v15, v8  }
0x459: {  	v5 =	vmul.f32 v14, v8;
	v8 =	vmul.f32 v15, v13;
	[tilespmem:s15+$0x14A70] =	vst v17  }
0x45a: {  	[tilespmem:s15+$0x13A70] =	vst v16  }
0x45b: {  	v13 =	vld [tilespmem:$0x15330]  }
0x45c: {  	v14 =	vld [tilespmem:$0x15320]  }
0x45d: {  	v15 =	vld [tilespmem:$0x15340]  }
0x45e: {  	v16 =	vld [tilespmem:$0x152C0]  }
0x45f: {  	v17 =	vld [tilespmem:$0x15310]  }
0x460: {  	v57 =	vld [tilespmem:$0x152E0];
	v11 =	vadd.f32 v13, v11  }
0x461: {  	v58 =	vld [tilespmem:$0x152F0];
	v12 =	vadd.f32 v14, v12  }
0x462: {  	v59 =	vld [tilespmem:$0x152B0];
	v10 =	vadd.f32 v15, v10;
	[tilespmem:$0x15330] =	vst v11  }
0x463: {  	v2 =	vmul.f32 $4.000000000e+00, v2;
	v60 =	vld [tilespmem:$0x152A0];
	v6 =	vadd.f32 v6, v16;
	[tilespmem:$0x15320] =	vst v12  }
0x464: {  	v61 =	vld [tilespmem:$0x15300];
	v9 =	vadd.f32 v17, v9;
	[tilespmem:$0x15340] =	vst v10  }
0x465: {  	v62 =	vld [tilespmem:$0x152D0];
	v2 =	vmul.f32 v3, v2;
	v63 =	vadd.f32 v7, v57;
	[tilespmem:$0x152C0] =	vst v6  }
0x466: {  	v3 =	vadd.f32 v8, v58;
	[tilespmem:$0x15310] =	vst v9  }
0x467: {  	v2 =	vnsel vm0, $0x0, v2;
	v1 =	vadd.f32 v1, v59;
	[tilespmem:$0x152E0] =	vst v63  }
0x468: {  	v2 =	vadd.f32 v2, v60;
	[tilespmem:$0x152F0] =	vst v3  }
0x469: {  	v3 =	vadd.f32 v61, v4;
	[tilespmem:$0x152B0] =	vst v1  }
0x46a: {  	v1 =	vadd.f32 v5, v62;
	[tilespmem:$0x152A0] =	vst v2  }
0x46b: {  	[tilespmem:$0x15300] =	vst v3  }
0x46c: {  	s9 =	rddreg [dreg:$0x7];
	[tilespmem:$0x152D0] =	vst v1  }
0x46d: {  	[spmem:s9] =	stream.indirect.scatter.add.f32 [tilespmem:s11], [sflag:$0x5], $0x1, s6, s13, $0xb8;
	[tilespmem:$0x15BA0] =	vst v63  }
0x46e: {  	_ =	swait.ge [sflag:s29], $0xFA0  }
0x46f: {  	[sflag:s29] =	ssyncset.done $0x0  }
0x470: {  	[sflag:s29] =	ssyncadd.s32 $0xFFFFF060  }
0x471: {  	s18 =	rddreg [dreg:$0x8]  }
0x472: {  	[spmem:s18] =	stream.indirect.scatter.add.f32 [tilespmem:s19], [sflag:$0x5], $0x1, s6, s13, $0xb8;
	[tilespmem:$0x15BA0] =	vst v63  }
0x473: {  	_ =	swait.ge [sflag:s29], $0xFA0  }
0x474: {  	[sflag:s29] =	ssyncset.done $0x0  }
0x475: {  	[sflag:s29] =	ssyncadd.s32 $0xFFFFF060  }
0x476: {  	s24 =	rddreg [dreg:$0x9]  }
0x477: {  	[spmem:s24] =	stream.indirect.scatter.add.f32 [tilespmem:s21], [sflag:$0x5], $0x1, s6, s13, $0xb8;
	[tilespmem:$0x15BA0] =	vst v63  }
0x478: {  	_ =	swait.ge [sflag:s29], $0xFA0  }
0x479: {  	[sflag:s29] =	ssyncset.done $0x0  }
0x47a: {  	[sflag:s29] =	ssyncadd.s32 $0xFFFFF060  }
.LBB2_23:
0x47b: {  	_ =	swait.ge [sflag:s30], $0x7D0  }
0x47c: {  	[sflag:s30] =	ssyncset.done $0x0  }
0x47d: {  	[sflag:s30] =	ssyncadd.s32 $0xFFFFF830  }
0x47e: {  	_ =	swait.ge [sflag:s30], $0x7D0  }
0x47f: {  	[sflag:s30] =	ssyncset.done $0x0  }
0x480: {  	[sflag:s30] =	ssyncadd.s32 $0xFFFFF830  }
0x481: {  	[tilespmem:s4], [sflag:$0x4] =	stream.indirect.gather [spmem:s2], $0x1, s25, s13, $0xb8;
	[tilespmem:$0x15BA0] =	vst v63  }
0x482: {  	_ = 	snop  }
0x483: {  	[tilespmem:s0], [sflag:$0x4] =	stream.indirect.gather [spmem:s14], $0x1, s25, s13, $0xb8;
	[tilespmem:$0x15BA0] =	vst v63  }
0x484: {  	_ = 	snop  }
0x485: {  	[tilespmem:s1], [sflag:$0x4] =	stream.indirect.gather [spmem:s16], $0x1, s25, s13, $0xb8;
	[tilespmem:$0x15BA0] =	vst v63  }
0x486: {  	_ =	swait.ge [sflag:s5], $0xFA0  }
0x487: {  	[sflag:s5] =	ssyncset.done $0x0  }
0x488: {  	[sflag:s5] =	ssyncadd.s32 $0xFFFFF060  }
0x489: {  	_ =	swait.ge [sflag:s5], $0xFA0  }
0x48a: {  	[sflag:s5] =	ssyncset.done $0x0  }
0x48b: {  	[sflag:s5] =	ssyncadd.s32 $0xFFFFF060  }
0x48c: {  	_ =	swait.ge [sflag:s5], $0xFA0  }
0x48d: {  	[sflag:s5] =	ssyncset.done $0x0  }
0x48e: {  	s9 =	simm.s32 $0x0;
	[sflag:s5] =	ssyncadd.s32 $0xFFFFF060  }
0x48f: {  	v1 =	vld [tilespmem:s9+$0xE2A0]  }
0x490: {  	v2 =	vld [tilespmem:s9+$0xEA70]  }
0x491: {  	v3 =	vld [tilespmem:s9+$0xF2A0]  }
0x492: {  	v4 =	vld [tilespmem:s9+$0xFA70]  }
0x493: {  	v5 =	vld [tilespmem:s9+$0x102A0]  }
0x494: {  	s24 =	simm.s32 $0x10;
	v6 =	vld [tilespmem:s9+$0x10A70]  }
0x495: {  	v7 =	vld [tilespmem:s24+$0xE2A0]  }
0x496: {  	v8 =	vld [tilespmem:s24+$0xEA70]  }
0x497: {  	v9 =	vld [tilespmem:s24+$0xFA70];
	v2 =	vsub.f32 v1, v2;
	v3 =	vsub.f32 v3, v4  }
0x498: {  	v4 =	vld [tilespmem:s24+$0xF2A0]  }
0x499: {  	v12 =	vld [tilespmem:s24+$0x102A0];
	v10 =	vsub.f32 v5, v6;
	v5 =	vand.u32 $0x7FFFFFFF, v2;
	v6 =	vand.u32 $0x7FFFFFFF, v3  }
0x49a: {  	v13 =	vld [tilespmem:s24+$0x10A70];
	v1 =	vimm.f32 $1.000000020e+30;
	v5 =	vsub.f32 $1.000000000e+02, v5;
	v6 =	vsub.f32 $1.000000000e+02, v6  }
0x49b: {  	s9 =	simm.s32 $0x20;
	v11 =	vand.u32 $0x7FFFFFFF, v10;
	v14 =	vmul.f32 v2, v2;
	v15 =	vmul.f32 v3, v3  }
0x49c: {  	v3 =	vld [tilespmem:s9+$0xE2A0];
	v11 =	vsub.f32 $1.000000000e+02, v11;
	v16 =	vmul.f32 v5, v5;
	v17 =	vmul.f32 v6, v6  }
0x49d: {  	v2 =	vld [tilespmem:s9+$0xEA70];
	v10 =	vmul.f32 v10, v10;
	v6 =	vsub.f32 v7, v8;
	v5 =	vsub.f32 v4, v9  }
0x49e: {  	v4 =	vld [tilespmem:s9+$0xF2A0];
	v11 =	vmul.f32 v11, v11;
	v9 =	vmin.f32 v14, v16;
	v14 =	vmin.f32 v15, v17  }
0x49f: {  	s15 =	simm.s32 $0xC0;
	v7 =	vld [tilespmem:s9+$0xFA70];
	v8 =	vsub.f32 v12, v13;
	v12 =	vand.u32 $0x7FFFFFFF, v6;
	v9 =	vadd.f32 v14, v9  }
.LBB2_24:
0x4a0: {  	p1 =	sne.s32 s15, $0x1F00;
	v13 =	vld [tilespmem:s9+$0x102A0];
	v12 =	vsub.f32 $1.000000000e+02, v12;
	v14 =	vand.u32 $0x7FFFFFFF, v5;
	v16 =	vmin.f32 v10, v11  }
0x4a1: {  	v15 =	vld [tilespmem:s9+$0x10A70];
	v11 =	vsub.f32 $1.000000000e+02, v14;
	v14 =	vand.u32 $0x7FFFFFFF, v8;
	v9 =	vadd.f32 v16, v9;
	v10 =	vmovc v3  }
.Ltmp15:
0x4a2: {  	v17 =	vmul.f32 v5, v5;
	s9 =	sshra.s32 s15, $0x2;
	v16 =	vmul.f32 v6, v6;
	v14 =	vsub.f32 $1.000000000e+02, v14;
	(pc) =	sbr.rel @p1 .LBB2_24-.Ltmp15, $4  }
0x4a3: {  	v12 =	vmul.f32 v12, v12;
	v3 =	vld [tilespmem:s9+$0xE2A0];
	v11 =	vmul.f32 v11, v11;
	v1 =	vmin.f32 v1, v9  }
0x4a4: {  	v6 =	vsub.f32 v10, v2;
	v10 =	vmul.f32 v8, v8;
	v2 =	vld [tilespmem:s9+$0xEA70];
	v5 =	vsub.f32 v4, v7  }
0x4a5: {  	v9 =	vmin.f32 v16, v12;
	v4 =	vld [tilespmem:s9+$0xF2A0];
	v16 =	vmin.f32 v17, v11;
	v11 =	vmul.f32 v14, v14  }
0x4a6: {  	s15 =	sadd.s32 $0x40, s15;
	v12 =	vand.u32 $0x7FFFFFFF, v6;
	v7 =	vld [tilespmem:s9+$0xFA70];
	v8 =	vsub.f32 v13, v15;
	v9 =	vadd.f32 v16, v9  }
0x4a7: {  	v13 =	vld [tilespmem:s9+$0x102A0]  }
0x4a8: {  	v12 =	vsub.f32 $1.000000000e+02, v12;
	v14 =	vand.u32 $0x7FFFFFFF, v5;
	v15 =	vld [tilespmem:s9+$0x10A70]  }
0x4a9: {  	v10 =	vmin.f32 v10, v11;
	v6 =	vmul.f32 v6, v6;
	v50 =	vmul.f32 v5, v5  }
0x4aa: {  	v48 =	vsub.f32 $1.000000000e+02, v14;
	v49 =	vand.u32 $0x7FFFFFFF, v8;
	v12 =	vmul.f32 v12, v12  }
0x4ab: {  	v52 =	vmul.f32 v8, v8;
	v2 =	vsub.f32 v3, v2;
	v3 =	vsub.f32 v4, v7  }
0x4ac: {  	v14 =	vsub.f32 $1.000000000e+02, v49;
	v51 =	vmul.f32 v48, v48;
	v6 =	vmin.f32 v6, v12  }
0x4ad: {  	v54 =	vand.u32 $0x7FFFFFFF, v2;
	v53 =	vsub.f32 v13, v15;
	v55 =	vand.u32 $0x7FFFFFFF, v3  }
0x4ae: {  	v2 =	vmul.f32 v2, v2;
	v56 =	vsub.f32 $1.000000000e+02, v54;
	v57 =	vsub.f32 $1.000000000e+02, v55  }
0x4af: {  	v4 =	vmin.f32 v50, v51;
	v3 =	vmul.f32 v3, v3;
	v58 =	vand.u32 $0x7FFFFFFF, v53  }
0x4b0: {  	v5 =	vmul.f32 v56, v56;
	v12 =	vsub.f32 $1.000000000e+02, v58;
	v11 =	vmul.f32 v57, v57  }
0x4b1: {  	v59 =	vmul.f32 v14, v14;
	v4 =	vadd.f32 v4, v6;
	v60 =	vmul.f32 v53, v53  }
0x4b2: {  	v2 =	vmin.f32 v2, v5;
	v61 =	vmul.f32 v12, v12;
	v3 =	vmin.f32 v3, v11  }
0x4b3: {  	v62 =	vadd.f32 v10, v9;
	v7 =	vmin.f32 v52, v59;
	v2 =	vadd.f32 v3, v2  }
0x4b4: {  	v3 =	vadd.f32 v7, v4;
	v63 =	vmin.f32 v60, v61  }
0x4b5: {  	v1 =	vmin.f32 v1, v62;
	v2 =	vadd.f32 v63, v2  }
0x4b6: {  	v1 =	vmin.f32 v1, v3  }
0x4b7: {  	v1 =	vmin.f32 v1, v2  }
0x4b8: {  	(v2sf) =	vpush v1, $0x0  }
0x4b9: {  	(v2sf) =	vpush v1, $0x1  }
0x4ba: {  	(v2sf) =	vpush v1, $0x2  }
0x4bb: {  	(v2sf) =	vpush v1, $0x3  }
0x4bc: {  	(v2sf) =	vpush v1, $0x4  }
0x4bd: {  	(v2sf) =	vpush v1, $0x5  }
0x4be: {  	(v2sf) =	vpush v1, $0x6  }
0x4bf: {  	(v2sf) =	vpush v1, $0x7  }
0x4c0: {  	(v2sf) =	vpush v1, $0x8  }
0x4c1: {  	(v2sf) =	vpush v1, $0x9  }
0x4c2: {  	(v2sf) =	vpush v1, $0xA  }
0x4c3: {  	(v2sf) =	vpush v1, $0xB  }
0x4c4: {  	(v2sf) =	vpush v1, $0xC  }
0x4c5: {  	(v2sf) =	vpush v1, $0xD  }
0x4c6: {  	(v2sf) =	vpush v1, $0xE  }
0x4c7: {  	s17 =	spop (v2sf);
	(v2sf) =	vpush v1, $0xF  }
0x4c8: {  	s15 =	spop (v2sf)  }
0x4c9: {  	s9 =	smin.f32 s17, s15;
	s18 =	spop (v2sf)  }
0x4ca: {  	s9 =	smin.f32 s9, s18;
	s24 =	spop (v2sf)  }
0x4cb: {  	s9 =	smin.f32 s9, s24;
	s3 =	spop (v2sf)  }
0x4cc: {  	s9 =	smin.f32 s9, s3;
	s17 =	spop (v2sf)  }
0x4cd: {  	s9 =	smin.f32 s9, s17;
	s18 =	spop (v2sf)  }
0x4ce: {  	s9 =	smin.f32 s9, s18;
	s24 =	spop (v2sf)  }
0x4cf: {  	s9 =	smin.f32 s9, s24;
	s3 =	spop (v2sf)  }
0x4d0: {  	s9 =	smin.f32 s9, s3;
	s17 =	spop (v2sf)  }
0x4d1: {  	s9 =	smin.f32 s9, s17;
	s18 =	spop (v2sf)  }
0x4d2: {  	s9 =	smin.f32 s9, s18;
	s24 =	spop (v2sf)  }
0x4d3: {  	s9 =	smin.f32 s9, s24;
	s3 =	spop (v2sf)  }
0x4d4: {  	s9 =	smin.f32 s9, s3;
	s17 =	spop (v2sf)  }
0x4d5: {  	s9 =	smin.f32 s9, s17;
	s18 =	spop (v2sf)  }
0x4d6: {  	s9 =	smin.f32 s9, s18;
	s24 =	spop (v2sf)  }
0x4d7: {  	s9 =	smin.f32 s9, s24  }
0x4d8: {  	p1 =	slt.f32 s9, $6.250000000e+00  }
.Ltmp16:
0x4d9: {  	_ = 	snop;
	(pc) =	sbr.rel @!p1 .LBB2_29-.Ltmp16, $2  }
0x4da: {  	_ =	sdelay $0x2  }
0x4db: {  	s24 =	sld [smem:$0x7D7]  }
0x4dc: {  	s15 =	sld [smem:$0x7F8];
	_ =	sdelay $0x1  }
0x4dd: {  	s9 =	simm.s32 $0x0;
	s3 =	simm.s32 $0x112A0;
	s17 =	sld [smem:$0x7F9]  }
0x4de: {  	[tilespmem:s3], [sflag:$0x2] =	stream.linear.gather [hbm4b:s15+s9], $0x7D0, $0x38;
	[tilespmem:$0x15BA0] =	vst v63  }
0x4df: {  	s18 =	simm.s32 $0x11AA0  }
0x4e0: {  	[tilespmem:s18], [sflag:$0x2] =	stream.linear.gather [hbm4b:s17+s9], $0x7D0, $0x38;
	[tilespmem:$0x15BA0] =	vst v63  }
0x4e1: {  	_ =	swait.ge [sflag:s30], $0x7D0  }
0x4e2: {  	[sflag:s30] =	ssyncset.done $0x0  }
0x4e3: {  	[sflag:s30] =	ssyncadd.s32 $0xFFFFF830  }
0x4e4: {  	_ =	swait.ge [sflag:s30], $0x7D0  }
0x4e5: {  	[sflag:s30] =	ssyncset.done $0x0  }
0x4e6: {  	s24 =	simm.s32 $0x0;
	[sflag:s30] =	ssyncadd.s32 $0xFFFFF830  }
0x4e7: {  	v1 =	vld [tilespmem:s24+$0xFA70]  }
0x4e8: {  	v2 =	vld [tilespmem:s24+$0xE2A0]  }
0x4e9: {  	v3 =	vld [tilespmem:s24+$0xF2A0]  }
0x4ea: {  	v4 =	vld [tilespmem:s24+$0xEA70]  }
0x4eb: {  	v5 =	vld [tilespmem:s24+$0x10A70]  }
0x4ec: {  	v6 =	vld [tilespmem:s24+$0x102A0];
	_ =	sdelay $0x2  }
0x4ed: {  	v1 =	vsub.f32 v3, v1  }
0x4ee: {  	v2 =	vsub.f32 v2, v4  }
0x4ef: {  	v3 =	vsub.f32 v6, v5;
	vm0 =	vgt.f32 v1, $5.000000000e+01  }
0x4f0: {  	vm1 =	vlt.f32 v1, $-5.000000000e+01;
	vm2 =	vgt.f32 v2, $5.000000000e+01;
	v4 =	vsel vm0, $0x42C80000, v0  }
0x4f1: {  	v5 =	vsel vm2, $0x42C80000, v0;
	vm0 =	vlt.f32 v2, $-5.000000000e+01;
	v1 =	vsub.f32 v1, v4  }
0x4f2: {  	v2 =	vsub.f32 v2, v5;
	v4 =	vsel vm1, $0x42C80000, v0;
	vm1 =	vgt.f32 v3, $5.000000000e+01  }
0x4f3: {  	v5 =	vsel vm0, $0x42C80000, v0;
	v8 =	vadd.f32 v1, v4;
	v1 =	vsel vm1, $0x42C80000, v0  }
0x4f4: {  	vm0 =	vlt.f32 v3, $-5.000000000e+01;
	v13 =	vadd.f32 v2, v5;
	v1 =	vsub.f32 v3, v1  }
0x4f5: {  	v2 =	vsel vm0, $0x42C80000, v0  }
0x4f6: {  	v3 =	vmul.f32 v8, v8;
	v4 =	vadd.f32 v1, v2;
	v1 =	vmul.f32 v13, v13;
	_ =	sdelay $0x1  }
0x4f7: {  	v1 =	vadd.f32 v3, v1;
	v2 =	vmul.f32 v4, v4;
	_ =	sdelay $0x1  }
0x4f8: {  	v1 =	vadd.f32 v2, v1;
	_ =	sdelay $0x1  }
0x4f9: {  	v1 =	vmax.f32 v1, $1.000000020e-24  }
0x4fa: {  	(erf) = vrcp.f32 v1;
	_ =	sdelay $0x2  }
0x4fb: {  	v2 =	vld [tilespmem:s24+$0x11AA0];
	_ =	sdelay $0x4  }
0x4fc: {  	v2 =	vmul.f32 v2, v2  }
0x4fd: {  	v3 =	vpop (erf)  }
0x4fe: {  	v2 =	vmul.f32 v3, v2;
	_ =	sdelay $0x1  }
0x4ff: {  	v5 =	vmul.f32 v2, v2;
	_ =	sdelay $0x1  }
0x500: {  	v5 =	vmul.f32 v5, v2  }
0x501: {  	v2 =	vld [tilespmem:s24+$0x112A0]  }
0x502: {  	v14 =	vmul.f32 v5, v5;
	_ =	sdelay $0x1  }
0x503: {  	v6 =	vadd.f32 v14, v14;
	_ =	sdelay $0x1  }
0x504: {  	v7 =	vmul.f32 $2.400000000e+01, v2;
	v6 =	vsub.f32 v6, v5;
	_ =	sdelay $0x1  }
0x505: {  	v6 =	vmul.f32 v6, v7  }
0x506: {  	vm0 =	vlt.f32 v1, $6.250000000e+00  }
0x507: {  	v1 =	vnsel vm0, $0x0, v6  }
0x508: {  	v3 =	vmul.f32 v1, v3;
	_ =	sdelay $0x1  }
0x509: {  	v15 =	vmul.f32 v3, v13  }
0x50a: {  	v7 =	vmul.f32 v3, v4  }
0x50b: {  	v16 =	vmul.f32 v3, v8;
	[tilespmem:s24+$0x122A0] =	vst v15  }
0x50c: {  	v3 =	vsub.f32 $0.0e+00, v15;
	[tilespmem:s24+$0x142A0] =	vst v7  }
0x50d: {  	v6 =	vmul.f32 v15, v13;
	v17 =	vsub.f32 $0.0e+00, v7;
	[tilespmem:s24+$0x132A0] =	vst v16  }
0x50e: {  	v18 =	vsub.f32 $0.0e+00, v16;
	v11 =	vmul.f32 v7, v8;
	v10 =	vmul.f32 v7, v4;
	[tilespmem:s24+$0x12A70] =	vst v3  }
0x50f: {  	v9 =	vmul.f32 v16, v4;
	v12 =	vmul.f32 v7, v13;
	[tilespmem:s24+$0x14A70] =	vst v17  }
0x510: {  	v7 =	vmul.f32 v15, v4;
	v4 =	vmul.f32 v16, v8;
	[tilespmem:s24+$0x13A70] =	vst v18  }
0x511: {  	s9 =	simm.s32 $0x40;
	v3 =	vsub.f32 v14, v5;
	v5 =	vmul.f32 v15, v8;
	v8 =	vmul.f32 v16, v13;
	v13 =	vld [tilespmem:$0x15330]  }
.LBB2_27:
0x512: {  	p1 =	sne.s32 s9, $0x1F00;
	v14 =	vld [tilespmem:$0x15320];
	s15 =	smov.u32 s9;
	s9 =	sadd.s32 $0x40, s9  }
0x513: {  	v15 =	vld [tilespmem:$0x15340]  }
0x514: {  	v16 =	vld [tilespmem:$0x152C0]  }
0x515: {  	v17 =	vld [tilespmem:$0x15310]  }
0x516: {  	v18 =	vld [tilespmem:$0x15300];
	v11 =	vadd.f32 v13, v11  }
0x517: {  	v13 =	vld [tilespmem:$0x152E0];
	v12 =	vadd.f32 v14, v12  }
0x518: {  	v14 =	vld [tilespmem:$0x152D0];
	[tilespmem:$0x15330] =	vst v11;
	v10 =	vadd.f32 v15, v10  }
0x519: {  	v11 =	vld [tilespmem:$0x152F0];
	[tilespmem:$0x15320] =	vst v12  }
0x51a: {  	v6 =	vadd.f32 v6, v16;
	v12 =	vld [tilespmem:$0x152B0];
	v9 =	vadd.f32 v17, v9;
	[tilespmem:$0x15340] =	vst v10  }
0x51b: {  	v2 =	vmul.f32 $4.000000000e+00, v2;
	v10 =	vld [tilespmem:$0x152A0]  }
0x51c: {  	[tilespmem:$0x152C0] =	vst v6;
	v6 =	vadd.f32 v7, v13  }
0x51d: {  	v2 =	vmul.f32 v3, v2;
	v3 =	vadd.f32 v18, v4;
	[tilespmem:$0x15310] =	vst v9  }
0x51e: {  	v4 =	vadd.f32 v5, v14;
	v5 =	vadd.f32 v8, v11  }
0x51f: {  	v2 =	vnsel vm0, $0x0, v2;
	v1 =	vadd.f32 v1, v12;
	[tilespmem:$0x152E0] =	vst v6  }
0x520: {  	v2 =	vadd.f32 v2, v10;
	[tilespmem:$0x152F0] =	vst v5  }
0x521: {  	[tilespmem:$0x152B0] =	vst v1  }
0x522: {  	[tilespmem:$0x152A0] =	vst v2  }
0x523: {  	[tilespmem:$0x15300] =	vst v3  }
0x524: {  	s15 =	sshra.s32 s15, $0x2;
	[tilespmem:$0x152D0] =	vst v4  }
0x525: {  	v1 =	vld [tilespmem:s15+$0xFA70]  }
0x526: {  	v2 =	vld [tilespmem:s15+$0xE2A0]  }
0x527: {  	v3 =	vld [tilespmem:s15+$0xF2A0]  }
0x528: {  	v4 =	vld [tilespmem:s15+$0xEA70]  }
0x529: {  	v5 =	vld [tilespmem:s15+$0x10A70]  }
0x52a: {  	v6 =	vld [tilespmem:s15+$0x102A0];
	_ =	sdelay $0x1  }
0x52b: {  	v1 =	vsub.f32 v3, v1  }
0x52c: {  	v2 =	vsub.f32 v2, v4  }
0x52d: {  	vm0 =	vgt.f32 v1, $5.000000000e+01;
	vm1 =	vlt.f32 v1, $-5.000000000e+01  }
0x52e: {  	v3 =	vsub.f32 v6, v5;
	vm2 =	vgt.f32 v2, $5.000000000e+01;
	v4 =	vsel vm0, $0x42C80000, v0  }
0x52f: {  	vm0 =	vlt.f32 v2, $-5.000000000e+01;
	v5 =	vsel vm2, $0x42C80000, v0;
	v1 =	vsub.f32 v1, v4  }
0x530: {  	v4 =	vsel vm1, $0x42C80000, v0;
	v2 =	vsub.f32 v2, v5;
	vm1 =	vgt.f32 v3, $5.000000000e+01  }
0x531: {  	v5 =	vsel vm0, $0x42C80000, v0;
	v8 =	vadd.f32 v1, v4;
	v1 =	vsel vm1, $0x42C80000, v0  }
0x532: {  	vm0 =	vlt.f32 v3, $-5.000000000e+01;
	v13 =	vadd.f32 v2, v5;
	v1 =	vsub.f32 v3, v1  }
0x533: {  	v2 =	vsel vm0, $0x42C80000, v0;
	v3 =	vmul.f32 v8, v8  }
0x534: {  	v4 =	vadd.f32 v1, v2;
	v1 =	vmul.f32 v13, v13;
	_ =	sdelay $0x1  }
0x535: {  	v1 =	vadd.f32 v3, v1;
	v2 =	vmul.f32 v4, v4;
	_ =	sdelay $0x1  }
0x536: {  	v1 =	vadd.f32 v2, v1;
	_ =	sdelay $0x1  }
0x537: {  	v1 =	vmax.f32 v1, $1.000000020e-24  }
0x538: {  	(erf) = vrcp.f32 v1;
	_ =	sdelay $0x2  }
0x539: {  	v2 =	vld [tilespmem:s15+$0x11AA0];
	_ =	sdelay $0x4  }
0x53a: {  	v2 =	vmul.f32 v2, v2  }
0x53b: {  	v5 =	vpop (erf)  }
0x53c: {  	v2 =	vmul.f32 v5, v2;
	_ =	sdelay $0x1  }
0x53d: {  	v3 =	vmul.f32 v2, v2;
	_ =	sdelay $0x1  }
0x53e: {  	v6 =	vmul.f32 v3, v2  }
0x53f: {  	v2 =	vld [tilespmem:s15+$0x112A0]  }
0x540: {  	v7 =	vmul.f32 v6, v6;
	_ =	sdelay $0x1  }
0x541: {  	v3 =	vsub.f32 v7, v6;
	v7 =	vadd.f32 v7, v7;
	_ =	sdelay $0x1  }
0x542: {  	v9 =	vmul.f32 $2.400000000e+01, v2;
	v6 =	vsub.f32 v7, v6;
	_ =	sdelay $0x1  }
0x543: {  	v6 =	vmul.f32 v6, v9  }
0x544: {  	vm0 =	vlt.f32 v1, $6.250000000e+00  }
0x545: {  	v1 =	vnsel vm0, $0x0, v6  }
0x546: {  	v5 =	vmul.f32 v1, v5;
	_ =	sdelay $0x1  }
0x547: {  	v14 =	vmul.f32 v5, v13;
	v15 =	vmul.f32 v5, v8  }
0x548: {  	v5 =	vmul.f32 v5, v4  }
0x549: {  	[tilespmem:s15+$0x122A0] =	vst v14;
	v7 =	vsub.f32 $0.0e+00, v14;
	v16 =	vsub.f32 $0.0e+00, v15;
	v6 =	vmul.f32 v14, v13  }
0x54a: {  	v17 =	vsub.f32 $0.0e+00, v5;
	v11 =	vmul.f32 v5, v8;
	v10 =	vmul.f32 v5, v4;
	[tilespmem:s15+$0x142A0] =	vst v5  }
.Ltmp17:
0x54b: {  	v9 =	vmul.f32 v15, v4;
	v12 =	vmul.f32 v5, v13;
	[tilespmem:s15+$0x132A0] =	vst v15;
	(pc) =	sbr.rel @p1 .LBB2_27-.Ltmp17, $4  }
0x54c: {  	[tilespmem:s15+$0x12A70] =	vst v7;
	v7 =	vmul.f32 v14, v4;
	v4 =	vmul.f32 v15, v8  }
0x54d: {  	v5 =	vmul.f32 v14, v8;
	v8 =	vmul.f32 v15, v13;
	[tilespmem:s15+$0x14A70] =	vst v17  }
0x54e: {  	[tilespmem:s15+$0x13A70] =	vst v16  }
0x54f: {  	v13 =	vld [tilespmem:$0x15330]  }
0x550: {  	v14 =	vld [tilespmem:$0x15320]  }
0x551: {  	v15 =	vld [tilespmem:$0x15340]  }
0x552: {  	v16 =	vld [tilespmem:$0x152C0]  }
0x553: {  	v17 =	vld [tilespmem:$0x15310]  }
0x554: {  	v57 =	vld [tilespmem:$0x152E0];
	v11 =	vadd.f32 v13, v11  }
0x555: {  	v58 =	vld [tilespmem:$0x152F0];
	v12 =	vadd.f32 v14, v12  }
0x556: {  	v59 =	vld [tilespmem:$0x152B0];
	v10 =	vadd.f32 v15, v10;
	[tilespmem:$0x15330] =	vst v11  }
0x557: {  	v2 =	vmul.f32 $4.000000000e+00, v2;
	v60 =	vld [tilespmem:$0x152A0];
	v6 =	vadd.f32 v6, v16;
	[tilespmem:$0x15320] =	vst v12  }
0x558: {  	v61 =	vld [tilespmem:$0x15300];
	v9 =	vadd.f32 v17, v9;
	[tilespmem:$0x15340] =	vst v10  }
0x559: {  	v62 =	vld [tilespmem:$0x152D0];
	v2 =	vmul.f32 v3, v2;
	v63 =	vadd.f32 v7, v57;
	[tilespmem:$0x152C0] =	vst v6  }
0x55a: {  	v3 =	vadd.f32 v8, v58;
	[tilespmem:$0x15310] =	vst v9  }
0x55b: {  	v2 =	vnsel vm0, $0x0, v2;
	v1 =	vadd.f32 v1, v59;
	[tilespmem:$0x152E0] =	vst v63  }
0x55c: {  	v2 =	vadd.f32 v2, v60;
	[tilespmem:$0x152F0] =	vst v3  }
0x55d: {  	v3 =	vadd.f32 v61, v4;
	[tilespmem:$0x152B0] =	vst v1  }
0x55e: {  	v1 =	vadd.f32 v5, v62;
	[tilespmem:$0x152A0] =	vst v2  }
0x55f: {  	[tilespmem:$0x15300] =	vst v3  }
0x560: {  	s9 =	rddreg [dreg:$0x7];
	[tilespmem:$0x152D0] =	vst v1  }
0x561: {  	[spmem:s9] =	stream.indirect.scatter.add.f32 [tilespmem:s11], [sflag:$0x5], $0x1, s25, s13, $0xb8;
	[tilespmem:$0x15BA0] =	vst v63  }
0x562: {  	_ =	swait.ge [sflag:s29], $0xFA0  }
0x563: {  	[sflag:s29] =	ssyncset.done $0x0  }
0x564: {  	[sflag:s29] =	ssyncadd.s32 $0xFFFFF060  }
0x565: {  	s18 =	rddreg [dreg:$0x8]  }
0x566: {  	[spmem:s18] =	stream.indirect.scatter.add.f32 [tilespmem:s19], [sflag:$0x5], $0x1, s25, s13, $0xb8;
	[tilespmem:$0x15BA0] =	vst v63  }
0x567: {  	_ =	swait.ge [sflag:s29], $0xFA0  }
0x568: {  	[sflag:s29] =	ssyncset.done $0x0  }
0x569: {  	[sflag:s29] =	ssyncadd.s32 $0xFFFFF060  }
.Ltmp18:
0x56a: {  	s24 =	rddreg [dreg:$0x9];
	(pc) =	sbr.rel .LBB2_29-.Ltmp18, $4  }
0x56b: {  	[spmem:s24] =	stream.indirect.scatter.add.f32 [tilespmem:s21], [sflag:$0x5], $0x1, s25, s13, $0xb8;
	[tilespmem:$0x15BA0] =	vst v63  }
0x56c: {  	_ =	swait.ge [sflag:s29], $0xFA0  }
0x56d: {  	[sflag:s29] =	ssyncset.done $0x0  }
0x56e: {  	s24 =	sld [smem:$0x7D7];
	[sflag:s29] =	ssyncadd.s32 $0xFFFFF060  }
.LBB2_30:
0x56f: {  	_ =	sfence.sel $0x180000  }
0x570: {  	[bflag:$0x0] =	sbarrier.arrive $0xFFFF  }
0x571: {  	_ =	strace $0x90000047  }
0x572: {  	s0 =	stileid.u32;
	[bflag:$0x2] =	sbarrier.arrive $0xFFFF  }
0x573: {  	p0 =	sne.s32 s0, $0x0;
	s0 =	rddreg [dreg:$0xa]  }
0x574: {  	s0 =	sadd.s32 @!p0 $0x100000, s0  }
0x575: {  	[sflag:s0] =	ssyncadd.tile.s32 @!p0 $0x1;
	_ =	shalt  }
.Lfunc_end2:
_tile_overlayer_lowered:
.L_overlay_start_2:
0x576: {  	(tag) =	ssettag $0x2  }
0x577: {  	s0 =	rddreg [dreg:$0x0];
	s2 =	stileid.u32  }
0x578: {  	s1 =	rddreg [dreg:$0x1];
	p0 =	sne.s32 s2, $0x0  }
0x579: {  	s3 =	rddreg [dreg:$0x2];
	[bflag:$0x3] =	sbarrier.arrive $0xFFFF;
	s2 =	simm.s32 @!p0 $0x1C05  }
0x57a: {  	[timem:s3], [sflag:s2] =	dma.local @!p0 [hbm:s0], s1  }
0x57b: {  	s0 =	simm.s32 @!p0 $0x5  }
0x57c: {  	_ =	swait.ge @!p0 [sflag:s0], s1  }
0x57d: {  	s1 =	ssub.s32 @!p0 $0x0, s1;
	[sflag:s0] =	ssyncset.done @!p0 $0x0  }
0x57e: {  	[sflag:s0] =	ssyncadd.s32 @!p0 s1  }
0x57f: {  	[bflag:$0x3] =	sbarrier.arrive $0xFFFF  }
0x580: {  	_ =	shalt  }

</sc_bundles>
